<compile_context>
chip_gen: v7x
topology: tpu7x:2x2x1
jax: 0.10.2.dev20260603
libtpu: 0.0.44.dev20260713+nightly
codegen_flags: <defaults>
</compile_context>

<pallas_src>
import functools

import jax
import jax.numpy as jnp
from jax import lax
from jax.experimental import pallas as pl
from jax.experimental.pallas import tpu as pltpu
from jax.experimental.pallas import tpu_sc as plsc

_LANE = 128
_NBUF = 4
_NW = 32


def _build_gather(n_rows, d, v, n_t):
    rows_per_w = n_rows // _NW
    n_iters = rows_per_w // _NBUF
    d_tiles = d // 8
    blk_words = d_tiles * 8 * _LANE

    mesh = plsc.VectorSubcoreMesh(core_axis_name="c", subcore_axis_name="s")

    @functools.partial(
        pl.kernel,
        mesh=mesh,
        out_type=jax.ShapeDtypeStruct((n_t * _LANE * blk_words,),
                                      jnp.float32),
        compiler_params=pltpu.CompilerParams(use_tc_tiling_on_sc=False,
                                             needs_layout_passes=False),
        scratch_types=[
            pltpu.VMEM((_NBUF, 1, _LANE), jnp.int32),
            pltpu.VMEM((_NBUF, _LANE, d), jnp.float32),
            pltpu.VMEM((_NBUF, blk_words), jnp.float32),
            pltpu.SemaphoreType.DMA((_NBUF,)),
            pltpu.SemaphoreType.DMA((_NBUF,)),
            pltpu.SemaphoreType.DMA((_NBUF,)),
        ],
    )
    def gather(idx_hbm, table_hbm, out_hbm, idx_v, rows_v, trans_v,
               sem_i, sem_g, sem_s):
        wid = lax.axis_index("s") * 2 + lax.axis_index("c")
        base = wid * rows_per_w

        iota = lax.iota(jnp.int32, 16)

        def fire_gather(j):
            pltpu.async_copy(table_hbm.at[idx_v.at[j, 0]], rows_v.at[j],
                             sem_g.at[j])

        def drain_gather(j):
            pltpu.make_async_copy(
                table_hbm.at[pl.ds(0, _LANE)], rows_v.at[j],
                sem_g.at[j]).wait()

        def fire_idx(j, k):
            pltpu.async_copy(idx_hbm.at[pl.ds(k, 1)], idx_v.at[j],
                             sem_i.at[j])

        def drain_idx(j):
            pltpu.make_async_copy(
                idx_hbm.at[pl.ds(0, 1)], idx_v.at[j], sem_i.at[j]).wait()

        def fire_store(j, k):
            t = k // _LANE
            c = lax.rem(k, _LANE)
            for r in range(d_tiles):
                off = (t * d_tiles * _LANE + r * _LANE + c) * 8 * _LANE
                pltpu.async_copy(
                    trans_v.at[j, pl.ds(r * 8 * _LANE, 8 * _LANE)],
                    out_hbm.at[pl.ds(off, 8 * _LANE)], sem_s.at[j])

        def drain_store(j):
            pltpu.make_async_copy(
                trans_v.at[j], out_hbm.at[pl.ds(0, blk_words)],
                sem_s.at[j]).wait()

        def transpose_block(j):
            @plsc.parallel_loop(0, 16, 1, unroll=2)
            def _t(e):
                rot = lax.bitwise_and(iota + e, 15)
                sbase = rot * _LANE + iota
                for db in range(d // 16):
                    dcol = rot + db * 16
                    for lb in range(_LANE // 16):
                        lrow = iota + lb * 16
                        vals = plsc.load_gather(rows_v.at[j], [lrow, dcol])
                        plsc.store_scatter(
                            trans_v.at[j],
                            [sbase + (db * 16 * _LANE + lb * 16)], vals)

        for j in range(_NBUF):
            pltpu.sync_copy(idx_hbm.at[pl.ds(base + j, 1)], idx_v.at[j])
            fire_gather(j)

        def body(r, carry):
            for j in range(_NBUF):
                k = base + r * _NBUF + j
                drain_gather(j)

                @pl.when(r < n_iters - 1)
                def _prefetch_idx():
                    fire_idx(j, k + _NBUF)

                @pl.when(r > 0)
                def _wait_prev_store():
                    drain_store(j)

                transpose_block(j)
                fire_store(j, k)

                @pl.when(r < n_iters - 1)
                def _refill():
                    drain_idx(j)
                    fire_gather(j)
            return carry

        lax.fori_loop(0, n_iters, body, 0, unroll=False)

        for j in range(_NBUF):
            drain_store(j)

    return gather


def kernel(x, emb):
    b0, b1 = x.shape
    v, d = emb.shape
    n = b0 * b1
    n_rows = n // _LANE
    idx = x.T.reshape(n_rows, _LANE).astype(jnp.int32)
    out = _build_gather(n_rows, d, v, b1)(idx, emb)
    out = out.reshape(b1, d // 8, _LANE, 8, _LANE)
    return out.transpose(2, 4, 0, 1, 3).reshape(b0, b1, d)

# --- scband reference (transcript-rebuilt; emitter-appended) ---
"""Pipeline reference for scband-variable-embedding-15358803050543 (READ-ONLY COPY).

The authoritative reference and input builder live on the scoring server;
editing this copy changes nothing except your own understanding.
"""

import jax, jax.numpy as jnp
import numpy as np

N_VAR = 1000000
D_MODEL = 32

def setup_inputs(seed: int = 0) -> dict:
    key = jax.random.key(seed)
    k_idx, k_emb = jax.random.split(key)
    x = jax.random.randint(k_idx, (16384, 200), 0, N_VAR, dtype=jnp.int64)
    # nn.Embedding default init: N(0, 1)
    emb = jax.random.normal(k_emb, (N_VAR, D_MODEL), dtype=jnp.float32)
    return {"x": x, "emb": emb}

def reference(x, emb):
    # VariableEmbedding.forward: x = self.varible_emb(x.long())
    return jnp.take(emb, x.astype(jnp.int32), axis=0)

if __name__ == "__main__":
    import jax
    _d = setup_inputs()
    print(jax.jit(kernel)(*tuple(_d.values())))

</pallas_src>

<mosaic_0001>
#map = affine_map<(d0, d1) -> (0, 0)>
#map1 = affine_map<(d0, d1) -> (0)>
module attributes {stable_mosaic.version = 14 : i64} {
  func.func @gather(%arg0: i32, %arg1: i32, %arg2: memref<25600x128xi32, #tpu.memory_space<hbm>>, %arg3: memref<1000000x32xf32, #tpu.memory_space<hbm>>, %arg4: memref<104857600xf32, #tpu.memory_space<hbm>>, %arg5: memref<4x1x128xi32, #tpu.memory_space<vmem>>, %arg6: memref<4x128x32xf32, #tpu.memory_space<vmem>>, %arg7: memref<4x4096xf32, #tpu.memory_space<vmem>>, %arg8: memref<4x!tpu.dma_semaphore, #tpu.memory_space<semaphore_mem>>, %arg9: memref<4x!tpu.dma_semaphore, #tpu.memory_space<semaphore_mem>>, %arg10: memref<4x!tpu.dma_semaphore, #tpu.memory_space<semaphore_mem>>) attributes {dimension_semantics = [#tpu.dimension_semantics<core_parallel>, #tpu.dimension_semantics<subcore_parallel>], iteration_bounds = array<i64: 2, 16>, scalar_prefetch = 0 : i64, scratch_operands = 6 : i64, tpu.core_type = #tpu.core_type<sc_vector_subcore>, window_params = [{transform_indices = #map}, {transform_indices = #map}, {transform_indices = #map1}]} {
    %mul3A = arith.constant 2 : i32
    %mul3A_0 = arith.muli %arg1, %mul3A : i32
    %add3A = arith.addi %mul3A_0, %arg0 : i32
    %mul3A_1 = arith.constant 800 : i32
    %mul3A_2 = arith.muli %add3A, %mul3A_1 : i32
    %iota3A = tpu.iota {dimensions = array<i32: 0>} : vector<16xi32>
    %add3A_3 = arith.constant 0 : i32
    %add3A_4 = arith.addi %mul3A_2, %add3A_3 : i32
    %run_scoped3A = arith.constant 0 : i32
    "tpu.region"() ({
      %run_scoped3A_137 = tpu.sem_alloc : memref<!tpu.dma_semaphore, #tpu.memory_space<semaphore_mem>>
      %dma_start3A_138 = arith.constant 0 : i32
      %dma_start3A_139 = arith.constant 0 : i32
      %dma_start3A_140 = tpu.memref_slice %arg5[%run_scoped3A, %dma_start3A_138, %dma_start3A_139] : memref<4x1x128xi32, #tpu.memory_space<vmem>> -> memref<1x1x128xi32, #tpu.memory_space<vmem>>
      %dma_start3A_141 = tpu.memref_squeeze %dma_start3A_140 : memref<1x1x128xi32, #tpu.memory_space<vmem>> -> memref<1x128xi32, #tpu.memory_space<vmem>>
      %dma_start3A_142 = arith.constant 0 : i32
      %dma_start3A_143 = tpu.memref_slice %arg2[%add3A_4, %dma_start3A_142] : memref<25600x128xi32, #tpu.memory_space<hbm>> -> memref<1x128xi32, #tpu.memory_space<hbm>>
      %dma_start3A_144 = arith.constant 0 : i32
      %dma_start3A_145 = arith.constant 0 : i32
      %dma_start3A_146 = tpu.memref_slice %arg5[%run_scoped3A, %dma_start3A_144, %dma_start3A_145] : memref<4x1x128xi32, #tpu.memory_space<vmem>> -> memref<1x1x128xi32, #tpu.memory_space<vmem>>
      %dma_start3A_147 = tpu.memref_squeeze %dma_start3A_146 : memref<1x1x128xi32, #tpu.memory_space<vmem>> -> memref<1x128xi32, #tpu.memory_space<vmem>>
      %dma_start3A_148 = arith.constant 0 : i32
      %dma_start3A_149 = tpu.memref_slice %arg2[%add3A_4, %dma_start3A_148] : memref<25600x128xi32, #tpu.memory_space<hbm>> -> memref<1x128xi32, #tpu.memory_space<hbm>>
      tpu.enqueue_dma source(%dma_start3A_149 : memref<1x128xi32, #tpu.memory_space<hbm>>) target(%dma_start3A_147 : memref<1x128xi32, #tpu.memory_space<vmem>>) target_semaphore(%run_scoped3A_137 : memref<!tpu.dma_semaphore, #tpu.memory_space<semaphore_mem>>)
      %dma_wait3A_150 = arith.constant 0 : i32
      %dma_wait3A_151 = arith.constant 0 : i32
      %dma_wait3A_152 = tpu.memref_slice %arg5[%run_scoped3A, %dma_wait3A_150, %dma_wait3A_151] : memref<4x1x128xi32, #tpu.memory_space<vmem>> -> memref<1x1x128xi32, #tpu.memory_space<vmem>>
      %dma_wait3A_153 = tpu.memref_squeeze %dma_wait3A_152 : memref<1x1x128xi32, #tpu.memory_space<vmem>> -> memref<1x128xi32, #tpu.memory_space<vmem>>
      %dma_wait3A_154 = arith.constant 0 : i32
      %dma_wait3A_155 = tpu.memref_slice %arg2[%add3A_4, %dma_wait3A_154] : memref<25600x128xi32, #tpu.memory_space<hbm>> -> memref<1x128xi32, #tpu.memory_space<hbm>>
      %dma_wait3A_156 = arith.constant 0 : i32
      %dma_wait3A_157 = arith.constant 0 : i32
      %dma_wait3A_158 = tpu.memref_slice %arg5[%run_scoped3A, %dma_wait3A_156, %dma_wait3A_157] : memref<4x1x128xi32, #tpu.memory_space<vmem>> -> memref<1x1x128xi32, #tpu.memory_space<vmem>>
      %dma_wait3A_159 = tpu.memref_squeeze %dma_wait3A_158 : memref<1x1x128xi32, #tpu.memory_space<vmem>> -> memref<1x128xi32, #tpu.memory_space<vmem>>
      %dma_wait3A_160 = arith.constant 0 : i32
      %dma_wait3A_161 = tpu.memref_slice %arg2[%add3A_4, %dma_wait3A_160] : memref<25600x128xi32, #tpu.memory_space<hbm>> -> memref<1x128xi32, #tpu.memory_space<hbm>>
      tpu.wait_dma2 semaphore(%run_scoped3A_137 : memref<!tpu.dma_semaphore, #tpu.memory_space<semaphore_mem>>) src(%dma_wait3A_161 : memref<1x128xi32, #tpu.memory_space<hbm>>) dst(%dma_wait3A_159 : memref<1x128xi32, #tpu.memory_space<vmem>>)
      tpu.yield
    }) : () -> ()
    %dma_start3A = arith.constant 0 : i32
    %dma_start3A_5 = arith.constant 0 : i32
    %dma_start3A_6 = arith.constant 0 : i32
    %dma_start3A_7 = arith.constant 0 : i32
    %dma_start3A_8 = arith.constant 0 : i32
    %dma_start3A_9 = arith.constant 0 : i32
    %dma_start3A_10 = tpu.memref_slice %arg6[%dma_start3A_6, %dma_start3A_8, %dma_start3A_9] : memref<4x128x32xf32, #tpu.memory_space<vmem>> -> memref<1x128x32xf32, #tpu.memory_space<vmem>>
    %dma_start3A_11 = tpu.memref_squeeze %dma_start3A_10 : memref<1x128x32xf32, #tpu.memory_space<vmem>> -> memref<128x32xf32, #tpu.memory_space<vmem>>
    %dma_start3A_12 = arith.constant 0 : i32
    %dma_start3A_13 = tpu.memref_slice %arg5[%dma_start3A, %dma_start3A_5, %dma_start3A_12] : memref<4x1x128xi32, #tpu.memory_space<vmem>> -> memref<1x1x128xi32, #tpu.memory_space<vmem>>
    %dma_start3A_14 = tpu.memref_squeeze %dma_start3A_13 : memref<1x1x128xi32, #tpu.memory_space<vmem>> -> memref<128xi32, #tpu.memory_space<vmem>>
    %dma_start3A_15 = arith.constant 0 : i32
    %dma_start3A_16 = arith.constant 0 : i32
    %dma_start3A_17 = tpu.memref_slice %arg3[%dma_start3A_15, %dma_start3A_16] : memref<1000000x32xf32, #tpu.memory_space<hbm>> -> memref<1000000x32xf32, #tpu.memory_space<hbm>>
    %dma_start3A_18 = tpu.memref_slice %arg9[%dma_start3A_7] : memref<4x!tpu.dma_semaphore, #tpu.memory_space<semaphore_mem>> -> memref<1x!tpu.dma_semaphore, #tpu.memory_space<semaphore_mem>>
    %dma_start3A_19 = tpu.memref_squeeze %dma_start3A_18 : memref<1x!tpu.dma_semaphore, #tpu.memory_space<semaphore_mem>> -> memref<!tpu.dma_semaphore, #tpu.memory_space<semaphore_mem>>
    tpu.enqueue_indirect_dma source(%dma_start3A_17 : memref<1000000x32xf32, #tpu.memory_space<hbm>>) target(%dma_start3A_11 : memref<128x32xf32, #tpu.memory_space<vmem>>) offsets(%dma_start3A_14 : memref<128xi32, #tpu.memory_space<vmem>>) semaphore(%dma_start3A_19 : memref<!tpu.dma_semaphore, #tpu.memory_space<semaphore_mem>>)
    %add3A_20 = arith.constant 1 : i32
    %add3A_21 = arith.addi %mul3A_2, %add3A_20 : i32
    %run_scoped3A_22 = arith.constant 1 : i32
    "tpu.region"() ({
      %run_scoped3A_137 = tpu.sem_alloc : memref<!tpu.dma_semaphore, #tpu.memory_space<semaphore_mem>>
      %dma_start3A_138 = arith.constant 0 : i32
      %dma_start3A_139 = arith.constant 0 : i32
      %dma_start3A_140 = tpu.memref_slice %arg5[%run_scoped3A_22, %dma_start3A_138, %dma_start3A_139] : memref<4x1x128xi32, #tpu.memory_space<vmem>> -> memref<1x1x128xi32, #tpu.memory_space<vmem>>
      %dma_start3A_141 = tpu.memref_squeeze %dma_start3A_140 : memref<1x1x128xi32, #tpu.memory_space<vmem>> -> memref<1x128xi32, #tpu.memory_space<vmem>>
      %dma_start3A_142 = arith.constant 0 : i32
      %dma_start3A_143 = tpu.memref_slice %arg2[%add3A_21, %dma_start3A_142] : memref<25600x128xi32, #tpu.memory_space<hbm>> -> memref<1x128xi32, #tpu.memory_space<hbm>>
      %dma_start3A_144 = arith.constant 0 : i32
      %dma_start3A_145 = arith.constant 0 : i32
      %dma_start3A_146 = tpu.memref_slice %arg5[%run_scoped3A_22, %dma_start3A_144, %dma_start3A_145] : memref<4x1x128xi32, #tpu.memory_space<vmem>> -> memref<1x1x128xi32, #tpu.memory_space<vmem>>
      %dma_start3A_147 = tpu.memref_squeeze %dma_start3A_146 : memref<1x1x128xi32, #tpu.memory_space<vmem>> -> memref<1x128xi32, #tpu.memory_space<vmem>>
      %dma_start3A_148 = arith.constant 0 : i32
      %dma_start3A_149 = tpu.memref_slice %arg2[%add3A_21, %dma_start3A_148] : memref<25600x128xi32, #tpu.memory_space<hbm>> -> memref<1x128xi32, #tpu.memory_space<hbm>>
      tpu.enqueue_dma source(%dma_start3A_149 : memref<1x128xi32, #tpu.memory_space<hbm>>) target(%dma_start3A_147 : memref<1x128xi32, #tpu.memory_space<vmem>>) target_semaphore(%run_scoped3A_137 : memref<!tpu.dma_semaphore, #tpu.memory_space<semaphore_mem>>)
      %dma_wait3A_150 = arith.constant 0 : i32
      %dma_wait3A_151 = arith.constant 0 : i32
      %dma_wait3A_152 = tpu.memref_slice %arg5[%run_scoped3A_22, %dma_wait3A_150, %dma_wait3A_151] : memref<4x1x128xi32, #tpu.memory_space<vmem>> -> memref<1x1x128xi32, #tpu.memory_space<vmem>>
      %dma_wait3A_153 = tpu.memref_squeeze %dma_wait3A_152 : memref<1x1x128xi32, #tpu.memory_space<vmem>> -> memref<1x128xi32, #tpu.memory_space<vmem>>
      %dma_wait3A_154 = arith.constant 0 : i32
      %dma_wait3A_155 = tpu.memref_slice %arg2[%add3A_21, %dma_wait3A_154] : memref<25600x128xi32, #tpu.memory_space<hbm>> -> memref<1x128xi32, #tpu.memory_space<hbm>>
      %dma_wait3A_156 = arith.constant 0 : i32
      %dma_wait3A_157 = arith.constant 0 : i32
      %dma_wait3A_158 = tpu.memref_slice %arg5[%run_scoped3A_22, %dma_wait3A_156, %dma_wait3A_157] : memref<4x1x128xi32, #tpu.memory_space<vmem>> -> memref<1x1x128xi32, #tpu.memory_space<vmem>>
      %dma_wait3A_159 = tpu.memref_squeeze %dma_wait3A_158 : memref<1x1x128xi32, #tpu.memory_space<vmem>> -> memref<1x128xi32, #tpu.memory_space<vmem>>
      %dma_wait3A_160 = arith.constant 0 : i32
      %dma_wait3A_161 = tpu.memref_slice %arg2[%add3A_21, %dma_wait3A_160] : memref<25600x128xi32, #tpu.memory_space<hbm>> -> memref<1x128xi32, #tpu.memory_space<hbm>>
      tpu.wait_dma2 semaphore(%run_scoped3A_137 : memref<!tpu.dma_semaphore, #tpu.memory_space<semaphore_mem>>) src(%dma_wait3A_161 : memref<1x128xi32, #tpu.memory_space<hbm>>) dst(%dma_wait3A_159 : memref<1x128xi32, #tpu.memory_space<vmem>>)
      tpu.yield
    }) : () -> ()
    %dma_start3A_23 = arith.constant 1 : i32
    %dma_start3A_24 = arith.constant 0 : i32
    %dma_start3A_25 = arith.constant 1 : i32
    %dma_start3A_26 = arith.constant 1 : i32
    %dma_start3A_27 = arith.constant 0 : i32
    %dma_start3A_28 = arith.constant 0 : i32
    %dma_start3A_29 = tpu.memref_slice %arg6[%dma_start3A_25, %dma_start3A_27, %dma_start3A_28] : memref<4x128x32xf32, #tpu.memory_space<vmem>> -> memref<1x128x32xf32, #tpu.memory_space<vmem>>
    %dma_start3A_30 = tpu.memref_squeeze %dma_start3A_29 : memref<1x128x32xf32, #tpu.memory_space<vmem>> -> memref<128x32xf32, #tpu.memory_space<vmem>>
    %dma_start3A_31 = arith.constant 0 : i32
    %dma_start3A_32 = tpu.memref_slice %arg5[%dma_start3A_23, %dma_start3A_24, %dma_start3A_31] : memref<4x1x128xi32, #tpu.memory_space<vmem>> -> memref<1x1x128xi32, #tpu.memory_space<vmem>>
    %dma_start3A_33 = tpu.memref_squeeze %dma_start3A_32 : memref<1x1x128xi32, #tpu.memory_space<vmem>> -> memref<128xi32, #tpu.memory_space<vmem>>
    %dma_start3A_34 = arith.constant 0 : i32
    %dma_start3A_35 = arith.constant 0 : i32
    %dma_start3A_36 = tpu.memref_slice %arg3[%dma_start3A_34, %dma_start3A_35] : memref<1000000x32xf32, #tpu.memory_space<hbm>> -> memref<1000000x32xf32, #tpu.memory_space<hbm>>
    %dma_start3A_37 = tpu.memref_slice %arg9[%dma_start3A_26] : memref<4x!tpu.dma_semaphore, #tpu.memory_space<semaphore_mem>> -> memref<1x!tpu.dma_semaphore, #tpu.memory_space<semaphore_mem>>
    %dma_start3A_38 = tpu.memref_squeeze %dma_start3A_37 : memref<1x!tpu.dma_semaphore, #tpu.memory_space<semaphore_mem>> -> memref<!tpu.dma_semaphore, #tpu.memory_space<semaphore_mem>>
    tpu.enqueue_indirect_dma source(%dma_start3A_36 : memref<1000000x32xf32, #tpu.memory_space<hbm>>) target(%dma_start3A_30 : memref<128x32xf32, #tpu.memory_space<vmem>>) offsets(%dma_start3A_33 : memref<128xi32, #tpu.memory_space<vmem>>) semaphore(%dma_start3A_38 : memref<!tpu.dma_semaphore, #tpu.memory_space<semaphore_mem>>)
    %add3A_39 = arith.constant 2 : i32
    %add3A_40 = arith.addi %mul3A_2, %add3A_39 : i32
    %run_scoped3A_41 = arith.constant 2 : i32
    "tpu.region"() ({
      %run_scoped3A_137 = tpu.sem_alloc : memref<!tpu.dma_semaphore, #tpu.memory_space<semaphore_mem>>
      %dma_start3A_138 = arith.constant 0 : i32
      %dma_start3A_139 = arith.constant 0 : i32
      %dma_start3A_140 = tpu.memref_slice %arg5[%run_scoped3A_41, %dma_start3A_138, %dma_start3A_139] : memref<4x1x128xi32, #tpu.memory_space<vmem>> -> memref<1x1x128xi32, #tpu.memory_space<vmem>>
      %dma_start3A_141 = tpu.memref_squeeze %dma_start3A_140 : memref<1x1x128xi32, #tpu.memory_space<vmem>> -> memref<1x128xi32, #tpu.memory_space<vmem>>
      %dma_start3A_142 = arith.constant 0 : i32
      %dma_start3A_143 = tpu.memref_slice %arg2[%add3A_40, %dma_start3A_142] : memref<25600x128xi32, #tpu.memory_space<hbm>> -> memref<1x128xi32, #tpu.memory_space<hbm>>
      %dma_start3A_144 = arith.constant 0 : i32
      %dma_start3A_145 = arith.constant 0 : i32
      %dma_start3A_146 = tpu.memref_slice %arg5[%run_scoped3A_41, %dma_start3A_144, %dma_start3A_145] : memref<4x1x128xi32, #tpu.memory_space<vmem>> -> memref<1x1x128xi32, #tpu.memory_space<vmem>>
      %dma_start3A_147 = tpu.memref_squeeze %dma_start3A_146 : memref<1x1x128xi32, #tpu.memory_space<vmem>> -> memref<1x128xi32, #tpu.memory_space<vmem>>
      %dma_start3A_148 = arith.constant 0 : i32
      %dma_start3A_149 = tpu.memref_slice %arg2[%add3A_40, %dma_start3A_148] : memref<25600x128xi32, #tpu.memory_space<hbm>> -> memref<1x128xi32, #tpu.memory_space<hbm>>
      tpu.enqueue_dma source(%dma_start3A_149 : memref<1x128xi32, #tpu.memory_space<hbm>>) target(%dma_start3A_147 : memref<1x128xi32, #tpu.memory_space<vmem>>) target_semaphore(%run_scoped3A_137 : memref<!tpu.dma_semaphore, #tpu.memory_space<semaphore_mem>>)
      %dma_wait3A_150 = arith.constant 0 : i32
      %dma_wait3A_151 = arith.constant 0 : i32
      %dma_wait3A_152 = tpu.memref_slice %arg5[%run_scoped3A_41, %dma_wait3A_150, %dma_wait3A_151] : memref<4x1x128xi32, #tpu.memory_space<vmem>> -> memref<1x1x128xi32, #tpu.memory_space<vmem>>
      %dma_wait3A_153 = tpu.memref_squeeze %dma_wait3A_152 : memref<1x1x128xi32, #tpu.memory_space<vmem>> -> memref<1x128xi32, #tpu.memory_space<vmem>>
      %dma_wait3A_154 = arith.constant 0 : i32
      %dma_wait3A_155 = tpu.memref_slice %arg2[%add3A_40, %dma_wait3A_154] : memref<25600x128xi32, #tpu.memory_space<hbm>> -> memref<1x128xi32, #tpu.memory_space<hbm>>
      %dma_wait3A_156 = arith.constant 0 : i32
      %dma_wait3A_157 = arith.constant 0 : i32
      %dma_wait3A_158 = tpu.memref_slice %arg5[%run_scoped3A_41, %dma_wait3A_156, %dma_wait3A_157] : memref<4x1x128xi32, #tpu.memory_space<vmem>> -> memref<1x1x128xi32, #tpu.memory_space<vmem>>
      %dma_wait3A_159 = tpu.memref_squeeze %dma_wait3A_158 : memref<1x1x128xi32, #tpu.memory_space<vmem>> -> memref<1x128xi32, #tpu.memory_space<vmem>>
      %dma_wait3A_160 = arith.constant 0 : i32
      %dma_wait3A_161 = tpu.memref_slice %arg2[%add3A_40, %dma_wait3A_160] : memref<25600x128xi32, #tpu.memory_space<hbm>> -> memref<1x128xi32, #tpu.memory_space<hbm>>
      tpu.wait_dma2 semaphore(%run_scoped3A_137 : memref<!tpu.dma_semaphore, #tpu.memory_space<semaphore_mem>>) src(%dma_wait3A_161 : memref<1x128xi32, #tpu.memory_space<hbm>>) dst(%dma_wait3A_159 : memref<1x128xi32, #tpu.memory_space<vmem>>)
      tpu.yield
    }) : () -> ()
    %dma_start3A_42 = arith.constant 2 : i32
    %dma_start3A_43 = arith.constant 0 : i32
    %dma_start3A_44 = arith.constant 2 : i32
    %dma_start3A_45 = arith.constant 2 : i32
    %dma_start3A_46 = arith.constant 0 : i32
    %dma_start3A_47 = arith.constant 0 : i32
    %dma_start3A_48 = tpu.memref_slice %arg6[%dma_start3A_44, %dma_start3A_46, %dma_start3A_47] : memref<4x128x32xf32, #tpu.memory_space<vmem>> -> memref<1x128x32xf32, #tpu.memory_space<vmem>>
    %dma_start3A_49 = tpu.memref_squeeze %dma_start3A_48 : memref<1x128x32xf32, #tpu.memory_space<vmem>> -> memref<128x32xf32, #tpu.memory_space<vmem>>
    %dma_start3A_50 = arith.constant 0 : i32
    %dma_start3A_51 = tpu.memref_slice %arg5[%dma_start3A_42, %dma_start3A_43, %dma_start3A_50] : memref<4x1x128xi32, #tpu.memory_space<vmem>> -> memref<1x1x128xi32, #tpu.memory_space<vmem>>
    %dma_start3A_52 = tpu.memref_squeeze %dma_start3A_51 : memref<1x1x128xi32, #tpu.memory_space<vmem>> -> memref<128xi32, #tpu.memory_space<vmem>>
    %dma_start3A_53 = arith.constant 0 : i32
    %dma_start3A_54 = arith.constant 0 : i32
    %dma_start3A_55 = tpu.memref_slice %arg3[%dma_start3A_53, %dma_start3A_54] : memref<1000000x32xf32, #tpu.memory_space<hbm>> -> memref<1000000x32xf32, #tpu.memory_space<hbm>>
    %dma_start3A_56 = tpu.memref_slice %arg9[%dma_start3A_45] : memref<4x!tpu.dma_semaphore, #tpu.memory_space<semaphore_mem>> -> memref<1x!tpu.dma_semaphore, #tpu.memory_space<semaphore_mem>>
    %dma_start3A_57 = tpu.memref_squeeze %dma_start3A_56 : memref<1x!tpu.dma_semaphore, #tpu.memory_space<semaphore_mem>> -> memref<!tpu.dma_semaphore, #tpu.memory_space<semaphore_mem>>
    tpu.enqueue_indirect_dma source(%dma_start3A_55 : memref<1000000x32xf32, #tpu.memory_space<hbm>>) target(%dma_start3A_49 : memref<128x32xf32, #tpu.memory_space<vmem>>) offsets(%dma_start3A_52 : memref<128xi32, #tpu.memory_space<vmem>>) semaphore(%dma_start3A_57 : memref<!tpu.dma_semaphore, #tpu.memory_space<semaphore_mem>>)
    %add3A_58 = arith.constant 3 : i32
    %add3A_59 = arith.addi %mul3A_2, %add3A_58 : i32
    %run_scoped3A_60 = arith.constant 3 : i32
    "tpu.region"() ({
      %run_scoped3A_137 = tpu.sem_alloc : memref<!tpu.dma_semaphore, #tpu.memory_space<semaphore_mem>>
      %dma_start3A_138 = arith.constant 0 : i32
      %dma_start3A_139 = arith.constant 0 : i32
      %dma_start3A_140 = tpu.memref_slice %arg5[%run_scoped3A_60, %dma_start3A_138, %dma_start3A_139] : memref<4x1x128xi32, #tpu.memory_space<vmem>> -> memref<1x1x128xi32, #tpu.memory_space<vmem>>
      %dma_start3A_141 = tpu.memref_squeeze %dma_start3A_140 : memref<1x1x128xi32, #tpu.memory_space<vmem>> -> memref<1x128xi32, #tpu.memory_space<vmem>>
      %dma_start3A_142 = arith.constant 0 : i32
      %dma_start3A_143 = tpu.memref_slice %arg2[%add3A_59, %dma_start3A_142] : memref<25600x128xi32, #tpu.memory_space<hbm>> -> memref<1x128xi32, #tpu.memory_space<hbm>>
      %dma_start3A_144 = arith.constant 0 : i32
      %dma_start3A_145 = arith.constant 0 : i32
      %dma_start3A_146 = tpu.memref_slice %arg5[%run_scoped3A_60, %dma_start3A_144, %dma_start3A_145] : memref<4x1x128xi32, #tpu.memory_space<vmem>> -> memref<1x1x128xi32, #tpu.memory_space<vmem>>
      %dma_start3A_147 = tpu.memref_squeeze %dma_start3A_146 : memref<1x1x128xi32, #tpu.memory_space<vmem>> -> memref<1x128xi32, #tpu.memory_space<vmem>>
      %dma_start3A_148 = arith.constant 0 : i32
      %dma_start3A_149 = tpu.memref_slice %arg2[%add3A_59, %dma_start3A_148] : memref<25600x128xi32, #tpu.memory_space<hbm>> -> memref<1x128xi32, #tpu.memory_space<hbm>>
      tpu.enqueue_dma source(%dma_start3A_149 : memref<1x128xi32, #tpu.memory_space<hbm>>) target(%dma_start3A_147 : memref<1x128xi32, #tpu.memory_space<vmem>>) target_semaphore(%run_scoped3A_137 : memref<!tpu.dma_semaphore, #tpu.memory_space<semaphore_mem>>)
      %dma_wait3A_150 = arith.constant 0 : i32
      %dma_wait3A_151 = arith.constant 0 : i32
      %dma_wait3A_152 = tpu.memref_slice %arg5[%run_scoped3A_60, %dma_wait3A_150, %dma_wait3A_151] : memref<4x1x128xi32, #tpu.memory_space<vmem>> -> memref<1x1x128xi32, #tpu.memory_space<vmem>>
      %dma_wait3A_153 = tpu.memref_squeeze %dma_wait3A_152 : memref<1x1x128xi32, #tpu.memory_space<vmem>> -> memref<1x128xi32, #tpu.memory_space<vmem>>
      %dma_wait3A_154 = arith.constant 0 : i32
      %dma_wait3A_155 = tpu.memref_slice %arg2[%add3A_59, %dma_wait3A_154] : memref<25600x128xi32, #tpu.memory_space<hbm>> -> memref<1x128xi32, #tpu.memory_space<hbm>>
      %dma_wait3A_156 = arith.constant 0 : i32
      %dma_wait3A_157 = arith.constant 0 : i32
      %dma_wait3A_158 = tpu.memref_slice %arg5[%run_scoped3A_60, %dma_wait3A_156, %dma_wait3A_157] : memref<4x1x128xi32, #tpu.memory_space<vmem>> -> memref<1x1x128xi32, #tpu.memory_space<vmem>>
      %dma_wait3A_159 = tpu.memref_squeeze %dma_wait3A_158 : memref<1x1x128xi32, #tpu.memory_space<vmem>> -> memref<1x128xi32, #tpu.memory_space<vmem>>
      %dma_wait3A_160 = arith.constant 0 : i32
      %dma_wait3A_161 = tpu.memref_slice %arg2[%add3A_59, %dma_wait3A_160] : memref<25600x128xi32, #tpu.memory_space<hbm>> -> memref<1x128xi32, #tpu.memory_space<hbm>>
      tpu.wait_dma2 semaphore(%run_scoped3A_137 : memref<!tpu.dma_semaphore, #tpu.memory_space<semaphore_mem>>) src(%dma_wait3A_161 : memref<1x128xi32, #tpu.memory_space<hbm>>) dst(%dma_wait3A_159 : memref<1x128xi32, #tpu.memory_space<vmem>>)
      tpu.yield
    }) : () -> ()
    %dma_start3A_61 = arith.constant 3 : i32
    %dma_start3A_62 = arith.constant 0 : i32
    %dma_start3A_63 = arith.constant 3 : i32
    %dma_start3A_64 = arith.constant 3 : i32
    %dma_start3A_65 = arith.constant 0 : i32
    %dma_start3A_66 = arith.constant 0 : i32
    %dma_start3A_67 = tpu.memref_slice %arg6[%dma_start3A_63, %dma_start3A_65, %dma_start3A_66] : memref<4x128x32xf32, #tpu.memory_space<vmem>> -> memref<1x128x32xf32, #tpu.memory_space<vmem>>
    %dma_start3A_68 = tpu.memref_squeeze %dma_start3A_67 : memref<1x128x32xf32, #tpu.memory_space<vmem>> -> memref<128x32xf32, #tpu.memory_space<vmem>>
    %dma_start3A_69 = arith.constant 0 : i32
    %dma_start3A_70 = tpu.memref_slice %arg5[%dma_start3A_61, %dma_start3A_62, %dma_start3A_69] : memref<4x1x128xi32, #tpu.memory_space<vmem>> -> memref<1x1x128xi32, #tpu.memory_space<vmem>>
    %dma_start3A_71 = tpu.memref_squeeze %dma_start3A_70 : memref<1x1x128xi32, #tpu.memory_space<vmem>> -> memref<128xi32, #tpu.memory_space<vmem>>
    %dma_start3A_72 = arith.constant 0 : i32
    %dma_start3A_73 = arith.constant 0 : i32
    %dma_start3A_74 = tpu.memref_slice %arg3[%dma_start3A_72, %dma_start3A_73] : memref<1000000x32xf32, #tpu.memory_space<hbm>> -> memref<1000000x32xf32, #tpu.memory_space<hbm>>
    %dma_start3A_75 = tpu.memref_slice %arg9[%dma_start3A_64] : memref<4x!tpu.dma_semaphore, #tpu.memory_space<semaphore_mem>> -> memref<1x!tpu.dma_semaphore, #tpu.memory_space<semaphore_mem>>
    %dma_start3A_76 = tpu.memref_squeeze %dma_start3A_75 : memref<1x!tpu.dma_semaphore, #tpu.memory_space<semaphore_mem>> -> memref<!tpu.dma_semaphore, #tpu.memory_space<semaphore_mem>>
    tpu.enqueue_indirect_dma source(%dma_start3A_74 : memref<1000000x32xf32, #tpu.memory_space<hbm>>) target(%dma_start3A_68 : memref<128x32xf32, #tpu.memory_space<vmem>>) offsets(%dma_start3A_71 : memref<128xi32, #tpu.memory_space<vmem>>) semaphore(%dma_start3A_76 : memref<!tpu.dma_semaphore, #tpu.memory_space<semaphore_mem>>)
    %scan3A = arith.constant 0 : i32
    %scan3A_77 = arith.constant 0 : i32
    %scan3A_78 = arith.constant 200 : i32
    %scan3A_79 = arith.addi %scan3A_77, %scan3A_78 : i32
    %scan3A_80 = arith.constant 1 : i32
    scf.for %scan3A_137 = %scan3A_77 to %scan3A_79 step %scan3A_80  : i32 {
      %mul3A_138 = arith.constant 4 : i32
      %mul3A_139 = arith.muli %scan3A_137, %mul3A_138 : i32
      %add3A_140 = arith.addi %mul3A_2, %mul3A_139 : i32
      %add3A_141 = arith.constant 0 : i32
      %add3A_142 = arith.addi %add3A_140, %add3A_141 : i32
      %dma_wait3A_143 = arith.constant 0 : i32
      %dma_wait3A_144 = arith.constant 0 : i32
      %dma_wait3A_145 = arith.constant 0 : i32
      %dma_wait3A_146 = arith.constant 0 : i32
      %dma_wait3A_147 = tpu.memref_slice %arg6[%dma_wait3A_143, %dma_wait3A_145, %dma_wait3A_146] : memref<4x128x32xf32, #tpu.memory_space<vmem>> -> memref<1x128x32xf32, #tpu.memory_space<vmem>>
      %dma_wait3A_148 = tpu.memref_squeeze %dma_wait3A_147 : memref<1x128x32xf32, #tpu.memory_space<vmem>> -> memref<128x32xf32, #tpu.memory_space<vmem>>
      %dma_wait3A_149 = arith.constant 0 : i32
      %dma_wait3A_150 = arith.constant 0 : i32
      %dma_wait3A_151 = tpu.memref_slice %arg3[%dma_wait3A_149, %dma_wait3A_150] : memref<1000000x32xf32, #tpu.memory_space<hbm>> -> memref<128x32xf32, #tpu.memory_space<hbm>>
      %dma_wait3A_152 = tpu.memref_slice %arg9[%dma_wait3A_144] : memref<4x!tpu.dma_semaphore, #tpu.memory_space<semaphore_mem>> -> memref<1x!tpu.dma_semaphore, #tpu.memory_space<semaphore_mem>>
      %dma_wait3A_153 = tpu.memref_squeeze %dma_wait3A_152 : memref<1x!tpu.dma_semaphore, #tpu.memory_space<semaphore_mem>> -> memref<!tpu.dma_semaphore, #tpu.memory_space<semaphore_mem>>
      %dma_wait3A_154 = arith.constant 0 : i32
      %dma_wait3A_155 = arith.constant 0 : i32
      %dma_wait3A_156 = tpu.memref_slice %arg6[%dma_wait3A_143, %dma_wait3A_154, %dma_wait3A_155] : memref<4x128x32xf32, #tpu.memory_space<vmem>> -> memref<1x128x32xf32, #tpu.memory_space<vmem>>
      %dma_wait3A_157 = tpu.memref_squeeze %dma_wait3A_156 : memref<1x128x32xf32, #tpu.memory_space<vmem>> -> memref<128x32xf32, #tpu.memory_space<vmem>>
      %dma_wait3A_158 = arith.constant 0 : i32
      %dma_wait3A_159 = arith.constant 0 : i32
      %dma_wait3A_160 = tpu.memref_slice %arg3[%dma_wait3A_158, %dma_wait3A_159] : memref<1000000x32xf32, #tpu.memory_space<hbm>> -> memref<128x32xf32, #tpu.memory_space<hbm>>
      tpu.wait_dma2 semaphore(%dma_wait3A_153 : memref<!tpu.dma_semaphore, #tpu.memory_space<semaphore_mem>>) src(%dma_wait3A_160 : memref<128x32xf32, #tpu.memory_space<hbm>>) dst(%dma_wait3A_157 : memref<128x32xf32, #tpu.memory_space<vmem>>)
      %lt3A = arith.constant 199 : i32
      %lt3A_161 = arith.cmpi slt, %scan3A_137, %lt3A : i32
      %convert_element_type3A = arith.extui %lt3A_161 : i1 to i32
      %cond3A = arith.constant 0 : i32
      %cond3A_162 = arith.cmpi ne, %convert_element_type3A, %cond3A : i32
      scf.if %cond3A_162 {
        %add3A_761 = arith.constant 4 : i32
        %add3A_762 = arith.addi %add3A_142, %add3A_761 : i32
        %dma_start3A_763 = arith.constant 0 : i32
        %dma_start3A_764 = arith.constant 0 : i32
        %dma_start3A_765 = arith.constant 0 : i32
        %dma_start3A_766 = arith.constant 0 : i32
        %dma_start3A_767 = tpu.memref_slice %arg5[%dma_start3A_763, %dma_start3A_765, %dma_start3A_766] : memref<4x1x128xi32, #tpu.memory_space<vmem>> -> memref<1x1x128xi32, #tpu.memory_space<vmem>>
        %dma_start3A_768 = tpu.memref_squeeze %dma_start3A_767 : memref<1x1x128xi32, #tpu.memory_space<vmem>> -> memref<1x128xi32, #tpu.memory_space<vmem>>
        %dma_start3A_769 = arith.constant 0 : i32
        %dma_start3A_770 = tpu.memref_slice %arg2[%add3A_762, %dma_start3A_769] : memref<25600x128xi32, #tpu.memory_space<hbm>> -> memref<1x128xi32, #tpu.memory_space<hbm>>
        %dma_start3A_771 = tpu.memref_slice %arg8[%dma_start3A_764] : memref<4x!tpu.dma_semaphore, #tpu.memory_space<semaphore_mem>> -> memref<1x!tpu.dma_semaphore, #tpu.memory_space<semaphore_mem>>
        %dma_start3A_772 = tpu.memref_squeeze %dma_start3A_771 : memref<1x!tpu.dma_semaphore, #tpu.memory_space<semaphore_mem>> -> memref<!tpu.dma_semaphore, #tpu.memory_space<semaphore_mem>>
        %dma_start3A_773 = arith.constant 0 : i32
        %dma_start3A_774 = arith.constant 0 : i32
        %dma_start3A_775 = tpu.memref_slice %arg5[%dma_start3A_763, %dma_start3A_773, %dma_start3A_774] : memref<4x1x128xi32, #tpu.memory_space<vmem>> -> memref<1x1x128xi32, #tpu.memory_space<vmem>>
        %dma_start3A_776 = tpu.memref_squeeze %dma_start3A_775 : memref<1x1x128xi32, #tpu.memory_space<vmem>> -> memref<1x128xi32, #tpu.memory_space<vmem>>
        %dma_start3A_777 = arith.constant 0 : i32
        %dma_start3A_778 = tpu.memref_slice %arg2[%add3A_762, %dma_start3A_777] : memref<25600x128xi32, #tpu.memory_space<hbm>> -> memref<1x128xi32, #tpu.memory_space<hbm>>
        tpu.enqueue_dma source(%dma_start3A_778 : memref<1x128xi32, #tpu.memory_space<hbm>>) target(%dma_start3A_776 : memref<1x128xi32, #tpu.memory_space<vmem>>) target_semaphore(%dma_start3A_772 : memref<!tpu.dma_semaphore, #tpu.memory_space<semaphore_mem>>)
      } else {
      }
      %gt3A = arith.constant 0 : i32
      %gt3A_163 = arith.cmpi sgt, %scan3A_137, %gt3A : i32
      %convert_element_type3A_164 = arith.extui %gt3A_163 : i1 to i32
      %cond3A_165 = arith.constant 0 : i32
      %cond3A_166 = arith.cmpi ne, %convert_element_type3A_164, %cond3A_165 : i32
      scf.if %cond3A_166 {
        %dma_wait3A_761 = arith.constant 0 : i32
        %dma_wait3A_762 = arith.constant 0 : i32
        %dma_wait3A_763 = arith.constant 0 : i32
        %dma_wait3A_764 = tpu.memref_slice %arg7[%dma_wait3A_761, %dma_wait3A_763] : memref<4x4096xf32, #tpu.memory_space<vmem>> -> memref<1x4096xf32, #tpu.memory_space<vmem>>
        %dma_wait3A_765 = tpu.memref_squeeze %dma_wait3A_764 : memref<1x4096xf32, #tpu.memory_space<vmem>> -> memref<4096xf32, #tpu.memory_space<vmem>>
        %dma_wait3A_766 = arith.constant 0 : i32
        %dma_wait3A_767 = tpu.memref_slice %arg4[%dma_wait3A_766] : memref<104857600xf32, #tpu.memory_space<hbm>> -> memref<4096xf32, #tpu.memory_space<hbm>>
        %dma_wait3A_768 = tpu.memref_slice %arg10[%dma_wait3A_762] : memref<4x!tpu.dma_semaphore, #tpu.memory_space<semaphore_mem>> -> memref<1x!tpu.dma_semaphore, #tpu.memory_space<semaphore_mem>>
        %dma_wait3A_769 = tpu.memref_squeeze %dma_wait3A_768 : memref<1x!tpu.dma_semaphore, #tpu.memory_space<semaphore_mem>> -> memref<!tpu.dma_semaphore, #tpu.memory_space<semaphore_mem>>
        %dma_wait3A_770 = arith.constant 0 : i32
        %dma_wait3A_771 = tpu.memref_slice %arg4[%dma_wait3A_770] : memref<104857600xf32, #tpu.memory_space<hbm>> -> memref<4096xf32, #tpu.memory_space<hbm>>
        %dma_wait3A_772 = arith.constant 0 : i32
        %dma_wait3A_773 = tpu.memref_slice %arg7[%dma_wait3A_761, %dma_wait3A_772] : memref<4x4096xf32, #tpu.memory_space<vmem>> -> memref<1x4096xf32, #tpu.memory_space<vmem>>
        %dma_wait3A_774 = tpu.memref_squeeze %dma_wait3A_773 : memref<1x4096xf32, #tpu.memory_space<vmem>> -> memref<4096xf32, #tpu.memory_space<vmem>>
        tpu.wait_dma2 semaphore(%dma_wait3A_769 : memref<!tpu.dma_semaphore, #tpu.memory_space<semaphore_mem>>) src(%dma_wait3A_774 : memref<4096xf32, #tpu.memory_space<vmem>>) dst(%dma_wait3A_771 : memref<4096xf32, #tpu.memory_space<hbm>>)
      } else {
      }
      %parallel_loop3A = arith.constant 0 : i32
      %parallel_loop3A_167 = arith.constant 16 : i32
      %parallel_loop3A_168 = arith.constant 1 : i32
      scf.for %parallel_loop3A_761 = %parallel_loop3A to %parallel_loop3A_167 step %parallel_loop3A_168  : i32 {
        %parallel_loop3A_762 = vector.broadcast %parallel_loop3A_761 : i32 to vector<16xi32>
        %parallel_loop3A_763 = arith.addi %iota3A, %parallel_loop3A_762 : vector<16xi32>
        %parallel_loop3A_764 = arith.constant 15 : i32
        %parallel_loop3A_765 = vector.broadcast %parallel_loop3A_764 : i32 to vector<16xi32>
        %parallel_loop3A_766 = arith.andi %parallel_loop3A_763, %parallel_loop3A_765 : vector<16xi32>
        %parallel_loop3A_767 = arith.constant 128 : i32
        %parallel_loop3A_768 = vector.broadcast %parallel_loop3A_767 : i32 to vector<16xi32>
        %parallel_loop3A_769 = arith.muli %parallel_loop3A_766, %parallel_loop3A_768 : vector<16xi32>
        %parallel_loop3A_770 = arith.addi %parallel_loop3A_769, %iota3A : vector<16xi32>
        %parallel_loop3A_771 = arith.constant 0 : i32
        %parallel_loop3A_772 = vector.broadcast %parallel_loop3A_771 : i32 to vector<16xi32>
        %parallel_loop3A_773 = arith.addi %parallel_loop3A_766, %parallel_loop3A_772 : vector<16xi32>
        %parallel_loop3A_774 = arith.constant 0 : i32
        %parallel_loop3A_775 = vector.broadcast %parallel_loop3A_774 : i32 to vector<16xi32>
        %parallel_loop3A_776 = arith.addi %iota3A, %parallel_loop3A_775 : vector<16xi32>
        %parallel_loop3A_777 = arith.constant 0 : i32
        %parallel_loop3A_778 = arith.constant 0 : i32
        %parallel_loop3A_779 = arith.constant 0 : i32
        %parallel_loop3A_780 = tpu.memref_slice %arg6[%parallel_loop3A_777, %parallel_loop3A_778, %parallel_loop3A_779] : memref<4x128x32xf32, #tpu.memory_space<vmem>> -> memref<1x128x32xf32, #tpu.memory_space<vmem>>
        %parallel_loop3A_781 = tpu.memref_squeeze %parallel_loop3A_780 : memref<1x128x32xf32, #tpu.memory_space<vmem>> -> memref<128x32xf32, #tpu.memory_space<vmem>>
        %parallel_loop3A_782 = tpu.vector_load_idx %parallel_loop3A_781[%parallel_loop3A_776, %parallel_loop3A_773] : memref<128x32xf32, #tpu.memory_space<vmem>>[vector<16xi32>, vector<16xi32>], vector<16xf32>,
        %parallel_loop3A_783 = arith.constant 0 : i32
        %parallel_loop3A_784 = vector.broadcast %parallel_loop3A_783 : i32 to vector<16xi32>
        %parallel_loop3A_785 = arith.addi %parallel_loop3A_770, %parallel_loop3A_784 : vector<16xi32>
        %parallel_loop3A_786 = arith.constant 0 : i32
        %parallel_loop3A_787 = arith.constant 0 : i32
        %parallel_loop3A_788 = tpu.memref_slice %arg7[%parallel_loop3A_786, %parallel_loop3A_787] : memref<4x4096xf32, #tpu.memory_space<vmem>> -> memref<1x4096xf32, #tpu.memory_space<vmem>>
        %parallel_loop3A_789 = tpu.memref_squeeze %parallel_loop3A_788 : memref<1x4096xf32, #tpu.memory_space<vmem>> -> memref<4096xf32, #tpu.memory_space<vmem>>
        tpu.vector_store_idx %parallel_loop3A_789[%parallel_loop3A_785], %parallel_loop3A_782 : memref<4096xf32, #tpu.memory_space<vmem>>[vector<16xi32>], vector<16xf32>,
        %parallel_loop3A_790 = arith.constant 16 : i32
        %parallel_loop3A_791 = vector.broadcast %parallel_loop3A_790 : i32 to vector<16xi32>
        %parallel_loop3A_792 = arith.addi %iota3A, %parallel_loop3A_791 : vector<16xi32>
        %parallel_loop3A_793 = arith.constant 0 : i32
        %parallel_loop3A_794 = arith.constant 0 : i32
        %parallel_loop3A_795 = arith.constant 0 : i32
        %parallel_loop3A_796 = tpu.memref_slice %arg6[%parallel_loop3A_793, %parallel_loop3A_794, %parallel_loop3A_795] : memref<4x128x32xf32, #tpu.memory_space<vmem>> -> memref<1x128x32xf32, #tpu.memory_space<vmem>>
        %parallel_loop3A_797 = tpu.memref_squeeze %parallel_loop3A_796 : memref<1x128x32xf32, #tpu.memory_space<vmem>> -> memref<128x32xf32, #tpu.memory_space<vmem>>
        %parallel_loop3A_798 = tpu.vector_load_idx %parallel_loop3A_797[%parallel_loop3A_792, %parallel_loop3A_773] : memref<128x32xf32, #tpu.memory_space<vmem>>[vector<16xi32>, vector<16xi32>], vector<16xf32>,
        %parallel_loop3A_799 = arith.constant 16 : i32
        %parallel_loop3A_800 = vector.broadcast %parallel_loop3A_799 : i32 to vector<16xi32>
        %parallel_loop3A_801 = arith.addi %parallel_loop3A_770, %parallel_loop3A_800 : vector<16xi32>
        %parallel_loop3A_802 = arith.constant 0 : i32
        %parallel_loop3A_803 = arith.constant 0 : i32
        %parallel_loop3A_804 = tpu.memref_slice %arg7[%parallel_loop3A_802, %parallel_loop3A_803] : memref<4x4096xf32, #tpu.memory_space<vmem>> -> memref<1x4096xf32, #tpu.memory_space<vmem>>
        %parallel_loop3A_805 = tpu.memref_squeeze %parallel_loop3A_804 : memref<1x4096xf32, #tpu.memory_space<vmem>> -> memref<4096xf32, #tpu.memory_space<vmem>>
        tpu.vector_store_idx %parallel_loop3A_805[%parallel_loop3A_801], %parallel_loop3A_798 : memref<4096xf32, #tpu.memory_space<vmem>>[vector<16xi32>], vector<16xf32>,
        %parallel_loop3A_806 = arith.constant 32 : i32
        %parallel_loop3A_807 = vector.broadcast %parallel_loop3A_806 : i32 to vector<16xi32>
        %parallel_loop3A_808 = arith.addi %iota3A, %parallel_loop3A_807 : vector<16xi32>
        %parallel_loop3A_809 = arith.constant 0 : i32
        %parallel_loop3A_810 = arith.constant 0 : i32
        %parallel_loop3A_811 = arith.constant 0 : i32
        %parallel_loop3A_812 = tpu.memref_slice %arg6[%parallel_loop3A_809, %parallel_loop3A_810, %parallel_loop3A_811] : memref<4x128x32xf32, #tpu.memory_space<vmem>> -> memref<1x128x32xf32, #tpu.memory_space<vmem>>
        %parallel_loop3A_813 = tpu.memref_squeeze %parallel_loop3A_812 : memref<1x128x32xf32, #tpu.memory_space<vmem>> -> memref<128x32xf32, #tpu.memory_space<vmem>>
        %parallel_loop3A_814 = tpu.vector_load_idx %parallel_loop3A_813[%parallel_loop3A_808, %parallel_loop3A_773] : memref<128x32xf32, #tpu.memory_space<vmem>>[vector<16xi32>, vector<16xi32>], vector<16xf32>,
        %parallel_loop3A_815 = arith.constant 32 : i32
        %parallel_loop3A_816 = vector.broadcast %parallel_loop3A_815 : i32 to vector<16xi32>
        %parallel_loop3A_817 = arith.addi %parallel_loop3A_770, %parallel_loop3A_816 : vector<16xi32>
        %parallel_loop3A_818 = arith.constant 0 : i32
        %parallel_loop3A_819 = arith.constant 0 : i32
        %parallel_loop3A_820 = tpu.memref_slice %arg7[%parallel_loop3A_818, %parallel_loop3A_819] : memref<4x4096xf32, #tpu.memory_space<vmem>> -> memref<1x4096xf32, #tpu.memory_space<vmem>>
        %parallel_loop3A_821 = tpu.memref_squeeze %parallel_loop3A_820 : memref<1x4096xf32, #tpu.memory_space<vmem>> -> memref<4096xf32, #tpu.memory_space<vmem>>
        tpu.vector_store_idx %parallel_loop3A_821[%parallel_loop3A_817], %parallel_loop3A_814 : memref<4096xf32, #tpu.memory_space<vmem>>[vector<16xi32>], vector<16xf32>,
        %parallel_loop3A_822 = arith.constant 48 : i32
        %parallel_loop3A_823 = vector.broadcast %parallel_loop3A_822 : i32 to vector<16xi32>
        %parallel_loop3A_824 = arith.addi %iota3A, %parallel_loop3A_823 : vector<16xi32>
        %parallel_loop3A_825 = arith.constant 0 : i32
        %parallel_loop3A_826 = arith.constant 0 : i32
        %parallel_loop3A_827 = arith.constant 0 : i32
        %parallel_loop3A_828 = tpu.memref_slice %arg6[%parallel_loop3A_825, %parallel_loop3A_826, %parallel_loop3A_827] : memref<4x128x32xf32, #tpu.memory_space<vmem>> -> memref<1x128x32xf32, #tpu.memory_space<vmem>>
        %parallel_loop3A_829 = tpu.memref_squeeze %parallel_loop3A_828 : memref<1x128x32xf32, #tpu.memory_space<vmem>> -> memref<128x32xf32, #tpu.memory_space<vmem>>
        %parallel_loop3A_830 = tpu.vector_load_idx %parallel_loop3A_829[%parallel_loop3A_824, %parallel_loop3A_773] : memref<128x32xf32, #tpu.memory_space<vmem>>[vector<16xi32>, vector<16xi32>], vector<16xf32>,
        %parallel_loop3A_831 = arith.constant 48 : i32
        %parallel_loop3A_832 = vector.broadcast %parallel_loop3A_831 : i32 to vector<16xi32>
        %parallel_loop3A_833 = arith.addi %parallel_loop3A_770, %parallel_loop3A_832 : vector<16xi32>
        %parallel_loop3A_834 = arith.constant 0 : i32
        %parallel_loop3A_835 = arith.constant 0 : i32
        %parallel_loop3A_836 = tpu.memref_slice %arg7[%parallel_loop3A_834, %parallel_loop3A_835] : memref<4x4096xf32, #tpu.memory_space<vmem>> -> memref<1x4096xf32, #tpu.memory_space<vmem>>
        %parallel_loop3A_837 = tpu.memref_squeeze %parallel_loop3A_836 : memref<1x4096xf32, #tpu.memory_space<vmem>> -> memref<4096xf32, #tpu.memory_space<vmem>>
        tpu.vector_store_idx %parallel_loop3A_837[%parallel_loop3A_833], %parallel_loop3A_830 : memref<4096xf32, #tpu.memory_space<vmem>>[vector<16xi32>], vector<16xf32>,
        %parallel_loop3A_838 = arith.constant 64 : i32
        %parallel_loop3A_839 = vector.broadcast %parallel_loop3A_838 : i32 to vector<16xi32>
        %parallel_loop3A_840 = arith.addi %iota3A, %parallel_loop3A_839 : vector<16xi32>
        %parallel_loop3A_841 = arith.constant 0 : i32
        %parallel_loop3A_842 = arith.constant 0 : i32
        %parallel_loop3A_843 = arith.constant 0 : i32
        %parallel_loop3A_844 = tpu.memref_slice %arg6[%parallel_loop3A_841, %parallel_loop3A_842, %parallel_loop3A_843] : memref<4x128x32xf32, #tpu.memory_space<vmem>> -> memref<1x128x32xf32, #tpu.memory_space<vmem>>
        %parallel_loop3A_845 = tpu.memref_squeeze %parallel_loop3A_844 : memref<1x128x32xf32, #tpu.memory_space<vmem>> -> memref<128x32xf32, #tpu.memory_space<vmem>>
        %parallel_loop3A_846 = tpu.vector_load_idx %parallel_loop3A_845[%parallel_loop3A_840, %parallel_loop3A_773] : memref<128x32xf32, #tpu.memory_space<vmem>>[vector<16xi32>, vector<16xi32>], vector<16xf32>,
        %parallel_loop3A_847 = arith.constant 64 : i32
        %parallel_loop3A_848 = vector.broadcast %parallel_loop3A_847 : i32 to vector<16xi32>
        %parallel_loop3A_849 = arith.addi %parallel_loop3A_770, %parallel_loop3A_848 : vector<16xi32>
        %parallel_loop3A_850 = arith.constant 0 : i32
        %parallel_loop3A_851 = arith.constant 0 : i32
        %parallel_loop3A_852 = tpu.memref_slice %arg7[%parallel_loop3A_850, %parallel_loop3A_851] : memref<4x4096xf32, #tpu.memory_space<vmem>> -> memref<1x4096xf32, #tpu.memory_space<vmem>>
        %parallel_loop3A_853 = tpu.memref_squeeze %parallel_loop3A_852 : memref<1x4096xf32, #tpu.memory_space<vmem>> -> memref<4096xf32, #tpu.memory_space<vmem>>
        tpu.vector_store_idx %parallel_loop3A_853[%parallel_loop3A_849], %parallel_loop3A_846 : memref<4096xf32, #tpu.memory_space<vmem>>[vector<16xi32>], vector<16xf32>,
        %parallel_loop3A_854 = arith.constant 80 : i32
        %parallel_loop3A_855 = vector.broadcast %parallel_loop3A_854 : i32 to vector<16xi32>
        %parallel_loop3A_856 = arith.addi %iota3A, %parallel_loop3A_855 : vector<16xi32>
        %parallel_loop3A_857 = arith.constant 0 : i32
        %parallel_loop3A_858 = arith.constant 0 : i32
        %parallel_loop3A_859 = arith.constant 0 : i32
        %parallel_loop3A_860 = tpu.memref_slice %arg6[%parallel_loop3A_857, %parallel_loop3A_858, %parallel_loop3A_859] : memref<4x128x32xf32, #tpu.memory_space<vmem>> -> memref<1x128x32xf32, #tpu.memory_space<vmem>>
        %parallel_loop3A_861 = tpu.memref_squeeze %parallel_loop3A_860 : memref<1x128x32xf32, #tpu.memory_space<vmem>> -> memref<128x32xf32, #tpu.memory_space<vmem>>
        %parallel_loop3A_862 = tpu.vector_load_idx %parallel_loop3A_861[%parallel_loop3A_856, %parallel_loop3A_773] : memref<128x32xf32, #tpu.memory_space<vmem>>[vector<16xi32>, vector<16xi32>], vector<16xf32>,
        %parallel_loop3A_863 = arith.constant 80 : i32
        %parallel_loop3A_864 = vector.broadcast %parallel_loop3A_863 : i32 to vector<16xi32>
        %parallel_loop3A_865 = arith.addi %parallel_loop3A_770, %parallel_loop3A_864 : vector<16xi32>
        %parallel_loop3A_866 = arith.constant 0 : i32
        %parallel_loop3A_867 = arith.constant 0 : i32
        %parallel_loop3A_868 = tpu.memref_slice %arg7[%parallel_loop3A_866, %parallel_loop3A_867] : memref<4x4096xf32, #tpu.memory_space<vmem>> -> memref<1x4096xf32, #tpu.memory_space<vmem>>
        %parallel_loop3A_869 = tpu.memref_squeeze %parallel_loop3A_868 : memref<1x4096xf32, #tpu.memory_space<vmem>> -> memref<4096xf32, #tpu.memory_space<vmem>>
        tpu.vector_store_idx %parallel_loop3A_869[%parallel_loop3A_865], %parallel_loop3A_862 : memref<4096xf32, #tpu.memory_space<vmem>>[vector<16xi32>], vector<16xf32>,
        %parallel_loop3A_870 = arith.constant 96 : i32
        %parallel_loop3A_871 = vector.broadcast %parallel_loop3A_870 : i32 to vector<16xi32>
        %parallel_loop3A_872 = arith.addi %iota3A, %parallel_loop3A_871 : vector<16xi32>
        %parallel_loop3A_873 = arith.constant 0 : i32
        %parallel_loop3A_874 = arith.constant 0 : i32
        %parallel_loop3A_875 = arith.constant 0 : i32
        %parallel_loop3A_876 = tpu.memref_slice %arg6[%parallel_loop3A_873, %parallel_loop3A_874, %parallel_loop3A_875] : memref<4x128x32xf32, #tpu.memory_space<vmem>> -> memref<1x128x32xf32, #tpu.memory_space<vmem>>
        %parallel_loop3A_877 = tpu.memref_squeeze %parallel_loop3A_876 : memref<1x128x32xf32, #tpu.memory_space<vmem>> -> memref<128x32xf32, #tpu.memory_space<vmem>>
        %parallel_loop3A_878 = tpu.vector_load_idx %parallel_loop3A_877[%parallel_loop3A_872, %parallel_loop3A_773] : memref<128x32xf32, #tpu.memory_space<vmem>>[vector<16xi32>, vector<16xi32>], vector<16xf32>,
        %parallel_loop3A_879 = arith.constant 96 : i32
        %parallel_loop3A_880 = vector.broadcast %parallel_loop3A_879 : i32 to vector<16xi32>
        %parallel_loop3A_881 = arith.addi %parallel_loop3A_770, %parallel_loop3A_880 : vector<16xi32>
        %parallel_loop3A_882 = arith.constant 0 : i32
        %parallel_loop3A_883 = arith.constant 0 : i32
        %parallel_loop3A_884 = tpu.memref_slice %arg7[%parallel_loop3A_882, %parallel_loop3A_883] : memref<4x4096xf32, #tpu.memory_space<vmem>> -> memref<1x4096xf32, #tpu.memory_space<vmem>>
        %parallel_loop3A_885 = tpu.memref_squeeze %parallel_loop3A_884 : memref<1x4096xf32, #tpu.memory_space<vmem>> -> memref<4096xf32, #tpu.memory_space<vmem>>
        tpu.vector_store_idx %parallel_loop3A_885[%parallel_loop3A_881], %parallel_loop3A_878 : memref<4096xf32, #tpu.memory_space<vmem>>[vector<16xi32>], vector<16xf32>,
        %parallel_loop3A_886 = arith.constant 112 : i32
        %parallel_loop3A_887 = vector.broadcast %parallel_loop3A_886 : i32 to vector<16xi32>
        %parallel_loop3A_888 = arith.addi %iota3A, %parallel_loop3A_887 : vector<16xi32>
        %parallel_loop3A_889 = arith.constant 0 : i32
        %parallel_loop3A_890 = arith.constant 0 : i32
        %parallel_loop3A_891 = arith.constant 0 : i32
        %parallel_loop3A_892 = tpu.memref_slice %arg6[%parallel_loop3A_889, %parallel_loop3A_890, %parallel_loop3A_891] : memref<4x128x32xf32, #tpu.memory_space<vmem>> -> memref<1x128x32xf32, #tpu.memory_space<vmem>>
        %parallel_loop3A_893 = tpu.memref_squeeze %parallel_loop3A_892 : memref<1x128x32xf32, #tpu.memory_space<vmem>> -> memref<128x32xf32, #tpu.memory_space<vmem>>
        %parallel_loop3A_894 = tpu.vector_load_idx %parallel_loop3A_893[%parallel_loop3A_888, %parallel_loop3A_773] : memref<128x32xf32, #tpu.memory_space<vmem>>[vector<16xi32>, vector<16xi32>], vector<16xf32>,
        %parallel_loop3A_895 = arith.constant 112 : i32
        %parallel_loop3A_896 = vector.broadcast %parallel_loop3A_895 : i32 to vector<16xi32>
        %parallel_loop3A_897 = arith.addi %parallel_loop3A_770, %parallel_loop3A_896 : vector<16xi32>
        %parallel_loop3A_898 = arith.constant 0 : i32
        %parallel_loop3A_899 = arith.constant 0 : i32
        %parallel_loop3A_900 = tpu.memref_slice %arg7[%parallel_loop3A_898, %parallel_loop3A_899] : memref<4x4096xf32, #tpu.memory_space<vmem>> -> memref<1x4096xf32, #tpu.memory_space<vmem>>
        %parallel_loop3A_901 = tpu.memref_squeeze %parallel_loop3A_900 : memref<1x4096xf32, #tpu.memory_space<vmem>> -> memref<4096xf32, #tpu.memory_space<vmem>>
        tpu.vector_store_idx %parallel_loop3A_901[%parallel_loop3A_897], %parallel_loop3A_894 : memref<4096xf32, #tpu.memory_space<vmem>>[vector<16xi32>], vector<16xf32>,
        %parallel_loop3A_902 = arith.constant 16 : i32
        %parallel_loop3A_903 = vector.broadcast %parallel_loop3A_902 : i32 to vector<16xi32>
        %parallel_loop3A_904 = arith.addi %parallel_loop3A_766, %parallel_loop3A_903 : vector<16xi32>
        %parallel_loop3A_905 = arith.constant 0 : i32
        %parallel_loop3A_906 = vector.broadcast %parallel_loop3A_905 : i32 to vector<16xi32>
        %parallel_loop3A_907 = arith.addi %iota3A, %parallel_loop3A_906 : vector<16xi32>
        %parallel_loop3A_908 = arith.constant 0 : i32
        %parallel_loop3A_909 = arith.constant 0 : i32
        %parallel_loop3A_910 = arith.constant 0 : i32
        %parallel_loop3A_911 = tpu.memref_slice %arg6[%parallel_loop3A_908, %parallel_loop3A_909, %parallel_loop3A_910] : memref<4x128x32xf32, #tpu.memory_space<vmem>> -> memref<1x128x32xf32, #tpu.memory_space<vmem>>
        %parallel_loop3A_912 = tpu.memref_squeeze %parallel_loop3A_911 : memref<1x128x32xf32, #tpu.memory_space<vmem>> -> memref<128x32xf32, #tpu.memory_space<vmem>>
        %parallel_loop3A_913 = tpu.vector_load_idx %parallel_loop3A_912[%parallel_loop3A_907, %parallel_loop3A_904] : memref<128x32xf32, #tpu.memory_space<vmem>>[vector<16xi32>, vector<16xi32>], vector<16xf32>,
        %parallel_loop3A_914 = arith.constant 2048 : i32
        %parallel_loop3A_915 = vector.broadcast %parallel_loop3A_914 : i32 to vector<16xi32>
        %parallel_loop3A_916 = arith.addi %parallel_loop3A_770, %parallel_loop3A_915 : vector<16xi32>
        %parallel_loop3A_917 = arith.constant 0 : i32
        %parallel_loop3A_918 = arith.constant 0 : i32
        %parallel_loop3A_919 = tpu.memref_slice %arg7[%parallel_loop3A_917, %parallel_loop3A_918] : memref<4x4096xf32, #tpu.memory_space<vmem>> -> memref<1x4096xf32, #tpu.memory_space<vmem>>
        %parallel_loop3A_920 = tpu.memref_squeeze %parallel_loop3A_919 : memref<1x4096xf32, #tpu.memory_space<vmem>> -> memref<4096xf32, #tpu.memory_space<vmem>>
        tpu.vector_store_idx %parallel_loop3A_920[%parallel_loop3A_916], %parallel_loop3A_913 : memref<4096xf32, #tpu.memory_space<vmem>>[vector<16xi32>], vector<16xf32>,
        %parallel_loop3A_921 = arith.constant 16 : i32
        %parallel_loop3A_922 = vector.broadcast %parallel_loop3A_921 : i32 to vector<16xi32>
        %parallel_loop3A_923 = arith.addi %iota3A, %parallel_loop3A_922 : vector<16xi32>
        %parallel_loop3A_924 = arith.constant 0 : i32
        %parallel_loop3A_925 = arith.constant 0 : i32
        %parallel_loop3A_926 = arith.constant 0 : i32
        %parallel_loop3A_927 = tpu.memref_slice %arg6[%parallel_loop3A_924, %parallel_loop3A_925, %parallel_loop3A_926] : memref<4x128x32xf32, #tpu.memory_space<vmem>> -> memref<1x128x32xf32, #tpu.memory_space<vmem>>
        %parallel_loop3A_928 = tpu.memref_squeeze %parallel_loop3A_927 : memref<1x128x32xf32, #tpu.memory_space<vmem>> -> memref<128x32xf32, #tpu.memory_space<vmem>>
        %parallel_loop3A_929 = tpu.vector_load_idx %parallel_loop3A_928[%parallel_loop3A_923, %parallel_loop3A_904] : memref<128x32xf32, #tpu.memory_space<vmem>>[vector<16xi32>, vector<16xi32>], vector<16xf32>,
        %parallel_loop3A_930 = arith.constant 2064 : i32
        %parallel_loop3A_931 = vector.broadcast %parallel_loop3A_930 : i32 to vector<16xi32>
        %parallel_loop3A_932 = arith.addi %parallel_loop3A_770, %parallel_loop3A_931 : vector<16xi32>
        %parallel_loop3A_933 = arith.constant 0 : i32
        %parallel_loop3A_934 = arith.constant 0 : i32
        %parallel_loop3A_935 = tpu.memref_slice %arg7[%parallel_loop3A_933, %parallel_loop3A_934] : memref<4x4096xf32, #tpu.memory_space<vmem>> -> memref<1x4096xf32, #tpu.memory_space<vmem>>
        %parallel_loop3A_936 = tpu.memref_squeeze %parallel_loop3A_935 : memref<1x4096xf32, #tpu.memory_space<vmem>> -> memref<4096xf32, #tpu.memory_space<vmem>>
        tpu.vector_store_idx %parallel_loop3A_936[%parallel_loop3A_932], %parallel_loop3A_929 : memref<4096xf32, #tpu.memory_space<vmem>>[vector<16xi32>], vector<16xf32>,
        %parallel_loop3A_937 = arith.constant 32 : i32
        %parallel_loop3A_938 = vector.broadcast %parallel_loop3A_937 : i32 to vector<16xi32>
        %parallel_loop3A_939 = arith.addi %iota3A, %parallel_loop3A_938 : vector<16xi32>
        %parallel_loop3A_940 = arith.constant 0 : i32
        %parallel_loop3A_941 = arith.constant 0 : i32
        %parallel_loop3A_942 = arith.constant 0 : i32
        %parallel_loop3A_943 = tpu.memref_slice %arg6[%parallel_loop3A_940, %parallel_loop3A_941, %parallel_loop3A_942] : memref<4x128x32xf32, #tpu.memory_space<vmem>> -> memref<1x128x32xf32, #tpu.memory_space<vmem>>
        %parallel_loop3A_944 = tpu.memref_squeeze %parallel_loop3A_943 : memref<1x128x32xf32, #tpu.memory_space<vmem>> -> memref<128x32xf32, #tpu.memory_space<vmem>>
        %parallel_loop3A_945 = tpu.vector_load_idx %parallel_loop3A_944[%parallel_loop3A_939, %parallel_loop3A_904] : memref<128x32xf32, #tpu.memory_space<vmem>>[vector<16xi32>, vector<16xi32>], vector<16xf32>,
        %parallel_loop3A_946 = arith.constant 2080 : i32
        %parallel_loop3A_947 = vector.broadcast %parallel_loop3A_946 : i32 to vector<16xi32>
        %parallel_loop3A_948 = arith.addi %parallel_loop3A_770, %parallel_loop3A_947 : vector<16xi32>
        %parallel_loop3A_949 = arith.constant 0 : i32
        %parallel_loop3A_950 = arith.constant 0 : i32
        %parallel_loop3A_951 = tpu.memref_slice %arg7[%parallel_loop3A_949, %parallel_loop3A_950] : memref<4x4096xf32, #tpu.memory_space<vmem>> -> memref<1x4096xf32, #tpu.memory_space<vmem>>
        %parallel_loop3A_952 = tpu.memref_squeeze %parallel_loop3A_951 : memref<1x4096xf32, #tpu.memory_space<vmem>> -> memref<4096xf32, #tpu.memory_space<vmem>>
        tpu.vector_store_idx %parallel_loop3A_952[%parallel_loop3A_948], %parallel_loop3A_945 : memref<4096xf32, #tpu.memory_space<vmem>>[vector<16xi32>], vector<16xf32>,
        %parallel_loop3A_953 = arith.constant 48 : i32
        %parallel_loop3A_954 = vector.broadcast %parallel_loop3A_953 : i32 to vector<16xi32>
        %parallel_loop3A_955 = arith.addi %iota3A, %parallel_loop3A_954 : vector<16xi32>
        %parallel_loop3A_956 = arith.constant 0 : i32
        %parallel_loop3A_957 = arith.constant 0 : i32
        %parallel_loop3A_958 = arith.constant 0 : i32
        %parallel_loop3A_959 = tpu.memref_slice %arg6[%parallel_loop3A_956, %parallel_loop3A_957, %parallel_loop3A_958] : memref<4x128x32xf32, #tpu.memory_space<vmem>> -> memref<1x128x32xf32, #tpu.memory_space<vmem>>
        %parallel_loop3A_960 = tpu.memref_squeeze %parallel_loop3A_959 : memref<1x128x32xf32, #tpu.memory_space<vmem>> -> memref<128x32xf32, #tpu.memory_space<vmem>>
        %parallel_loop3A_961 = tpu.vector_load_idx %parallel_loop3A_960[%parallel_loop3A_955, %parallel_loop3A_904] : memref<128x32xf32, #tpu.memory_space<vmem>>[vector<16xi32>, vector<16xi32>], vector<16xf32>,
        %parallel_loop3A_962 = arith.constant 2096 : i32
        %parallel_loop3A_963 = vector.broadcast %parallel_loop3A_962 : i32 to vector<16xi32>
        %parallel_loop3A_964 = arith.addi %parallel_loop3A_770, %parallel_loop3A_963 : vector<16xi32>
        %parallel_loop3A_965 = arith.constant 0 : i32
        %parallel_loop3A_966 = arith.constant 0 : i32
        %parallel_loop3A_967 = tpu.memref_slice %arg7[%parallel_loop3A_965, %parallel_loop3A_966] : memref<4x4096xf32, #tpu.memory_space<vmem>> -> memref<1x4096xf32, #tpu.memory_space<vmem>>
        %parallel_loop3A_968 = tpu.memref_squeeze %parallel_loop3A_967 : memref<1x4096xf32, #tpu.memory_space<vmem>> -> memref<4096xf32, #tpu.memory_space<vmem>>
        tpu.vector_store_idx %parallel_loop3A_968[%parallel_loop3A_964], %parallel_loop3A_961 : memref<4096xf32, #tpu.memory_space<vmem>>[vector<16xi32>], vector<16xf32>,
        %parallel_loop3A_969 = arith.constant 64 : i32
        %parallel_loop3A_970 = vector.broadcast %parallel_loop3A_969 : i32 to vector<16xi32>
        %parallel_loop3A_971 = arith.addi %iota3A, %parallel_loop3A_970 : vector<16xi32>
        %parallel_loop3A_972 = arith.constant 0 : i32
        %parallel_loop3A_973 = arith.constant 0 : i32
        %parallel_loop3A_974 = arith.constant 0 : i32
        %parallel_loop3A_975 = tpu.memref_slice %arg6[%parallel_loop3A_972, %parallel_loop3A_973, %parallel_loop3A_974] : memref<4x128x32xf32, #tpu.memory_space<vmem>> -> memref<1x128x32xf32, #tpu.memory_space<vmem>>
        %parallel_loop3A_976 = tpu.memref_squeeze %parallel_loop3A_975 : memref<1x128x32xf32, #tpu.memory_space<vmem>> -> memref<128x32xf32, #tpu.memory_space<vmem>>
        %parallel_loop3A_977 = tpu.vector_load_idx %parallel_loop3A_976[%parallel_loop3A_971, %parallel_loop3A_904] : memref<128x32xf32, #tpu.memory_space<vmem>>[vector<16xi32>, vector<16xi32>], vector<16xf32>,
        %parallel_loop3A_978 = arith.constant 2112 : i32
        %parallel_loop3A_979 = vector.broadcast %parallel_loop3A_978 : i32 to vector<16xi32>
        %parallel_loop3A_980 = arith.addi %parallel_loop3A_770, %parallel_loop3A_979 : vector<16xi32>
        %parallel_loop3A_981 = arith.constant 0 : i32
        %parallel_loop3A_982 = arith.constant 0 : i32
        %parallel_loop3A_983 = tpu.memref_slice %arg7[%parallel_loop3A_981, %parallel_loop3A_982] : memref<4x4096xf32, #tpu.memory_space<vmem>> -> memref<1x4096xf32, #tpu.memory_space<vmem>>
        %parallel_loop3A_984 = tpu.memref_squeeze %parallel_loop3A_983 : memref<1x4096xf32, #tpu.memory_space<vmem>> -> memref<4096xf32, #tpu.memory_space<vmem>>
        tpu.vector_store_idx %parallel_loop3A_984[%parallel_loop3A_980], %parallel_loop3A_977 : memref<4096xf32, #tpu.memory_space<vmem>>[vector<16xi32>], vector<16xf32>,
        %parallel_loop3A_985 = arith.constant 80 : i32
        %parallel_loop3A_986 = vector.broadcast %parallel_loop3A_985 : i32 to vector<16xi32>
        %parallel_loop3A_987 = arith.addi %iota3A, %parallel_loop3A_986 : vector<16xi32>
        %parallel_loop3A_988 = arith.constant 0 : i32
        %parallel_loop3A_989 = arith.constant 0 : i32
        %parallel_loop3A_990 = arith.constant 0 : i32
        %parallel_loop3A_991 = tpu.memref_slice %arg6[%parallel_loop3A_988, %parallel_loop3A_989, %parallel_loop3A_990] : memref<4x128x32xf32, #tpu.memory_space<vmem>> -> memref<1x128x32xf32, #tpu.memory_space<vmem>>
        %parallel_loop3A_992 = tpu.memref_squeeze %parallel_loop3A_991 : memref<1x128x32xf32, #tpu.memory_space<vmem>> -> memref<128x32xf32, #tpu.memory_space<vmem>>
        %parallel_loop3A_993 = tpu.vector_load_idx %parallel_loop3A_992[%parallel_loop3A_987, %parallel_loop3A_904] : memref<128x32xf32, #tpu.memory_space<vmem>>[vector<16xi32>, vector<16xi32>], vector<16xf32>,
        %parallel_loop3A_994 = arith.constant 2128 : i32
        %parallel_loop3A_995 = vector.broadcast %parallel_loop3A_994 : i32 to vector<16xi32>
        %parallel_loop3A_996 = arith.addi %parallel_loop3A_770, %parallel_loop3A_995 : vector<16xi32>
        %parallel_loop3A_997 = arith.constant 0 : i32
        %parallel_loop3A_998 = arith.constant 0 : i32
        %parallel_loop3A_999 = tpu.memref_slice %arg7[%parallel_loop3A_997, %parallel_loop3A_998] : memref<4x4096xf32, #tpu.memory_space<vmem>> -> memref<1x4096xf32, #tpu.memory_space<vmem>>
        %parallel_loop3A_1000 = tpu.memref_squeeze %parallel_loop3A_999 : memref<1x4096xf32, #tpu.memory_space<vmem>> -> memref<4096xf32, #tpu.memory_space<vmem>>
        tpu.vector_store_idx %parallel_loop3A_1000[%parallel_loop3A_996], %parallel_loop3A_993 : memref<4096xf32, #tpu.memory_space<vmem>>[vector<16xi32>], vector<16xf32>,
        %parallel_loop3A_1001 = arith.constant 96 : i32
        %parallel_loop3A_1002 = vector.broadcast %parallel_loop3A_1001 : i32 to vector<16xi32>
        %parallel_loop3A_1003 = arith.addi %iota3A, %parallel_loop3A_1002 : vector<16xi32>
        %parallel_loop3A_1004 = arith.constant 0 : i32
        %parallel_loop3A_1005 = arith.constant 0 : i32
        %parallel_loop3A_1006 = arith.constant 0 : i32
        %parallel_loop3A_1007 = tpu.memref_slice %arg6[%parallel_loop3A_1004, %parallel_loop3A_1005, %parallel_loop3A_1006] : memref<4x128x32xf32, #tpu.memory_space<vmem>> -> memref<1x128x32xf32, #tpu.memory_space<vmem>>
        %parallel_loop3A_1008 = tpu.memref_squeeze %parallel_loop3A_1007 : memref<1x128x32xf32, #tpu.memory_space<vmem>> -> memref<128x32xf32, #tpu.memory_space<vmem>>
        %parallel_loop3A_1009 = tpu.vector_load_idx %parallel_loop3A_1008[%parallel_loop3A_1003, %parallel_loop3A_904] : memref<128x32xf32, #tpu.memory_space<vmem>>[vector<16xi32>, vector<16xi32>], vector<16xf32>,
        %parallel_loop3A_1010 = arith.constant 2144 : i32
        %parallel_loop3A_1011 = vector.broadcast %parallel_loop3A_1010 : i32 to vector<16xi32>
        %parallel_loop3A_1012 = arith.addi %parallel_loop3A_770, %parallel_loop3A_1011 : vector<16xi32>
        %parallel_loop3A_1013 = arith.constant 0 : i32
        %parallel_loop3A_1014 = arith.constant 0 : i32
        %parallel_loop3A_1015 = tpu.memref_slice %arg7[%parallel_loop3A_1013, %parallel_loop3A_1014] : memref<4x4096xf32, #tpu.memory_space<vmem>> -> memref<1x4096xf32, #tpu.memory_space<vmem>>
        %parallel_loop3A_1016 = tpu.memref_squeeze %parallel_loop3A_1015 : memref<1x4096xf32, #tpu.memory_space<vmem>> -> memref<4096xf32, #tpu.memory_space<vmem>>
        tpu.vector_store_idx %parallel_loop3A_1016[%parallel_loop3A_1012], %parallel_loop3A_1009 : memref<4096xf32, #tpu.memory_space<vmem>>[vector<16xi32>], vector<16xf32>,
        %parallel_loop3A_1017 = arith.constant 112 : i32
        %parallel_loop3A_1018 = vector.broadcast %parallel_loop3A_1017 : i32 to vector<16xi32>
        %parallel_loop3A_1019 = arith.addi %iota3A, %parallel_loop3A_1018 : vector<16xi32>
        %parallel_loop3A_1020 = arith.constant 0 : i32
        %parallel_loop3A_1021 = arith.constant 0 : i32
        %parallel_loop3A_1022 = arith.constant 0 : i32
        %parallel_loop3A_1023 = tpu.memref_slice %arg6[%parallel_loop3A_1020, %parallel_loop3A_1021, %parallel_loop3A_1022] : memref<4x128x32xf32, #tpu.memory_space<vmem>> -> memref<1x128x32xf32, #tpu.memory_space<vmem>>
        %parallel_loop3A_1024 = tpu.memref_squeeze %parallel_loop3A_1023 : memref<1x128x32xf32, #tpu.memory_space<vmem>> -> memref<128x32xf32, #tpu.memory_space<vmem>>
        %parallel_loop3A_1025 = tpu.vector_load_idx %parallel_loop3A_1024[%parallel_loop3A_1019, %parallel_loop3A_904] : memref<128x32xf32, #tpu.memory_space<vmem>>[vector<16xi32>, vector<16xi32>], vector<16xf32>,
        %parallel_loop3A_1026 = arith.constant 2160 : i32
        %parallel_loop3A_1027 = vector.broadcast %parallel_loop3A_1026 : i32 to vector<16xi32>
        %parallel_loop3A_1028 = arith.addi %parallel_loop3A_770, %parallel_loop3A_1027 : vector<16xi32>
        %parallel_loop3A_1029 = arith.constant 0 : i32
        %parallel_loop3A_1030 = arith.constant 0 : i32
        %parallel_loop3A_1031 = tpu.memref_slice %arg7[%parallel_loop3A_1029, %parallel_loop3A_1030] : memref<4x4096xf32, #tpu.memory_space<vmem>> -> memref<1x4096xf32, #tpu.memory_space<vmem>>
        %parallel_loop3A_1032 = tpu.memref_squeeze %parallel_loop3A_1031 : memref<1x4096xf32, #tpu.memory_space<vmem>> -> memref<4096xf32, #tpu.memory_space<vmem>>
        tpu.vector_store_idx %parallel_loop3A_1032[%parallel_loop3A_1028], %parallel_loop3A_1025 : memref<4096xf32, #tpu.memory_space<vmem>>[vector<16xi32>], vector<16xf32>,
      } {sc.loop_unroll_factor = 2 : i64, sc.parallel_access}
      %jit3A = arith.constant 128 : i32
      %div3A = arith.divsi %add3A_142, %jit3A : i32
      %sign3A = arith.constant 0 : i32
      %sign3A_169 = arith.cmpi sgt, %add3A_142, %sign3A : i32
      %sign3A_170 = arith.extui %sign3A_169 : i1 to i32
      %sign3A_171 = arith.constant 0 : i32
      %sign3A_172 = arith.cmpi slt, %add3A_142, %sign3A_171 : i32
      %sign3A_173 = arith.extui %sign3A_172 : i1 to i32
      %sign3A_174 = arith.subi %sign3A_170, %sign3A_173 : i32
      %sign3A_175 = arith.constant 0 : i32
      %sign3A_176 = arith.cmpi sgt, %jit3A, %sign3A_175 : i32
      %sign3A_177 = arith.extui %sign3A_176 : i1 to i32
      %sign3A_178 = arith.constant 0 : i32
      %sign3A_179 = arith.cmpi slt, %jit3A, %sign3A_178 : i32
      %sign3A_180 = arith.extui %sign3A_179 : i1 to i32
      %sign3A_181 = arith.subi %sign3A_177, %sign3A_180 : i32
      %ne3A = arith.cmpi ne, %sign3A_174, %sign3A_181 : i32
      %rem3A = arith.remsi %add3A_142, %jit3A : i32
      %ne3A_182 = arith.constant 0 : i32
      %ne3A_183 = arith.cmpi ne, %rem3A, %ne3A_182 : i32
      %and3A = arith.andi %ne3A, %ne3A_183 : i1
      %sub3A = arith.constant 1 : i32
      %sub3A_184 = arith.subi %div3A, %sub3A : i32
      %select_n3A = arith.select %and3A, %sub3A_184, %div3A : i32
      %rem3A_185 = arith.constant 128 : i32
      %rem3A_186 = arith.remsi %add3A_142, %rem3A_185 : i32
      %mul3A_187 = arith.constant 4 : i32
      %mul3A_188 = arith.muli %select_n3A, %mul3A_187 : i32
      %mul3A_189 = arith.constant 128 : i32
      %mul3A_190 = arith.muli %mul3A_188, %mul3A_189 : i32
      %add3A_191 = arith.constant 0 : i32
      %add3A_192 = arith.addi %mul3A_190, %add3A_191 : i32
      %add3A_193 = arith.addi %add3A_192, %rem3A_186 : i32
      %mul3A_194 = arith.constant 8 : i32
      %mul3A_195 = arith.muli %add3A_193, %mul3A_194 : i32
      %mul3A_196 = arith.constant 128 : i32
      %mul3A_197 = arith.muli %mul3A_195, %mul3A_196 : i32
      %dma_start3A_198 = arith.constant 0 : i32
      %dma_start3A_199 = arith.constant 0 : i32
      %dma_start3A_200 = arith.constant 0 : i32
      %dma_start3A_201 = tpu.memref_slice %arg7[%dma_start3A_198, %dma_start3A_200] : memref<4x4096xf32, #tpu.memory_space<vmem>> -> memref<1x1024xf32, #tpu.memory_space<vmem>>
      %dma_start3A_202 = tpu.memref_squeeze %dma_start3A_201 : memref<1x1024xf32, #tpu.memory_space<vmem>> -> memref<1024xf32, #tpu.memory_space<vmem>>
      %dma_start3A_203 = tpu.memref_slice %arg4[%mul3A_197] : memref<104857600xf32, #tpu.memory_space<hbm>> -> memref<1024xf32, #tpu.memory_space<hbm>>
      %dma_start3A_204 = tpu.memref_slice %arg10[%dma_start3A_199] : memref<4x!tpu.dma_semaphore, #tpu.memory_space<semaphore_mem>> -> memref<1x!tpu.dma_semaphore, #tpu.memory_space<semaphore_mem>>
      %dma_start3A_205 = tpu.memref_squeeze %dma_start3A_204 : memref<1x!tpu.dma_semaphore, #tpu.memory_space<semaphore_mem>> -> memref<!tpu.dma_semaphore, #tpu.memory_space<semaphore_mem>>
      %dma_start3A_206 = tpu.memref_slice %arg4[%mul3A_197] : memref<104857600xf32, #tpu.memory_space<hbm>> -> memref<1024xf32, #tpu.memory_space<hbm>>
      %dma_start3A_207 = arith.constant 0 : i32
      %dma_start3A_208 = tpu.memref_slice %arg7[%dma_start3A_198, %dma_start3A_207] : memref<4x4096xf32, #tpu.memory_space<vmem>> -> memref<1x1024xf32, #tpu.memory_space<vmem>>
      %dma_start3A_209 = tpu.memref_squeeze %dma_start3A_208 : memref<1x1024xf32, #tpu.memory_space<vmem>> -> memref<1024xf32, #tpu.memory_space<vmem>>
      tpu.enqueue_dma source(%dma_start3A_209 : memref<1024xf32, #tpu.memory_space<vmem>>) target(%dma_start3A_206 : memref<1024xf32, #tpu.memory_space<hbm>>) target_semaphore(%dma_start3A_205 : memref<!tpu.dma_semaphore, #tpu.memory_space<semaphore_mem>>)
      %mul3A_210 = arith.constant 4 : i32
      %mul3A_211 = arith.muli %select_n3A, %mul3A_210 : i32
      %mul3A_212 = arith.constant 128 : i32
      %mul3A_213 = arith.muli %mul3A_211, %mul3A_212 : i32
      %add3A_214 = arith.constant 128 : i32
      %add3A_215 = arith.addi %mul3A_213, %add3A_214 : i32
      %add3A_216 = arith.addi %add3A_215, %rem3A_186 : i32
      %mul3A_217 = arith.constant 8 : i32
      %mul3A_218 = arith.muli %add3A_216, %mul3A_217 : i32
      %mul3A_219 = arith.constant 128 : i32
      %mul3A_220 = arith.muli %mul3A_218, %mul3A_219 : i32
      %dma_start3A_221 = arith.constant 0 : i32
      %dma_start3A_222 = arith.constant 0 : i32
      %dma_start3A_223 = arith.constant 1024 : i32
      %dma_start3A_224 = tpu.memref_slice %arg7[%dma_start3A_221, %dma_start3A_223] : memref<4x4096xf32, #tpu.memory_space<vmem>> -> memref<1x1024xf32, #tpu.memory_space<vmem>>
      %dma_start3A_225 = tpu.memref_squeeze %dma_start3A_224 : memref<1x1024xf32, #tpu.memory_space<vmem>> -> memref<1024xf32, #tpu.memory_space<vmem>>
      %dma_start3A_226 = tpu.memref_slice %arg4[%mul3A_220] : memref<104857600xf32, #tpu.memory_space<hbm>> -> memref<1024xf32, #tpu.memory_space<hbm>>
      %dma_start3A_227 = tpu.memref_slice %arg10[%dma_start3A_222] : memref<4x!tpu.dma_semaphore, #tpu.memory_space<semaphore_mem>> -> memref<1x!tpu.dma_semaphore, #tpu.memory_space<semaphore_mem>>
      %dma_start3A_228 = tpu.memref_squeeze %dma_start3A_227 : memref<1x!tpu.dma_semaphore, #tpu.memory_space<semaphore_mem>> -> memref<!tpu.dma_semaphore, #tpu.memory_space<semaphore_mem>>
      %dma_start3A_229 = tpu.memref_slice %arg4[%mul3A_220] : memref<104857600xf32, #tpu.memory_space<hbm>> -> memref<1024xf32, #tpu.memory_space<hbm>>
      %dma_start3A_230 = arith.constant 1024 : i32
      %dma_start3A_231 = tpu.memref_slice %arg7[%dma_start3A_221, %dma_start3A_230] : memref<4x4096xf32, #tpu.memory_space<vmem>> -> memref<1x1024xf32, #tpu.memory_space<vmem>>
      %dma_start3A_232 = tpu.memref_squeeze %dma_start3A_231 : memref<1x1024xf32, #tpu.memory_space<vmem>> -> memref<1024xf32, #tpu.memory_space<vmem>>
      tpu.enqueue_dma source(%dma_start3A_232 : memref<1024xf32, #tpu.memory_space<vmem>>) target(%dma_start3A_229 : memref<1024xf32, #tpu.memory_space<hbm>>) target_semaphore(%dma_start3A_228 : memref<!tpu.dma_semaphore, #tpu.memory_space<semaphore_mem>>)
      %mul3A_233 = arith.constant 4 : i32
      %mul3A_234 = arith.muli %select_n3A, %mul3A_233 : i32
      %mul3A_235 = arith.constant 128 : i32
      %mul3A_236 = arith.muli %mul3A_234, %mul3A_235 : i32
      %add3A_237 = arith.constant 256 : i32
      %add3A_238 = arith.addi %mul3A_236, %add3A_237 : i32
      %add3A_239 = arith.addi %add3A_238, %rem3A_186 : i32
      %mul3A_240 = arith.constant 8 : i32
      %mul3A_241 = arith.muli %add3A_239, %mul3A_240 : i32
      %mul3A_242 = arith.constant 128 : i32
      %mul3A_243 = arith.muli %mul3A_241, %mul3A_242 : i32
      %dma_start3A_244 = arith.constant 0 : i32
      %dma_start3A_245 = arith.constant 0 : i32
      %dma_start3A_246 = arith.constant 2048 : i32
      %dma_start3A_247 = tpu.memref_slice %arg7[%dma_start3A_244, %dma_start3A_246] : memref<4x4096xf32, #tpu.memory_space<vmem>> -> memref<1x1024xf32, #tpu.memory_space<vmem>>
      %dma_start3A_248 = tpu.memref_squeeze %dma_start3A_247 : memref<1x1024xf32, #tpu.memory_space<vmem>> -> memref<1024xf32, #tpu.memory_space<vmem>>
      %dma_start3A_249 = tpu.memref_slice %arg4[%mul3A_243] : memref<104857600xf32, #tpu.memory_space<hbm>> -> memref<1024xf32, #tpu.memory_space<hbm>>
      %dma_start3A_250 = tpu.memref_slice %arg10[%dma_start3A_245] : memref<4x!tpu.dma_semaphore, #tpu.memory_space<semaphore_mem>> -> memref<1x!tpu.dma_semaphore, #tpu.memory_space<semaphore_mem>>
      %dma_start3A_251 = tpu.memref_squeeze %dma_start3A_250 : memref<1x!tpu.dma_semaphore, #tpu.memory_space<semaphore_mem>> -> memref<!tpu.dma_semaphore, #tpu.memory_space<semaphore_mem>>
      %dma_start3A_252 = tpu.memref_slice %arg4[%mul3A_243] : memref<104857600xf32, #tpu.memory_space<hbm>> -> memref<1024xf32, #tpu.memory_space<hbm>>
      %dma_start3A_253 = arith.constant 2048 : i32
      %dma_start3A_254 = tpu.memref_slice %arg7[%dma_start3A_244, %dma_start3A_253] : memref<4x4096xf32, #tpu.memory_space<vmem>> -> memref<1x1024xf32, #tpu.memory_space<vmem>>
      %dma_start3A_255 = tpu.memref_squeeze %dma_start3A_254 : memref<1x1024xf32, #tpu.memory_space<vmem>> -> memref<1024xf32, #tpu.memory_space<vmem>>
      tpu.enqueue_dma source(%dma_start3A_255 : memref<1024xf32, #tpu.memory_space<vmem>>) target(%dma_start3A_252 : memref<1024xf32, #tpu.memory_space<hbm>>) target_semaphore(%dma_start3A_251 : memref<!tpu.dma_semaphore, #tpu.memory_space<semaphore_mem>>)
      %mul3A_256 = arith.constant 4 : i32
      %mul3A_257 = arith.muli %select_n3A, %mul3A_256 : i32
      %mul3A_258 = arith.constant 128 : i32
      %mul3A_259 = arith.muli %mul3A_257, %mul3A_258 : i32
      %add3A_260 = arith.constant 384 : i32
      %add3A_261 = arith.addi %mul3A_259, %add3A_260 : i32
      %add3A_262 = arith.addi %add3A_261, %rem3A_186 : i32
      %mul3A_263 = arith.constant 8 : i32
      %mul3A_264 = arith.muli %add3A_262, %mul3A_263 : i32
      %mul3A_265 = arith.constant 128 : i32
      %mul3A_266 = arith.muli %mul3A_264, %mul3A_265 : i32
      %dma_start3A_267 = arith.constant 0 : i32
      %dma_start3A_268 = arith.constant 0 : i32
      %dma_start3A_269 = arith.constant 3072 : i32
      %dma_start3A_270 = tpu.memref_slice %arg7[%dma_start3A_267, %dma_start3A_269] : memref<4x4096xf32, #tpu.memory_space<vmem>> -> memref<1x1024xf32, #tpu.memory_space<vmem>>
      %dma_start3A_271 = tpu.memref_squeeze %dma_start3A_270 : memref<1x1024xf32, #tpu.memory_space<vmem>> -> memref<1024xf32, #tpu.memory_space<vmem>>
      %dma_start3A_272 = tpu.memref_slice %arg4[%mul3A_266] : memref<104857600xf32, #tpu.memory_space<hbm>> -> memref<1024xf32, #tpu.memory_space<hbm>>
      %dma_start3A_273 = tpu.memref_slice %arg10[%dma_start3A_268] : memref<4x!tpu.dma_semaphore, #tpu.memory_space<semaphore_mem>> -> memref<1x!tpu.dma_semaphore, #tpu.memory_space<semaphore_mem>>
      %dma_start3A_274 = tpu.memref_squeeze %dma_start3A_273 : memref<1x!tpu.dma_semaphore, #tpu.memory_space<semaphore_mem>> -> memref<!tpu.dma_semaphore, #tpu.memory_space<semaphore_mem>>
      %dma_start3A_275 = tpu.memref_slice %arg4[%mul3A_266] : memref<104857600xf32, #tpu.memory_space<hbm>> -> memref<1024xf32, #tpu.memory_space<hbm>>
      %dma_start3A_276 = arith.constant 3072 : i32
      %dma_start3A_277 = tpu.memref_slice %arg7[%dma_start3A_267, %dma_start3A_276] : memref<4x4096xf32, #tpu.memory_space<vmem>> -> memref<1x1024xf32, #tpu.memory_space<vmem>>
      %dma_start3A_278 = tpu.memref_squeeze %dma_start3A_277 : memref<1x1024xf32, #tpu.memory_space<vmem>> -> memref<1024xf32, #tpu.memory_space<vmem>>
      tpu.enqueue_dma source(%dma_start3A_278 : memref<1024xf32, #tpu.memory_space<vmem>>) target(%dma_start3A_275 : memref<1024xf32, #tpu.memory_space<hbm>>) target_semaphore(%dma_start3A_274 : memref<!tpu.dma_semaphore, #tpu.memory_space<semaphore_mem>>)
      %lt3A_279 = arith.constant 199 : i32
      %lt3A_280 = arith.cmpi slt, %scan3A_137, %lt3A_279 : i32
      %convert_element_type3A_281 = arith.extui %lt3A_280 : i1 to i32
      %cond3A_282 = arith.constant 0 : i32
      %cond3A_283 = arith.cmpi ne, %convert_element_type3A_281, %cond3A_282 : i32
      scf.if %cond3A_283 {
        %dma_wait3A_761 = arith.constant 0 : i32
        %dma_wait3A_762 = arith.constant 0 : i32
        %dma_wait3A_763 = arith.constant 0 : i32
        %dma_wait3A_764 = arith.constant 0 : i32
        %dma_wait3A_765 = tpu.memref_slice %arg5[%dma_wait3A_761, %dma_wait3A_763, %dma_wait3A_764] : memref<4x1x128xi32, #tpu.memory_space<vmem>> -> memref<1x1x128xi32, #tpu.memory_space<vmem>>
        %dma_wait3A_766 = tpu.memref_squeeze %dma_wait3A_765 : memref<1x1x128xi32, #tpu.memory_space<vmem>> -> memref<1x128xi32, #tpu.memory_space<vmem>>
        %dma_wait3A_767 = arith.constant 0 : i32
        %dma_wait3A_768 = arith.constant 0 : i32
        %dma_wait3A_769 = tpu.memref_slice %arg2[%dma_wait3A_767, %dma_wait3A_768] : memref<25600x128xi32, #tpu.memory_space<hbm>> -> memref<1x128xi32, #tpu.memory_space<hbm>>
        %dma_wait3A_770 = tpu.memref_slice %arg8[%dma_wait3A_762] : memref<4x!tpu.dma_semaphore, #tpu.memory_space<semaphore_mem>> -> memref<1x!tpu.dma_semaphore, #tpu.memory_space<semaphore_mem>>
        %dma_wait3A_771 = tpu.memref_squeeze %dma_wait3A_770 : memref<1x!tpu.dma_semaphore, #tpu.memory_space<semaphore_mem>> -> memref<!tpu.dma_semaphore, #tpu.memory_space<semaphore_mem>>
        %dma_wait3A_772 = arith.constant 0 : i32
        %dma_wait3A_773 = arith.constant 0 : i32
        %dma_wait3A_774 = tpu.memref_slice %arg5[%dma_wait3A_761, %dma_wait3A_772, %dma_wait3A_773] : memref<4x1x128xi32, #tpu.memory_space<vmem>> -> memref<1x1x128xi32, #tpu.memory_space<vmem>>
        %dma_wait3A_775 = tpu.memref_squeeze %dma_wait3A_774 : memref<1x1x128xi32, #tpu.memory_space<vmem>> -> memref<1x128xi32, #tpu.memory_space<vmem>>
        %dma_wait3A_776 = arith.constant 0 : i32
        %dma_wait3A_777 = arith.constant 0 : i32
        %dma_wait3A_778 = tpu.memref_slice %arg2[%dma_wait3A_776, %dma_wait3A_777] : memref<25600x128xi32, #tpu.memory_space<hbm>> -> memref<1x128xi32, #tpu.memory_space<hbm>>
        tpu.wait_dma2 semaphore(%dma_wait3A_771 : memref<!tpu.dma_semaphore, #tpu.memory_space<semaphore_mem>>) src(%dma_wait3A_778 : memref<1x128xi32, #tpu.memory_space<hbm>>) dst(%dma_wait3A_775 : memref<1x128xi32, #tpu.memory_space<vmem>>)
        %dma_start3A_779 = arith.constant 0 : i32
        %dma_start3A_780 = arith.constant 0 : i32
        %dma_start3A_781 = arith.constant 0 : i32
        %dma_start3A_782 = arith.constant 0 : i32
        %dma_start3A_783 = arith.constant 0 : i32
        %dma_start3A_784 = arith.constant 0 : i32
        %dma_start3A_785 = tpu.memref_slice %arg6[%dma_start3A_781, %dma_start3A_783, %dma_start3A_784] : memref<4x128x32xf32, #tpu.memory_space<vmem>> -> memref<1x128x32xf32, #tpu.memory_space<vmem>>
        %dma_start3A_786 = tpu.memref_squeeze %dma_start3A_785 : memref<1x128x32xf32, #tpu.memory_space<vmem>> -> memref<128x32xf32, #tpu.memory_space<vmem>>
        %dma_start3A_787 = arith.constant 0 : i32
        %dma_start3A_788 = tpu.memref_slice %arg5[%dma_start3A_779, %dma_start3A_780, %dma_start3A_787] : memref<4x1x128xi32, #tpu.memory_space<vmem>> -> memref<1x1x128xi32, #tpu.memory_space<vmem>>
        %dma_start3A_789 = tpu.memref_squeeze %dma_start3A_788 : memref<1x1x128xi32, #tpu.memory_space<vmem>> -> memref<128xi32, #tpu.memory_space<vmem>>
        %dma_start3A_790 = arith.constant 0 : i32
        %dma_start3A_791 = arith.constant 0 : i32
        %dma_start3A_792 = tpu.memref_slice %arg3[%dma_start3A_790, %dma_start3A_791] : memref<1000000x32xf32, #tpu.memory_space<hbm>> -> memref<1000000x32xf32, #tpu.memory_space<hbm>>
        %dma_start3A_793 = tpu.memref_slice %arg9[%dma_start3A_782] : memref<4x!tpu.dma_semaphore, #tpu.memory_space<semaphore_mem>> -> memref<1x!tpu.dma_semaphore, #tpu.memory_space<semaphore_mem>>
        %dma_start3A_794 = tpu.memref_squeeze %dma_start3A_793 : memref<1x!tpu.dma_semaphore, #tpu.memory_space<semaphore_mem>> -> memref<!tpu.dma_semaphore, #tpu.memory_space<semaphore_mem>>
        tpu.enqueue_indirect_dma source(%dma_start3A_792 : memref<1000000x32xf32, #tpu.memory_space<hbm>>) target(%dma_start3A_786 : memref<128x32xf32, #tpu.memory_space<vmem>>) offsets(%dma_start3A_789 : memref<128xi32, #tpu.memory_space<vmem>>) semaphore(%dma_start3A_794 : memref<!tpu.dma_semaphore, #tpu.memory_space<semaphore_mem>>)
      } else {
      }
      %mul3A_284 = arith.constant 4 : i32
      %mul3A_285 = arith.muli %scan3A_137, %mul3A_284 : i32
      %add3A_286 = arith.addi %mul3A_2, %mul3A_285 : i32
      %add3A_287 = arith.constant 1 : i32
      %add3A_288 = arith.addi %add3A_286, %add3A_287 : i32
      %dma_wait3A_289 = arith.constant 1 : i32
      %dma_wait3A_290 = arith.constant 1 : i32
      %dma_wait3A_291 = arith.constant 0 : i32
      %dma_wait3A_292 = arith.constant 0 : i32
      %dma_wait3A_293 = tpu.memref_slice %arg6[%dma_wait3A_289, %dma_wait3A_291, %dma_wait3A_292] : memref<4x128x32xf32, #tpu.memory_space<vmem>> -> memref<1x128x32xf32, #tpu.memory_space<vmem>>
      %dma_wait3A_294 = tpu.memref_squeeze %dma_wait3A_293 : memref<1x128x32xf32, #tpu.memory_space<vmem>> -> memref<128x32xf32, #tpu.memory_space<vmem>>
      %dma_wait3A_295 = arith.constant 0 : i32
      %dma_wait3A_296 = arith.constant 0 : i32
      %dma_wait3A_297 = tpu.memref_slice %arg3[%dma_wait3A_295, %dma_wait3A_296] : memref<1000000x32xf32, #tpu.memory_space<hbm>> -> memref<128x32xf32, #tpu.memory_space<hbm>>
      %dma_wait3A_298 = tpu.memref_slice %arg9[%dma_wait3A_290] : memref<4x!tpu.dma_semaphore, #tpu.memory_space<semaphore_mem>> -> memref<1x!tpu.dma_semaphore, #tpu.memory_space<semaphore_mem>>
      %dma_wait3A_299 = tpu.memref_squeeze %dma_wait3A_298 : memref<1x!tpu.dma_semaphore, #tpu.memory_space<semaphore_mem>> -> memref<!tpu.dma_semaphore, #tpu.memory_space<semaphore_mem>>
      %dma_wait3A_300 = arith.constant 0 : i32
      %dma_wait3A_301 = arith.constant 0 : i32
      %dma_wait3A_302 = tpu.memref_slice %arg6[%dma_wait3A_289, %dma_wait3A_300, %dma_wait3A_301] : memref<4x128x32xf32, #tpu.memory_space<vmem>> -> memref<1x128x32xf32, #tpu.memory_space<vmem>>
      %dma_wait3A_303 = tpu.memref_squeeze %dma_wait3A_302 : memref<1x128x32xf32, #tpu.memory_space<vmem>> -> memref<128x32xf32, #tpu.memory_space<vmem>>
      %dma_wait3A_304 = arith.constant 0 : i32
      %dma_wait3A_305 = arith.constant 0 : i32
      %dma_wait3A_306 = tpu.memref_slice %arg3[%dma_wait3A_304, %dma_wait3A_305] : memref<1000000x32xf32, #tpu.memory_space<hbm>> -> memref<128x32xf32, #tpu.memory_space<hbm>>
      tpu.wait_dma2 semaphore(%dma_wait3A_299 : memref<!tpu.dma_semaphore, #tpu.memory_space<semaphore_mem>>) src(%dma_wait3A_306 : memref<128x32xf32, #tpu.memory_space<hbm>>) dst(%dma_wait3A_303 : memref<128x32xf32, #tpu.memory_space<vmem>>)
      %lt3A_307 = arith.constant 199 : i32
      %lt3A_308 = arith.cmpi slt, %scan3A_137, %lt3A_307 : i32
      %convert_element_type3A_309 = arith.extui %lt3A_308 : i1 to i32
      %cond3A_310 = arith.constant 0 : i32
      %cond3A_311 = arith.cmpi ne, %convert_element_type3A_309, %cond3A_310 : i32
      scf.if %cond3A_311 {
        %add3A_761 = arith.constant 4 : i32
        %add3A_762 = arith.addi %add3A_288, %add3A_761 : i32
        %dma_start3A_763 = arith.constant 1 : i32
        %dma_start3A_764 = arith.constant 1 : i32
        %dma_start3A_765 = arith.constant 0 : i32
        %dma_start3A_766 = arith.constant 0 : i32
        %dma_start3A_767 = tpu.memref_slice %arg5[%dma_start3A_763, %dma_start3A_765, %dma_start3A_766] : memref<4x1x128xi32, #tpu.memory_space<vmem>> -> memref<1x1x128xi32, #tpu.memory_space<vmem>>
        %dma_start3A_768 = tpu.memref_squeeze %dma_start3A_767 : memref<1x1x128xi32, #tpu.memory_space<vmem>> -> memref<1x128xi32, #tpu.memory_space<vmem>>
        %dma_start3A_769 = arith.constant 0 : i32
        %dma_start3A_770 = tpu.memref_slice %arg2[%add3A_762, %dma_start3A_769] : memref<25600x128xi32, #tpu.memory_space<hbm>> -> memref<1x128xi32, #tpu.memory_space<hbm>>
        %dma_start3A_771 = tpu.memref_slice %arg8[%dma_start3A_764] : memref<4x!tpu.dma_semaphore, #tpu.memory_space<semaphore_mem>> -> memref<1x!tpu.dma_semaphore, #tpu.memory_space<semaphore_mem>>
        %dma_start3A_772 = tpu.memref_squeeze %dma_start3A_771 : memref<1x!tpu.dma_semaphore, #tpu.memory_space<semaphore_mem>> -> memref<!tpu.dma_semaphore, #tpu.memory_space<semaphore_mem>>
        %dma_start3A_773 = arith.constant 0 : i32
        %dma_start3A_774 = arith.constant 0 : i32
        %dma_start3A_775 = tpu.memref_slice %arg5[%dma_start3A_763, %dma_start3A_773, %dma_start3A_774] : memref<4x1x128xi32, #tpu.memory_space<vmem>> -> memref<1x1x128xi32, #tpu.memory_space<vmem>>
        %dma_start3A_776 = tpu.memref_squeeze %dma_start3A_775 : memref<1x1x128xi32, #tpu.memory_space<vmem>> -> memref<1x128xi32, #tpu.memory_space<vmem>>
        %dma_start3A_777 = arith.constant 0 : i32
        %dma_start3A_778 = tpu.memref_slice %arg2[%add3A_762, %dma_start3A_777] : memref<25600x128xi32, #tpu.memory_space<hbm>> -> memref<1x128xi32, #tpu.memory_space<hbm>>
        tpu.enqueue_dma source(%dma_start3A_778 : memref<1x128xi32, #tpu.memory_space<hbm>>) target(%dma_start3A_776 : memref<1x128xi32, #tpu.memory_space<vmem>>) target_semaphore(%dma_start3A_772 : memref<!tpu.dma_semaphore, #tpu.memory_space<semaphore_mem>>)
      } else {
      }
      %gt3A_312 = arith.constant 0 : i32
      %gt3A_313 = arith.cmpi sgt, %scan3A_137, %gt3A_312 : i32
      %convert_element_type3A_314 = arith.extui %gt3A_313 : i1 to i32
      %cond3A_315 = arith.constant 0 : i32
      %cond3A_316 = arith.cmpi ne, %convert_element_type3A_314, %cond3A_315 : i32
      scf.if %cond3A_316 {
        %dma_wait3A_761 = arith.constant 1 : i32
        %dma_wait3A_762 = arith.constant 1 : i32
        %dma_wait3A_763 = arith.constant 0 : i32
        %dma_wait3A_764 = tpu.memref_slice %arg7[%dma_wait3A_761, %dma_wait3A_763] : memref<4x4096xf32, #tpu.memory_space<vmem>> -> memref<1x4096xf32, #tpu.memory_space<vmem>>
        %dma_wait3A_765 = tpu.memref_squeeze %dma_wait3A_764 : memref<1x4096xf32, #tpu.memory_space<vmem>> -> memref<4096xf32, #tpu.memory_space<vmem>>
        %dma_wait3A_766 = arith.constant 0 : i32
        %dma_wait3A_767 = tpu.memref_slice %arg4[%dma_wait3A_766] : memref<104857600xf32, #tpu.memory_space<hbm>> -> memref<4096xf32, #tpu.memory_space<hbm>>
        %dma_wait3A_768 = tpu.memref_slice %arg10[%dma_wait3A_762] : memref<4x!tpu.dma_semaphore, #tpu.memory_space<semaphore_mem>> -> memref<1x!tpu.dma_semaphore, #tpu.memory_space<semaphore_mem>>
        %dma_wait3A_769 = tpu.memref_squeeze %dma_wait3A_768 : memref<1x!tpu.dma_semaphore, #tpu.memory_space<semaphore_mem>> -> memref<!tpu.dma_semaphore, #tpu.memory_space<semaphore_mem>>
        %dma_wait3A_770 = arith.constant 0 : i32
        %dma_wait3A_771 = tpu.memref_slice %arg4[%dma_wait3A_770] : memref<104857600xf32, #tpu.memory_space<hbm>> -> memref<4096xf32, #tpu.memory_space<hbm>>
        %dma_wait3A_772 = arith.constant 0 : i32
        %dma_wait3A_773 = tpu.memref_slice %arg7[%dma_wait3A_761, %dma_wait3A_772] : memref<4x4096xf32, #tpu.memory_space<vmem>> -> memref<1x4096xf32, #tpu.memory_space<vmem>>
        %dma_wait3A_774 = tpu.memref_squeeze %dma_wait3A_773 : memref<1x4096xf32, #tpu.memory_space<vmem>> -> memref<4096xf32, #tpu.memory_space<vmem>>
        tpu.wait_dma2 semaphore(%dma_wait3A_769 : memref<!tpu.dma_semaphore, #tpu.memory_space<semaphore_mem>>) src(%dma_wait3A_774 : memref<4096xf32, #tpu.memory_space<vmem>>) dst(%dma_wait3A_771 : memref<4096xf32, #tpu.memory_space<hbm>>)
      } else {
      }
      %parallel_loop3A_317 = arith.constant 0 : i32
      %parallel_loop3A_318 = arith.constant 16 : i32
      %parallel_loop3A_319 = arith.constant 1 : i32
      scf.for %parallel_loop3A_761 = %parallel_loop3A_317 to %parallel_loop3A_318 step %parallel_loop3A_319  : i32 {
        %parallel_loop3A_762 = vector.broadcast %parallel_loop3A_761 : i32 to vector<16xi32>
        %parallel_loop3A_763 = arith.addi %iota3A, %parallel_loop3A_762 : vector<16xi32>
        %parallel_loop3A_764 = arith.constant 15 : i32
        %parallel_loop3A_765 = vector.broadcast %parallel_loop3A_764 : i32 to vector<16xi32>
        %parallel_loop3A_766 = arith.andi %parallel_loop3A_763, %parallel_loop3A_765 : vector<16xi32>
        %parallel_loop3A_767 = arith.constant 128 : i32
        %parallel_loop3A_768 = vector.broadcast %parallel_loop3A_767 : i32 to vector<16xi32>
        %parallel_loop3A_769 = arith.muli %parallel_loop3A_766, %parallel_loop3A_768 : vector<16xi32>
        %parallel_loop3A_770 = arith.addi %parallel_loop3A_769, %iota3A : vector<16xi32>
        %parallel_loop3A_771 = arith.constant 0 : i32
        %parallel_loop3A_772 = vector.broadcast %parallel_loop3A_771 : i32 to vector<16xi32>
        %parallel_loop3A_773 = arith.addi %parallel_loop3A_766, %parallel_loop3A_772 : vector<16xi32>
        %parallel_loop3A_774 = arith.constant 0 : i32
        %parallel_loop3A_775 = vector.broadcast %parallel_loop3A_774 : i32 to vector<16xi32>
        %parallel_loop3A_776 = arith.addi %iota3A, %parallel_loop3A_775 : vector<16xi32>
        %parallel_loop3A_777 = arith.constant 1 : i32
        %parallel_loop3A_778 = arith.constant 0 : i32
        %parallel_loop3A_779 = arith.constant 0 : i32
        %parallel_loop3A_780 = tpu.memref_slice %arg6[%parallel_loop3A_777, %parallel_loop3A_778, %parallel_loop3A_779] : memref<4x128x32xf32, #tpu.memory_space<vmem>> -> memref<1x128x32xf32, #tpu.memory_space<vmem>>
        %parallel_loop3A_781 = tpu.memref_squeeze %parallel_loop3A_780 : memref<1x128x32xf32, #tpu.memory_space<vmem>> -> memref<128x32xf32, #tpu.memory_space<vmem>>
        %parallel_loop3A_782 = tpu.vector_load_idx %parallel_loop3A_781[%parallel_loop3A_776, %parallel_loop3A_773] : memref<128x32xf32, #tpu.memory_space<vmem>>[vector<16xi32>, vector<16xi32>], vector<16xf32>,
        %parallel_loop3A_783 = arith.constant 0 : i32
        %parallel_loop3A_784 = vector.broadcast %parallel_loop3A_783 : i32 to vector<16xi32>
        %parallel_loop3A_785 = arith.addi %parallel_loop3A_770, %parallel_loop3A_784 : vector<16xi32>
        %parallel_loop3A_786 = arith.constant 1 : i32
        %parallel_loop3A_787 = arith.constant 0 : i32
        %parallel_loop3A_788 = tpu.memref_slice %arg7[%parallel_loop3A_786, %parallel_loop3A_787] : memref<4x4096xf32, #tpu.memory_space<vmem>> -> memref<1x4096xf32, #tpu.memory_space<vmem>>
        %parallel_loop3A_789 = tpu.memref_squeeze %parallel_loop3A_788 : memref<1x4096xf32, #tpu.memory_space<vmem>> -> memref<4096xf32, #tpu.memory_space<vmem>>
        tpu.vector_store_idx %parallel_loop3A_789[%parallel_loop3A_785], %parallel_loop3A_782 : memref<4096xf32, #tpu.memory_space<vmem>>[vector<16xi32>], vector<16xf32>,
        %parallel_loop3A_790 = arith.constant 16 : i32
        %parallel_loop3A_791 = vector.broadcast %parallel_loop3A_790 : i32 to vector<16xi32>
        %parallel_loop3A_792 = arith.addi %iota3A, %parallel_loop3A_791 : vector<16xi32>
        %parallel_loop3A_793 = arith.constant 1 : i32
        %parallel_loop3A_794 = arith.constant 0 : i32
        %parallel_loop3A_795 = arith.constant 0 : i32
        %parallel_loop3A_796 = tpu.memref_slice %arg6[%parallel_loop3A_793, %parallel_loop3A_794, %parallel_loop3A_795] : memref<4x128x32xf32, #tpu.memory_space<vmem>> -> memref<1x128x32xf32, #tpu.memory_space<vmem>>
        %parallel_loop3A_797 = tpu.memref_squeeze %parallel_loop3A_796 : memref<1x128x32xf32, #tpu.memory_space<vmem>> -> memref<128x32xf32, #tpu.memory_space<vmem>>
        %parallel_loop3A_798 = tpu.vector_load_idx %parallel_loop3A_797[%parallel_loop3A_792, %parallel_loop3A_773] : memref<128x32xf32, #tpu.memory_space<vmem>>[vector<16xi32>, vector<16xi32>], vector<16xf32>,
        %parallel_loop3A_799 = arith.constant 16 : i32
        %parallel_loop3A_800 = vector.broadcast %parallel_loop3A_799 : i32 to vector<16xi32>
        %parallel_loop3A_801 = arith.addi %parallel_loop3A_770, %parallel_loop3A_800 : vector<16xi32>
        %parallel_loop3A_802 = arith.constant 1 : i32
        %parallel_loop3A_803 = arith.constant 0 : i32
        %parallel_loop3A_804 = tpu.memref_slice %arg7[%parallel_loop3A_802, %parallel_loop3A_803] : memref<4x4096xf32, #tpu.memory_space<vmem>> -> memref<1x4096xf32, #tpu.memory_space<vmem>>
        %parallel_loop3A_805 = tpu.memref_squeeze %parallel_loop3A_804 : memref<1x4096xf32, #tpu.memory_space<vmem>> -> memref<4096xf32, #tpu.memory_space<vmem>>
        tpu.vector_store_idx %parallel_loop3A_805[%parallel_loop3A_801], %parallel_loop3A_798 : memref<4096xf32, #tpu.memory_space<vmem>>[vector<16xi32>], vector<16xf32>,
        %parallel_loop3A_806 = arith.constant 32 : i32
        %parallel_loop3A_807 = vector.broadcast %parallel_loop3A_806 : i32 to vector<16xi32>
        %parallel_loop3A_808 = arith.addi %iota3A, %parallel_loop3A_807 : vector<16xi32>
        %parallel_loop3A_809 = arith.constant 1 : i32
        %parallel_loop3A_810 = arith.constant 0 : i32
        %parallel_loop3A_811 = arith.constant 0 : i32
        %parallel_loop3A_812 = tpu.memref_slice %arg6[%parallel_loop3A_809, %parallel_loop3A_810, %parallel_loop3A_811] : memref<4x128x32xf32, #tpu.memory_space<vmem>> -> memref<1x128x32xf32, #tpu.memory_space<vmem>>
        %parallel_loop3A_813 = tpu.memref_squeeze %parallel_loop3A_812 : memref<1x128x32xf32, #tpu.memory_space<vmem>> -> memref<128x32xf32, #tpu.memory_space<vmem>>
        %parallel_loop3A_814 = tpu.vector_load_idx %parallel_loop3A_813[%parallel_loop3A_808, %parallel_loop3A_773] : memref<128x32xf32, #tpu.memory_space<vmem>>[vector<16xi32>, vector<16xi32>], vector<16xf32>,
        %parallel_loop3A_815 = arith.constant 32 : i32
        %parallel_loop3A_816 = vector.broadcast %parallel_loop3A_815 : i32 to vector<16xi32>
        %parallel_loop3A_817 = arith.addi %parallel_loop3A_770, %parallel_loop3A_816 : vector<16xi32>
        %parallel_loop3A_818 = arith.constant 1 : i32
        %parallel_loop3A_819 = arith.constant 0 : i32
        %parallel_loop3A_820 = tpu.memref_slice %arg7[%parallel_loop3A_818, %parallel_loop3A_819] : memref<4x4096xf32, #tpu.memory_space<vmem>> -> memref<1x4096xf32, #tpu.memory_space<vmem>>
        %parallel_loop3A_821 = tpu.memref_squeeze %parallel_loop3A_820 : memref<1x4096xf32, #tpu.memory_space<vmem>> -> memref<4096xf32, #tpu.memory_space<vmem>>
        tpu.vector_store_idx %parallel_loop3A_821[%parallel_loop3A_817], %parallel_loop3A_814 : memref<4096xf32, #tpu.memory_space<vmem>>[vector<16xi32>], vector<16xf32>,
        %parallel_loop3A_822 = arith.constant 48 : i32
        %parallel_loop3A_823 = vector.broadcast %parallel_loop3A_822 : i32 to vector<16xi32>
        %parallel_loop3A_824 = arith.addi %iota3A, %parallel_loop3A_823 : vector<16xi32>
        %parallel_loop3A_825 = arith.constant 1 : i32
        %parallel_loop3A_826 = arith.constant 0 : i32
        %parallel_loop3A_827 = arith.constant 0 : i32
        %parallel_loop3A_828 = tpu.memref_slice %arg6[%parallel_loop3A_825, %parallel_loop3A_826, %parallel_loop3A_827] : memref<4x128x32xf32, #tpu.memory_space<vmem>> -> memref<1x128x32xf32, #tpu.memory_space<vmem>>
        %parallel_loop3A_829 = tpu.memref_squeeze %parallel_loop3A_828 : memref<1x128x32xf32, #tpu.memory_space<vmem>> -> memref<128x32xf32, #tpu.memory_space<vmem>>
        %parallel_loop3A_830 = tpu.vector_load_idx %parallel_loop3A_829[%parallel_loop3A_824, %parallel_loop3A_773] : memref<128x32xf32, #tpu.memory_space<vmem>>[vector<16xi32>, vector<16xi32>], vector<16xf32>,
        %parallel_loop3A_831 = arith.constant 48 : i32
        %parallel_loop3A_832 = vector.broadcast %parallel_loop3A_831 : i32 to vector<16xi32>
        %parallel_loop3A_833 = arith.addi %parallel_loop3A_770, %parallel_loop3A_832 : vector<16xi32>
        %parallel_loop3A_834 = arith.constant 1 : i32
        %parallel_loop3A_835 = arith.constant 0 : i32
        %parallel_loop3A_836 = tpu.memref_slice %arg7[%parallel_loop3A_834, %parallel_loop3A_835] : memref<4x4096xf32, #tpu.memory_space<vmem>> -> memref<1x4096xf32, #tpu.memory_space<vmem>>
        %parallel_loop3A_837 = tpu.memref_squeeze %parallel_loop3A_836 : memref<1x4096xf32, #tpu.memory_space<vmem>> -> memref<4096xf32, #tpu.memory_space<vmem>>
        tpu.vector_store_idx %parallel_loop3A_837[%parallel_loop3A_833], %parallel_loop3A_830 : memref<4096xf32, #tpu.memory_space<vmem>>[vector<16xi32>], vector<16xf32>,
        %parallel_loop3A_838 = arith.constant 64 : i32
        %parallel_loop3A_839 = vector.broadcast %parallel_loop3A_838 : i32 to vector<16xi32>
        %parallel_loop3A_840 = arith.addi %iota3A, %parallel_loop3A_839 : vector<16xi32>
        %parallel_loop3A_841 = arith.constant 1 : i32
        %parallel_loop3A_842 = arith.constant 0 : i32
        %parallel_loop3A_843 = arith.constant 0 : i32
        %parallel_loop3A_844 = tpu.memref_slice %arg6[%parallel_loop3A_841, %parallel_loop3A_842, %parallel_loop3A_843] : memref<4x128x32xf32, #tpu.memory_space<vmem>> -> memref<1x128x32xf32, #tpu.memory_space<vmem>>
        %parallel_loop3A_845 = tpu.memref_squeeze %parallel_loop3A_844 : memref<1x128x32xf32, #tpu.memory_space<vmem>> -> memref<128x32xf32, #tpu.memory_space<vmem>>
        %parallel_loop3A_846 = tpu.vector_load_idx %parallel_loop3A_845[%parallel_loop3A_840, %parallel_loop3A_773] : memref<128x32xf32, #tpu.memory_space<vmem>>[vector<16xi32>, vector<16xi32>], vector<16xf32>,
        %parallel_loop3A_847 = arith.constant 64 : i32
        %parallel_loop3A_848 = vector.broadcast %parallel_loop3A_847 : i32 to vector<16xi32>
        %parallel_loop3A_849 = arith.addi %parallel_loop3A_770, %parallel_loop3A_848 : vector<16xi32>
        %parallel_loop3A_850 = arith.constant 1 : i32
        %parallel_loop3A_851 = arith.constant 0 : i32
        %parallel_loop3A_852 = tpu.memref_slice %arg7[%parallel_loop3A_850, %parallel_loop3A_851] : memref<4x4096xf32, #tpu.memory_space<vmem>> -> memref<1x4096xf32, #tpu.memory_space<vmem>>
        %parallel_loop3A_853 = tpu.memref_squeeze %parallel_loop3A_852 : memref<1x4096xf32, #tpu.memory_space<vmem>> -> memref<4096xf32, #tpu.memory_space<vmem>>
        tpu.vector_store_idx %parallel_loop3A_853[%parallel_loop3A_849], %parallel_loop3A_846 : memref<4096xf32, #tpu.memory_space<vmem>>[vector<16xi32>], vector<16xf32>,
        %parallel_loop3A_854 = arith.constant 80 : i32
        %parallel_loop3A_855 = vector.broadcast %parallel_loop3A_854 : i32 to vector<16xi32>
        %parallel_loop3A_856 = arith.addi %iota3A, %parallel_loop3A_855 : vector<16xi32>
        %parallel_loop3A_857 = arith.constant 1 : i32
        %parallel_loop3A_858 = arith.constant 0 : i32
        %parallel_loop3A_859 = arith.constant 0 : i32
        %parallel_loop3A_860 = tpu.memref_slice %arg6[%parallel_loop3A_857, %parallel_loop3A_858, %parallel_loop3A_859] : memref<4x128x32xf32, #tpu.memory_space<vmem>> -> memref<1x128x32xf32, #tpu.memory_space<vmem>>
        %parallel_loop3A_861 = tpu.memref_squeeze %parallel_loop3A_860 : memref<1x128x32xf32, #tpu.memory_space<vmem>> -> memref<128x32xf32, #tpu.memory_space<vmem>>
        %parallel_loop3A_862 = tpu.vector_load_idx %parallel_loop3A_861[%parallel_loop3A_856, %parallel_loop3A_773] : memref<128x32xf32, #tpu.memory_space<vmem>>[vector<16xi32>, vector<16xi32>], vector<16xf32>,
        %parallel_loop3A_863 = arith.constant 80 : i32
        %parallel_loop3A_864 = vector.broadcast %parallel_loop3A_863 : i32 to vector<16xi32>
        %parallel_loop3A_865 = arith.addi %parallel_loop3A_770, %parallel_loop3A_864 : vector<16xi32>
        %parallel_loop3A_866 = arith.constant 1 : i32
        %parallel_loop3A_867 = arith.constant 0 : i32
        %parallel_loop3A_868 = tpu.memref_slice %arg7[%parallel_loop3A_866, %parallel_loop3A_867] : memref<4x4096xf32, #tpu.memory_space<vmem>> -> memref<1x4096xf32, #tpu.memory_space<vmem>>
        %parallel_loop3A_869 = tpu.memref_squeeze %parallel_loop3A_868 : memref<1x4096xf32, #tpu.memory_space<vmem>> -> memref<4096xf32, #tpu.memory_space<vmem>>
        tpu.vector_store_idx %parallel_loop3A_869[%parallel_loop3A_865], %parallel_loop3A_862 : memref<4096xf32, #tpu.memory_space<vmem>>[vector<16xi32>], vector<16xf32>,
        %parallel_loop3A_870 = arith.constant 96 : i32
        %parallel_loop3A_871 = vector.broadcast %parallel_loop3A_870 : i32 to vector<16xi32>
        %parallel_loop3A_872 = arith.addi %iota3A, %parallel_loop3A_871 : vector<16xi32>
        %parallel_loop3A_873 = arith.constant 1 : i32
        %parallel_loop3A_874 = arith.constant 0 : i32
        %parallel_loop3A_875 = arith.constant 0 : i32
        %parallel_loop3A_876 = tpu.memref_slice %arg6[%parallel_loop3A_873, %parallel_loop3A_874, %parallel_loop3A_875] : memref<4x128x32xf32, #tpu.memory_space<vmem>> -> memref<1x128x32xf32, #tpu.memory_space<vmem>>
        %parallel_loop3A_877 = tpu.memref_squeeze %parallel_loop3A_876 : memref<1x128x32xf32, #tpu.memory_space<vmem>> -> memref<128x32xf32, #tpu.memory_space<vmem>>
        %parallel_loop3A_878 = tpu.vector_load_idx %parallel_loop3A_877[%parallel_loop3A_872, %parallel_loop3A_773] : memref<128x32xf32, #tpu.memory_space<vmem>>[vector<16xi32>, vector<16xi32>], vector<16xf32>,
        %parallel_loop3A_879 = arith.constant 96 : i32
        %parallel_loop3A_880 = vector.broadcast %parallel_loop3A_879 : i32 to vector<16xi32>
        %parallel_loop3A_881 = arith.addi %parallel_loop3A_770, %parallel_loop3A_880 : vector<16xi32>
        %parallel_loop3A_882 = arith.constant 1 : i32
        %parallel_loop3A_883 = arith.constant 0 : i32
        %parallel_loop3A_884 = tpu.memref_slice %arg7[%parallel_loop3A_882, %parallel_loop3A_883] : memref<4x4096xf32, #tpu.memory_space<vmem>> -> memref<1x4096xf32, #tpu.memory_space<vmem>>
        %parallel_loop3A_885 = tpu.memref_squeeze %parallel_loop3A_884 : memref<1x4096xf32, #tpu.memory_space<vmem>> -> memref<4096xf32, #tpu.memory_space<vmem>>
        tpu.vector_store_idx %parallel_loop3A_885[%parallel_loop3A_881], %parallel_loop3A_878 : memref<4096xf32, #tpu.memory_space<vmem>>[vector<16xi32>], vector<16xf32>,
        %parallel_loop3A_886 = arith.constant 112 : i32
        %parallel_loop3A_887 = vector.broadcast %parallel_loop3A_886 : i32 to vector<16xi32>
        %parallel_loop3A_888 = arith.addi %iota3A, %parallel_loop3A_887 : vector<16xi32>
        %parallel_loop3A_889 = arith.constant 1 : i32
        %parallel_loop3A_890 = arith.constant 0 : i32
        %parallel_loop3A_891 = arith.constant 0 : i32
        %parallel_loop3A_892 = tpu.memref_slice %arg6[%parallel_loop3A_889, %parallel_loop3A_890, %parallel_loop3A_891] : memref<4x128x32xf32, #tpu.memory_space<vmem>> -> memref<1x128x32xf32, #tpu.memory_space<vmem>>
        %parallel_loop3A_893 = tpu.memref_squeeze %parallel_loop3A_892 : memref<1x128x32xf32, #tpu.memory_space<vmem>> -> memref<128x32xf32, #tpu.memory_space<vmem>>
        %parallel_loop3A_894 = tpu.vector_load_idx %parallel_loop3A_893[%parallel_loop3A_888, %parallel_loop3A_773] : memref<128x32xf32, #tpu.memory_space<vmem>>[vector<16xi32>, vector<16xi32>], vector<16xf32>,
        %parallel_loop3A_895 = arith.constant 112 : i32
        %parallel_loop3A_896 = vector.broadcast %parallel_loop3A_895 : i32 to vector<16xi32>
        %parallel_loop3A_897 = arith.addi %parallel_loop3A_770, %parallel_loop3A_896 : vector<16xi32>
        %parallel_loop3A_898 = arith.constant 1 : i32
        %parallel_loop3A_899 = arith.constant 0 : i32
        %parallel_loop3A_900 = tpu.memref_slice %arg7[%parallel_loop3A_898, %parallel_loop3A_899] : memref<4x4096xf32, #tpu.memory_space<vmem>> -> memref<1x4096xf32, #tpu.memory_space<vmem>>
        %parallel_loop3A_901 = tpu.memref_squeeze %parallel_loop3A_900 : memref<1x4096xf32, #tpu.memory_space<vmem>> -> memref<4096xf32, #tpu.memory_space<vmem>>
        tpu.vector_store_idx %parallel_loop3A_901[%parallel_loop3A_897], %parallel_loop3A_894 : memref<4096xf32, #tpu.memory_space<vmem>>[vector<16xi32>], vector<16xf32>,
        %parallel_loop3A_902 = arith.constant 16 : i32
        %parallel_loop3A_903 = vector.broadcast %parallel_loop3A_902 : i32 to vector<16xi32>
        %parallel_loop3A_904 = arith.addi %parallel_loop3A_766, %parallel_loop3A_903 : vector<16xi32>
        %parallel_loop3A_905 = arith.constant 0 : i32
        %parallel_loop3A_906 = vector.broadcast %parallel_loop3A_905 : i32 to vector<16xi32>
        %parallel_loop3A_907 = arith.addi %iota3A, %parallel_loop3A_906 : vector<16xi32>
        %parallel_loop3A_908 = arith.constant 1 : i32
        %parallel_loop3A_909 = arith.constant 0 : i32
        %parallel_loop3A_910 = arith.constant 0 : i32
        %parallel_loop3A_911 = tpu.memref_slice %arg6[%parallel_loop3A_908, %parallel_loop3A_909, %parallel_loop3A_910] : memref<4x128x32xf32, #tpu.memory_space<vmem>> -> memref<1x128x32xf32, #tpu.memory_space<vmem>>
        %parallel_loop3A_912 = tpu.memref_squeeze %parallel_loop3A_911 : memref<1x128x32xf32, #tpu.memory_space<vmem>> -> memref<128x32xf32, #tpu.memory_space<vmem>>
        %parallel_loop3A_913 = tpu.vector_load_idx %parallel_loop3A_912[%parallel_loop3A_907, %parallel_loop3A_904] : memref<128x32xf32, #tpu.memory_space<vmem>>[vector<16xi32>, vector<16xi32>], vector<16xf32>,
        %parallel_loop3A_914 = arith.constant 2048 : i32
        %parallel_loop3A_915 = vector.broadcast %parallel_loop3A_914 : i32 to vector<16xi32>
        %parallel_loop3A_916 = arith.addi %parallel_loop3A_770, %parallel_loop3A_915 : vector<16xi32>
        %parallel_loop3A_917 = arith.constant 1 : i32
        %parallel_loop3A_918 = arith.constant 0 : i32
        %parallel_loop3A_919 = tpu.memref_slice %arg7[%parallel_loop3A_917, %parallel_loop3A_918] : memref<4x4096xf32, #tpu.memory_space<vmem>> -> memref<1x4096xf32, #tpu.memory_space<vmem>>
        %parallel_loop3A_920 = tpu.memref_squeeze %parallel_loop3A_919 : memref<1x4096xf32, #tpu.memory_space<vmem>> -> memref<4096xf32, #tpu.memory_space<vmem>>
        tpu.vector_store_idx %parallel_loop3A_920[%parallel_loop3A_916], %parallel_loop3A_913 : memref<4096xf32, #tpu.memory_space<vmem>>[vector<16xi32>], vector<16xf32>,
        %parallel_loop3A_921 = arith.constant 16 : i32
        %parallel_loop3A_922 = vector.broadcast %parallel_loop3A_921 : i32 to vector<16xi32>
        %parallel_loop3A_923 = arith.addi %iota3A, %parallel_loop3A_922 : vector<16xi32>
        %parallel_loop3A_924 = arith.constant 1 : i32
        %parallel_loop3A_925 = arith.constant 0 : i32
        %parallel_loop3A_926 = arith.constant 0 : i32
        %parallel_loop3A_927 = tpu.memref_slice %arg6[%parallel_loop3A_924, %parallel_loop3A_925, %parallel_loop3A_926] : memref<4x128x32xf32, #tpu.memory_space<vmem>> -> memref<1x128x32xf32, #tpu.memory_space<vmem>>
        %parallel_loop3A_928 = tpu.memref_squeeze %parallel_loop3A_927 : memref<1x128x32xf32, #tpu.memory_space<vmem>> -> memref<128x32xf32, #tpu.memory_space<vmem>>
        %parallel_loop3A_929 = tpu.vector_load_idx %parallel_loop3A_928[%parallel_loop3A_923, %parallel_loop3A_904] : memref<128x32xf32, #tpu.memory_space<vmem>>[vector<16xi32>, vector<16xi32>], vector<16xf32>,
        %parallel_loop3A_930 = arith.constant 2064 : i32
        %parallel_loop3A_931 = vector.broadcast %parallel_loop3A_930 : i32 to vector<16xi32>
        %parallel_loop3A_932 = arith.addi %parallel_loop3A_770, %parallel_loop3A_931 : vector<16xi32>
        %parallel_loop3A_933 = arith.constant 1 : i32
        %parallel_loop3A_934 = arith.constant 0 : i32
        %parallel_loop3A_935 = tpu.memref_slice %arg7[%parallel_loop3A_933, %parallel_loop3A_934] : memref<4x4096xf32, #tpu.memory_space<vmem>> -> memref<1x4096xf32, #tpu.memory_space<vmem>>
        %parallel_loop3A_936 = tpu.memref_squeeze %parallel_loop3A_935 : memref<1x4096xf32, #tpu.memory_space<vmem>> -> memref<4096xf32, #tpu.memory_space<vmem>>
        tpu.vector_store_idx %parallel_loop3A_936[%parallel_loop3A_932], %parallel_loop3A_929 : memref<4096xf32, #tpu.memory_space<vmem>>[vector<16xi32>], vector<16xf32>,
        %parallel_loop3A_937 = arith.constant 32 : i32
        %parallel_loop3A_938 = vector.broadcast %parallel_loop3A_937 : i32 to vector<16xi32>
        %parallel_loop3A_939 = arith.addi %iota3A, %parallel_loop3A_938 : vector<16xi32>
        %parallel_loop3A_940 = arith.constant 1 : i32
        %parallel_loop3A_941 = arith.constant 0 : i32
        %parallel_loop3A_942 = arith.constant 0 : i32
        %parallel_loop3A_943 = tpu.memref_slice %arg6[%parallel_loop3A_940, %parallel_loop3A_941, %parallel_loop3A_942] : memref<4x128x32xf32, #tpu.memory_space<vmem>> -> memref<1x128x32xf32, #tpu.memory_space<vmem>>
        %parallel_loop3A_944 = tpu.memref_squeeze %parallel_loop3A_943 : memref<1x128x32xf32, #tpu.memory_space<vmem>> -> memref<128x32xf32, #tpu.memory_space<vmem>>
        %parallel_loop3A_945 = tpu.vector_load_idx %parallel_loop3A_944[%parallel_loop3A_939, %parallel_loop3A_904] : memref<128x32xf32, #tpu.memory_space<vmem>>[vector<16xi32>, vector<16xi32>], vector<16xf32>,
        %parallel_loop3A_946 = arith.constant 2080 : i32
        %parallel_loop3A_947 = vector.broadcast %parallel_loop3A_946 : i32 to vector<16xi32>
        %parallel_loop3A_948 = arith.addi %parallel_loop3A_770, %parallel_loop3A_947 : vector<16xi32>
        %parallel_loop3A_949 = arith.constant 1 : i32
        %parallel_loop3A_950 = arith.constant 0 : i32
        %parallel_loop3A_951 = tpu.memref_slice %arg7[%parallel_loop3A_949, %parallel_loop3A_950] : memref<4x4096xf32, #tpu.memory_space<vmem>> -> memref<1x4096xf32, #tpu.memory_space<vmem>>
        %parallel_loop3A_952 = tpu.memref_squeeze %parallel_loop3A_951 : memref<1x4096xf32, #tpu.memory_space<vmem>> -> memref<4096xf32, #tpu.memory_space<vmem>>
        tpu.vector_store_idx %parallel_loop3A_952[%parallel_loop3A_948], %parallel_loop3A_945 : memref<4096xf32, #tpu.memory_space<vmem>>[vector<16xi32>], vector<16xf32>,
        %parallel_loop3A_953 = arith.constant 48 : i32
        %parallel_loop3A_954 = vector.broadcast %parallel_loop3A_953 : i32 to vector<16xi32>
        %parallel_loop3A_955 = arith.addi %iota3A, %parallel_loop3A_954 : vector<16xi32>
        %parallel_loop3A_956 = arith.constant 1 : i32
        %parallel_loop3A_957 = arith.constant 0 : i32
        %parallel_loop3A_958 = arith.constant 0 : i32
        %parallel_loop3A_959 = tpu.memref_slice %arg6[%parallel_loop3A_956, %parallel_loop3A_957, %parallel_loop3A_958] : memref<4x128x32xf32, #tpu.memory_space<vmem>> -> memref<1x128x32xf32, #tpu.memory_space<vmem>>
        %parallel_loop3A_960 = tpu.memref_squeeze %parallel_loop3A_959 : memref<1x128x32xf32, #tpu.memory_space<vmem>> -> memref<128x32xf32, #tpu.memory_space<vmem>>
        %parallel_loop3A_961 = tpu.vector_load_idx %parallel_loop3A_960[%parallel_loop3A_955, %parallel_loop3A_904] : memref<128x32xf32, #tpu.memory_space<vmem>>[vector<16xi32>, vector<16xi32>], vector<16xf32>,
        %parallel_loop3A_962 = arith.constant 2096 : i32
        %parallel_loop3A_963 = vector.broadcast %parallel_loop3A_962 : i32 to vector<16xi32>
        %parallel_loop3A_964 = arith.addi %parallel_loop3A_770, %parallel_loop3A_963 : vector<16xi32>
        %parallel_loop3A_965 = arith.constant 1 : i32
        %parallel_loop3A_966 = arith.constant 0 : i32
        %parallel_loop3A_967 = tpu.memref_slice %arg7[%parallel_loop3A_965, %parallel_loop3A_966] : memref<4x4096xf32, #tpu.memory_space<vmem>> -> memref<1x4096xf32, #tpu.memory_space<vmem>>
        %parallel_loop3A_968 = tpu.memref_squeeze %parallel_loop3A_967 : memref<1x4096xf32, #tpu.memory_space<vmem>> -> memref<4096xf32, #tpu.memory_space<vmem>>
        tpu.vector_store_idx %parallel_loop3A_968[%parallel_loop3A_964], %parallel_loop3A_961 : memref<4096xf32, #tpu.memory_space<vmem>>[vector<16xi32>], vector<16xf32>,
        %parallel_loop3A_969 = arith.constant 64 : i32
        %parallel_loop3A_970 = vector.broadcast %parallel_loop3A_969 : i32 to vector<16xi32>
        %parallel_loop3A_971 = arith.addi %iota3A, %parallel_loop3A_970 : vector<16xi32>
        %parallel_loop3A_972 = arith.constant 1 : i32
        %parallel_loop3A_973 = arith.constant 0 : i32
        %parallel_loop3A_974 = arith.constant 0 : i32
        %parallel_loop3A_975 = tpu.memref_slice %arg6[%parallel_loop3A_972, %parallel_loop3A_973, %parallel_loop3A_974] : memref<4x128x32xf32, #tpu.memory_space<vmem>> -> memref<1x128x32xf32, #tpu.memory_space<vmem>>
        %parallel_loop3A_976 = tpu.memref_squeeze %parallel_loop3A_975 : memref<1x128x32xf32, #tpu.memory_space<vmem>> -> memref<128x32xf32, #tpu.memory_space<vmem>>
        %parallel_loop3A_977 = tpu.vector_load_idx %parallel_loop3A_976[%parallel_loop3A_971, %parallel_loop3A_904] : memref<128x32xf32, #tpu.memory_space<vmem>>[vector<16xi32>, vector<16xi32>], vector<16xf32>,
        %parallel_loop3A_978 = arith.constant 2112 : i32
        %parallel_loop3A_979 = vector.broadcast %parallel_loop3A_978 : i32 to vector<16xi32>
        %parallel_loop3A_980 = arith.addi %parallel_loop3A_770, %parallel_loop3A_979 : vector<16xi32>
        %parallel_loop3A_981 = arith.constant 1 : i32
        %parallel_loop3A_982 = arith.constant 0 : i32
        %parallel_loop3A_983 = tpu.memref_slice %arg7[%parallel_loop3A_981, %parallel_loop3A_982] : memref<4x4096xf32, #tpu.memory_space<vmem>> -> memref<1x4096xf32, #tpu.memory_space<vmem>>
        %parallel_loop3A_984 = tpu.memref_squeeze %parallel_loop3A_983 : memref<1x4096xf32, #tpu.memory_space<vmem>> -> memref<4096xf32, #tpu.memory_space<vmem>>
        tpu.vector_store_idx %parallel_loop3A_984[%parallel_loop3A_980], %parallel_loop3A_977 : memref<4096xf32, #tpu.memory_space<vmem>>[vector<16xi32>], vector<16xf32>,
        %parallel_loop3A_985 = arith.constant 80 : i32
        %parallel_loop3A_986 = vector.broadcast %parallel_loop3A_985 : i32 to vector<16xi32>
        %parallel_loop3A_987 = arith.addi %iota3A, %parallel_loop3A_986 : vector<16xi32>
        %parallel_loop3A_988 = arith.constant 1 : i32
        %parallel_loop3A_989 = arith.constant 0 : i32
        %parallel_loop3A_990 = arith.constant 0 : i32
        %parallel_loop3A_991 = tpu.memref_slice %arg6[%parallel_loop3A_988, %parallel_loop3A_989, %parallel_loop3A_990] : memref<4x128x32xf32, #tpu.memory_space<vmem>> -> memref<1x128x32xf32, #tpu.memory_space<vmem>>
        %parallel_loop3A_992 = tpu.memref_squeeze %parallel_loop3A_991 : memref<1x128x32xf32, #tpu.memory_space<vmem>> -> memref<128x32xf32, #tpu.memory_space<vmem>>
        %parallel_loop3A_993 = tpu.vector_load_idx %parallel_loop3A_992[%parallel_loop3A_987, %parallel_loop3A_904] : memref<128x32xf32, #tpu.memory_space<vmem>>[vector<16xi32>, vector<16xi32>], vector<16xf32>,
        %parallel_loop3A_994 = arith.constant 2128 : i32
        %parallel_loop3A_995 = vector.broadcast %parallel_loop3A_994 : i32 to vector<16xi32>
        %parallel_loop3A_996 = arith.addi %parallel_loop3A_770, %parallel_loop3A_995 : vector<16xi32>
        %parallel_loop3A_997 = arith.constant 1 : i32
        %parallel_loop3A_998 = arith.constant 0 : i32
        %parallel_loop3A_999 = tpu.memref_slice %arg7[%parallel_loop3A_997, %parallel_loop3A_998] : memref<4x4096xf32, #tpu.memory_space<vmem>> -> memref<1x4096xf32, #tpu.memory_space<vmem>>
        %parallel_loop3A_1000 = tpu.memref_squeeze %parallel_loop3A_999 : memref<1x4096xf32, #tpu.memory_space<vmem>> -> memref<4096xf32, #tpu.memory_space<vmem>>
        tpu.vector_store_idx %parallel_loop3A_1000[%parallel_loop3A_996], %parallel_loop3A_993 : memref<4096xf32, #tpu.memory_space<vmem>>[vector<16xi32>], vector<16xf32>,
        %parallel_loop3A_1001 = arith.constant 96 : i32
        %parallel_loop3A_1002 = vector.broadcast %parallel_loop3A_1001 : i32 to vector<16xi32>
        %parallel_loop3A_1003 = arith.addi %iota3A, %parallel_loop3A_1002 : vector<16xi32>
        %parallel_loop3A_1004 = arith.constant 1 : i32
        %parallel_loop3A_1005 = arith.constant 0 : i32
        %parallel_loop3A_1006 = arith.constant 0 : i32
        %parallel_loop3A_1007 = tpu.memref_slice %arg6[%parallel_loop3A_1004, %parallel_loop3A_1005, %parallel_loop3A_1006] : memref<4x128x32xf32, #tpu.memory_space<vmem>> -> memref<1x128x32xf32, #tpu.memory_space<vmem>>
        %parallel_loop3A_1008 = tpu.memref_squeeze %parallel_loop3A_1007 : memref<1x128x32xf32, #tpu.memory_space<vmem>> -> memref<128x32xf32, #tpu.memory_space<vmem>>
        %parallel_loop3A_1009 = tpu.vector_load_idx %parallel_loop3A_1008[%parallel_loop3A_1003, %parallel_loop3A_904] : memref<128x32xf32, #tpu.memory_space<vmem>>[vector<16xi32>, vector<16xi32>], vector<16xf32>,
        %parallel_loop3A_1010 = arith.constant 2144 : i32
        %parallel_loop3A_1011 = vector.broadcast %parallel_loop3A_1010 : i32 to vector<16xi32>
        %parallel_loop3A_1012 = arith.addi %parallel_loop3A_770, %parallel_loop3A_1011 : vector<16xi32>
        %parallel_loop3A_1013 = arith.constant 1 : i32
        %parallel_loop3A_1014 = arith.constant 0 : i32
        %parallel_loop3A_1015 = tpu.memref_slice %arg7[%parallel_loop3A_1013, %parallel_loop3A_1014] : memref<4x4096xf32, #tpu.memory_space<vmem>> -> memref<1x4096xf32, #tpu.memory_space<vmem>>
        %parallel_loop3A_1016 = tpu.memref_squeeze %parallel_loop3A_1015 : memref<1x4096xf32, #tpu.memory_space<vmem>> -> memref<4096xf32, #tpu.memory_space<vmem>>
        tpu.vector_store_idx %parallel_loop3A_1016[%parallel_loop3A_1012], %parallel_loop3A_1009 : memref<4096xf32, #tpu.memory_space<vmem>>[vector<16xi32>], vector<16xf32>,
        %parallel_loop3A_1017 = arith.constant 112 : i32
        %parallel_loop3A_1018 = vector.broadcast %parallel_loop3A_1017 : i32 to vector<16xi32>
        %parallel_loop3A_1019 = arith.addi %iota3A, %parallel_loop3A_1018 : vector<16xi32>
        %parallel_loop3A_1020 = arith.constant 1 : i32
        %parallel_loop3A_1021 = arith.constant 0 : i32
        %parallel_loop3A_1022 = arith.constant 0 : i32
        %parallel_loop3A_1023 = tpu.memref_slice %arg6[%parallel_loop3A_1020, %parallel_loop3A_1021, %parallel_loop3A_1022] : memref<4x128x32xf32, #tpu.memory_space<vmem>> -> memref<1x128x32xf32, #tpu.memory_space<vmem>>
        %parallel_loop3A_1024 = tpu.memref_squeeze %parallel_loop3A_1023 : memref<1x128x32xf32, #tpu.memory_space<vmem>> -> memref<128x32xf32, #tpu.memory_space<vmem>>
        %parallel_loop3A_1025 = tpu.vector_load_idx %parallel_loop3A_1024[%parallel_loop3A_1019, %parallel_loop3A_904] : memref<128x32xf32, #tpu.memory_space<vmem>>[vector<16xi32>, vector<16xi32>], vector<16xf32>,
        %parallel_loop3A_1026 = arith.constant 2160 : i32
        %parallel_loop3A_1027 = vector.broadcast %parallel_loop3A_1026 : i32 to vector<16xi32>
        %parallel_loop3A_1028 = arith.addi %parallel_loop3A_770, %parallel_loop3A_1027 : vector<16xi32>
        %parallel_loop3A_1029 = arith.constant 1 : i32
        %parallel_loop3A_1030 = arith.constant 0 : i32
        %parallel_loop3A_1031 = tpu.memref_slice %arg7[%parallel_loop3A_1029, %parallel_loop3A_1030] : memref<4x4096xf32, #tpu.memory_space<vmem>> -> memref<1x4096xf32, #tpu.memory_space<vmem>>
        %parallel_loop3A_1032 = tpu.memref_squeeze %parallel_loop3A_1031 : memref<1x4096xf32, #tpu.memory_space<vmem>> -> memref<4096xf32, #tpu.memory_space<vmem>>
        tpu.vector_store_idx %parallel_loop3A_1032[%parallel_loop3A_1028], %parallel_loop3A_1025 : memref<4096xf32, #tpu.memory_space<vmem>>[vector<16xi32>], vector<16xf32>,
      } {sc.loop_unroll_factor = 2 : i64, sc.parallel_access}
      %jit3A_320 = arith.constant 128 : i32
      %div3A_321 = arith.divsi %add3A_288, %jit3A_320 : i32
      %sign3A_322 = arith.constant 0 : i32
      %sign3A_323 = arith.cmpi sgt, %add3A_288, %sign3A_322 : i32
      %sign3A_324 = arith.extui %sign3A_323 : i1 to i32
      %sign3A_325 = arith.constant 0 : i32
      %sign3A_326 = arith.cmpi slt, %add3A_288, %sign3A_325 : i32
      %sign3A_327 = arith.extui %sign3A_326 : i1 to i32
      %sign3A_328 = arith.subi %sign3A_324, %sign3A_327 : i32
      %sign3A_329 = arith.constant 0 : i32
      %sign3A_330 = arith.cmpi sgt, %jit3A_320, %sign3A_329 : i32
      %sign3A_331 = arith.extui %sign3A_330 : i1 to i32
      %sign3A_332 = arith.constant 0 : i32
      %sign3A_333 = arith.cmpi slt, %jit3A_320, %sign3A_332 : i32
      %sign3A_334 = arith.extui %sign3A_333 : i1 to i32
      %sign3A_335 = arith.subi %sign3A_331, %sign3A_334 : i32
      %ne3A_336 = arith.cmpi ne, %sign3A_328, %sign3A_335 : i32
      %rem3A_337 = arith.remsi %add3A_288, %jit3A_320 : i32
      %ne3A_338 = arith.constant 0 : i32
      %ne3A_339 = arith.cmpi ne, %rem3A_337, %ne3A_338 : i32
      %and3A_340 = arith.andi %ne3A_336, %ne3A_339 : i1
      %sub3A_341 = arith.constant 1 : i32
      %sub3A_342 = arith.subi %div3A_321, %sub3A_341 : i32
      %select_n3A_343 = arith.select %and3A_340, %sub3A_342, %div3A_321 : i32
      %rem3A_344 = arith.constant 128 : i32
      %rem3A_345 = arith.remsi %add3A_288, %rem3A_344 : i32
      %mul3A_346 = arith.constant 4 : i32
      %mul3A_347 = arith.muli %select_n3A_343, %mul3A_346 : i32
      %mul3A_348 = arith.constant 128 : i32
      %mul3A_349 = arith.muli %mul3A_347, %mul3A_348 : i32
      %add3A_350 = arith.constant 0 : i32
      %add3A_351 = arith.addi %mul3A_349, %add3A_350 : i32
      %add3A_352 = arith.addi %add3A_351, %rem3A_345 : i32
      %mul3A_353 = arith.constant 8 : i32
      %mul3A_354 = arith.muli %add3A_352, %mul3A_353 : i32
      %mul3A_355 = arith.constant 128 : i32
      %mul3A_356 = arith.muli %mul3A_354, %mul3A_355 : i32
      %dma_start3A_357 = arith.constant 1 : i32
      %dma_start3A_358 = arith.constant 1 : i32
      %dma_start3A_359 = arith.constant 0 : i32
      %dma_start3A_360 = tpu.memref_slice %arg7[%dma_start3A_357, %dma_start3A_359] : memref<4x4096xf32, #tpu.memory_space<vmem>> -> memref<1x1024xf32, #tpu.memory_space<vmem>>
      %dma_start3A_361 = tpu.memref_squeeze %dma_start3A_360 : memref<1x1024xf32, #tpu.memory_space<vmem>> -> memref<1024xf32, #tpu.memory_space<vmem>>
      %dma_start3A_362 = tpu.memref_slice %arg4[%mul3A_356] : memref<104857600xf32, #tpu.memory_space<hbm>> -> memref<1024xf32, #tpu.memory_space<hbm>>
      %dma_start3A_363 = tpu.memref_slice %arg10[%dma_start3A_358] : memref<4x!tpu.dma_semaphore, #tpu.memory_space<semaphore_mem>> -> memref<1x!tpu.dma_semaphore, #tpu.memory_space<semaphore_mem>>
      %dma_start3A_364 = tpu.memref_squeeze %dma_start3A_363 : memref<1x!tpu.dma_semaphore, #tpu.memory_space<semaphore_mem>> -> memref<!tpu.dma_semaphore, #tpu.memory_space<semaphore_mem>>
      %dma_start3A_365 = tpu.memref_slice %arg4[%mul3A_356] : memref<104857600xf32, #tpu.memory_space<hbm>> -> memref<1024xf32, #tpu.memory_space<hbm>>
      %dma_start3A_366 = arith.constant 0 : i32
      %dma_start3A_367 = tpu.memref_slice %arg7[%dma_start3A_357, %dma_start3A_366] : memref<4x4096xf32, #tpu.memory_space<vmem>> -> memref<1x1024xf32, #tpu.memory_space<vmem>>
      %dma_start3A_368 = tpu.memref_squeeze %dma_start3A_367 : memref<1x1024xf32, #tpu.memory_space<vmem>> -> memref<1024xf32, #tpu.memory_space<vmem>>
      tpu.enqueue_dma source(%dma_start3A_368 : memref<1024xf32, #tpu.memory_space<vmem>>) target(%dma_start3A_365 : memref<1024xf32, #tpu.memory_space<hbm>>) target_semaphore(%dma_start3A_364 : memref<!tpu.dma_semaphore, #tpu.memory_space<semaphore_mem>>)
      %mul3A_369 = arith.constant 4 : i32
      %mul3A_370 = arith.muli %select_n3A_343, %mul3A_369 : i32
      %mul3A_371 = arith.constant 128 : i32
      %mul3A_372 = arith.muli %mul3A_370, %mul3A_371 : i32
      %add3A_373 = arith.constant 128 : i32
      %add3A_374 = arith.addi %mul3A_372, %add3A_373 : i32
      %add3A_375 = arith.addi %add3A_374, %rem3A_345 : i32
      %mul3A_376 = arith.constant 8 : i32
      %mul3A_377 = arith.muli %add3A_375, %mul3A_376 : i32
      %mul3A_378 = arith.constant 128 : i32
      %mul3A_379 = arith.muli %mul3A_377, %mul3A_378 : i32
      %dma_start3A_380 = arith.constant 1 : i32
      %dma_start3A_381 = arith.constant 1 : i32
      %dma_start3A_382 = arith.constant 1024 : i32
      %dma_start3A_383 = tpu.memref_slice %arg7[%dma_start3A_380, %dma_start3A_382] : memref<4x4096xf32, #tpu.memory_space<vmem>> -> memref<1x1024xf32, #tpu.memory_space<vmem>>
      %dma_start3A_384 = tpu.memref_squeeze %dma_start3A_383 : memref<1x1024xf32, #tpu.memory_space<vmem>> -> memref<1024xf32, #tpu.memory_space<vmem>>
      %dma_start3A_385 = tpu.memref_slice %arg4[%mul3A_379] : memref<104857600xf32, #tpu.memory_space<hbm>> -> memref<1024xf32, #tpu.memory_space<hbm>>
      %dma_start3A_386 = tpu.memref_slice %arg10[%dma_start3A_381] : memref<4x!tpu.dma_semaphore, #tpu.memory_space<semaphore_mem>> -> memref<1x!tpu.dma_semaphore, #tpu.memory_space<semaphore_mem>>
      %dma_start3A_387 = tpu.memref_squeeze %dma_start3A_386 : memref<1x!tpu.dma_semaphore, #tpu.memory_space<semaphore_mem>> -> memref<!tpu.dma_semaphore, #tpu.memory_space<semaphore_mem>>
      %dma_start3A_388 = tpu.memref_slice %arg4[%mul3A_379] : memref<104857600xf32, #tpu.memory_space<hbm>> -> memref<1024xf32, #tpu.memory_space<hbm>>
      %dma_start3A_389 = arith.constant 1024 : i32
      %dma_start3A_390 = tpu.memref_slice %arg7[%dma_start3A_380, %dma_start3A_389] : memref<4x4096xf32, #tpu.memory_space<vmem>> -> memref<1x1024xf32, #tpu.memory_space<vmem>>
      %dma_start3A_391 = tpu.memref_squeeze %dma_start3A_390 : memref<1x1024xf32, #tpu.memory_space<vmem>> -> memref<1024xf32, #tpu.memory_space<vmem>>
      tpu.enqueue_dma source(%dma_start3A_391 : memref<1024xf32, #tpu.memory_space<vmem>>) target(%dma_start3A_388 : memref<1024xf32, #tpu.memory_space<hbm>>) target_semaphore(%dma_start3A_387 : memref<!tpu.dma_semaphore, #tpu.memory_space<semaphore_mem>>)
      %mul3A_392 = arith.constant 4 : i32
      %mul3A_393 = arith.muli %select_n3A_343, %mul3A_392 : i32
      %mul3A_394 = arith.constant 128 : i32
      %mul3A_395 = arith.muli %mul3A_393, %mul3A_394 : i32
      %add3A_396 = arith.constant 256 : i32
      %add3A_397 = arith.addi %mul3A_395, %add3A_396 : i32
      %add3A_398 = arith.addi %add3A_397, %rem3A_345 : i32
      %mul3A_399 = arith.constant 8 : i32
      %mul3A_400 = arith.muli %add3A_398, %mul3A_399 : i32
      %mul3A_401 = arith.constant 128 : i32
      %mul3A_402 = arith.muli %mul3A_400, %mul3A_401 : i32
      %dma_start3A_403 = arith.constant 1 : i32
      %dma_start3A_404 = arith.constant 1 : i32
      %dma_start3A_405 = arith.constant 2048 : i32
      %dma_start3A_406 = tpu.memref_slice %arg7[%dma_start3A_403, %dma_start3A_405] : memref<4x4096xf32, #tpu.memory_space<vmem>> -> memref<1x1024xf32, #tpu.memory_space<vmem>>
      %dma_start3A_407 = tpu.memref_squeeze %dma_start3A_406 : memref<1x1024xf32, #tpu.memory_space<vmem>> -> memref<1024xf32, #tpu.memory_space<vmem>>
      %dma_start3A_408 = tpu.memref_slice %arg4[%mul3A_402] : memref<104857600xf32, #tpu.memory_space<hbm>> -> memref<1024xf32, #tpu.memory_space<hbm>>
      %dma_start3A_409 = tpu.memref_slice %arg10[%dma_start3A_404] : memref<4x!tpu.dma_semaphore, #tpu.memory_space<semaphore_mem>> -> memref<1x!tpu.dma_semaphore, #tpu.memory_space<semaphore_mem>>
      %dma_start3A_410 = tpu.memref_squeeze %dma_start3A_409 : memref<1x!tpu.dma_semaphore, #tpu.memory_space<semaphore_mem>> -> memref<!tpu.dma_semaphore, #tpu.memory_space<semaphore_mem>>
      %dma_start3A_411 = tpu.memref_slice %arg4[%mul3A_402] : memref<104857600xf32, #tpu.memory_space<hbm>> -> memref<1024xf32, #tpu.memory_space<hbm>>
      %dma_start3A_412 = arith.constant 2048 : i32
      %dma_start3A_413 = tpu.memref_slice %arg7[%dma_start3A_403, %dma_start3A_412] : memref<4x4096xf32, #tpu.memory_space<vmem>> -> memref<1x1024xf32, #tpu.memory_space<vmem>>
      %dma_start3A_414 = tpu.memref_squeeze %dma_start3A_413 : memref<1x1024xf32, #tpu.memory_space<vmem>> -> memref<1024xf32, #tpu.memory_space<vmem>>
      tpu.enqueue_dma source(%dma_start3A_414 : memref<1024xf32, #tpu.memory_space<vmem>>) target(%dma_start3A_411 : memref<1024xf32, #tpu.memory_space<hbm>>) target_semaphore(%dma_start3A_410 : memref<!tpu.dma_semaphore, #tpu.memory_space<semaphore_mem>>)
      %mul3A_415 = arith.constant 4 : i32
      %mul3A_416 = arith.muli %select_n3A_343, %mul3A_415 : i32
      %mul3A_417 = arith.constant 128 : i32
      %mul3A_418 = arith.muli %mul3A_416, %mul3A_417 : i32
      %add3A_419 = arith.constant 384 : i32
      %add3A_420 = arith.addi %mul3A_418, %add3A_419 : i32
      %add3A_421 = arith.addi %add3A_420, %rem3A_345 : i32
      %mul3A_422 = arith.constant 8 : i32
      %mul3A_423 = arith.muli %add3A_421, %mul3A_422 : i32
      %mul3A_424 = arith.constant 128 : i32
      %mul3A_425 = arith.muli %mul3A_423, %mul3A_424 : i32
      %dma_start3A_426 = arith.constant 1 : i32
      %dma_start3A_427 = arith.constant 1 : i32
      %dma_start3A_428 = arith.constant 3072 : i32
      %dma_start3A_429 = tpu.memref_slice %arg7[%dma_start3A_426, %dma_start3A_428] : memref<4x4096xf32, #tpu.memory_space<vmem>> -> memref<1x1024xf32, #tpu.memory_space<vmem>>
      %dma_start3A_430 = tpu.memref_squeeze %dma_start3A_429 : memref<1x1024xf32, #tpu.memory_space<vmem>> -> memref<1024xf32, #tpu.memory_space<vmem>>
      %dma_start3A_431 = tpu.memref_slice %arg4[%mul3A_425] : memref<104857600xf32, #tpu.memory_space<hbm>> -> memref<1024xf32, #tpu.memory_space<hbm>>
      %dma_start3A_432 = tpu.memref_slice %arg10[%dma_start3A_427] : memref<4x!tpu.dma_semaphore, #tpu.memory_space<semaphore_mem>> -> memref<1x!tpu.dma_semaphore, #tpu.memory_space<semaphore_mem>>
      %dma_start3A_433 = tpu.memref_squeeze %dma_start3A_432 : memref<1x!tpu.dma_semaphore, #tpu.memory_space<semaphore_mem>> -> memref<!tpu.dma_semaphore, #tpu.memory_space<semaphore_mem>>
      %dma_start3A_434 = tpu.memref_slice %arg4[%mul3A_425] : memref<104857600xf32, #tpu.memory_space<hbm>> -> memref<1024xf32, #tpu.memory_space<hbm>>
      %dma_start3A_435 = arith.constant 3072 : i32
      %dma_start3A_436 = tpu.memref_slice %arg7[%dma_start3A_426, %dma_start3A_435] : memref<4x4096xf32, #tpu.memory_space<vmem>> -> memref<1x1024xf32, #tpu.memory_space<vmem>>
      %dma_start3A_437 = tpu.memref_squeeze %dma_start3A_436 : memref<1x1024xf32, #tpu.memory_space<vmem>> -> memref<1024xf32, #tpu.memory_space<vmem>>
      tpu.enqueue_dma source(%dma_start3A_437 : memref<1024xf32, #tpu.memory_space<vmem>>) target(%dma_start3A_434 : memref<1024xf32, #tpu.memory_space<hbm>>) target_semaphore(%dma_start3A_433 : memref<!tpu.dma_semaphore, #tpu.memory_space<semaphore_mem>>)
      %lt3A_438 = arith.constant 199 : i32
      %lt3A_439 = arith.cmpi slt, %scan3A_137, %lt3A_438 : i32
      %convert_element_type3A_440 = arith.extui %lt3A_439 : i1 to i32
      %cond3A_441 = arith.constant 0 : i32
      %cond3A_442 = arith.cmpi ne, %convert_element_type3A_440, %cond3A_441 : i32
      scf.if %cond3A_442 {
        %dma_wait3A_761 = arith.constant 1 : i32
        %dma_wait3A_762 = arith.constant 1 : i32
        %dma_wait3A_763 = arith.constant 0 : i32
        %dma_wait3A_764 = arith.constant 0 : i32
        %dma_wait3A_765 = tpu.memref_slice %arg5[%dma_wait3A_761, %dma_wait3A_763, %dma_wait3A_764] : memref<4x1x128xi32, #tpu.memory_space<vmem>> -> memref<1x1x128xi32, #tpu.memory_space<vmem>>
        %dma_wait3A_766 = tpu.memref_squeeze %dma_wait3A_765 : memref<1x1x128xi32, #tpu.memory_space<vmem>> -> memref<1x128xi32, #tpu.memory_space<vmem>>
        %dma_wait3A_767 = arith.constant 0 : i32
        %dma_wait3A_768 = arith.constant 0 : i32
        %dma_wait3A_769 = tpu.memref_slice %arg2[%dma_wait3A_767, %dma_wait3A_768] : memref<25600x128xi32, #tpu.memory_space<hbm>> -> memref<1x128xi32, #tpu.memory_space<hbm>>
        %dma_wait3A_770 = tpu.memref_slice %arg8[%dma_wait3A_762] : memref<4x!tpu.dma_semaphore, #tpu.memory_space<semaphore_mem>> -> memref<1x!tpu.dma_semaphore, #tpu.memory_space<semaphore_mem>>
        %dma_wait3A_771 = tpu.memref_squeeze %dma_wait3A_770 : memref<1x!tpu.dma_semaphore, #tpu.memory_space<semaphore_mem>> -> memref<!tpu.dma_semaphore, #tpu.memory_space<semaphore_mem>>
        %dma_wait3A_772 = arith.constant 0 : i32
        %dma_wait3A_773 = arith.constant 0 : i32
        %dma_wait3A_774 = tpu.memref_slice %arg5[%dma_wait3A_761, %dma_wait3A_772, %dma_wait3A_773] : memref<4x1x128xi32, #tpu.memory_space<vmem>> -> memref<1x1x128xi32, #tpu.memory_space<vmem>>
        %dma_wait3A_775 = tpu.memref_squeeze %dma_wait3A_774 : memref<1x1x128xi32, #tpu.memory_space<vmem>> -> memref<1x128xi32, #tpu.memory_space<vmem>>
        %dma_wait3A_776 = arith.constant 0 : i32
        %dma_wait3A_777 = arith.constant 0 : i32
        %dma_wait3A_778 = tpu.memref_slice %arg2[%dma_wait3A_776, %dma_wait3A_777] : memref<25600x128xi32, #tpu.memory_space<hbm>> -> memref<1x128xi32, #tpu.memory_space<hbm>>
        tpu.wait_dma2 semaphore(%dma_wait3A_771 : memref<!tpu.dma_semaphore, #tpu.memory_space<semaphore_mem>>) src(%dma_wait3A_778 : memref<1x128xi32, #tpu.memory_space<hbm>>) dst(%dma_wait3A_775 : memref<1x128xi32, #tpu.memory_space<vmem>>)
        %dma_start3A_779 = arith.constant 1 : i32
        %dma_start3A_780 = arith.constant 0 : i32
        %dma_start3A_781 = arith.constant 1 : i32
        %dma_start3A_782 = arith.constant 1 : i32
        %dma_start3A_783 = arith.constant 0 : i32
        %dma_start3A_784 = arith.constant 0 : i32
        %dma_start3A_785 = tpu.memref_slice %arg6[%dma_start3A_781, %dma_start3A_783, %dma_start3A_784] : memref<4x128x32xf32, #tpu.memory_space<vmem>> -> memref<1x128x32xf32, #tpu.memory_space<vmem>>
        %dma_start3A_786 = tpu.memref_squeeze %dma_start3A_785 : memref<1x128x32xf32, #tpu.memory_space<vmem>> -> memref<128x32xf32, #tpu.memory_space<vmem>>
        %dma_start3A_787 = arith.constant 0 : i32
        %dma_start3A_788 = tpu.memref_slice %arg5[%dma_start3A_779, %dma_start3A_780, %dma_start3A_787] : memref<4x1x128xi32, #tpu.memory_space<vmem>> -> memref<1x1x128xi32, #tpu.memory_space<vmem>>
        %dma_start3A_789 = tpu.memref_squeeze %dma_start3A_788 : memref<1x1x128xi32, #tpu.memory_space<vmem>> -> memref<128xi32, #tpu.memory_space<vmem>>
        %dma_start3A_790 = arith.constant 0 : i32
        %dma_start3A_791 = arith.constant 0 : i32
        %dma_start3A_792 = tpu.memref_slice %arg3[%dma_start3A_790, %dma_start3A_791] : memref<1000000x32xf32, #tpu.memory_space<hbm>> -> memref<1000000x32xf32, #tpu.memory_space<hbm>>
        %dma_start3A_793 = tpu.memref_slice %arg9[%dma_start3A_782] : memref<4x!tpu.dma_semaphore, #tpu.memory_space<semaphore_mem>> -> memref<1x!tpu.dma_semaphore, #tpu.memory_space<semaphore_mem>>
        %dma_start3A_794 = tpu.memref_squeeze %dma_start3A_793 : memref<1x!tpu.dma_semaphore, #tpu.memory_space<semaphore_mem>> -> memref<!tpu.dma_semaphore, #tpu.memory_space<semaphore_mem>>
        tpu.enqueue_indirect_dma source(%dma_start3A_792 : memref<1000000x32xf32, #tpu.memory_space<hbm>>) target(%dma_start3A_786 : memref<128x32xf32, #tpu.memory_space<vmem>>) offsets(%dma_start3A_789 : memref<128xi32, #tpu.memory_space<vmem>>) semaphore(%dma_start3A_794 : memref<!tpu.dma_semaphore, #tpu.memory_space<semaphore_mem>>)
      } else {
      }
      %mul3A_443 = arith.constant 4 : i32
      %mul3A_444 = arith.muli %scan3A_137, %mul3A_443 : i32
      %add3A_445 = arith.addi %mul3A_2, %mul3A_444 : i32
      %add3A_446 = arith.constant 2 : i32
      %add3A_447 = arith.addi %add3A_445, %add3A_446 : i32
      %dma_wait3A_448 = arith.constant 2 : i32
      %dma_wait3A_449 = arith.constant 2 : i32
      %dma_wait3A_450 = arith.constant 0 : i32
      %dma_wait3A_451 = arith.constant 0 : i32
      %dma_wait3A_452 = tpu.memref_slice %arg6[%dma_wait3A_448, %dma_wait3A_450, %dma_wait3A_451] : memref<4x128x32xf32, #tpu.memory_space<vmem>> -> memref<1x128x32xf32, #tpu.memory_space<vmem>>
      %dma_wait3A_453 = tpu.memref_squeeze %dma_wait3A_452 : memref<1x128x32xf32, #tpu.memory_space<vmem>> -> memref<128x32xf32, #tpu.memory_space<vmem>>
      %dma_wait3A_454 = arith.constant 0 : i32
      %dma_wait3A_455 = arith.constant 0 : i32
      %dma_wait3A_456 = tpu.memref_slice %arg3[%dma_wait3A_454, %dma_wait3A_455] : memref<1000000x32xf32, #tpu.memory_space<hbm>> -> memref<128x32xf32, #tpu.memory_space<hbm>>
      %dma_wait3A_457 = tpu.memref_slice %arg9[%dma_wait3A_449] : memref<4x!tpu.dma_semaphore, #tpu.memory_space<semaphore_mem>> -> memref<1x!tpu.dma_semaphore, #tpu.memory_space<semaphore_mem>>
      %dma_wait3A_458 = tpu.memref_squeeze %dma_wait3A_457 : memref<1x!tpu.dma_semaphore, #tpu.memory_space<semaphore_mem>> -> memref<!tpu.dma_semaphore, #tpu.memory_space<semaphore_mem>>
      %dma_wait3A_459 = arith.constant 0 : i32
      %dma_wait3A_460 = arith.constant 0 : i32
      %dma_wait3A_461 = tpu.memref_slice %arg6[%dma_wait3A_448, %dma_wait3A_459, %dma_wait3A_460] : memref<4x128x32xf32, #tpu.memory_space<vmem>> -> memref<1x128x32xf32, #tpu.memory_space<vmem>>
      %dma_wait3A_462 = tpu.memref_squeeze %dma_wait3A_461 : memref<1x128x32xf32, #tpu.memory_space<vmem>> -> memref<128x32xf32, #tpu.memory_space<vmem>>
      %dma_wait3A_463 = arith.constant 0 : i32
      %dma_wait3A_464 = arith.constant 0 : i32
      %dma_wait3A_465 = tpu.memref_slice %arg3[%dma_wait3A_463, %dma_wait3A_464] : memref<1000000x32xf32, #tpu.memory_space<hbm>> -> memref<128x32xf32, #tpu.memory_space<hbm>>
      tpu.wait_dma2 semaphore(%dma_wait3A_458 : memref<!tpu.dma_semaphore, #tpu.memory_space<semaphore_mem>>) src(%dma_wait3A_465 : memref<128x32xf32, #tpu.memory_space<hbm>>) dst(%dma_wait3A_462 : memref<128x32xf32, #tpu.memory_space<vmem>>)
      %lt3A_466 = arith.constant 199 : i32
      %lt3A_467 = arith.cmpi slt, %scan3A_137, %lt3A_466 : i32
      %convert_element_type3A_468 = arith.extui %lt3A_467 : i1 to i32
      %cond3A_469 = arith.constant 0 : i32
      %cond3A_470 = arith.cmpi ne, %convert_element_type3A_468, %cond3A_469 : i32
      scf.if %cond3A_470 {
        %add3A_761 = arith.constant 4 : i32
        %add3A_762 = arith.addi %add3A_447, %add3A_761 : i32
        %dma_start3A_763 = arith.constant 2 : i32
        %dma_start3A_764 = arith.constant 2 : i32
        %dma_start3A_765 = arith.constant 0 : i32
        %dma_start3A_766 = arith.constant 0 : i32
        %dma_start3A_767 = tpu.memref_slice %arg5[%dma_start3A_763, %dma_start3A_765, %dma_start3A_766] : memref<4x1x128xi32, #tpu.memory_space<vmem>> -> memref<1x1x128xi32, #tpu.memory_space<vmem>>
        %dma_start3A_768 = tpu.memref_squeeze %dma_start3A_767 : memref<1x1x128xi32, #tpu.memory_space<vmem>> -> memref<1x128xi32, #tpu.memory_space<vmem>>
        %dma_start3A_769 = arith.constant 0 : i32
        %dma_start3A_770 = tpu.memref_slice %arg2[%add3A_762, %dma_start3A_769] : memref<25600x128xi32, #tpu.memory_space<hbm>> -> memref<1x128xi32, #tpu.memory_space<hbm>>
        %dma_start3A_771 = tpu.memref_slice %arg8[%dma_start3A_764] : memref<4x!tpu.dma_semaphore, #tpu.memory_space<semaphore_mem>> -> memref<1x!tpu.dma_semaphore, #tpu.memory_space<semaphore_mem>>
        %dma_start3A_772 = tpu.memref_squeeze %dma_start3A_771 : memref<1x!tpu.dma_semaphore, #tpu.memory_space<semaphore_mem>> -> memref<!tpu.dma_semaphore, #tpu.memory_space<semaphore_mem>>
        %dma_start3A_773 = arith.constant 0 : i32
        %dma_start3A_774 = arith.constant 0 : i32
        %dma_start3A_775 = tpu.memref_slice %arg5[%dma_start3A_763, %dma_start3A_773, %dma_start3A_774] : memref<4x1x128xi32, #tpu.memory_space<vmem>> -> memref<1x1x128xi32, #tpu.memory_space<vmem>>
        %dma_start3A_776 = tpu.memref_squeeze %dma_start3A_775 : memref<1x1x128xi32, #tpu.memory_space<vmem>> -> memref<1x128xi32, #tpu.memory_space<vmem>>
        %dma_start3A_777 = arith.constant 0 : i32
        %dma_start3A_778 = tpu.memref_slice %arg2[%add3A_762, %dma_start3A_777] : memref<25600x128xi32, #tpu.memory_space<hbm>> -> memref<1x128xi32, #tpu.memory_space<hbm>>
        tpu.enqueue_dma source(%dma_start3A_778 : memref<1x128xi32, #tpu.memory_space<hbm>>) target(%dma_start3A_776 : memref<1x128xi32, #tpu.memory_space<vmem>>) target_semaphore(%dma_start3A_772 : memref<!tpu.dma_semaphore, #tpu.memory_space<semaphore_mem>>)
      } else {
      }
      %gt3A_471 = arith.constant 0 : i32
      %gt3A_472 = arith.cmpi sgt, %scan3A_137, %gt3A_471 : i32
      %convert_element_type3A_473 = arith.extui %gt3A_472 : i1 to i32
      %cond3A_474 = arith.constant 0 : i32
      %cond3A_475 = arith.cmpi ne, %convert_element_type3A_473, %cond3A_474 : i32
      scf.if %cond3A_475 {
        %dma_wait3A_761 = arith.constant 2 : i32
        %dma_wait3A_762 = arith.constant 2 : i32
        %dma_wait3A_763 = arith.constant 0 : i32
        %dma_wait3A_764 = tpu.memref_slice %arg7[%dma_wait3A_761, %dma_wait3A_763] : memref<4x4096xf32, #tpu.memory_space<vmem>> -> memref<1x4096xf32, #tpu.memory_space<vmem>>
        %dma_wait3A_765 = tpu.memref_squeeze %dma_wait3A_764 : memref<1x4096xf32, #tpu.memory_space<vmem>> -> memref<4096xf32, #tpu.memory_space<vmem>>
        %dma_wait3A_766 = arith.constant 0 : i32
        %dma_wait3A_767 = tpu.memref_slice %arg4[%dma_wait3A_766] : memref<104857600xf32, #tpu.memory_space<hbm>> -> memref<4096xf32, #tpu.memory_space<hbm>>
        %dma_wait3A_768 = tpu.memref_slice %arg10[%dma_wait3A_762] : memref<4x!tpu.dma_semaphore, #tpu.memory_space<semaphore_mem>> -> memref<1x!tpu.dma_semaphore, #tpu.memory_space<semaphore_mem>>
        %dma_wait3A_769 = tpu.memref_squeeze %dma_wait3A_768 : memref<1x!tpu.dma_semaphore, #tpu.memory_space<semaphore_mem>> -> memref<!tpu.dma_semaphore, #tpu.memory_space<semaphore_mem>>
        %dma_wait3A_770 = arith.constant 0 : i32
        %dma_wait3A_771 = tpu.memref_slice %arg4[%dma_wait3A_770] : memref<104857600xf32, #tpu.memory_space<hbm>> -> memref<4096xf32, #tpu.memory_space<hbm>>
        %dma_wait3A_772 = arith.constant 0 : i32
        %dma_wait3A_773 = tpu.memref_slice %arg7[%dma_wait3A_761, %dma_wait3A_772] : memref<4x4096xf32, #tpu.memory_space<vmem>> -> memref<1x4096xf32, #tpu.memory_space<vmem>>
        %dma_wait3A_774 = tpu.memref_squeeze %dma_wait3A_773 : memref<1x4096xf32, #tpu.memory_space<vmem>> -> memref<4096xf32, #tpu.memory_space<vmem>>
        tpu.wait_dma2 semaphore(%dma_wait3A_769 : memref<!tpu.dma_semaphore, #tpu.memory_space<semaphore_mem>>) src(%dma_wait3A_774 : memref<4096xf32, #tpu.memory_space<vmem>>) dst(%dma_wait3A_771 : memref<4096xf32, #tpu.memory_space<hbm>>)
      } else {
      }
      %parallel_loop3A_476 = arith.constant 0 : i32
      %parallel_loop3A_477 = arith.constant 16 : i32
      %parallel_loop3A_478 = arith.constant 1 : i32
      scf.for %parallel_loop3A_761 = %parallel_loop3A_476 to %parallel_loop3A_477 step %parallel_loop3A_478  : i32 {
        %parallel_loop3A_762 = vector.broadcast %parallel_loop3A_761 : i32 to vector<16xi32>
        %parallel_loop3A_763 = arith.addi %iota3A, %parallel_loop3A_762 : vector<16xi32>
        %parallel_loop3A_764 = arith.constant 15 : i32
        %parallel_loop3A_765 = vector.broadcast %parallel_loop3A_764 : i32 to vector<16xi32>
        %parallel_loop3A_766 = arith.andi %parallel_loop3A_763, %parallel_loop3A_765 : vector<16xi32>
        %parallel_loop3A_767 = arith.constant 128 : i32
        %parallel_loop3A_768 = vector.broadcast %parallel_loop3A_767 : i32 to vector<16xi32>
        %parallel_loop3A_769 = arith.muli %parallel_loop3A_766, %parallel_loop3A_768 : vector<16xi32>
        %parallel_loop3A_770 = arith.addi %parallel_loop3A_769, %iota3A : vector<16xi32>
        %parallel_loop3A_771 = arith.constant 0 : i32
        %parallel_loop3A_772 = vector.broadcast %parallel_loop3A_771 : i32 to vector<16xi32>
        %parallel_loop3A_773 = arith.addi %parallel_loop3A_766, %parallel_loop3A_772 : vector<16xi32>
        %parallel_loop3A_774 = arith.constant 0 : i32
        %parallel_loop3A_775 = vector.broadcast %parallel_loop3A_774 : i32 to vector<16xi32>
        %parallel_loop3A_776 = arith.addi %iota3A, %parallel_loop3A_775 : vector<16xi32>
        %parallel_loop3A_777 = arith.constant 2 : i32
        %parallel_loop3A_778 = arith.constant 0 : i32
        %parallel_loop3A_779 = arith.constant 0 : i32
        %parallel_loop3A_780 = tpu.memref_slice %arg6[%parallel_loop3A_777, %parallel_loop3A_778, %parallel_loop3A_779] : memref<4x128x32xf32, #tpu.memory_space<vmem>> -> memref<1x128x32xf32, #tpu.memory_space<vmem>>
        %parallel_loop3A_781 = tpu.memref_squeeze %parallel_loop3A_780 : memref<1x128x32xf32, #tpu.memory_space<vmem>> -> memref<128x32xf32, #tpu.memory_space<vmem>>
        %parallel_loop3A_782 = tpu.vector_load_idx %parallel_loop3A_781[%parallel_loop3A_776, %parallel_loop3A_773] : memref<128x32xf32, #tpu.memory_space<vmem>>[vector<16xi32>, vector<16xi32>], vector<16xf32>,
        %parallel_loop3A_783 = arith.constant 0 : i32
        %parallel_loop3A_784 = vector.broadcast %parallel_loop3A_783 : i32 to vector<16xi32>
        %parallel_loop3A_785 = arith.addi %parallel_loop3A_770, %parallel_loop3A_784 : vector<16xi32>
        %parallel_loop3A_786 = arith.constant 2 : i32
        %parallel_loop3A_787 = arith.constant 0 : i32
        %parallel_loop3A_788 = tpu.memref_slice %arg7[%parallel_loop3A_786, %parallel_loop3A_787] : memref<4x4096xf32, #tpu.memory_space<vmem>> -> memref<1x4096xf32, #tpu.memory_space<vmem>>
        %parallel_loop3A_789 = tpu.memref_squeeze %parallel_loop3A_788 : memref<1x4096xf32, #tpu.memory_space<vmem>> -> memref<4096xf32, #tpu.memory_space<vmem>>
        tpu.vector_store_idx %parallel_loop3A_789[%parallel_loop3A_785], %parallel_loop3A_782 : memref<4096xf32, #tpu.memory_space<vmem>>[vector<16xi32>], vector<16xf32>,
        %parallel_loop3A_790 = arith.constant 16 : i32
        %parallel_loop3A_791 = vector.broadcast %parallel_loop3A_790 : i32 to vector<16xi32>
        %parallel_loop3A_792 = arith.addi %iota3A, %parallel_loop3A_791 : vector<16xi32>
        %parallel_loop3A_793 = arith.constant 2 : i32
        %parallel_loop3A_794 = arith.constant 0 : i32
        %parallel_loop3A_795 = arith.constant 0 : i32
        %parallel_loop3A_796 = tpu.memref_slice %arg6[%parallel_loop3A_793, %parallel_loop3A_794, %parallel_loop3A_795] : memref<4x128x32xf32, #tpu.memory_space<vmem>> -> memref<1x128x32xf32, #tpu.memory_space<vmem>>
        %parallel_loop3A_797 = tpu.memref_squeeze %parallel_loop3A_796 : memref<1x128x32xf32, #tpu.memory_space<vmem>> -> memref<128x32xf32, #tpu.memory_space<vmem>>
        %parallel_loop3A_798 = tpu.vector_load_idx %parallel_loop3A_797[%parallel_loop3A_792, %parallel_loop3A_773] : memref<128x32xf32, #tpu.memory_space<vmem>>[vector<16xi32>, vector<16xi32>], vector<16xf32>,
        %parallel_loop3A_799 = arith.constant 16 : i32
        %parallel_loop3A_800 = vector.broadcast %parallel_loop3A_799 : i32 to vector<16xi32>
        %parallel_loop3A_801 = arith.addi %parallel_loop3A_770, %parallel_loop3A_800 : vector<16xi32>
        %parallel_loop3A_802 = arith.constant 2 : i32
        %parallel_loop3A_803 = arith.constant 0 : i32
        %parallel_loop3A_804 = tpu.memref_slice %arg7[%parallel_loop3A_802, %parallel_loop3A_803] : memref<4x4096xf32, #tpu.memory_space<vmem>> -> memref<1x4096xf32, #tpu.memory_space<vmem>>
        %parallel_loop3A_805 = tpu.memref_squeeze %parallel_loop3A_804 : memref<1x4096xf32, #tpu.memory_space<vmem>> -> memref<4096xf32, #tpu.memory_space<vmem>>
        tpu.vector_store_idx %parallel_loop3A_805[%parallel_loop3A_801], %parallel_loop3A_798 : memref<4096xf32, #tpu.memory_space<vmem>>[vector<16xi32>], vector<16xf32>,
        %parallel_loop3A_806 = arith.constant 32 : i32
        %parallel_loop3A_807 = vector.broadcast %parallel_loop3A_806 : i32 to vector<16xi32>
        %parallel_loop3A_808 = arith.addi %iota3A, %parallel_loop3A_807 : vector<16xi32>
        %parallel_loop3A_809 = arith.constant 2 : i32
        %parallel_loop3A_810 = arith.constant 0 : i32
        %parallel_loop3A_811 = arith.constant 0 : i32
        %parallel_loop3A_812 = tpu.memref_slice %arg6[%parallel_loop3A_809, %parallel_loop3A_810, %parallel_loop3A_811] : memref<4x128x32xf32, #tpu.memory_space<vmem>> -> memref<1x128x32xf32, #tpu.memory_space<vmem>>
        %parallel_loop3A_813 = tpu.memref_squeeze %parallel_loop3A_812 : memref<1x128x32xf32, #tpu.memory_space<vmem>> -> memref<128x32xf32, #tpu.memory_space<vmem>>
        %parallel_loop3A_814 = tpu.vector_load_idx %parallel_loop3A_813[%parallel_loop3A_808, %parallel_loop3A_773] : memref<128x32xf32, #tpu.memory_space<vmem>>[vector<16xi32>, vector<16xi32>], vector<16xf32>,
        %parallel_loop3A_815 = arith.constant 32 : i32
        %parallel_loop3A_816 = vector.broadcast %parallel_loop3A_815 : i32 to vector<16xi32>
        %parallel_loop3A_817 = arith.addi %parallel_loop3A_770, %parallel_loop3A_816 : vector<16xi32>
        %parallel_loop3A_818 = arith.constant 2 : i32
        %parallel_loop3A_819 = arith.constant 0 : i32
        %parallel_loop3A_820 = tpu.memref_slice %arg7[%parallel_loop3A_818, %parallel_loop3A_819] : memref<4x4096xf32, #tpu.memory_space<vmem>> -> memref<1x4096xf32, #tpu.memory_space<vmem>>
        %parallel_loop3A_821 = tpu.memref_squeeze %parallel_loop3A_820 : memref<1x4096xf32, #tpu.memory_space<vmem>> -> memref<4096xf32, #tpu.memory_space<vmem>>
        tpu.vector_store_idx %parallel_loop3A_821[%parallel_loop3A_817], %parallel_loop3A_814 : memref<4096xf32, #tpu.memory_space<vmem>>[vector<16xi32>], vector<16xf32>,
        %parallel_loop3A_822 = arith.constant 48 : i32
        %parallel_loop3A_823 = vector.broadcast %parallel_loop3A_822 : i32 to vector<16xi32>
        %parallel_loop3A_824 = arith.addi %iota3A, %parallel_loop3A_823 : vector<16xi32>
        %parallel_loop3A_825 = arith.constant 2 : i32
        %parallel_loop3A_826 = arith.constant 0 : i32
        %parallel_loop3A_827 = arith.constant 0 : i32
        %parallel_loop3A_828 = tpu.memref_slice %arg6[%parallel_loop3A_825, %parallel_loop3A_826, %parallel_loop3A_827] : memref<4x128x32xf32, #tpu.memory_space<vmem>> -> memref<1x128x32xf32, #tpu.memory_space<vmem>>
        %parallel_loop3A_829 = tpu.memref_squeeze %parallel_loop3A_828 : memref<1x128x32xf32, #tpu.memory_space<vmem>> -> memref<128x32xf32, #tpu.memory_space<vmem>>
        %parallel_loop3A_830 = tpu.vector_load_idx %parallel_loop3A_829[%parallel_loop3A_824, %parallel_loop3A_773] : memref<128x32xf32, #tpu.memory_space<vmem>>[vector<16xi32>, vector<16xi32>], vector<16xf32>,
        %parallel_loop3A_831 = arith.constant 48 : i32
        %parallel_loop3A_832 = vector.broadcast %parallel_loop3A_831 : i32 to vector<16xi32>
        %parallel_loop3A_833 = arith.addi %parallel_loop3A_770, %parallel_loop3A_832 : vector<16xi32>
        %parallel_loop3A_834 = arith.constant 2 : i32
        %parallel_loop3A_835 = arith.constant 0 : i32
        %parallel_loop3A_836 = tpu.memref_slice %arg7[%parallel_loop3A_834, %parallel_loop3A_835] : memref<4x4096xf32, #tpu.memory_space<vmem>> -> memref<1x4096xf32, #tpu.memory_space<vmem>>
        %parallel_loop3A_837 = tpu.memref_squeeze %parallel_loop3A_836 : memref<1x4096xf32, #tpu.memory_space<vmem>> -> memref<4096xf32, #tpu.memory_space<vmem>>
        tpu.vector_store_idx %parallel_loop3A_837[%parallel_loop3A_833], %parallel_loop3A_830 : memref<4096xf32, #tpu.memory_space<vmem>>[vector<16xi32>], vector<16xf32>,
        %parallel_loop3A_838 = arith.constant 64 : i32
        %parallel_loop3A_839 = vector.broadcast %parallel_loop3A_838 : i32 to vector<16xi32>
        %parallel_loop3A_840 = arith.addi %iota3A, %parallel_loop3A_839 : vector<16xi32>
        %parallel_loop3A_841 = arith.constant 2 : i32
        %parallel_loop3A_842 = arith.constant 0 : i32
        %parallel_loop3A_843 = arith.constant 0 : i32
        %parallel_loop3A_844 = tpu.memref_slice %arg6[%parallel_loop3A_841, %parallel_loop3A_842, %parallel_loop3A_843] : memref<4x128x32xf32, #tpu.memory_space<vmem>> -> memref<1x128x32xf32, #tpu.memory_space<vmem>>
        %parallel_loop3A_845 = tpu.memref_squeeze %parallel_loop3A_844 : memref<1x128x32xf32, #tpu.memory_space<vmem>> -> memref<128x32xf32, #tpu.memory_space<vmem>>
        %parallel_loop3A_846 = tpu.vector_load_idx %parallel_loop3A_845[%parallel_loop3A_840, %parallel_loop3A_773] : memref<128x32xf32, #tpu.memory_space<vmem>>[vector<16xi32>, vector<16xi32>], vector<16xf32>,
        %parallel_loop3A_847 = arith.constant 64 : i32
        %parallel_loop3A_848 = vector.broadcast %parallel_loop3A_847 : i32 to vector<16xi32>
        %parallel_loop3A_849 = arith.addi %parallel_loop3A_770, %parallel_loop3A_848 : vector<16xi32>
        %parallel_loop3A_850 = arith.constant 2 : i32
        %parallel_loop3A_851 = arith.constant 0 : i32
        %parallel_loop3A_852 = tpu.memref_slice %arg7[%parallel_loop3A_850, %parallel_loop3A_851] : memref<4x4096xf32, #tpu.memory_space<vmem>> -> memref<1x4096xf32, #tpu.memory_space<vmem>>
        %parallel_loop3A_853 = tpu.memref_squeeze %parallel_loop3A_852 : memref<1x4096xf32, #tpu.memory_space<vmem>> -> memref<4096xf32, #tpu.memory_space<vmem>>
        tpu.vector_store_idx %parallel_loop3A_853[%parallel_loop3A_849], %parallel_loop3A_846 : memref<4096xf32, #tpu.memory_space<vmem>>[vector<16xi32>], vector<16xf32>,
        %parallel_loop3A_854 = arith.constant 80 : i32
        %parallel_loop3A_855 = vector.broadcast %parallel_loop3A_854 : i32 to vector<16xi32>
        %parallel_loop3A_856 = arith.addi %iota3A, %parallel_loop3A_855 : vector<16xi32>
        %parallel_loop3A_857 = arith.constant 2 : i32
        %parallel_loop3A_858 = arith.constant 0 : i32
        %parallel_loop3A_859 = arith.constant 0 : i32
        %parallel_loop3A_860 = tpu.memref_slice %arg6[%parallel_loop3A_857, %parallel_loop3A_858, %parallel_loop3A_859] : memref<4x128x32xf32, #tpu.memory_space<vmem>> -> memref<1x128x32xf32, #tpu.memory_space<vmem>>
        %parallel_loop3A_861 = tpu.memref_squeeze %parallel_loop3A_860 : memref<1x128x32xf32, #tpu.memory_space<vmem>> -> memref<128x32xf32, #tpu.memory_space<vmem>>
        %parallel_loop3A_862 = tpu.vector_load_idx %parallel_loop3A_861[%parallel_loop3A_856, %parallel_loop3A_773] : memref<128x32xf32, #tpu.memory_space<vmem>>[vector<16xi32>, vector<16xi32>], vector<16xf32>,
        %parallel_loop3A_863 = arith.constant 80 : i32
        %parallel_loop3A_864 = vector.broadcast %parallel_loop3A_863 : i32 to vector<16xi32>
        %parallel_loop3A_865 = arith.addi %parallel_loop3A_770, %parallel_loop3A_864 : vector<16xi32>
        %parallel_loop3A_866 = arith.constant 2 : i32
        %parallel_loop3A_867 = arith.constant 0 : i32
        %parallel_loop3A_868 = tpu.memref_slice %arg7[%parallel_loop3A_866, %parallel_loop3A_867] : memref<4x4096xf32, #tpu.memory_space<vmem>> -> memref<1x4096xf32, #tpu.memory_space<vmem>>
        %parallel_loop3A_869 = tpu.memref_squeeze %parallel_loop3A_868 : memref<1x4096xf32, #tpu.memory_space<vmem>> -> memref<4096xf32, #tpu.memory_space<vmem>>
        tpu.vector_store_idx %parallel_loop3A_869[%parallel_loop3A_865], %parallel_loop3A_862 : memref<4096xf32, #tpu.memory_space<vmem>>[vector<16xi32>], vector<16xf32>,
        %parallel_loop3A_870 = arith.constant 96 : i32
        %parallel_loop3A_871 = vector.broadcast %parallel_loop3A_870 : i32 to vector<16xi32>
        %parallel_loop3A_872 = arith.addi %iota3A, %parallel_loop3A_871 : vector<16xi32>
        %parallel_loop3A_873 = arith.constant 2 : i32
        %parallel_loop3A_874 = arith.constant 0 : i32
        %parallel_loop3A_875 = arith.constant 0 : i32
        %parallel_loop3A_876 = tpu.memref_slice %arg6[%parallel_loop3A_873, %parallel_loop3A_874, %parallel_loop3A_875] : memref<4x128x32xf32, #tpu.memory_space<vmem>> -> memref<1x128x32xf32, #tpu.memory_space<vmem>>
        %parallel_loop3A_877 = tpu.memref_squeeze %parallel_loop3A_876 : memref<1x128x32xf32, #tpu.memory_space<vmem>> -> memref<128x32xf32, #tpu.memory_space<vmem>>
        %parallel_loop3A_878 = tpu.vector_load_idx %parallel_loop3A_877[%parallel_loop3A_872, %parallel_loop3A_773] : memref<128x32xf32, #tpu.memory_space<vmem>>[vector<16xi32>, vector<16xi32>], vector<16xf32>,
        %parallel_loop3A_879 = arith.constant 96 : i32
        %parallel_loop3A_880 = vector.broadcast %parallel_loop3A_879 : i32 to vector<16xi32>
        %parallel_loop3A_881 = arith.addi %parallel_loop3A_770, %parallel_loop3A_880 : vector<16xi32>
        %parallel_loop3A_882 = arith.constant 2 : i32
        %parallel_loop3A_883 = arith.constant 0 : i32
        %parallel_loop3A_884 = tpu.memref_slice %arg7[%parallel_loop3A_882, %parallel_loop3A_883] : memref<4x4096xf32, #tpu.memory_space<vmem>> -> memref<1x4096xf32, #tpu.memory_space<vmem>>
        %parallel_loop3A_885 = tpu.memref_squeeze %parallel_loop3A_884 : memref<1x4096xf32, #tpu.memory_space<vmem>> -> memref<4096xf32, #tpu.memory_space<vmem>>
        tpu.vector_store_idx %parallel_loop3A_885[%parallel_loop3A_881], %parallel_loop3A_878 : memref<4096xf32, #tpu.memory_space<vmem>>[vector<16xi32>], vector<16xf32>,
        %parallel_loop3A_886 = arith.constant 112 : i32
        %parallel_loop3A_887 = vector.broadcast %parallel_loop3A_886 : i32 to vector<16xi32>
        %parallel_loop3A_888 = arith.addi %iota3A, %parallel_loop3A_887 : vector<16xi32>
        %parallel_loop3A_889 = arith.constant 2 : i32
        %parallel_loop3A_890 = arith.constant 0 : i32
        %parallel_loop3A_891 = arith.constant 0 : i32
        %parallel_loop3A_892 = tpu.memref_slice %arg6[%parallel_loop3A_889, %parallel_loop3A_890, %parallel_loop3A_891] : memref<4x128x32xf32, #tpu.memory_space<vmem>> -> memref<1x128x32xf32, #tpu.memory_space<vmem>>
        %parallel_loop3A_893 = tpu.memref_squeeze %parallel_loop3A_892 : memref<1x128x32xf32, #tpu.memory_space<vmem>> -> memref<128x32xf32, #tpu.memory_space<vmem>>
        %parallel_loop3A_894 = tpu.vector_load_idx %parallel_loop3A_893[%parallel_loop3A_888, %parallel_loop3A_773] : memref<128x32xf32, #tpu.memory_space<vmem>>[vector<16xi32>, vector<16xi32>], vector<16xf32>,
        %parallel_loop3A_895 = arith.constant 112 : i32
        %parallel_loop3A_896 = vector.broadcast %parallel_loop3A_895 : i32 to vector<16xi32>
        %parallel_loop3A_897 = arith.addi %parallel_loop3A_770, %parallel_loop3A_896 : vector<16xi32>
        %parallel_loop3A_898 = arith.constant 2 : i32
        %parallel_loop3A_899 = arith.constant 0 : i32
        %parallel_loop3A_900 = tpu.memref_slice %arg7[%parallel_loop3A_898, %parallel_loop3A_899] : memref<4x4096xf32, #tpu.memory_space<vmem>> -> memref<1x4096xf32, #tpu.memory_space<vmem>>
        %parallel_loop3A_901 = tpu.memref_squeeze %parallel_loop3A_900 : memref<1x4096xf32, #tpu.memory_space<vmem>> -> memref<4096xf32, #tpu.memory_space<vmem>>
        tpu.vector_store_idx %parallel_loop3A_901[%parallel_loop3A_897], %parallel_loop3A_894 : memref<4096xf32, #tpu.memory_space<vmem>>[vector<16xi32>], vector<16xf32>,
        %parallel_loop3A_902 = arith.constant 16 : i32
        %parallel_loop3A_903 = vector.broadcast %parallel_loop3A_902 : i32 to vector<16xi32>
        %parallel_loop3A_904 = arith.addi %parallel_loop3A_766, %parallel_loop3A_903 : vector<16xi32>
        %parallel_loop3A_905 = arith.constant 0 : i32
        %parallel_loop3A_906 = vector.broadcast %parallel_loop3A_905 : i32 to vector<16xi32>
        %parallel_loop3A_907 = arith.addi %iota3A, %parallel_loop3A_906 : vector<16xi32>
        %parallel_loop3A_908 = arith.constant 2 : i32
        %parallel_loop3A_909 = arith.constant 0 : i32
        %parallel_loop3A_910 = arith.constant 0 : i32
        %parallel_loop3A_911 = tpu.memref_slice %arg6[%parallel_loop3A_908, %parallel_loop3A_909, %parallel_loop3A_910] : memref<4x128x32xf32, #tpu.memory_space<vmem>> -> memref<1x128x32xf32, #tpu.memory_space<vmem>>
        %parallel_loop3A_912 = tpu.memref_squeeze %parallel_loop3A_911 : memref<1x128x32xf32, #tpu.memory_space<vmem>> -> memref<128x32xf32, #tpu.memory_space<vmem>>
        %parallel_loop3A_913 = tpu.vector_load_idx %parallel_loop3A_912[%parallel_loop3A_907, %parallel_loop3A_904] : memref<128x32xf32, #tpu.memory_space<vmem>>[vector<16xi32>, vector<16xi32>], vector<16xf32>,
        %parallel_loop3A_914 = arith.constant 2048 : i32
        %parallel_loop3A_915 = vector.broadcast %parallel_loop3A_914 : i32 to vector<16xi32>
        %parallel_loop3A_916 = arith.addi %parallel_loop3A_770, %parallel_loop3A_915 : vector<16xi32>
        %parallel_loop3A_917 = arith.constant 2 : i32
        %parallel_loop3A_918 = arith.constant 0 : i32
        %parallel_loop3A_919 = tpu.memref_slice %arg7[%parallel_loop3A_917, %parallel_loop3A_918] : memref<4x4096xf32, #tpu.memory_space<vmem>> -> memref<1x4096xf32, #tpu.memory_space<vmem>>
        %parallel_loop3A_920 = tpu.memref_squeeze %parallel_loop3A_919 : memref<1x4096xf32, #tpu.memory_space<vmem>> -> memref<4096xf32, #tpu.memory_space<vmem>>
        tpu.vector_store_idx %parallel_loop3A_920[%parallel_loop3A_916], %parallel_loop3A_913 : memref<4096xf32, #tpu.memory_space<vmem>>[vector<16xi32>], vector<16xf32>,
        %parallel_loop3A_921 = arith.constant 16 : i32
        %parallel_loop3A_922 = vector.broadcast %parallel_loop3A_921 : i32 to vector<16xi32>
        %parallel_loop3A_923 = arith.addi %iota3A, %parallel_loop3A_922 : vector<16xi32>
        %parallel_loop3A_924 = arith.constant 2 : i32
        %parallel_loop3A_925 = arith.constant 0 : i32
        %parallel_loop3A_926 = arith.constant 0 : i32
        %parallel_loop3A_927 = tpu.memref_slice %arg6[%parallel_loop3A_924, %parallel_loop3A_925, %parallel_loop3A_926] : memref<4x128x32xf32, #tpu.memory_space<vmem>> -> memref<1x128x32xf32, #tpu.memory_space<vmem>>
        %parallel_loop3A_928 = tpu.memref_squeeze %parallel_loop3A_927 : memref<1x128x32xf32, #tpu.memory_space<vmem>> -> memref<128x32xf32, #tpu.memory_space<vmem>>
        %parallel_loop3A_929 = tpu.vector_load_idx %parallel_loop3A_928[%parallel_loop3A_923, %parallel_loop3A_904] : memref<128x32xf32, #tpu.memory_space<vmem>>[vector<16xi32>, vector<16xi32>], vector<16xf32>,
        %parallel_loop3A_930 = arith.constant 2064 : i32
        %parallel_loop3A_931 = vector.broadcast %parallel_loop3A_930 : i32 to vector<16xi32>
        %parallel_loop3A_932 = arith.addi %parallel_loop3A_770, %parallel_loop3A_931 : vector<16xi32>
        %parallel_loop3A_933 = arith.constant 2 : i32
        %parallel_loop3A_934 = arith.constant 0 : i32
        %parallel_loop3A_935 = tpu.memref_slice %arg7[%parallel_loop3A_933, %parallel_loop3A_934] : memref<4x4096xf32, #tpu.memory_space<vmem>> -> memref<1x4096xf32, #tpu.memory_space<vmem>>
        %parallel_loop3A_936 = tpu.memref_squeeze %parallel_loop3A_935 : memref<1x4096xf32, #tpu.memory_space<vmem>> -> memref<4096xf32, #tpu.memory_space<vmem>>
        tpu.vector_store_idx %parallel_loop3A_936[%parallel_loop3A_932], %parallel_loop3A_929 : memref<4096xf32, #tpu.memory_space<vmem>>[vector<16xi32>], vector<16xf32>,
        %parallel_loop3A_937 = arith.constant 32 : i32
        %parallel_loop3A_938 = vector.broadcast %parallel_loop3A_937 : i32 to vector<16xi32>
        %parallel_loop3A_939 = arith.addi %iota3A, %parallel_loop3A_938 : vector<16xi32>
        %parallel_loop3A_940 = arith.constant 2 : i32
        %parallel_loop3A_941 = arith.constant 0 : i32
        %parallel_loop3A_942 = arith.constant 0 : i32
        %parallel_loop3A_943 = tpu.memref_slice %arg6[%parallel_loop3A_940, %parallel_loop3A_941, %parallel_loop3A_942] : memref<4x128x32xf32, #tpu.memory_space<vmem>> -> memref<1x128x32xf32, #tpu.memory_space<vmem>>
        %parallel_loop3A_944 = tpu.memref_squeeze %parallel_loop3A_943 : memref<1x128x32xf32, #tpu.memory_space<vmem>> -> memref<128x32xf32, #tpu.memory_space<vmem>>
        %parallel_loop3A_945 = tpu.vector_load_idx %parallel_loop3A_944[%parallel_loop3A_939, %parallel_loop3A_904] : memref<128x32xf32, #tpu.memory_space<vmem>>[vector<16xi32>, vector<16xi32>], vector<16xf32>,
        %parallel_loop3A_946 = arith.constant 2080 : i32
        %parallel_loop3A_947 = vector.broadcast %parallel_loop3A_946 : i32 to vector<16xi32>
        %parallel_loop3A_948 = arith.addi %parallel_loop3A_770, %parallel_loop3A_947 : vector<16xi32>
        %parallel_loop3A_949 = arith.constant 2 : i32
        %parallel_loop3A_950 = arith.constant 0 : i32
        %parallel_loop3A_951 = tpu.memref_slice %arg7[%parallel_loop3A_949, %parallel_loop3A_950] : memref<4x4096xf32, #tpu.memory_space<vmem>> -> memref<1x4096xf32, #tpu.memory_space<vmem>>
        %parallel_loop3A_952 = tpu.memref_squeeze %parallel_loop3A_951 : memref<1x4096xf32, #tpu.memory_space<vmem>> -> memref<4096xf32, #tpu.memory_space<vmem>>
        tpu.vector_store_idx %parallel_loop3A_952[%parallel_loop3A_948], %parallel_loop3A_945 : memref<4096xf32, #tpu.memory_space<vmem>>[vector<16xi32>], vector<16xf32>,
        %parallel_loop3A_953 = arith.constant 48 : i32
        %parallel_loop3A_954 = vector.broadcast %parallel_loop3A_953 : i32 to vector<16xi32>
        %parallel_loop3A_955 = arith.addi %iota3A, %parallel_loop3A_954 : vector<16xi32>
        %parallel_loop3A_956 = arith.constant 2 : i32
        %parallel_loop3A_957 = arith.constant 0 : i32
        %parallel_loop3A_958 = arith.constant 0 : i32
        %parallel_loop3A_959 = tpu.memref_slice %arg6[%parallel_loop3A_956, %parallel_loop3A_957, %parallel_loop3A_958] : memref<4x128x32xf32, #tpu.memory_space<vmem>> -> memref<1x128x32xf32, #tpu.memory_space<vmem>>
        %parallel_loop3A_960 = tpu.memref_squeeze %parallel_loop3A_959 : memref<1x128x32xf32, #tpu.memory_space<vmem>> -> memref<128x32xf32, #tpu.memory_space<vmem>>
        %parallel_loop3A_961 = tpu.vector_load_idx %parallel_loop3A_960[%parallel_loop3A_955, %parallel_loop3A_904] : memref<128x32xf32, #tpu.memory_space<vmem>>[vector<16xi32>, vector<16xi32>], vector<16xf32>,
        %parallel_loop3A_962 = arith.constant 2096 : i32
        %parallel_loop3A_963 = vector.broadcast %parallel_loop3A_962 : i32 to vector<16xi32>
        %parallel_loop3A_964 = arith.addi %parallel_loop3A_770, %parallel_loop3A_963 : vector<16xi32>
        %parallel_loop3A_965 = arith.constant 2 : i32
        %parallel_loop3A_966 = arith.constant 0 : i32
        %parallel_loop3A_967 = tpu.memref_slice %arg7[%parallel_loop3A_965, %parallel_loop3A_966] : memref<4x4096xf32, #tpu.memory_space<vmem>> -> memref<1x4096xf32, #tpu.memory_space<vmem>>
        %parallel_loop3A_968 = tpu.memref_squeeze %parallel_loop3A_967 : memref<1x4096xf32, #tpu.memory_space<vmem>> -> memref<4096xf32, #tpu.memory_space<vmem>>
        tpu.vector_store_idx %parallel_loop3A_968[%parallel_loop3A_964], %parallel_loop3A_961 : memref<4096xf32, #tpu.memory_space<vmem>>[vector<16xi32>], vector<16xf32>,
        %parallel_loop3A_969 = arith.constant 64 : i32
        %parallel_loop3A_970 = vector.broadcast %parallel_loop3A_969 : i32 to vector<16xi32>
        %parallel_loop3A_971 = arith.addi %iota3A, %parallel_loop3A_970 : vector<16xi32>
        %parallel_loop3A_972 = arith.constant 2 : i32
        %parallel_loop3A_973 = arith.constant 0 : i32
        %parallel_loop3A_974 = arith.constant 0 : i32
        %parallel_loop3A_975 = tpu.memref_slice %arg6[%parallel_loop3A_972, %parallel_loop3A_973, %parallel_loop3A_974] : memref<4x128x32xf32, #tpu.memory_space<vmem>> -> memref<1x128x32xf32, #tpu.memory_space<vmem>>
        %parallel_loop3A_976 = tpu.memref_squeeze %parallel_loop3A_975 : memref<1x128x32xf32, #tpu.memory_space<vmem>> -> memref<128x32xf32, #tpu.memory_space<vmem>>
        %parallel_loop3A_977 = tpu.vector_load_idx %parallel_loop3A_976[%parallel_loop3A_971, %parallel_loop3A_904] : memref<128x32xf32, #tpu.memory_space<vmem>>[vector<16xi32>, vector<16xi32>], vector<16xf32>,
        %parallel_loop3A_978 = arith.constant 2112 : i32
        %parallel_loop3A_979 = vector.broadcast %parallel_loop3A_978 : i32 to vector<16xi32>
        %parallel_loop3A_980 = arith.addi %parallel_loop3A_770, %parallel_loop3A_979 : vector<16xi32>
        %parallel_loop3A_981 = arith.constant 2 : i32
        %parallel_loop3A_982 = arith.constant 0 : i32
        %parallel_loop3A_983 = tpu.memref_slice %arg7[%parallel_loop3A_981, %parallel_loop3A_982] : memref<4x4096xf32, #tpu.memory_space<vmem>> -> memref<1x4096xf32, #tpu.memory_space<vmem>>
        %parallel_loop3A_984 = tpu.memref_squeeze %parallel_loop3A_983 : memref<1x4096xf32, #tpu.memory_space<vmem>> -> memref<4096xf32, #tpu.memory_space<vmem>>
        tpu.vector_store_idx %parallel_loop3A_984[%parallel_loop3A_980], %parallel_loop3A_977 : memref<4096xf32, #tpu.memory_space<vmem>>[vector<16xi32>], vector<16xf32>,
        %parallel_loop3A_985 = arith.constant 80 : i32
        %parallel_loop3A_986 = vector.broadcast %parallel_loop3A_985 : i32 to vector<16xi32>
        %parallel_loop3A_987 = arith.addi %iota3A, %parallel_loop3A_986 : vector<16xi32>
        %parallel_loop3A_988 = arith.constant 2 : i32
        %parallel_loop3A_989 = arith.constant 0 : i32
        %parallel_loop3A_990 = arith.constant 0 : i32
        %parallel_loop3A_991 = tpu.memref_slice %arg6[%parallel_loop3A_988, %parallel_loop3A_989, %parallel_loop3A_990] : memref<4x128x32xf32, #tpu.memory_space<vmem>> -> memref<1x128x32xf32, #tpu.memory_space<vmem>>
        %parallel_loop3A_992 = tpu.memref_squeeze %parallel_loop3A_991 : memref<1x128x32xf32, #tpu.memory_space<vmem>> -> memref<128x32xf32, #tpu.memory_space<vmem>>
        %parallel_loop3A_993 = tpu.vector_load_idx %parallel_loop3A_992[%parallel_loop3A_987, %parallel_loop3A_904] : memref<128x32xf32, #tpu.memory_space<vmem>>[vector<16xi32>, vector<16xi32>], vector<16xf32>,
        %parallel_loop3A_994 = arith.constant 2128 : i32
        %parallel_loop3A_995 = vector.broadcast %parallel_loop3A_994 : i32 to vector<16xi32>
        %parallel_loop3A_996 = arith.addi %parallel_loop3A_770, %parallel_loop3A_995 : vector<16xi32>
        %parallel_loop3A_997 = arith.constant 2 : i32
        %parallel_loop3A_998 = arith.constant 0 : i32
        %parallel_loop3A_999 = tpu.memref_slice %arg7[%parallel_loop3A_997, %parallel_loop3A_998] : memref<4x4096xf32, #tpu.memory_space<vmem>> -> memref<1x4096xf32, #tpu.memory_space<vmem>>
        %parallel_loop3A_1000 = tpu.memref_squeeze %parallel_loop3A_999 : memref<1x4096xf32, #tpu.memory_space<vmem>> -> memref<4096xf32, #tpu.memory_space<vmem>>
        tpu.vector_store_idx %parallel_loop3A_1000[%parallel_loop3A_996], %parallel_loop3A_993 : memref<4096xf32, #tpu.memory_space<vmem>>[vector<16xi32>], vector<16xf32>,
        %parallel_loop3A_1001 = arith.constant 96 : i32
        %parallel_loop3A_1002 = vector.broadcast %parallel_loop3A_1001 : i32 to vector<16xi32>
        %parallel_loop3A_1003 = arith.addi %iota3A, %parallel_loop3A_1002 : vector<16xi32>
        %parallel_loop3A_1004 = arith.constant 2 : i32
        %parallel_loop3A_1005 = arith.constant 0 : i32
        %parallel_loop3A_1006 = arith.constant 0 : i32
        %parallel_loop3A_1007 = tpu.memref_slice %arg6[%parallel_loop3A_1004, %parallel_loop3A_1005, %parallel_loop3A_1006] : memref<4x128x32xf32, #tpu.memory_space<vmem>> -> memref<1x128x32xf32, #tpu.memory_space<vmem>>
        %parallel_loop3A_1008 = tpu.memref_squeeze %parallel_loop3A_1007 : memref<1x128x32xf32, #tpu.memory_space<vmem>> -> memref<128x32xf32, #tpu.memory_space<vmem>>
        %parallel_loop3A_1009 = tpu.vector_load_idx %parallel_loop3A_1008[%parallel_loop3A_1003, %parallel_loop3A_904] : memref<128x32xf32, #tpu.memory_space<vmem>>[vector<16xi32>, vector<16xi32>], vector<16xf32>,
        %parallel_loop3A_1010 = arith.constant 2144 : i32
        %parallel_loop3A_1011 = vector.broadcast %parallel_loop3A_1010 : i32 to vector<16xi32>
        %parallel_loop3A_1012 = arith.addi %parallel_loop3A_770, %parallel_loop3A_1011 : vector<16xi32>
        %parallel_loop3A_1013 = arith.constant 2 : i32
        %parallel_loop3A_1014 = arith.constant 0 : i32
        %parallel_loop3A_1015 = tpu.memref_slice %arg7[%parallel_loop3A_1013, %parallel_loop3A_1014] : memref<4x4096xf32, #tpu.memory_space<vmem>> -> memref<1x4096xf32, #tpu.memory_space<vmem>>
        %parallel_loop3A_1016 = tpu.memref_squeeze %parallel_loop3A_1015 : memref<1x4096xf32, #tpu.memory_space<vmem>> -> memref<4096xf32, #tpu.memory_space<vmem>>
        tpu.vector_store_idx %parallel_loop3A_1016[%parallel_loop3A_1012], %parallel_loop3A_1009 : memref<4096xf32, #tpu.memory_space<vmem>>[vector<16xi32>], vector<16xf32>,
        %parallel_loop3A_1017 = arith.constant 112 : i32
        %parallel_loop3A_1018 = vector.broadcast %parallel_loop3A_1017 : i32 to vector<16xi32>
        %parallel_loop3A_1019 = arith.addi %iota3A, %parallel_loop3A_1018 : vector<16xi32>
        %parallel_loop3A_1020 = arith.constant 2 : i32
        %parallel_loop3A_1021 = arith.constant 0 : i32
        %parallel_loop3A_1022 = arith.constant 0 : i32
        %parallel_loop3A_1023 = tpu.memref_slice %arg6[%parallel_loop3A_1020, %parallel_loop3A_1021, %parallel_loop3A_1022] : memref<4x128x32xf32, #tpu.memory_space<vmem>> -> memref<1x128x32xf32, #tpu.memory_space<vmem>>
        %parallel_loop3A_1024 = tpu.memref_squeeze %parallel_loop3A_1023 : memref<1x128x32xf32, #tpu.memory_space<vmem>> -> memref<128x32xf32, #tpu.memory_space<vmem>>
        %parallel_loop3A_1025 = tpu.vector_load_idx %parallel_loop3A_1024[%parallel_loop3A_1019, %parallel_loop3A_904] : memref<128x32xf32, #tpu.memory_space<vmem>>[vector<16xi32>, vector<16xi32>], vector<16xf32>,
        %parallel_loop3A_1026 = arith.constant 2160 : i32
        %parallel_loop3A_1027 = vector.broadcast %parallel_loop3A_1026 : i32 to vector<16xi32>
        %parallel_loop3A_1028 = arith.addi %parallel_loop3A_770, %parallel_loop3A_1027 : vector<16xi32>
        %parallel_loop3A_1029 = arith.constant 2 : i32
        %parallel_loop3A_1030 = arith.constant 0 : i32
        %parallel_loop3A_1031 = tpu.memref_slice %arg7[%parallel_loop3A_1029, %parallel_loop3A_1030] : memref<4x4096xf32, #tpu.memory_space<vmem>> -> memref<1x4096xf32, #tpu.memory_space<vmem>>
        %parallel_loop3A_1032 = tpu.memref_squeeze %parallel_loop3A_1031 : memref<1x4096xf32, #tpu.memory_space<vmem>> -> memref<4096xf32, #tpu.memory_space<vmem>>
        tpu.vector_store_idx %parallel_loop3A_1032[%parallel_loop3A_1028], %parallel_loop3A_1025 : memref<4096xf32, #tpu.memory_space<vmem>>[vector<16xi32>], vector<16xf32>,
      } {sc.loop_unroll_factor = 2 : i64, sc.parallel_access}
      %jit3A_479 = arith.constant 128 : i32
      %div3A_480 = arith.divsi %add3A_447, %jit3A_479 : i32
      %sign3A_481 = arith.constant 0 : i32
      %sign3A_482 = arith.cmpi sgt, %add3A_447, %sign3A_481 : i32
      %sign3A_483 = arith.extui %sign3A_482 : i1 to i32
      %sign3A_484 = arith.constant 0 : i32
      %sign3A_485 = arith.cmpi slt, %add3A_447, %sign3A_484 : i32
      %sign3A_486 = arith.extui %sign3A_485 : i1 to i32
      %sign3A_487 = arith.subi %sign3A_483, %sign3A_486 : i32
      %sign3A_488 = arith.constant 0 : i32
      %sign3A_489 = arith.cmpi sgt, %jit3A_479, %sign3A_488 : i32
      %sign3A_490 = arith.extui %sign3A_489 : i1 to i32
      %sign3A_491 = arith.constant 0 : i32
      %sign3A_492 = arith.cmpi slt, %jit3A_479, %sign3A_491 : i32
      %sign3A_493 = arith.extui %sign3A_492 : i1 to i32
      %sign3A_494 = arith.subi %sign3A_490, %sign3A_493 : i32
      %ne3A_495 = arith.cmpi ne, %sign3A_487, %sign3A_494 : i32
      %rem3A_496 = arith.remsi %add3A_447, %jit3A_479 : i32
      %ne3A_497 = arith.constant 0 : i32
      %ne3A_498 = arith.cmpi ne, %rem3A_496, %ne3A_497 : i32
      %and3A_499 = arith.andi %ne3A_495, %ne3A_498 : i1
      %sub3A_500 = arith.constant 1 : i32
      %sub3A_501 = arith.subi %div3A_480, %sub3A_500 : i32
      %select_n3A_502 = arith.select %and3A_499, %sub3A_501, %div3A_480 : i32
      %rem3A_503 = arith.constant 128 : i32
      %rem3A_504 = arith.remsi %add3A_447, %rem3A_503 : i32
      %mul3A_505 = arith.constant 4 : i32
      %mul3A_506 = arith.muli %select_n3A_502, %mul3A_505 : i32
      %mul3A_507 = arith.constant 128 : i32
      %mul3A_508 = arith.muli %mul3A_506, %mul3A_507 : i32
      %add3A_509 = arith.constant 0 : i32
      %add3A_510 = arith.addi %mul3A_508, %add3A_509 : i32
      %add3A_511 = arith.addi %add3A_510, %rem3A_504 : i32
      %mul3A_512 = arith.constant 8 : i32
      %mul3A_513 = arith.muli %add3A_511, %mul3A_512 : i32
      %mul3A_514 = arith.constant 128 : i32
      %mul3A_515 = arith.muli %mul3A_513, %mul3A_514 : i32
      %dma_start3A_516 = arith.constant 2 : i32
      %dma_start3A_517 = arith.constant 2 : i32
      %dma_start3A_518 = arith.constant 0 : i32
      %dma_start3A_519 = tpu.memref_slice %arg7[%dma_start3A_516, %dma_start3A_518] : memref<4x4096xf32, #tpu.memory_space<vmem>> -> memref<1x1024xf32, #tpu.memory_space<vmem>>
      %dma_start3A_520 = tpu.memref_squeeze %dma_start3A_519 : memref<1x1024xf32, #tpu.memory_space<vmem>> -> memref<1024xf32, #tpu.memory_space<vmem>>
      %dma_start3A_521 = tpu.memref_slice %arg4[%mul3A_515] : memref<104857600xf32, #tpu.memory_space<hbm>> -> memref<1024xf32, #tpu.memory_space<hbm>>
      %dma_start3A_522 = tpu.memref_slice %arg10[%dma_start3A_517] : memref<4x!tpu.dma_semaphore, #tpu.memory_space<semaphore_mem>> -> memref<1x!tpu.dma_semaphore, #tpu.memory_space<semaphore_mem>>
      %dma_start3A_523 = tpu.memref_squeeze %dma_start3A_522 : memref<1x!tpu.dma_semaphore, #tpu.memory_space<semaphore_mem>> -> memref<!tpu.dma_semaphore, #tpu.memory_space<semaphore_mem>>
      %dma_start3A_524 = tpu.memref_slice %arg4[%mul3A_515] : memref<104857600xf32, #tpu.memory_space<hbm>> -> memref<1024xf32, #tpu.memory_space<hbm>>
      %dma_start3A_525 = arith.constant 0 : i32
      %dma_start3A_526 = tpu.memref_slice %arg7[%dma_start3A_516, %dma_start3A_525] : memref<4x4096xf32, #tpu.memory_space<vmem>> -> memref<1x1024xf32, #tpu.memory_space<vmem>>
      %dma_start3A_527 = tpu.memref_squeeze %dma_start3A_526 : memref<1x1024xf32, #tpu.memory_space<vmem>> -> memref<1024xf32, #tpu.memory_space<vmem>>
      tpu.enqueue_dma source(%dma_start3A_527 : memref<1024xf32, #tpu.memory_space<vmem>>) target(%dma_start3A_524 : memref<1024xf32, #tpu.memory_space<hbm>>) target_semaphore(%dma_start3A_523 : memref<!tpu.dma_semaphore, #tpu.memory_space<semaphore_mem>>)
      %mul3A_528 = arith.constant 4 : i32
      %mul3A_529 = arith.muli %select_n3A_502, %mul3A_528 : i32
      %mul3A_530 = arith.constant 128 : i32
      %mul3A_531 = arith.muli %mul3A_529, %mul3A_530 : i32
      %add3A_532 = arith.constant 128 : i32
      %add3A_533 = arith.addi %mul3A_531, %add3A_532 : i32
      %add3A_534 = arith.addi %add3A_533, %rem3A_504 : i32
      %mul3A_535 = arith.constant 8 : i32
      %mul3A_536 = arith.muli %add3A_534, %mul3A_535 : i32
      %mul3A_537 = arith.constant 128 : i32
      %mul3A_538 = arith.muli %mul3A_536, %mul3A_537 : i32
      %dma_start3A_539 = arith.constant 2 : i32
      %dma_start3A_540 = arith.constant 2 : i32
      %dma_start3A_541 = arith.constant 1024 : i32
      %dma_start3A_542 = tpu.memref_slice %arg7[%dma_start3A_539, %dma_start3A_541] : memref<4x4096xf32, #tpu.memory_space<vmem>> -> memref<1x1024xf32, #tpu.memory_space<vmem>>
      %dma_start3A_543 = tpu.memref_squeeze %dma_start3A_542 : memref<1x1024xf32, #tpu.memory_space<vmem>> -> memref<1024xf32, #tpu.memory_space<vmem>>
      %dma_start3A_544 = tpu.memref_slice %arg4[%mul3A_538] : memref<104857600xf32, #tpu.memory_space<hbm>> -> memref<1024xf32, #tpu.memory_space<hbm>>
      %dma_start3A_545 = tpu.memref_slice %arg10[%dma_start3A_540] : memref<4x!tpu.dma_semaphore, #tpu.memory_space<semaphore_mem>> -> memref<1x!tpu.dma_semaphore, #tpu.memory_space<semaphore_mem>>
      %dma_start3A_546 = tpu.memref_squeeze %dma_start3A_545 : memref<1x!tpu.dma_semaphore, #tpu.memory_space<semaphore_mem>> -> memref<!tpu.dma_semaphore, #tpu.memory_space<semaphore_mem>>
      %dma_start3A_547 = tpu.memref_slice %arg4[%mul3A_538] : memref<104857600xf32, #tpu.memory_space<hbm>> -> memref<1024xf32, #tpu.memory_space<hbm>>
      %dma_start3A_548 = arith.constant 1024 : i32
      %dma_start3A_549 = tpu.memref_slice %arg7[%dma_start3A_539, %dma_start3A_548] : memref<4x4096xf32, #tpu.memory_space<vmem>> -> memref<1x1024xf32, #tpu.memory_space<vmem>>
      %dma_start3A_550 = tpu.memref_squeeze %dma_start3A_549 : memref<1x1024xf32, #tpu.memory_space<vmem>> -> memref<1024xf32, #tpu.memory_space<vmem>>
      tpu.enqueue_dma source(%dma_start3A_550 : memref<1024xf32, #tpu.memory_space<vmem>>) target(%dma_start3A_547 : memref<1024xf32, #tpu.memory_space<hbm>>) target_semaphore(%dma_start3A_546 : memref<!tpu.dma_semaphore, #tpu.memory_space<semaphore_mem>>)
      %mul3A_551 = arith.constant 4 : i32
      %mul3A_552 = arith.muli %select_n3A_502, %mul3A_551 : i32
      %mul3A_553 = arith.constant 128 : i32
      %mul3A_554 = arith.muli %mul3A_552, %mul3A_553 : i32
      %add3A_555 = arith.constant 256 : i32
      %add3A_556 = arith.addi %mul3A_554, %add3A_555 : i32
      %add3A_557 = arith.addi %add3A_556, %rem3A_504 : i32
      %mul3A_558 = arith.constant 8 : i32
      %mul3A_559 = arith.muli %add3A_557, %mul3A_558 : i32
      %mul3A_560 = arith.constant 128 : i32
      %mul3A_561 = arith.muli %mul3A_559, %mul3A_560 : i32
      %dma_start3A_562 = arith.constant 2 : i32
      %dma_start3A_563 = arith.constant 2 : i32
      %dma_start3A_564 = arith.constant 2048 : i32
      %dma_start3A_565 = tpu.memref_slice %arg7[%dma_start3A_562, %dma_start3A_564] : memref<4x4096xf32, #tpu.memory_space<vmem>> -> memref<1x1024xf32, #tpu.memory_space<vmem>>
      %dma_start3A_566 = tpu.memref_squeeze %dma_start3A_565 : memref<1x1024xf32, #tpu.memory_space<vmem>> -> memref<1024xf32, #tpu.memory_space<vmem>>
      %dma_start3A_567 = tpu.memref_slice %arg4[%mul3A_561] : memref<104857600xf32, #tpu.memory_space<hbm>> -> memref<1024xf32, #tpu.memory_space<hbm>>
      %dma_start3A_568 = tpu.memref_slice %arg10[%dma_start3A_563] : memref<4x!tpu.dma_semaphore, #tpu.memory_space<semaphore_mem>> -> memref<1x!tpu.dma_semaphore, #tpu.memory_space<semaphore_mem>>
      %dma_start3A_569 = tpu.memref_squeeze %dma_start3A_568 : memref<1x!tpu.dma_semaphore, #tpu.memory_space<semaphore_mem>> -> memref<!tpu.dma_semaphore, #tpu.memory_space<semaphore_mem>>
      %dma_start3A_570 = tpu.memref_slice %arg4[%mul3A_561] : memref<104857600xf32, #tpu.memory_space<hbm>> -> memref<1024xf32, #tpu.memory_space<hbm>>
      %dma_start3A_571 = arith.constant 2048 : i32
      %dma_start3A_572 = tpu.memref_slice %arg7[%dma_start3A_562, %dma_start3A_571] : memref<4x4096xf32, #tpu.memory_space<vmem>> -> memref<1x1024xf32, #tpu.memory_space<vmem>>
      %dma_start3A_573 = tpu.memref_squeeze %dma_start3A_572 : memref<1x1024xf32, #tpu.memory_space<vmem>> -> memref<1024xf32, #tpu.memory_space<vmem>>
      tpu.enqueue_dma source(%dma_start3A_573 : memref<1024xf32, #tpu.memory_space<vmem>>) target(%dma_start3A_570 : memref<1024xf32, #tpu.memory_space<hbm>>) target_semaphore(%dma_start3A_569 : memref<!tpu.dma_semaphore, #tpu.memory_space<semaphore_mem>>)
      %mul3A_574 = arith.constant 4 : i32
      %mul3A_575 = arith.muli %select_n3A_502, %mul3A_574 : i32
      %mul3A_576 = arith.constant 128 : i32
      %mul3A_577 = arith.muli %mul3A_575, %mul3A_576 : i32
      %add3A_578 = arith.constant 384 : i32
      %add3A_579 = arith.addi %mul3A_577, %add3A_578 : i32
      %add3A_580 = arith.addi %add3A_579, %rem3A_504 : i32
      %mul3A_581 = arith.constant 8 : i32
      %mul3A_582 = arith.muli %add3A_580, %mul3A_581 : i32
      %mul3A_583 = arith.constant 128 : i32
      %mul3A_584 = arith.muli %mul3A_582, %mul3A_583 : i32
      %dma_start3A_585 = arith.constant 2 : i32
      %dma_start3A_586 = arith.constant 2 : i32
      %dma_start3A_587 = arith.constant 3072 : i32
      %dma_start3A_588 = tpu.memref_slice %arg7[%dma_start3A_585, %dma_start3A_587] : memref<4x4096xf32, #tpu.memory_space<vmem>> -> memref<1x1024xf32, #tpu.memory_space<vmem>>
      %dma_start3A_589 = tpu.memref_squeeze %dma_start3A_588 : memref<1x1024xf32, #tpu.memory_space<vmem>> -> memref<1024xf32, #tpu.memory_space<vmem>>
      %dma_start3A_590 = tpu.memref_slice %arg4[%mul3A_584] : memref<104857600xf32, #tpu.memory_space<hbm>> -> memref<1024xf32, #tpu.memory_space<hbm>>
      %dma_start3A_591 = tpu.memref_slice %arg10[%dma_start3A_586] : memref<4x!tpu.dma_semaphore, #tpu.memory_space<semaphore_mem>> -> memref<1x!tpu.dma_semaphore, #tpu.memory_space<semaphore_mem>>
      %dma_start3A_592 = tpu.memref_squeeze %dma_start3A_591 : memref<1x!tpu.dma_semaphore, #tpu.memory_space<semaphore_mem>> -> memref<!tpu.dma_semaphore, #tpu.memory_space<semaphore_mem>>
      %dma_start3A_593 = tpu.memref_slice %arg4[%mul3A_584] : memref<104857600xf32, #tpu.memory_space<hbm>> -> memref<1024xf32, #tpu.memory_space<hbm>>
      %dma_start3A_594 = arith.constant 3072 : i32
      %dma_start3A_595 = tpu.memref_slice %arg7[%dma_start3A_585, %dma_start3A_594] : memref<4x4096xf32, #tpu.memory_space<vmem>> -> memref<1x1024xf32, #tpu.memory_space<vmem>>
      %dma_start3A_596 = tpu.memref_squeeze %dma_start3A_595 : memref<1x1024xf32, #tpu.memory_space<vmem>> -> memref<1024xf32, #tpu.memory_space<vmem>>
      tpu.enqueue_dma source(%dma_start3A_596 : memref<1024xf32, #tpu.memory_space<vmem>>) target(%dma_start3A_593 : memref<1024xf32, #tpu.memory_space<hbm>>) target_semaphore(%dma_start3A_592 : memref<!tpu.dma_semaphore, #tpu.memory_space<semaphore_mem>>)
      %lt3A_597 = arith.constant 199 : i32
      %lt3A_598 = arith.cmpi slt, %scan3A_137, %lt3A_597 : i32
      %convert_element_type3A_599 = arith.extui %lt3A_598 : i1 to i32
      %cond3A_600 = arith.constant 0 : i32
      %cond3A_601 = arith.cmpi ne, %convert_element_type3A_599, %cond3A_600 : i32
      scf.if %cond3A_601 {
        %dma_wait3A_761 = arith.constant 2 : i32
        %dma_wait3A_762 = arith.constant 2 : i32
        %dma_wait3A_763 = arith.constant 0 : i32
        %dma_wait3A_764 = arith.constant 0 : i32
        %dma_wait3A_765 = tpu.memref_slice %arg5[%dma_wait3A_761, %dma_wait3A_763, %dma_wait3A_764] : memref<4x1x128xi32, #tpu.memory_space<vmem>> -> memref<1x1x128xi32, #tpu.memory_space<vmem>>
        %dma_wait3A_766 = tpu.memref_squeeze %dma_wait3A_765 : memref<1x1x128xi32, #tpu.memory_space<vmem>> -> memref<1x128xi32, #tpu.memory_space<vmem>>
        %dma_wait3A_767 = arith.constant 0 : i32
        %dma_wait3A_768 = arith.constant 0 : i32
        %dma_wait3A_769 = tpu.memref_slice %arg2[%dma_wait3A_767, %dma_wait3A_768] : memref<25600x128xi32, #tpu.memory_space<hbm>> -> memref<1x128xi32, #tpu.memory_space<hbm>>
        %dma_wait3A_770 = tpu.memref_slice %arg8[%dma_wait3A_762] : memref<4x!tpu.dma_semaphore, #tpu.memory_space<semaphore_mem>> -> memref<1x!tpu.dma_semaphore, #tpu.memory_space<semaphore_mem>>
        %dma_wait3A_771 = tpu.memref_squeeze %dma_wait3A_770 : memref<1x!tpu.dma_semaphore, #tpu.memory_space<semaphore_mem>> -> memref<!tpu.dma_semaphore, #tpu.memory_space<semaphore_mem>>
        %dma_wait3A_772 = arith.constant 0 : i32
        %dma_wait3A_773 = arith.constant 0 : i32
        %dma_wait3A_774 = tpu.memref_slice %arg5[%dma_wait3A_761, %dma_wait3A_772, %dma_wait3A_773] : memref<4x1x128xi32, #tpu.memory_space<vmem>> -> memref<1x1x128xi32, #tpu.memory_space<vmem>>
        %dma_wait3A_775 = tpu.memref_squeeze %dma_wait3A_774 : memref<1x1x128xi32, #tpu.memory_space<vmem>> -> memref<1x128xi32, #tpu.memory_space<vmem>>
        %dma_wait3A_776 = arith.constant 0 : i32
        %dma_wait3A_777 = arith.constant 0 : i32
        %dma_wait3A_778 = tpu.memref_slice %arg2[%dma_wait3A_776, %dma_wait3A_777] : memref<25600x128xi32, #tpu.memory_space<hbm>> -> memref<1x128xi32, #tpu.memory_space<hbm>>
        tpu.wait_dma2 semaphore(%dma_wait3A_771 : memref<!tpu.dma_semaphore, #tpu.memory_space<semaphore_mem>>) src(%dma_wait3A_778 : memref<1x128xi32, #tpu.memory_space<hbm>>) dst(%dma_wait3A_775 : memref<1x128xi32, #tpu.memory_space<vmem>>)
        %dma_start3A_779 = arith.constant 2 : i32
        %dma_start3A_780 = arith.constant 0 : i32
        %dma_start3A_781 = arith.constant 2 : i32
        %dma_start3A_782 = arith.constant 2 : i32
        %dma_start3A_783 = arith.constant 0 : i32
        %dma_start3A_784 = arith.constant 0 : i32
        %dma_start3A_785 = tpu.memref_slice %arg6[%dma_start3A_781, %dma_start3A_783, %dma_start3A_784] : memref<4x128x32xf32, #tpu.memory_space<vmem>> -> memref<1x128x32xf32, #tpu.memory_space<vmem>>
        %dma_start3A_786 = tpu.memref_squeeze %dma_start3A_785 : memref<1x128x32xf32, #tpu.memory_space<vmem>> -> memref<128x32xf32, #tpu.memory_space<vmem>>
        %dma_start3A_787 = arith.constant 0 : i32
        %dma_start3A_788 = tpu.memref_slice %arg5[%dma_start3A_779, %dma_start3A_780, %dma_start3A_787] : memref<4x1x128xi32, #tpu.memory_space<vmem>> -> memref<1x1x128xi32, #tpu.memory_space<vmem>>
        %dma_start3A_789 = tpu.memref_squeeze %dma_start3A_788 : memref<1x1x128xi32, #tpu.memory_space<vmem>> -> memref<128xi32, #tpu.memory_space<vmem>>
        %dma_start3A_790 = arith.constant 0 : i32
        %dma_start3A_791 = arith.constant 0 : i32
        %dma_start3A_792 = tpu.memref_slice %arg3[%dma_start3A_790, %dma_start3A_791] : memref<1000000x32xf32, #tpu.memory_space<hbm>> -> memref<1000000x32xf32, #tpu.memory_space<hbm>>
        %dma_start3A_793 = tpu.memref_slice %arg9[%dma_start3A_782] : memref<4x!tpu.dma_semaphore, #tpu.memory_space<semaphore_mem>> -> memref<1x!tpu.dma_semaphore, #tpu.memory_space<semaphore_mem>>
        %dma_start3A_794 = tpu.memref_squeeze %dma_start3A_793 : memref<1x!tpu.dma_semaphore, #tpu.memory_space<semaphore_mem>> -> memref<!tpu.dma_semaphore, #tpu.memory_space<semaphore_mem>>
        tpu.enqueue_indirect_dma source(%dma_start3A_792 : memref<1000000x32xf32, #tpu.memory_space<hbm>>) target(%dma_start3A_786 : memref<128x32xf32, #tpu.memory_space<vmem>>) offsets(%dma_start3A_789 : memref<128xi32, #tpu.memory_space<vmem>>) semaphore(%dma_start3A_794 : memref<!tpu.dma_semaphore, #tpu.memory_space<semaphore_mem>>)
      } else {
      }
      %mul3A_602 = arith.constant 4 : i32
      %mul3A_603 = arith.muli %scan3A_137, %mul3A_602 : i32
      %add3A_604 = arith.addi %mul3A_2, %mul3A_603 : i32
      %add3A_605 = arith.constant 3 : i32
      %add3A_606 = arith.addi %add3A_604, %add3A_605 : i32
      %dma_wait3A_607 = arith.constant 3 : i32
      %dma_wait3A_608 = arith.constant 3 : i32
      %dma_wait3A_609 = arith.constant 0 : i32
      %dma_wait3A_610 = arith.constant 0 : i32
      %dma_wait3A_611 = tpu.memref_slice %arg6[%dma_wait3A_607, %dma_wait3A_609, %dma_wait3A_610] : memref<4x128x32xf32, #tpu.memory_space<vmem>> -> memref<1x128x32xf32, #tpu.memory_space<vmem>>
      %dma_wait3A_612 = tpu.memref_squeeze %dma_wait3A_611 : memref<1x128x32xf32, #tpu.memory_space<vmem>> -> memref<128x32xf32, #tpu.memory_space<vmem>>
      %dma_wait3A_613 = arith.constant 0 : i32
      %dma_wait3A_614 = arith.constant 0 : i32
      %dma_wait3A_615 = tpu.memref_slice %arg3[%dma_wait3A_613, %dma_wait3A_614] : memref<1000000x32xf32, #tpu.memory_space<hbm>> -> memref<128x32xf32, #tpu.memory_space<hbm>>
      %dma_wait3A_616 = tpu.memref_slice %arg9[%dma_wait3A_608] : memref<4x!tpu.dma_semaphore, #tpu.memory_space<semaphore_mem>> -> memref<1x!tpu.dma_semaphore, #tpu.memory_space<semaphore_mem>>
      %dma_wait3A_617 = tpu.memref_squeeze %dma_wait3A_616 : memref<1x!tpu.dma_semaphore, #tpu.memory_space<semaphore_mem>> -> memref<!tpu.dma_semaphore, #tpu.memory_space<semaphore_mem>>
      %dma_wait3A_618 = arith.constant 0 : i32
      %dma_wait3A_619 = arith.constant 0 : i32
      %dma_wait3A_620 = tpu.memref_slice %arg6[%dma_wait3A_607, %dma_wait3A_618, %dma_wait3A_619] : memref<4x128x32xf32, #tpu.memory_space<vmem>> -> memref<1x128x32xf32, #tpu.memory_space<vmem>>
      %dma_wait3A_621 = tpu.memref_squeeze %dma_wait3A_620 : memref<1x128x32xf32, #tpu.memory_space<vmem>> -> memref<128x32xf32, #tpu.memory_space<vmem>>
      %dma_wait3A_622 = arith.constant 0 : i32
      %dma_wait3A_623 = arith.constant 0 : i32
      %dma_wait3A_624 = tpu.memref_slice %arg3[%dma_wait3A_622, %dma_wait3A_623] : memref<1000000x32xf32, #tpu.memory_space<hbm>> -> memref<128x32xf32, #tpu.memory_space<hbm>>
      tpu.wait_dma2 semaphore(%dma_wait3A_617 : memref<!tpu.dma_semaphore, #tpu.memory_space<semaphore_mem>>) src(%dma_wait3A_624 : memref<128x32xf32, #tpu.memory_space<hbm>>) dst(%dma_wait3A_621 : memref<128x32xf32, #tpu.memory_space<vmem>>)
      %lt3A_625 = arith.constant 199 : i32
      %lt3A_626 = arith.cmpi slt, %scan3A_137, %lt3A_625 : i32
      %convert_element_type3A_627 = arith.extui %lt3A_626 : i1 to i32
      %cond3A_628 = arith.constant 0 : i32
      %cond3A_629 = arith.cmpi ne, %convert_element_type3A_627, %cond3A_628 : i32
      scf.if %cond3A_629 {
        %add3A_761 = arith.constant 4 : i32
        %add3A_762 = arith.addi %add3A_606, %add3A_761 : i32
        %dma_start3A_763 = arith.constant 3 : i32
        %dma_start3A_764 = arith.constant 3 : i32
        %dma_start3A_765 = arith.constant 0 : i32
        %dma_start3A_766 = arith.constant 0 : i32
        %dma_start3A_767 = tpu.memref_slice %arg5[%dma_start3A_763, %dma_start3A_765, %dma_start3A_766] : memref<4x1x128xi32, #tpu.memory_space<vmem>> -> memref<1x1x128xi32, #tpu.memory_space<vmem>>
        %dma_start3A_768 = tpu.memref_squeeze %dma_start3A_767 : memref<1x1x128xi32, #tpu.memory_space<vmem>> -> memref<1x128xi32, #tpu.memory_space<vmem>>
        %dma_start3A_769 = arith.constant 0 : i32
        %dma_start3A_770 = tpu.memref_slice %arg2[%add3A_762, %dma_start3A_769] : memref<25600x128xi32, #tpu.memory_space<hbm>> -> memref<1x128xi32, #tpu.memory_space<hbm>>
        %dma_start3A_771 = tpu.memref_slice %arg8[%dma_start3A_764] : memref<4x!tpu.dma_semaphore, #tpu.memory_space<semaphore_mem>> -> memref<1x!tpu.dma_semaphore, #tpu.memory_space<semaphore_mem>>
        %dma_start3A_772 = tpu.memref_squeeze %dma_start3A_771 : memref<1x!tpu.dma_semaphore, #tpu.memory_space<semaphore_mem>> -> memref<!tpu.dma_semaphore, #tpu.memory_space<semaphore_mem>>
        %dma_start3A_773 = arith.constant 0 : i32
        %dma_start3A_774 = arith.constant 0 : i32
        %dma_start3A_775 = tpu.memref_slice %arg5[%dma_start3A_763, %dma_start3A_773, %dma_start3A_774] : memref<4x1x128xi32, #tpu.memory_space<vmem>> -> memref<1x1x128xi32, #tpu.memory_space<vmem>>
        %dma_start3A_776 = tpu.memref_squeeze %dma_start3A_775 : memref<1x1x128xi32, #tpu.memory_space<vmem>> -> memref<1x128xi32, #tpu.memory_space<vmem>>
        %dma_start3A_777 = arith.constant 0 : i32
        %dma_start3A_778 = tpu.memref_slice %arg2[%add3A_762, %dma_start3A_777] : memref<25600x128xi32, #tpu.memory_space<hbm>> -> memref<1x128xi32, #tpu.memory_space<hbm>>
        tpu.enqueue_dma source(%dma_start3A_778 : memref<1x128xi32, #tpu.memory_space<hbm>>) target(%dma_start3A_776 : memref<1x128xi32, #tpu.memory_space<vmem>>) target_semaphore(%dma_start3A_772 : memref<!tpu.dma_semaphore, #tpu.memory_space<semaphore_mem>>)
      } else {
      }
      %gt3A_630 = arith.constant 0 : i32
      %gt3A_631 = arith.cmpi sgt, %scan3A_137, %gt3A_630 : i32
      %convert_element_type3A_632 = arith.extui %gt3A_631 : i1 to i32
      %cond3A_633 = arith.constant 0 : i32
      %cond3A_634 = arith.cmpi ne, %convert_element_type3A_632, %cond3A_633 : i32
      scf.if %cond3A_634 {
        %dma_wait3A_761 = arith.constant 3 : i32
        %dma_wait3A_762 = arith.constant 3 : i32
        %dma_wait3A_763 = arith.constant 0 : i32
        %dma_wait3A_764 = tpu.memref_slice %arg7[%dma_wait3A_761, %dma_wait3A_763] : memref<4x4096xf32, #tpu.memory_space<vmem>> -> memref<1x4096xf32, #tpu.memory_space<vmem>>
        %dma_wait3A_765 = tpu.memref_squeeze %dma_wait3A_764 : memref<1x4096xf32, #tpu.memory_space<vmem>> -> memref<4096xf32, #tpu.memory_space<vmem>>
        %dma_wait3A_766 = arith.constant 0 : i32
        %dma_wait3A_767 = tpu.memref_slice %arg4[%dma_wait3A_766] : memref<104857600xf32, #tpu.memory_space<hbm>> -> memref<4096xf32, #tpu.memory_space<hbm>>
        %dma_wait3A_768 = tpu.memref_slice %arg10[%dma_wait3A_762] : memref<4x!tpu.dma_semaphore, #tpu.memory_space<semaphore_mem>> -> memref<1x!tpu.dma_semaphore, #tpu.memory_space<semaphore_mem>>
        %dma_wait3A_769 = tpu.memref_squeeze %dma_wait3A_768 : memref<1x!tpu.dma_semaphore, #tpu.memory_space<semaphore_mem>> -> memref<!tpu.dma_semaphore, #tpu.memory_space<semaphore_mem>>
        %dma_wait3A_770 = arith.constant 0 : i32
        %dma_wait3A_771 = tpu.memref_slice %arg4[%dma_wait3A_770] : memref<104857600xf32, #tpu.memory_space<hbm>> -> memref<4096xf32, #tpu.memory_space<hbm>>
        %dma_wait3A_772 = arith.constant 0 : i32
        %dma_wait3A_773 = tpu.memref_slice %arg7[%dma_wait3A_761, %dma_wait3A_772] : memref<4x4096xf32, #tpu.memory_space<vmem>> -> memref<1x4096xf32, #tpu.memory_space<vmem>>
        %dma_wait3A_774 = tpu.memref_squeeze %dma_wait3A_773 : memref<1x4096xf32, #tpu.memory_space<vmem>> -> memref<4096xf32, #tpu.memory_space<vmem>>
        tpu.wait_dma2 semaphore(%dma_wait3A_769 : memref<!tpu.dma_semaphore, #tpu.memory_space<semaphore_mem>>) src(%dma_wait3A_774 : memref<4096xf32, #tpu.memory_space<vmem>>) dst(%dma_wait3A_771 : memref<4096xf32, #tpu.memory_space<hbm>>)
      } else {
      }
      %parallel_loop3A_635 = arith.constant 0 : i32
      %parallel_loop3A_636 = arith.constant 16 : i32
      %parallel_loop3A_637 = arith.constant 1 : i32
      scf.for %parallel_loop3A_761 = %parallel_loop3A_635 to %parallel_loop3A_636 step %parallel_loop3A_637  : i32 {
        %parallel_loop3A_762 = vector.broadcast %parallel_loop3A_761 : i32 to vector<16xi32>
        %parallel_loop3A_763 = arith.addi %iota3A, %parallel_loop3A_762 : vector<16xi32>
        %parallel_loop3A_764 = arith.constant 15 : i32
        %parallel_loop3A_765 = vector.broadcast %parallel_loop3A_764 : i32 to vector<16xi32>
        %parallel_loop3A_766 = arith.andi %parallel_loop3A_763, %parallel_loop3A_765 : vector<16xi32>
        %parallel_loop3A_767 = arith.constant 128 : i32
        %parallel_loop3A_768 = vector.broadcast %parallel_loop3A_767 : i32 to vector<16xi32>
        %parallel_loop3A_769 = arith.muli %parallel_loop3A_766, %parallel_loop3A_768 : vector<16xi32>
        %parallel_loop3A_770 = arith.addi %parallel_loop3A_769, %iota3A : vector<16xi32>
        %parallel_loop3A_771 = arith.constant 0 : i32
        %parallel_loop3A_772 = vector.broadcast %parallel_loop3A_771 : i32 to vector<16xi32>
        %parallel_loop3A_773 = arith.addi %parallel_loop3A_766, %parallel_loop3A_772 : vector<16xi32>
        %parallel_loop3A_774 = arith.constant 0 : i32
        %parallel_loop3A_775 = vector.broadcast %parallel_loop3A_774 : i32 to vector<16xi32>
        %parallel_loop3A_776 = arith.addi %iota3A, %parallel_loop3A_775 : vector<16xi32>
        %parallel_loop3A_777 = arith.constant 3 : i32
        %parallel_loop3A_778 = arith.constant 0 : i32
        %parallel_loop3A_779 = arith.constant 0 : i32
        %parallel_loop3A_780 = tpu.memref_slice %arg6[%parallel_loop3A_777, %parallel_loop3A_778, %parallel_loop3A_779] : memref<4x128x32xf32, #tpu.memory_space<vmem>> -> memref<1x128x32xf32, #tpu.memory_space<vmem>>
        %parallel_loop3A_781 = tpu.memref_squeeze %parallel_loop3A_780 : memref<1x128x32xf32, #tpu.memory_space<vmem>> -> memref<128x32xf32, #tpu.memory_space<vmem>>
        %parallel_loop3A_782 = tpu.vector_load_idx %parallel_loop3A_781[%parallel_loop3A_776, %parallel_loop3A_773] : memref<128x32xf32, #tpu.memory_space<vmem>>[vector<16xi32>, vector<16xi32>], vector<16xf32>,
        %parallel_loop3A_783 = arith.constant 0 : i32
        %parallel_loop3A_784 = vector.broadcast %parallel_loop3A_783 : i32 to vector<16xi32>
        %parallel_loop3A_785 = arith.addi %parallel_loop3A_770, %parallel_loop3A_784 : vector<16xi32>
        %parallel_loop3A_786 = arith.constant 3 : i32
        %parallel_loop3A_787 = arith.constant 0 : i32
        %parallel_loop3A_788 = tpu.memref_slice %arg7[%parallel_loop3A_786, %parallel_loop3A_787] : memref<4x4096xf32, #tpu.memory_space<vmem>> -> memref<1x4096xf32, #tpu.memory_space<vmem>>
        %parallel_loop3A_789 = tpu.memref_squeeze %parallel_loop3A_788 : memref<1x4096xf32, #tpu.memory_space<vmem>> -> memref<4096xf32, #tpu.memory_space<vmem>>
        tpu.vector_store_idx %parallel_loop3A_789[%parallel_loop3A_785], %parallel_loop3A_782 : memref<4096xf32, #tpu.memory_space<vmem>>[vector<16xi32>], vector<16xf32>,
        %parallel_loop3A_790 = arith.constant 16 : i32
        %parallel_loop3A_791 = vector.broadcast %parallel_loop3A_790 : i32 to vector<16xi32>
        %parallel_loop3A_792 = arith.addi %iota3A, %parallel_loop3A_791 : vector<16xi32>
        %parallel_loop3A_793 = arith.constant 3 : i32
        %parallel_loop3A_794 = arith.constant 0 : i32
        %parallel_loop3A_795 = arith.constant 0 : i32
        %parallel_loop3A_796 = tpu.memref_slice %arg6[%parallel_loop3A_793, %parallel_loop3A_794, %parallel_loop3A_795] : memref<4x128x32xf32, #tpu.memory_space<vmem>> -> memref<1x128x32xf32, #tpu.memory_space<vmem>>
        %parallel_loop3A_797 = tpu.memref_squeeze %parallel_loop3A_796 : memref<1x128x32xf32, #tpu.memory_space<vmem>> -> memref<128x32xf32, #tpu.memory_space<vmem>>
        %parallel_loop3A_798 = tpu.vector_load_idx %parallel_loop3A_797[%parallel_loop3A_792, %parallel_loop3A_773] : memref<128x32xf32, #tpu.memory_space<vmem>>[vector<16xi32>, vector<16xi32>], vector<16xf32>,
        %parallel_loop3A_799 = arith.constant 16 : i32
        %parallel_loop3A_800 = vector.broadcast %parallel_loop3A_799 : i32 to vector<16xi32>
        %parallel_loop3A_801 = arith.addi %parallel_loop3A_770, %parallel_loop3A_800 : vector<16xi32>
        %parallel_loop3A_802 = arith.constant 3 : i32
        %parallel_loop3A_803 = arith.constant 0 : i32
        %parallel_loop3A_804 = tpu.memref_slice %arg7[%parallel_loop3A_802, %parallel_loop3A_803] : memref<4x4096xf32, #tpu.memory_space<vmem>> -> memref<1x4096xf32, #tpu.memory_space<vmem>>
        %parallel_loop3A_805 = tpu.memref_squeeze %parallel_loop3A_804 : memref<1x4096xf32, #tpu.memory_space<vmem>> -> memref<4096xf32, #tpu.memory_space<vmem>>
        tpu.vector_store_idx %parallel_loop3A_805[%parallel_loop3A_801], %parallel_loop3A_798 : memref<4096xf32, #tpu.memory_space<vmem>>[vector<16xi32>], vector<16xf32>,
        %parallel_loop3A_806 = arith.constant 32 : i32
        %parallel_loop3A_807 = vector.broadcast %parallel_loop3A_806 : i32 to vector<16xi32>
        %parallel_loop3A_808 = arith.addi %iota3A, %parallel_loop3A_807 : vector<16xi32>
        %parallel_loop3A_809 = arith.constant 3 : i32
        %parallel_loop3A_810 = arith.constant 0 : i32
        %parallel_loop3A_811 = arith.constant 0 : i32
        %parallel_loop3A_812 = tpu.memref_slice %arg6[%parallel_loop3A_809, %parallel_loop3A_810, %parallel_loop3A_811] : memref<4x128x32xf32, #tpu.memory_space<vmem>> -> memref<1x128x32xf32, #tpu.memory_space<vmem>>
        %parallel_loop3A_813 = tpu.memref_squeeze %parallel_loop3A_812 : memref<1x128x32xf32, #tpu.memory_space<vmem>> -> memref<128x32xf32, #tpu.memory_space<vmem>>
        %parallel_loop3A_814 = tpu.vector_load_idx %parallel_loop3A_813[%parallel_loop3A_808, %parallel_loop3A_773] : memref<128x32xf32, #tpu.memory_space<vmem>>[vector<16xi32>, vector<16xi32>], vector<16xf32>,
        %parallel_loop3A_815 = arith.constant 32 : i32
        %parallel_loop3A_816 = vector.broadcast %parallel_loop3A_815 : i32 to vector<16xi32>
        %parallel_loop3A_817 = arith.addi %parallel_loop3A_770, %parallel_loop3A_816 : vector<16xi32>
        %parallel_loop3A_818 = arith.constant 3 : i32
        %parallel_loop3A_819 = arith.constant 0 : i32
        %parallel_loop3A_820 = tpu.memref_slice %arg7[%parallel_loop3A_818, %parallel_loop3A_819] : memref<4x4096xf32, #tpu.memory_space<vmem>> -> memref<1x4096xf32, #tpu.memory_space<vmem>>
        %parallel_loop3A_821 = tpu.memref_squeeze %parallel_loop3A_820 : memref<1x4096xf32, #tpu.memory_space<vmem>> -> memref<4096xf32, #tpu.memory_space<vmem>>
        tpu.vector_store_idx %parallel_loop3A_821[%parallel_loop3A_817], %parallel_loop3A_814 : memref<4096xf32, #tpu.memory_space<vmem>>[vector<16xi32>], vector<16xf32>,
        %parallel_loop3A_822 = arith.constant 48 : i32
        %parallel_loop3A_823 = vector.broadcast %parallel_loop3A_822 : i32 to vector<16xi32>
        %parallel_loop3A_824 = arith.addi %iota3A, %parallel_loop3A_823 : vector<16xi32>
        %parallel_loop3A_825 = arith.constant 3 : i32
        %parallel_loop3A_826 = arith.constant 0 : i32
        %parallel_loop3A_827 = arith.constant 0 : i32
        %parallel_loop3A_828 = tpu.memref_slice %arg6[%parallel_loop3A_825, %parallel_loop3A_826, %parallel_loop3A_827] : memref<4x128x32xf32, #tpu.memory_space<vmem>> -> memref<1x128x32xf32, #tpu.memory_space<vmem>>
        %parallel_loop3A_829 = tpu.memref_squeeze %parallel_loop3A_828 : memref<1x128x32xf32, #tpu.memory_space<vmem>> -> memref<128x32xf32, #tpu.memory_space<vmem>>
        %parallel_loop3A_830 = tpu.vector_load_idx %parallel_loop3A_829[%parallel_loop3A_824, %parallel_loop3A_773] : memref<128x32xf32, #tpu.memory_space<vmem>>[vector<16xi32>, vector<16xi32>], vector<16xf32>,
        %parallel_loop3A_831 = arith.constant 48 : i32
        %parallel_loop3A_832 = vector.broadcast %parallel_loop3A_831 : i32 to vector<16xi32>
        %parallel_loop3A_833 = arith.addi %parallel_loop3A_770, %parallel_loop3A_832 : vector<16xi32>
        %parallel_loop3A_834 = arith.constant 3 : i32
        %parallel_loop3A_835 = arith.constant 0 : i32
        %parallel_loop3A_836 = tpu.memref_slice %arg7[%parallel_loop3A_834, %parallel_loop3A_835] : memref<4x4096xf32, #tpu.memory_space<vmem>> -> memref<1x4096xf32, #tpu.memory_space<vmem>>
        %parallel_loop3A_837 = tpu.memref_squeeze %parallel_loop3A_836 : memref<1x4096xf32, #tpu.memory_space<vmem>> -> memref<4096xf32, #tpu.memory_space<vmem>>
        tpu.vector_store_idx %parallel_loop3A_837[%parallel_loop3A_833], %parallel_loop3A_830 : memref<4096xf32, #tpu.memory_space<vmem>>[vector<16xi32>], vector<16xf32>,
        %parallel_loop3A_838 = arith.constant 64 : i32
        %parallel_loop3A_839 = vector.broadcast %parallel_loop3A_838 : i32 to vector<16xi32>
        %parallel_loop3A_840 = arith.addi %iota3A, %parallel_loop3A_839 : vector<16xi32>
        %parallel_loop3A_841 = arith.constant 3 : i32
        %parallel_loop3A_842 = arith.constant 0 : i32
        %parallel_loop3A_843 = arith.constant 0 : i32
        %parallel_loop3A_844 = tpu.memref_slice %arg6[%parallel_loop3A_841, %parallel_loop3A_842, %parallel_loop3A_843] : memref<4x128x32xf32, #tpu.memory_space<vmem>> -> memref<1x128x32xf32, #tpu.memory_space<vmem>>
        %parallel_loop3A_845 = tpu.memref_squeeze %parallel_loop3A_844 : memref<1x128x32xf32, #tpu.memory_space<vmem>> -> memref<128x32xf32, #tpu.memory_space<vmem>>
        %parallel_loop3A_846 = tpu.vector_load_idx %parallel_loop3A_845[%parallel_loop3A_840, %parallel_loop3A_773] : memref<128x32xf32, #tpu.memory_space<vmem>>[vector<16xi32>, vector<16xi32>], vector<16xf32>,
        %parallel_loop3A_847 = arith.constant 64 : i32
        %parallel_loop3A_848 = vector.broadcast %parallel_loop3A_847 : i32 to vector<16xi32>
        %parallel_loop3A_849 = arith.addi %parallel_loop3A_770, %parallel_loop3A_848 : vector<16xi32>
        %parallel_loop3A_850 = arith.constant 3 : i32
        %parallel_loop3A_851 = arith.constant 0 : i32
        %parallel_loop3A_852 = tpu.memref_slice %arg7[%parallel_loop3A_850, %parallel_loop3A_851] : memref<4x4096xf32, #tpu.memory_space<vmem>> -> memref<1x4096xf32, #tpu.memory_space<vmem>>
        %parallel_loop3A_853 = tpu.memref_squeeze %parallel_loop3A_852 : memref<1x4096xf32, #tpu.memory_space<vmem>> -> memref<4096xf32, #tpu.memory_space<vmem>>
        tpu.vector_store_idx %parallel_loop3A_853[%parallel_loop3A_849], %parallel_loop3A_846 : memref<4096xf32, #tpu.memory_space<vmem>>[vector<16xi32>], vector<16xf32>,
        %parallel_loop3A_854 = arith.constant 80 : i32
        %parallel_loop3A_855 = vector.broadcast %parallel_loop3A_854 : i32 to vector<16xi32>
        %parallel_loop3A_856 = arith.addi %iota3A, %parallel_loop3A_855 : vector<16xi32>
        %parallel_loop3A_857 = arith.constant 3 : i32
        %parallel_loop3A_858 = arith.constant 0 : i32
        %parallel_loop3A_859 = arith.constant 0 : i32
        %parallel_loop3A_860 = tpu.memref_slice %arg6[%parallel_loop3A_857, %parallel_loop3A_858, %parallel_loop3A_859] : memref<4x128x32xf32, #tpu.memory_space<vmem>> -> memref<1x128x32xf32, #tpu.memory_space<vmem>>
        %parallel_loop3A_861 = tpu.memref_squeeze %parallel_loop3A_860 : memref<1x128x32xf32, #tpu.memory_space<vmem>> -> memref<128x32xf32, #tpu.memory_space<vmem>>
        %parallel_loop3A_862 = tpu.vector_load_idx %parallel_loop3A_861[%parallel_loop3A_856, %parallel_loop3A_773] : memref<128x32xf32, #tpu.memory_space<vmem>>[vector<16xi32>, vector<16xi32>], vector<16xf32>,
        %parallel_loop3A_863 = arith.constant 80 : i32
        %parallel_loop3A_864 = vector.broadcast %parallel_loop3A_863 : i32 to vector<16xi32>
        %parallel_loop3A_865 = arith.addi %parallel_loop3A_770, %parallel_loop3A_864 : vector<16xi32>
        %parallel_loop3A_866 = arith.constant 3 : i32
        %parallel_loop3A_867 = arith.constant 0 : i32
        %parallel_loop3A_868 = tpu.memref_slice %arg7[%parallel_loop3A_866, %parallel_loop3A_867] : memref<4x4096xf32, #tpu.memory_space<vmem>> -> memref<1x4096xf32, #tpu.memory_space<vmem>>
        %parallel_loop3A_869 = tpu.memref_squeeze %parallel_loop3A_868 : memref<1x4096xf32, #tpu.memory_space<vmem>> -> memref<4096xf32, #tpu.memory_space<vmem>>
        tpu.vector_store_idx %parallel_loop3A_869[%parallel_loop3A_865], %parallel_loop3A_862 : memref<4096xf32, #tpu.memory_space<vmem>>[vector<16xi32>], vector<16xf32>,
        %parallel_loop3A_870 = arith.constant 96 : i32
        %parallel_loop3A_871 = vector.broadcast %parallel_loop3A_870 : i32 to vector<16xi32>
        %parallel_loop3A_872 = arith.addi %iota3A, %parallel_loop3A_871 : vector<16xi32>
        %parallel_loop3A_873 = arith.constant 3 : i32
        %parallel_loop3A_874 = arith.constant 0 : i32
        %parallel_loop3A_875 = arith.constant 0 : i32
        %parallel_loop3A_876 = tpu.memref_slice %arg6[%parallel_loop3A_873, %parallel_loop3A_874, %parallel_loop3A_875] : memref<4x128x32xf32, #tpu.memory_space<vmem>> -> memref<1x128x32xf32, #tpu.memory_space<vmem>>
        %parallel_loop3A_877 = tpu.memref_squeeze %parallel_loop3A_876 : memref<1x128x32xf32, #tpu.memory_space<vmem>> -> memref<128x32xf32, #tpu.memory_space<vmem>>
        %parallel_loop3A_878 = tpu.vector_load_idx %parallel_loop3A_877[%parallel_loop3A_872, %parallel_loop3A_773] : memref<128x32xf32, #tpu.memory_space<vmem>>[vector<16xi32>, vector<16xi32>], vector<16xf32>,
        %parallel_loop3A_879 = arith.constant 96 : i32
        %parallel_loop3A_880 = vector.broadcast %parallel_loop3A_879 : i32 to vector<16xi32>
        %parallel_loop3A_881 = arith.addi %parallel_loop3A_770, %parallel_loop3A_880 : vector<16xi32>
        %parallel_loop3A_882 = arith.constant 3 : i32
        %parallel_loop3A_883 = arith.constant 0 : i32
        %parallel_loop3A_884 = tpu.memref_slice %arg7[%parallel_loop3A_882, %parallel_loop3A_883] : memref<4x4096xf32, #tpu.memory_space<vmem>> -> memref<1x4096xf32, #tpu.memory_space<vmem>>
        %parallel_loop3A_885 = tpu.memref_squeeze %parallel_loop3A_884 : memref<1x4096xf32, #tpu.memory_space<vmem>> -> memref<4096xf32, #tpu.memory_space<vmem>>
        tpu.vector_store_idx %parallel_loop3A_885[%parallel_loop3A_881], %parallel_loop3A_878 : memref<4096xf32, #tpu.memory_space<vmem>>[vector<16xi32>], vector<16xf32>,
        %parallel_loop3A_886 = arith.constant 112 : i32
        %parallel_loop3A_887 = vector.broadcast %parallel_loop3A_886 : i32 to vector<16xi32>
        %parallel_loop3A_888 = arith.addi %iota3A, %parallel_loop3A_887 : vector<16xi32>
        %parallel_loop3A_889 = arith.constant 3 : i32
        %parallel_loop3A_890 = arith.constant 0 : i32
        %parallel_loop3A_891 = arith.constant 0 : i32
        %parallel_loop3A_892 = tpu.memref_slice %arg6[%parallel_loop3A_889, %parallel_loop3A_890, %parallel_loop3A_891] : memref<4x128x32xf32, #tpu.memory_space<vmem>> -> memref<1x128x32xf32, #tpu.memory_space<vmem>>
        %parallel_loop3A_893 = tpu.memref_squeeze %parallel_loop3A_892 : memref<1x128x32xf32, #tpu.memory_space<vmem>> -> memref<128x32xf32, #tpu.memory_space<vmem>>
        %parallel_loop3A_894 = tpu.vector_load_idx %parallel_loop3A_893[%parallel_loop3A_888, %parallel_loop3A_773] : memref<128x32xf32, #tpu.memory_space<vmem>>[vector<16xi32>, vector<16xi32>], vector<16xf32>,
        %parallel_loop3A_895 = arith.constant 112 : i32
        %parallel_loop3A_896 = vector.broadcast %parallel_loop3A_895 : i32 to vector<16xi32>
        %parallel_loop3A_897 = arith.addi %parallel_loop3A_770, %parallel_loop3A_896 : vector<16xi32>
        %parallel_loop3A_898 = arith.constant 3 : i32
        %parallel_loop3A_899 = arith.constant 0 : i32
        %parallel_loop3A_900 = tpu.memref_slice %arg7[%parallel_loop3A_898, %parallel_loop3A_899] : memref<4x4096xf32, #tpu.memory_space<vmem>> -> memref<1x4096xf32, #tpu.memory_space<vmem>>
        %parallel_loop3A_901 = tpu.memref_squeeze %parallel_loop3A_900 : memref<1x4096xf32, #tpu.memory_space<vmem>> -> memref<4096xf32, #tpu.memory_space<vmem>>
        tpu.vector_store_idx %parallel_loop3A_901[%parallel_loop3A_897], %parallel_loop3A_894 : memref<4096xf32, #tpu.memory_space<vmem>>[vector<16xi32>], vector<16xf32>,
        %parallel_loop3A_902 = arith.constant 16 : i32
        %parallel_loop3A_903 = vector.broadcast %parallel_loop3A_902 : i32 to vector<16xi32>
        %parallel_loop3A_904 = arith.addi %parallel_loop3A_766, %parallel_loop3A_903 : vector<16xi32>
        %parallel_loop3A_905 = arith.constant 0 : i32
        %parallel_loop3A_906 = vector.broadcast %parallel_loop3A_905 : i32 to vector<16xi32>
        %parallel_loop3A_907 = arith.addi %iota3A, %parallel_loop3A_906 : vector<16xi32>
        %parallel_loop3A_908 = arith.constant 3 : i32
        %parallel_loop3A_909 = arith.constant 0 : i32
        %parallel_loop3A_910 = arith.constant 0 : i32
        %parallel_loop3A_911 = tpu.memref_slice %arg6[%parallel_loop3A_908, %parallel_loop3A_909, %parallel_loop3A_910] : memref<4x128x32xf32, #tpu.memory_space<vmem>> -> memref<1x128x32xf32, #tpu.memory_space<vmem>>
        %parallel_loop3A_912 = tpu.memref_squeeze %parallel_loop3A_911 : memref<1x128x32xf32, #tpu.memory_space<vmem>> -> memref<128x32xf32, #tpu.memory_space<vmem>>
        %parallel_loop3A_913 = tpu.vector_load_idx %parallel_loop3A_912[%parallel_loop3A_907, %parallel_loop3A_904] : memref<128x32xf32, #tpu.memory_space<vmem>>[vector<16xi32>, vector<16xi32>], vector<16xf32>,
        %parallel_loop3A_914 = arith.constant 2048 : i32
        %parallel_loop3A_915 = vector.broadcast %parallel_loop3A_914 : i32 to vector<16xi32>
        %parallel_loop3A_916 = arith.addi %parallel_loop3A_770, %parallel_loop3A_915 : vector<16xi32>
        %parallel_loop3A_917 = arith.constant 3 : i32
        %parallel_loop3A_918 = arith.constant 0 : i32
        %parallel_loop3A_919 = tpu.memref_slice %arg7[%parallel_loop3A_917, %parallel_loop3A_918] : memref<4x4096xf32, #tpu.memory_space<vmem>> -> memref<1x4096xf32, #tpu.memory_space<vmem>>
        %parallel_loop3A_920 = tpu.memref_squeeze %parallel_loop3A_919 : memref<1x4096xf32, #tpu.memory_space<vmem>> -> memref<4096xf32, #tpu.memory_space<vmem>>
        tpu.vector_store_idx %parallel_loop3A_920[%parallel_loop3A_916], %parallel_loop3A_913 : memref<4096xf32, #tpu.memory_space<vmem>>[vector<16xi32>], vector<16xf32>,
        %parallel_loop3A_921 = arith.constant 16 : i32
        %parallel_loop3A_922 = vector.broadcast %parallel_loop3A_921 : i32 to vector<16xi32>
        %parallel_loop3A_923 = arith.addi %iota3A, %parallel_loop3A_922 : vector<16xi32>
        %parallel_loop3A_924 = arith.constant 3 : i32
        %parallel_loop3A_925 = arith.constant 0 : i32
        %parallel_loop3A_926 = arith.constant 0 : i32
        %parallel_loop3A_927 = tpu.memref_slice %arg6[%parallel_loop3A_924, %parallel_loop3A_925, %parallel_loop3A_926] : memref<4x128x32xf32, #tpu.memory_space<vmem>> -> memref<1x128x32xf32, #tpu.memory_space<vmem>>
        %parallel_loop3A_928 = tpu.memref_squeeze %parallel_loop3A_927 : memref<1x128x32xf32, #tpu.memory_space<vmem>> -> memref<128x32xf32, #tpu.memory_space<vmem>>
        %parallel_loop3A_929 = tpu.vector_load_idx %parallel_loop3A_928[%parallel_loop3A_923, %parallel_loop3A_904] : memref<128x32xf32, #tpu.memory_space<vmem>>[vector<16xi32>, vector<16xi32>], vector<16xf32>,
        %parallel_loop3A_930 = arith.constant 2064 : i32
        %parallel_loop3A_931 = vector.broadcast %parallel_loop3A_930 : i32 to vector<16xi32>
        %parallel_loop3A_932 = arith.addi %parallel_loop3A_770, %parallel_loop3A_931 : vector<16xi32>
        %parallel_loop3A_933 = arith.constant 3 : i32
        %parallel_loop3A_934 = arith.constant 0 : i32
        %parallel_loop3A_935 = tpu.memref_slice %arg7[%parallel_loop3A_933, %parallel_loop3A_934] : memref<4x4096xf32, #tpu.memory_space<vmem>> -> memref<1x4096xf32, #tpu.memory_space<vmem>>
        %parallel_loop3A_936 = tpu.memref_squeeze %parallel_loop3A_935 : memref<1x4096xf32, #tpu.memory_space<vmem>> -> memref<4096xf32, #tpu.memory_space<vmem>>
        tpu.vector_store_idx %parallel_loop3A_936[%parallel_loop3A_932], %parallel_loop3A_929 : memref<4096xf32, #tpu.memory_space<vmem>>[vector<16xi32>], vector<16xf32>,
        %parallel_loop3A_937 = arith.constant 32 : i32
        %parallel_loop3A_938 = vector.broadcast %parallel_loop3A_937 : i32 to vector<16xi32>
        %parallel_loop3A_939 = arith.addi %iota3A, %parallel_loop3A_938 : vector<16xi32>
        %parallel_loop3A_940 = arith.constant 3 : i32
        %parallel_loop3A_941 = arith.constant 0 : i32
        %parallel_loop3A_942 = arith.constant 0 : i32
        %parallel_loop3A_943 = tpu.memref_slice %arg6[%parallel_loop3A_940, %parallel_loop3A_941, %parallel_loop3A_942] : memref<4x128x32xf32, #tpu.memory_space<vmem>> -> memref<1x128x32xf32, #tpu.memory_space<vmem>>
        %parallel_loop3A_944 = tpu.memref_squeeze %parallel_loop3A_943 : memref<1x128x32xf32, #tpu.memory_space<vmem>> -> memref<128x32xf32, #tpu.memory_space<vmem>>
        %parallel_loop3A_945 = tpu.vector_load_idx %parallel_loop3A_944[%parallel_loop3A_939, %parallel_loop3A_904] : memref<128x32xf32, #tpu.memory_space<vmem>>[vector<16xi32>, vector<16xi32>], vector<16xf32>,
        %parallel_loop3A_946 = arith.constant 2080 : i32
        %parallel_loop3A_947 = vector.broadcast %parallel_loop3A_946 : i32 to vector<16xi32>
        %parallel_loop3A_948 = arith.addi %parallel_loop3A_770, %parallel_loop3A_947 : vector<16xi32>
        %parallel_loop3A_949 = arith.constant 3 : i32
        %parallel_loop3A_950 = arith.constant 0 : i32
        %parallel_loop3A_951 = tpu.memref_slice %arg7[%parallel_loop3A_949, %parallel_loop3A_950] : memref<4x4096xf32, #tpu.memory_space<vmem>> -> memref<1x4096xf32, #tpu.memory_space<vmem>>
        %parallel_loop3A_952 = tpu.memref_squeeze %parallel_loop3A_951 : memref<1x4096xf32, #tpu.memory_space<vmem>> -> memref<4096xf32, #tpu.memory_space<vmem>>
        tpu.vector_store_idx %parallel_loop3A_952[%parallel_loop3A_948], %parallel_loop3A_945 : memref<4096xf32, #tpu.memory_space<vmem>>[vector<16xi32>], vector<16xf32>,
        %parallel_loop3A_953 = arith.constant 48 : i32
        %parallel_loop3A_954 = vector.broadcast %parallel_loop3A_953 : i32 to vector<16xi32>
        %parallel_loop3A_955 = arith.addi %iota3A, %parallel_loop3A_954 : vector<16xi32>
        %parallel_loop3A_956 = arith.constant 3 : i32
        %parallel_loop3A_957 = arith.constant 0 : i32
        %parallel_loop3A_958 = arith.constant 0 : i32
        %parallel_loop3A_959 = tpu.memref_slice %arg6[%parallel_loop3A_956, %parallel_loop3A_957, %parallel_loop3A_958] : memref<4x128x32xf32, #tpu.memory_space<vmem>> -> memref<1x128x32xf32, #tpu.memory_space<vmem>>
        %parallel_loop3A_960 = tpu.memref_squeeze %parallel_loop3A_959 : memref<1x128x32xf32, #tpu.memory_space<vmem>> -> memref<128x32xf32, #tpu.memory_space<vmem>>
        %parallel_loop3A_961 = tpu.vector_load_idx %parallel_loop3A_960[%parallel_loop3A_955, %parallel_loop3A_904] : memref<128x32xf32, #tpu.memory_space<vmem>>[vector<16xi32>, vector<16xi32>], vector<16xf32>,
        %parallel_loop3A_962 = arith.constant 2096 : i32
        %parallel_loop3A_963 = vector.broadcast %parallel_loop3A_962 : i32 to vector<16xi32>
        %parallel_loop3A_964 = arith.addi %parallel_loop3A_770, %parallel_loop3A_963 : vector<16xi32>
        %parallel_loop3A_965 = arith.constant 3 : i32
        %parallel_loop3A_966 = arith.constant 0 : i32
        %parallel_loop3A_967 = tpu.memref_slice %arg7[%parallel_loop3A_965, %parallel_loop3A_966] : memref<4x4096xf32, #tpu.memory_space<vmem>> -> memref<1x4096xf32, #tpu.memory_space<vmem>>
        %parallel_loop3A_968 = tpu.memref_squeeze %parallel_loop3A_967 : memref<1x4096xf32, #tpu.memory_space<vmem>> -> memref<4096xf32, #tpu.memory_space<vmem>>
        tpu.vector_store_idx %parallel_loop3A_968[%parallel_loop3A_964], %parallel_loop3A_961 : memref<4096xf32, #tpu.memory_space<vmem>>[vector<16xi32>], vector<16xf32>,
        %parallel_loop3A_969 = arith.constant 64 : i32
        %parallel_loop3A_970 = vector.broadcast %parallel_loop3A_969 : i32 to vector<16xi32>
        %parallel_loop3A_971 = arith.addi %iota3A, %parallel_loop3A_970 : vector<16xi32>
        %parallel_loop3A_972 = arith.constant 3 : i32
        %parallel_loop3A_973 = arith.constant 0 : i32
        %parallel_loop3A_974 = arith.constant 0 : i32
        %parallel_loop3A_975 = tpu.memref_slice %arg6[%parallel_loop3A_972, %parallel_loop3A_973, %parallel_loop3A_974] : memref<4x128x32xf32, #tpu.memory_space<vmem>> -> memref<1x128x32xf32, #tpu.memory_space<vmem>>
        %parallel_loop3A_976 = tpu.memref_squeeze %parallel_loop3A_975 : memref<1x128x32xf32, #tpu.memory_space<vmem>> -> memref<128x32xf32, #tpu.memory_space<vmem>>
        %parallel_loop3A_977 = tpu.vector_load_idx %parallel_loop3A_976[%parallel_loop3A_971, %parallel_loop3A_904] : memref<128x32xf32, #tpu.memory_space<vmem>>[vector<16xi32>, vector<16xi32>], vector<16xf32>,
        %parallel_loop3A_978 = arith.constant 2112 : i32
        %parallel_loop3A_979 = vector.broadcast %parallel_loop3A_978 : i32 to vector<16xi32>
        %parallel_loop3A_980 = arith.addi %parallel_loop3A_770, %parallel_loop3A_979 : vector<16xi32>
        %parallel_loop3A_981 = arith.constant 3 : i32
        %parallel_loop3A_982 = arith.constant 0 : i32
        %parallel_loop3A_983 = tpu.memref_slice %arg7[%parallel_loop3A_981, %parallel_loop3A_982] : memref<4x4096xf32, #tpu.memory_space<vmem>> -> memref<1x4096xf32, #tpu.memory_space<vmem>>
        %parallel_loop3A_984 = tpu.memref_squeeze %parallel_loop3A_983 : memref<1x4096xf32, #tpu.memory_space<vmem>> -> memref<4096xf32, #tpu.memory_space<vmem>>
        tpu.vector_store_idx %parallel_loop3A_984[%parallel_loop3A_980], %parallel_loop3A_977 : memref<4096xf32, #tpu.memory_space<vmem>>[vector<16xi32>], vector<16xf32>,
        %parallel_loop3A_985 = arith.constant 80 : i32
        %parallel_loop3A_986 = vector.broadcast %parallel_loop3A_985 : i32 to vector<16xi32>
        %parallel_loop3A_987 = arith.addi %iota3A, %parallel_loop3A_986 : vector<16xi32>
        %parallel_loop3A_988 = arith.constant 3 : i32
        %parallel_loop3A_989 = arith.constant 0 : i32
        %parallel_loop3A_990 = arith.constant 0 : i32
        %parallel_loop3A_991 = tpu.memref_slice %arg6[%parallel_loop3A_988, %parallel_loop3A_989, %parallel_loop3A_990] : memref<4x128x32xf32, #tpu.memory_space<vmem>> -> memref<1x128x32xf32, #tpu.memory_space<vmem>>
        %parallel_loop3A_992 = tpu.memref_squeeze %parallel_loop3A_991 : memref<1x128x32xf32, #tpu.memory_space<vmem>> -> memref<128x32xf32, #tpu.memory_space<vmem>>
        %parallel_loop3A_993 = tpu.vector_load_idx %parallel_loop3A_992[%parallel_loop3A_987, %parallel_loop3A_904] : memref<128x32xf32, #tpu.memory_space<vmem>>[vector<16xi32>, vector<16xi32>], vector<16xf32>,
        %parallel_loop3A_994 = arith.constant 2128 : i32
        %parallel_loop3A_995 = vector.broadcast %parallel_loop3A_994 : i32 to vector<16xi32>
        %parallel_loop3A_996 = arith.addi %parallel_loop3A_770, %parallel_loop3A_995 : vector<16xi32>
        %parallel_loop3A_997 = arith.constant 3 : i32
        %parallel_loop3A_998 = arith.constant 0 : i32
        %parallel_loop3A_999 = tpu.memref_slice %arg7[%parallel_loop3A_997, %parallel_loop3A_998] : memref<4x4096xf32, #tpu.memory_space<vmem>> -> memref<1x4096xf32, #tpu.memory_space<vmem>>
        %parallel_loop3A_1000 = tpu.memref_squeeze %parallel_loop3A_999 : memref<1x4096xf32, #tpu.memory_space<vmem>> -> memref<4096xf32, #tpu.memory_space<vmem>>
        tpu.vector_store_idx %parallel_loop3A_1000[%parallel_loop3A_996], %parallel_loop3A_993 : memref<4096xf32, #tpu.memory_space<vmem>>[vector<16xi32>], vector<16xf32>,
        %parallel_loop3A_1001 = arith.constant 96 : i32
        %parallel_loop3A_1002 = vector.broadcast %parallel_loop3A_1001 : i32 to vector<16xi32>
        %parallel_loop3A_1003 = arith.addi %iota3A, %parallel_loop3A_1002 : vector<16xi32>
        %parallel_loop3A_1004 = arith.constant 3 : i32
        %parallel_loop3A_1005 = arith.constant 0 : i32
        %parallel_loop3A_1006 = arith.constant 0 : i32
        %parallel_loop3A_1007 = tpu.memref_slice %arg6[%parallel_loop3A_1004, %parallel_loop3A_1005, %parallel_loop3A_1006] : memref<4x128x32xf32, #tpu.memory_space<vmem>> -> memref<1x128x32xf32, #tpu.memory_space<vmem>>
        %parallel_loop3A_1008 = tpu.memref_squeeze %parallel_loop3A_1007 : memref<1x128x32xf32, #tpu.memory_space<vmem>> -> memref<128x32xf32, #tpu.memory_space<vmem>>
        %parallel_loop3A_1009 = tpu.vector_load_idx %parallel_loop3A_1008[%parallel_loop3A_1003, %parallel_loop3A_904] : memref<128x32xf32, #tpu.memory_space<vmem>>[vector<16xi32>, vector<16xi32>], vector<16xf32>,
        %parallel_loop3A_1010 = arith.constant 2144 : i32
        %parallel_loop3A_1011 = vector.broadcast %parallel_loop3A_1010 : i32 to vector<16xi32>
        %parallel_loop3A_1012 = arith.addi %parallel_loop3A_770, %parallel_loop3A_1011 : vector<16xi32>
        %parallel_loop3A_1013 = arith.constant 3 : i32
        %parallel_loop3A_1014 = arith.constant 0 : i32
        %parallel_loop3A_1015 = tpu.memref_slice %arg7[%parallel_loop3A_1013, %parallel_loop3A_1014] : memref<4x4096xf32, #tpu.memory_space<vmem>> -> memref<1x4096xf32, #tpu.memory_space<vmem>>
        %parallel_loop3A_1016 = tpu.memref_squeeze %parallel_loop3A_1015 : memref<1x4096xf32, #tpu.memory_space<vmem>> -> memref<4096xf32, #tpu.memory_space<vmem>>
        tpu.vector_store_idx %parallel_loop3A_1016[%parallel_loop3A_1012], %parallel_loop3A_1009 : memref<4096xf32, #tpu.memory_space<vmem>>[vector<16xi32>], vector<16xf32>,
        %parallel_loop3A_1017 = arith.constant 112 : i32
        %parallel_loop3A_1018 = vector.broadcast %parallel_loop3A_1017 : i32 to vector<16xi32>
        %parallel_loop3A_1019 = arith.addi %iota3A, %parallel_loop3A_1018 : vector<16xi32>
        %parallel_loop3A_1020 = arith.constant 3 : i32
        %parallel_loop3A_1021 = arith.constant 0 : i32
        %parallel_loop3A_1022 = arith.constant 0 : i32
        %parallel_loop3A_1023 = tpu.memref_slice %arg6[%parallel_loop3A_1020, %parallel_loop3A_1021, %parallel_loop3A_1022] : memref<4x128x32xf32, #tpu.memory_space<vmem>> -> memref<1x128x32xf32, #tpu.memory_space<vmem>>
        %parallel_loop3A_1024 = tpu.memref_squeeze %parallel_loop3A_1023 : memref<1x128x32xf32, #tpu.memory_space<vmem>> -> memref<128x32xf32, #tpu.memory_space<vmem>>
        %parallel_loop3A_1025 = tpu.vector_load_idx %parallel_loop3A_1024[%parallel_loop3A_1019, %parallel_loop3A_904] : memref<128x32xf32, #tpu.memory_space<vmem>>[vector<16xi32>, vector<16xi32>], vector<16xf32>,
        %parallel_loop3A_1026 = arith.constant 2160 : i32
        %parallel_loop3A_1027 = vector.broadcast %parallel_loop3A_1026 : i32 to vector<16xi32>
        %parallel_loop3A_1028 = arith.addi %parallel_loop3A_770, %parallel_loop3A_1027 : vector<16xi32>
        %parallel_loop3A_1029 = arith.constant 3 : i32
        %parallel_loop3A_1030 = arith.constant 0 : i32
        %parallel_loop3A_1031 = tpu.memref_slice %arg7[%parallel_loop3A_1029, %parallel_loop3A_1030] : memref<4x4096xf32, #tpu.memory_space<vmem>> -> memref<1x4096xf32, #tpu.memory_space<vmem>>
        %parallel_loop3A_1032 = tpu.memref_squeeze %parallel_loop3A_1031 : memref<1x4096xf32, #tpu.memory_space<vmem>> -> memref<4096xf32, #tpu.memory_space<vmem>>
        tpu.vector_store_idx %parallel_loop3A_1032[%parallel_loop3A_1028], %parallel_loop3A_1025 : memref<4096xf32, #tpu.memory_space<vmem>>[vector<16xi32>], vector<16xf32>,
      } {sc.loop_unroll_factor = 2 : i64, sc.parallel_access}
      %jit3A_638 = arith.constant 128 : i32
      %div3A_639 = arith.divsi %add3A_606, %jit3A_638 : i32
      %sign3A_640 = arith.constant 0 : i32
      %sign3A_641 = arith.cmpi sgt, %add3A_606, %sign3A_640 : i32
      %sign3A_642 = arith.extui %sign3A_641 : i1 to i32
      %sign3A_643 = arith.constant 0 : i32
      %sign3A_644 = arith.cmpi slt, %add3A_606, %sign3A_643 : i32
      %sign3A_645 = arith.extui %sign3A_644 : i1 to i32
      %sign3A_646 = arith.subi %sign3A_642, %sign3A_645 : i32
      %sign3A_647 = arith.constant 0 : i32
      %sign3A_648 = arith.cmpi sgt, %jit3A_638, %sign3A_647 : i32
      %sign3A_649 = arith.extui %sign3A_648 : i1 to i32
      %sign3A_650 = arith.constant 0 : i32
      %sign3A_651 = arith.cmpi slt, %jit3A_638, %sign3A_650 : i32
      %sign3A_652 = arith.extui %sign3A_651 : i1 to i32
      %sign3A_653 = arith.subi %sign3A_649, %sign3A_652 : i32
      %ne3A_654 = arith.cmpi ne, %sign3A_646, %sign3A_653 : i32
      %rem3A_655 = arith.remsi %add3A_606, %jit3A_638 : i32
      %ne3A_656 = arith.constant 0 : i32
      %ne3A_657 = arith.cmpi ne, %rem3A_655, %ne3A_656 : i32
      %and3A_658 = arith.andi %ne3A_654, %ne3A_657 : i1
      %sub3A_659 = arith.constant 1 : i32
      %sub3A_660 = arith.subi %div3A_639, %sub3A_659 : i32
      %select_n3A_661 = arith.select %and3A_658, %sub3A_660, %div3A_639 : i32
      %rem3A_662 = arith.constant 128 : i32
      %rem3A_663 = arith.remsi %add3A_606, %rem3A_662 : i32
      %mul3A_664 = arith.constant 4 : i32
      %mul3A_665 = arith.muli %select_n3A_661, %mul3A_664 : i32
      %mul3A_666 = arith.constant 128 : i32
      %mul3A_667 = arith.muli %mul3A_665, %mul3A_666 : i32
      %add3A_668 = arith.constant 0 : i32
      %add3A_669 = arith.addi %mul3A_667, %add3A_668 : i32
      %add3A_670 = arith.addi %add3A_669, %rem3A_663 : i32
      %mul3A_671 = arith.constant 8 : i32
      %mul3A_672 = arith.muli %add3A_670, %mul3A_671 : i32
      %mul3A_673 = arith.constant 128 : i32
      %mul3A_674 = arith.muli %mul3A_672, %mul3A_673 : i32
      %dma_start3A_675 = arith.constant 3 : i32
      %dma_start3A_676 = arith.constant 3 : i32
      %dma_start3A_677 = arith.constant 0 : i32
      %dma_start3A_678 = tpu.memref_slice %arg7[%dma_start3A_675, %dma_start3A_677] : memref<4x4096xf32, #tpu.memory_space<vmem>> -> memref<1x1024xf32, #tpu.memory_space<vmem>>
      %dma_start3A_679 = tpu.memref_squeeze %dma_start3A_678 : memref<1x1024xf32, #tpu.memory_space<vmem>> -> memref<1024xf32, #tpu.memory_space<vmem>>
      %dma_start3A_680 = tpu.memref_slice %arg4[%mul3A_674] : memref<104857600xf32, #tpu.memory_space<hbm>> -> memref<1024xf32, #tpu.memory_space<hbm>>
      %dma_start3A_681 = tpu.memref_slice %arg10[%dma_start3A_676] : memref<4x!tpu.dma_semaphore, #tpu.memory_space<semaphore_mem>> -> memref<1x!tpu.dma_semaphore, #tpu.memory_space<semaphore_mem>>
      %dma_start3A_682 = tpu.memref_squeeze %dma_start3A_681 : memref<1x!tpu.dma_semaphore, #tpu.memory_space<semaphore_mem>> -> memref<!tpu.dma_semaphore, #tpu.memory_space<semaphore_mem>>
      %dma_start3A_683 = tpu.memref_slice %arg4[%mul3A_674] : memref<104857600xf32, #tpu.memory_space<hbm>> -> memref<1024xf32, #tpu.memory_space<hbm>>
      %dma_start3A_684 = arith.constant 0 : i32
      %dma_start3A_685 = tpu.memref_slice %arg7[%dma_start3A_675, %dma_start3A_684] : memref<4x4096xf32, #tpu.memory_space<vmem>> -> memref<1x1024xf32, #tpu.memory_space<vmem>>
      %dma_start3A_686 = tpu.memref_squeeze %dma_start3A_685 : memref<1x1024xf32, #tpu.memory_space<vmem>> -> memref<1024xf32, #tpu.memory_space<vmem>>
      tpu.enqueue_dma source(%dma_start3A_686 : memref<1024xf32, #tpu.memory_space<vmem>>) target(%dma_start3A_683 : memref<1024xf32, #tpu.memory_space<hbm>>) target_semaphore(%dma_start3A_682 : memref<!tpu.dma_semaphore, #tpu.memory_space<semaphore_mem>>)
      %mul3A_687 = arith.constant 4 : i32
      %mul3A_688 = arith.muli %select_n3A_661, %mul3A_687 : i32
      %mul3A_689 = arith.constant 128 : i32
      %mul3A_690 = arith.muli %mul3A_688, %mul3A_689 : i32
      %add3A_691 = arith.constant 128 : i32
      %add3A_692 = arith.addi %mul3A_690, %add3A_691 : i32
      %add3A_693 = arith.addi %add3A_692, %rem3A_663 : i32
      %mul3A_694 = arith.constant 8 : i32
      %mul3A_695 = arith.muli %add3A_693, %mul3A_694 : i32
      %mul3A_696 = arith.constant 128 : i32
      %mul3A_697 = arith.muli %mul3A_695, %mul3A_696 : i32
      %dma_start3A_698 = arith.constant 3 : i32
      %dma_start3A_699 = arith.constant 3 : i32
      %dma_start3A_700 = arith.constant 1024 : i32
      %dma_start3A_701 = tpu.memref_slice %arg7[%dma_start3A_698, %dma_start3A_700] : memref<4x4096xf32, #tpu.memory_space<vmem>> -> memref<1x1024xf32, #tpu.memory_space<vmem>>
      %dma_start3A_702 = tpu.memref_squeeze %dma_start3A_701 : memref<1x1024xf32, #tpu.memory_space<vmem>> -> memref<1024xf32, #tpu.memory_space<vmem>>
      %dma_start3A_703 = tpu.memref_slice %arg4[%mul3A_697] : memref<104857600xf32, #tpu.memory_space<hbm>> -> memref<1024xf32, #tpu.memory_space<hbm>>
      %dma_start3A_704 = tpu.memref_slice %arg10[%dma_start3A_699] : memref<4x!tpu.dma_semaphore, #tpu.memory_space<semaphore_mem>> -> memref<1x!tpu.dma_semaphore, #tpu.memory_space<semaphore_mem>>
      %dma_start3A_705 = tpu.memref_squeeze %dma_start3A_704 : memref<1x!tpu.dma_semaphore, #tpu.memory_space<semaphore_mem>> -> memref<!tpu.dma_semaphore, #tpu.memory_space<semaphore_mem>>
      %dma_start3A_706 = tpu.memref_slice %arg4[%mul3A_697] : memref<104857600xf32, #tpu.memory_space<hbm>> -> memref<1024xf32, #tpu.memory_space<hbm>>
      %dma_start3A_707 = arith.constant 1024 : i32
      %dma_start3A_708 = tpu.memref_slice %arg7[%dma_start3A_698, %dma_start3A_707] : memref<4x4096xf32, #tpu.memory_space<vmem>> -> memref<1x1024xf32, #tpu.memory_space<vmem>>
      %dma_start3A_709 = tpu.memref_squeeze %dma_start3A_708 : memref<1x1024xf32, #tpu.memory_space<vmem>> -> memref<1024xf32, #tpu.memory_space<vmem>>
      tpu.enqueue_dma source(%dma_start3A_709 : memref<1024xf32, #tpu.memory_space<vmem>>) target(%dma_start3A_706 : memref<1024xf32, #tpu.memory_space<hbm>>) target_semaphore(%dma_start3A_705 : memref<!tpu.dma_semaphore, #tpu.memory_space<semaphore_mem>>)
      %mul3A_710 = arith.constant 4 : i32
      %mul3A_711 = arith.muli %select_n3A_661, %mul3A_710 : i32
      %mul3A_712 = arith.constant 128 : i32
      %mul3A_713 = arith.muli %mul3A_711, %mul3A_712 : i32
      %add3A_714 = arith.constant 256 : i32
      %add3A_715 = arith.addi %mul3A_713, %add3A_714 : i32
      %add3A_716 = arith.addi %add3A_715, %rem3A_663 : i32
      %mul3A_717 = arith.constant 8 : i32
      %mul3A_718 = arith.muli %add3A_716, %mul3A_717 : i32
      %mul3A_719 = arith.constant 128 : i32
      %mul3A_720 = arith.muli %mul3A_718, %mul3A_719 : i32
      %dma_start3A_721 = arith.constant 3 : i32
      %dma_start3A_722 = arith.constant 3 : i32
      %dma_start3A_723 = arith.constant 2048 : i32
      %dma_start3A_724 = tpu.memref_slice %arg7[%dma_start3A_721, %dma_start3A_723] : memref<4x4096xf32, #tpu.memory_space<vmem>> -> memref<1x1024xf32, #tpu.memory_space<vmem>>
      %dma_start3A_725 = tpu.memref_squeeze %dma_start3A_724 : memref<1x1024xf32, #tpu.memory_space<vmem>> -> memref<1024xf32, #tpu.memory_space<vmem>>
      %dma_start3A_726 = tpu.memref_slice %arg4[%mul3A_720] : memref<104857600xf32, #tpu.memory_space<hbm>> -> memref<1024xf32, #tpu.memory_space<hbm>>
      %dma_start3A_727 = tpu.memref_slice %arg10[%dma_start3A_722] : memref<4x!tpu.dma_semaphore, #tpu.memory_space<semaphore_mem>> -> memref<1x!tpu.dma_semaphore, #tpu.memory_space<semaphore_mem>>
      %dma_start3A_728 = tpu.memref_squeeze %dma_start3A_727 : memref<1x!tpu.dma_semaphore, #tpu.memory_space<semaphore_mem>> -> memref<!tpu.dma_semaphore, #tpu.memory_space<semaphore_mem>>
      %dma_start3A_729 = tpu.memref_slice %arg4[%mul3A_720] : memref<104857600xf32, #tpu.memory_space<hbm>> -> memref<1024xf32, #tpu.memory_space<hbm>>
      %dma_start3A_730 = arith.constant 2048 : i32
      %dma_start3A_731 = tpu.memref_slice %arg7[%dma_start3A_721, %dma_start3A_730] : memref<4x4096xf32, #tpu.memory_space<vmem>> -> memref<1x1024xf32, #tpu.memory_space<vmem>>
      %dma_start3A_732 = tpu.memref_squeeze %dma_start3A_731 : memref<1x1024xf32, #tpu.memory_space<vmem>> -> memref<1024xf32, #tpu.memory_space<vmem>>
      tpu.enqueue_dma source(%dma_start3A_732 : memref<1024xf32, #tpu.memory_space<vmem>>) target(%dma_start3A_729 : memref<1024xf32, #tpu.memory_space<hbm>>) target_semaphore(%dma_start3A_728 : memref<!tpu.dma_semaphore, #tpu.memory_space<semaphore_mem>>)
      %mul3A_733 = arith.constant 4 : i32
      %mul3A_734 = arith.muli %select_n3A_661, %mul3A_733 : i32
      %mul3A_735 = arith.constant 128 : i32
      %mul3A_736 = arith.muli %mul3A_734, %mul3A_735 : i32
      %add3A_737 = arith.constant 384 : i32
      %add3A_738 = arith.addi %mul3A_736, %add3A_737 : i32
      %add3A_739 = arith.addi %add3A_738, %rem3A_663 : i32
      %mul3A_740 = arith.constant 8 : i32
      %mul3A_741 = arith.muli %add3A_739, %mul3A_740 : i32
      %mul3A_742 = arith.constant 128 : i32
      %mul3A_743 = arith.muli %mul3A_741, %mul3A_742 : i32
      %dma_start3A_744 = arith.constant 3 : i32
      %dma_start3A_745 = arith.constant 3 : i32
      %dma_start3A_746 = arith.constant 3072 : i32
      %dma_start3A_747 = tpu.memref_slice %arg7[%dma_start3A_744, %dma_start3A_746] : memref<4x4096xf32, #tpu.memory_space<vmem>> -> memref<1x1024xf32, #tpu.memory_space<vmem>>
      %dma_start3A_748 = tpu.memref_squeeze %dma_start3A_747 : memref<1x1024xf32, #tpu.memory_space<vmem>> -> memref<1024xf32, #tpu.memory_space<vmem>>
      %dma_start3A_749 = tpu.memref_slice %arg4[%mul3A_743] : memref<104857600xf32, #tpu.memory_space<hbm>> -> memref<1024xf32, #tpu.memory_space<hbm>>
      %dma_start3A_750 = tpu.memref_slice %arg10[%dma_start3A_745] : memref<4x!tpu.dma_semaphore, #tpu.memory_space<semaphore_mem>> -> memref<1x!tpu.dma_semaphore, #tpu.memory_space<semaphore_mem>>
      %dma_start3A_751 = tpu.memref_squeeze %dma_start3A_750 : memref<1x!tpu.dma_semaphore, #tpu.memory_space<semaphore_mem>> -> memref<!tpu.dma_semaphore, #tpu.memory_space<semaphore_mem>>
      %dma_start3A_752 = tpu.memref_slice %arg4[%mul3A_743] : memref<104857600xf32, #tpu.memory_space<hbm>> -> memref<1024xf32, #tpu.memory_space<hbm>>
      %dma_start3A_753 = arith.constant 3072 : i32
      %dma_start3A_754 = tpu.memref_slice %arg7[%dma_start3A_744, %dma_start3A_753] : memref<4x4096xf32, #tpu.memory_space<vmem>> -> memref<1x1024xf32, #tpu.memory_space<vmem>>
      %dma_start3A_755 = tpu.memref_squeeze %dma_start3A_754 : memref<1x1024xf32, #tpu.memory_space<vmem>> -> memref<1024xf32, #tpu.memory_space<vmem>>
      tpu.enqueue_dma source(%dma_start3A_755 : memref<1024xf32, #tpu.memory_space<vmem>>) target(%dma_start3A_752 : memref<1024xf32, #tpu.memory_space<hbm>>) target_semaphore(%dma_start3A_751 : memref<!tpu.dma_semaphore, #tpu.memory_space<semaphore_mem>>)
      %lt3A_756 = arith.constant 199 : i32
      %lt3A_757 = arith.cmpi slt, %scan3A_137, %lt3A_756 : i32
      %convert_element_type3A_758 = arith.extui %lt3A_757 : i1 to i32
      %cond3A_759 = arith.constant 0 : i32
      %cond3A_760 = arith.cmpi ne, %convert_element_type3A_758, %cond3A_759 : i32
      scf.if %cond3A_760 {
        %dma_wait3A_761 = arith.constant 3 : i32
        %dma_wait3A_762 = arith.constant 3 : i32
        %dma_wait3A_763 = arith.constant 0 : i32
        %dma_wait3A_764 = arith.constant 0 : i32
        %dma_wait3A_765 = tpu.memref_slice %arg5[%dma_wait3A_761, %dma_wait3A_763, %dma_wait3A_764] : memref<4x1x128xi32, #tpu.memory_space<vmem>> -> memref<1x1x128xi32, #tpu.memory_space<vmem>>
        %dma_wait3A_766 = tpu.memref_squeeze %dma_wait3A_765 : memref<1x1x128xi32, #tpu.memory_space<vmem>> -> memref<1x128xi32, #tpu.memory_space<vmem>>
        %dma_wait3A_767 = arith.constant 0 : i32
        %dma_wait3A_768 = arith.constant 0 : i32
        %dma_wait3A_769 = tpu.memref_slice %arg2[%dma_wait3A_767, %dma_wait3A_768] : memref<25600x128xi32, #tpu.memory_space<hbm>> -> memref<1x128xi32, #tpu.memory_space<hbm>>
        %dma_wait3A_770 = tpu.memref_slice %arg8[%dma_wait3A_762] : memref<4x!tpu.dma_semaphore, #tpu.memory_space<semaphore_mem>> -> memref<1x!tpu.dma_semaphore, #tpu.memory_space<semaphore_mem>>
        %dma_wait3A_771 = tpu.memref_squeeze %dma_wait3A_770 : memref<1x!tpu.dma_semaphore, #tpu.memory_space<semaphore_mem>> -> memref<!tpu.dma_semaphore, #tpu.memory_space<semaphore_mem>>
        %dma_wait3A_772 = arith.constant 0 : i32
        %dma_wait3A_773 = arith.constant 0 : i32
        %dma_wait3A_774 = tpu.memref_slice %arg5[%dma_wait3A_761, %dma_wait3A_772, %dma_wait3A_773] : memref<4x1x128xi32, #tpu.memory_space<vmem>> -> memref<1x1x128xi32, #tpu.memory_space<vmem>>
        %dma_wait3A_775 = tpu.memref_squeeze %dma_wait3A_774 : memref<1x1x128xi32, #tpu.memory_space<vmem>> -> memref<1x128xi32, #tpu.memory_space<vmem>>
        %dma_wait3A_776 = arith.constant 0 : i32
        %dma_wait3A_777 = arith.constant 0 : i32
        %dma_wait3A_778 = tpu.memref_slice %arg2[%dma_wait3A_776, %dma_wait3A_777] : memref<25600x128xi32, #tpu.memory_space<hbm>> -> memref<1x128xi32, #tpu.memory_space<hbm>>
        tpu.wait_dma2 semaphore(%dma_wait3A_771 : memref<!tpu.dma_semaphore, #tpu.memory_space<semaphore_mem>>) src(%dma_wait3A_778 : memref<1x128xi32, #tpu.memory_space<hbm>>) dst(%dma_wait3A_775 : memref<1x128xi32, #tpu.memory_space<vmem>>)
        %dma_start3A_779 = arith.constant 3 : i32
        %dma_start3A_780 = arith.constant 0 : i32
        %dma_start3A_781 = arith.constant 3 : i32
        %dma_start3A_782 = arith.constant 3 : i32
        %dma_start3A_783 = arith.constant 0 : i32
        %dma_start3A_784 = arith.constant 0 : i32
        %dma_start3A_785 = tpu.memref_slice %arg6[%dma_start3A_781, %dma_start3A_783, %dma_start3A_784] : memref<4x128x32xf32, #tpu.memory_space<vmem>> -> memref<1x128x32xf32, #tpu.memory_space<vmem>>
        %dma_start3A_786 = tpu.memref_squeeze %dma_start3A_785 : memref<1x128x32xf32, #tpu.memory_space<vmem>> -> memref<128x32xf32, #tpu.memory_space<vmem>>
        %dma_start3A_787 = arith.constant 0 : i32
        %dma_start3A_788 = tpu.memref_slice %arg5[%dma_start3A_779, %dma_start3A_780, %dma_start3A_787] : memref<4x1x128xi32, #tpu.memory_space<vmem>> -> memref<1x1x128xi32, #tpu.memory_space<vmem>>
        %dma_start3A_789 = tpu.memref_squeeze %dma_start3A_788 : memref<1x1x128xi32, #tpu.memory_space<vmem>> -> memref<128xi32, #tpu.memory_space<vmem>>
        %dma_start3A_790 = arith.constant 0 : i32
        %dma_start3A_791 = arith.constant 0 : i32
        %dma_start3A_792 = tpu.memref_slice %arg3[%dma_start3A_790, %dma_start3A_791] : memref<1000000x32xf32, #tpu.memory_space<hbm>> -> memref<1000000x32xf32, #tpu.memory_space<hbm>>
        %dma_start3A_793 = tpu.memref_slice %arg9[%dma_start3A_782] : memref<4x!tpu.dma_semaphore, #tpu.memory_space<semaphore_mem>> -> memref<1x!tpu.dma_semaphore, #tpu.memory_space<semaphore_mem>>
        %dma_start3A_794 = tpu.memref_squeeze %dma_start3A_793 : memref<1x!tpu.dma_semaphore, #tpu.memory_space<semaphore_mem>> -> memref<!tpu.dma_semaphore, #tpu.memory_space<semaphore_mem>>
        tpu.enqueue_indirect_dma source(%dma_start3A_792 : memref<1000000x32xf32, #tpu.memory_space<hbm>>) target(%dma_start3A_786 : memref<128x32xf32, #tpu.memory_space<vmem>>) offsets(%dma_start3A_789 : memref<128xi32, #tpu.memory_space<vmem>>) semaphore(%dma_start3A_794 : memref<!tpu.dma_semaphore, #tpu.memory_space<semaphore_mem>>)
      } else {
      }
    }
    %scan3A_81 = arith.constant 200 : i32
    %dma_wait3A = arith.constant 0 : i32
    %dma_wait3A_82 = arith.constant 0 : i32
    %dma_wait3A_83 = arith.constant 0 : i32
    %dma_wait3A_84 = tpu.memref_slice %arg7[%dma_wait3A, %dma_wait3A_83] : memref<4x4096xf32, #tpu.memory_space<vmem>> -> memref<1x4096xf32, #tpu.memory_space<vmem>>
    %dma_wait3A_85 = tpu.memref_squeeze %dma_wait3A_84 : memref<1x4096xf32, #tpu.memory_space<vmem>> -> memref<4096xf32, #tpu.memory_space<vmem>>
    %dma_wait3A_86 = arith.constant 0 : i32
    %dma_wait3A_87 = tpu.memref_slice %arg4[%dma_wait3A_86] : memref<104857600xf32, #tpu.memory_space<hbm>> -> memref<4096xf32, #tpu.memory_space<hbm>>
    %dma_wait3A_88 = tpu.memref_slice %arg10[%dma_wait3A_82] : memref<4x!tpu.dma_semaphore, #tpu.memory_space<semaphore_mem>> -> memref<1x!tpu.dma_semaphore, #tpu.memory_space<semaphore_mem>>
    %dma_wait3A_89 = tpu.memref_squeeze %dma_wait3A_88 : memref<1x!tpu.dma_semaphore, #tpu.memory_space<semaphore_mem>> -> memref<!tpu.dma_semaphore, #tpu.memory_space<semaphore_mem>>
    %dma_wait3A_90 = arith.constant 0 : i32
    %dma_wait3A_91 = tpu.memref_slice %arg4[%dma_wait3A_90] : memref<104857600xf32, #tpu.memory_space<hbm>> -> memref<4096xf32, #tpu.memory_space<hbm>>
    %dma_wait3A_92 = arith.constant 0 : i32
    %dma_wait3A_93 = tpu.memref_slice %arg7[%dma_wait3A, %dma_wait3A_92] : memref<4x4096xf32, #tpu.memory_space<vmem>> -> memref<1x4096xf32, #tpu.memory_space<vmem>>
    %dma_wait3A_94 = tpu.memref_squeeze %dma_wait3A_93 : memref<1x4096xf32, #tpu.memory_space<vmem>> -> memref<4096xf32, #tpu.memory_space<vmem>>
    tpu.wait_dma2 semaphore(%dma_wait3A_89 : memref<!tpu.dma_semaphore, #tpu.memory_space<semaphore_mem>>) src(%dma_wait3A_94 : memref<4096xf32, #tpu.memory_space<vmem>>) dst(%dma_wait3A_91 : memref<4096xf32, #tpu.memory_space<hbm>>)
    %dma_wait3A_95 = arith.constant 1 : i32
    %dma_wait3A_96 = arith.constant 1 : i32
    %dma_wait3A_97 = arith.constant 0 : i32
    %dma_wait3A_98 = tpu.memref_slice %arg7[%dma_wait3A_95, %dma_wait3A_97] : memref<4x4096xf32, #tpu.memory_space<vmem>> -> memref<1x4096xf32, #tpu.memory_space<vmem>>
    %dma_wait3A_99 = tpu.memref_squeeze %dma_wait3A_98 : memref<1x4096xf32, #tpu.memory_space<vmem>> -> memref<4096xf32, #tpu.memory_space<vmem>>
    %dma_wait3A_100 = arith.constant 0 : i32
    %dma_wait3A_101 = tpu.memref_slice %arg4[%dma_wait3A_100] : memref<104857600xf32, #tpu.memory_space<hbm>> -> memref<4096xf32, #tpu.memory_space<hbm>>
    %dma_wait3A_102 = tpu.memref_slice %arg10[%dma_wait3A_96] : memref<4x!tpu.dma_semaphore, #tpu.memory_space<semaphore_mem>> -> memref<1x!tpu.dma_semaphore, #tpu.memory_space<semaphore_mem>>
    %dma_wait3A_103 = tpu.memref_squeeze %dma_wait3A_102 : memref<1x!tpu.dma_semaphore, #tpu.memory_space<semaphore_mem>> -> memref<!tpu.dma_semaphore, #tpu.memory_space<semaphore_mem>>
    %dma_wait3A_104 = arith.constant 0 : i32
    %dma_wait3A_105 = tpu.memref_slice %arg4[%dma_wait3A_104] : memref<104857600xf32, #tpu.memory_space<hbm>> -> memref<4096xf32, #tpu.memory_space<hbm>>
    %dma_wait3A_106 = arith.constant 0 : i32
    %dma_wait3A_107 = tpu.memref_slice %arg7[%dma_wait3A_95, %dma_wait3A_106] : memref<4x4096xf32, #tpu.memory_space<vmem>> -> memref<1x4096xf32, #tpu.memory_space<vmem>>
    %dma_wait3A_108 = tpu.memref_squeeze %dma_wait3A_107 : memref<1x4096xf32, #tpu.memory_space<vmem>> -> memref<4096xf32, #tpu.memory_space<vmem>>
    tpu.wait_dma2 semaphore(%dma_wait3A_103 : memref<!tpu.dma_semaphore, #tpu.memory_space<semaphore_mem>>) src(%dma_wait3A_108 : memref<4096xf32, #tpu.memory_space<vmem>>) dst(%dma_wait3A_105 : memref<4096xf32, #tpu.memory_space<hbm>>)
    %dma_wait3A_109 = arith.constant 2 : i32
    %dma_wait3A_110 = arith.constant 2 : i32
    %dma_wait3A_111 = arith.constant 0 : i32
    %dma_wait3A_112 = tpu.memref_slice %arg7[%dma_wait3A_109, %dma_wait3A_111] : memref<4x4096xf32, #tpu.memory_space<vmem>> -> memref<1x4096xf32, #tpu.memory_space<vmem>>
    %dma_wait3A_113 = tpu.memref_squeeze %dma_wait3A_112 : memref<1x4096xf32, #tpu.memory_space<vmem>> -> memref<4096xf32, #tpu.memory_space<vmem>>
    %dma_wait3A_114 = arith.constant 0 : i32
    %dma_wait3A_115 = tpu.memref_slice %arg4[%dma_wait3A_114] : memref<104857600xf32, #tpu.memory_space<hbm>> -> memref<4096xf32, #tpu.memory_space<hbm>>
    %dma_wait3A_116 = tpu.memref_slice %arg10[%dma_wait3A_110] : memref<4x!tpu.dma_semaphore, #tpu.memory_space<semaphore_mem>> -> memref<1x!tpu.dma_semaphore, #tpu.memory_space<semaphore_mem>>
    %dma_wait3A_117 = tpu.memref_squeeze %dma_wait3A_116 : memref<1x!tpu.dma_semaphore, #tpu.memory_space<semaphore_mem>> -> memref<!tpu.dma_semaphore, #tpu.memory_space<semaphore_mem>>
    %dma_wait3A_118 = arith.constant 0 : i32
    %dma_wait3A_119 = tpu.memref_slice %arg4[%dma_wait3A_118] : memref<104857600xf32, #tpu.memory_space<hbm>> -> memref<4096xf32, #tpu.memory_space<hbm>>
    %dma_wait3A_120 = arith.constant 0 : i32
    %dma_wait3A_121 = tpu.memref_slice %arg7[%dma_wait3A_109, %dma_wait3A_120] : memref<4x4096xf32, #tpu.memory_space<vmem>> -> memref<1x4096xf32, #tpu.memory_space<vmem>>
    %dma_wait3A_122 = tpu.memref_squeeze %dma_wait3A_121 : memref<1x4096xf32, #tpu.memory_space<vmem>> -> memref<4096xf32, #tpu.memory_space<vmem>>
    tpu.wait_dma2 semaphore(%dma_wait3A_117 : memref<!tpu.dma_semaphore, #tpu.memory_space<semaphore_mem>>) src(%dma_wait3A_122 : memref<4096xf32, #tpu.memory_space<vmem>>) dst(%dma_wait3A_119 : memref<4096xf32, #tpu.memory_space<hbm>>)
    %dma_wait3A_123 = arith.constant 3 : i32
    %dma_wait3A_124 = arith.constant 3 : i32
    %dma_wait3A_125 = arith.constant 0 : i32
    %dma_wait3A_126 = tpu.memref_slice %arg7[%dma_wait3A_123, %dma_wait3A_125] : memref<4x4096xf32, #tpu.memory_space<vmem>> -> memref<1x4096xf32, #tpu.memory_space<vmem>>
    %dma_wait3A_127 = tpu.memref_squeeze %dma_wait3A_126 : memref<1x4096xf32, #tpu.memory_space<vmem>> -> memref<4096xf32, #tpu.memory_space<vmem>>
    %dma_wait3A_128 = arith.constant 0 : i32
    %dma_wait3A_129 = tpu.memref_slice %arg4[%dma_wait3A_128] : memref<104857600xf32, #tpu.memory_space<hbm>> -> memref<4096xf32, #tpu.memory_space<hbm>>
    %dma_wait3A_130 = tpu.memref_slice %arg10[%dma_wait3A_124] : memref<4x!tpu.dma_semaphore, #tpu.memory_space<semaphore_mem>> -> memref<1x!tpu.dma_semaphore, #tpu.memory_space<semaphore_mem>>
    %dma_wait3A_131 = tpu.memref_squeeze %dma_wait3A_130 : memref<1x!tpu.dma_semaphore, #tpu.memory_space<semaphore_mem>> -> memref<!tpu.dma_semaphore, #tpu.memory_space<semaphore_mem>>
    %dma_wait3A_132 = arith.constant 0 : i32
    %dma_wait3A_133 = tpu.memref_slice %arg4[%dma_wait3A_132] : memref<104857600xf32, #tpu.memory_space<hbm>> -> memref<4096xf32, #tpu.memory_space<hbm>>
    %dma_wait3A_134 = arith.constant 0 : i32
    %dma_wait3A_135 = tpu.memref_slice %arg7[%dma_wait3A_123, %dma_wait3A_134] : memref<4x4096xf32, #tpu.memory_space<vmem>> -> memref<1x4096xf32, #tpu.memory_space<vmem>>
    %dma_wait3A_136 = tpu.memref_squeeze %dma_wait3A_135 : memref<1x4096xf32, #tpu.memory_space<vmem>> -> memref<4096xf32, #tpu.memory_space<vmem>>
    tpu.wait_dma2 semaphore(%dma_wait3A_131 : memref<!tpu.dma_semaphore, #tpu.memory_space<semaphore_mem>>) src(%dma_wait3A_136 : memref<4096xf32, #tpu.memory_space<vmem>>) dst(%dma_wait3A_133 : memref<4096xf32, #tpu.memory_space<hbm>>)
    return
  }
}

</mosaic_0001>

<sc_bundles>
// kernel: kernel.3.cloned.1.call-start
scs
__scs_entry_jumppad:
0x0: {  	(pc) =	sbr.rel $0x88, $3  }
0x1: {  	(tag) =	ssettag $0x0;
	lr =	simm.s32 $0x1  }
0x2: {  	[smem:$0x3F9F] =	sst lr;
	_ =	strace $0xD0000000  }
0x3: {  	_ = 	snop  }
0x4: {  	_ = 	snop  }
0x5: {  	_ = 	snop  }
0x6: {  	_ = 	snop  }
0x7: {  	_ = 	snop  }
__scs_overlays_trampoline_lowered:
0x8: {  	[smem:$0x3FAE] =	sst s0  }
0x9: {  	[smem:$0x3FAF] =	sst s1  }
0xa: {  	[smem:$0x3FB0] =	sst s2  }
0xb: {  	[smem:$0x3FB1] =	sst s3  }
0xc: {  	[smem:$0x3FB2] =	sst s4  }
0xd: {  	[smem:$0x3FB3] =	sst s5  }
0xe: {  	[smem:$0x3FB4] =	sst s6  }
0xf: {  	[smem:$0x3FB5] =	sst s7  }
0x10: {  	[smem:$0x3FB6] =	sst s8  }
0x11: {  	[smem:$0x3FB7] =	sst s9;
	s0 =	simm.s32 @!p0 $0x0  }
0x12: {  	s1 =	sld [smem:$0x3F9D];
	s0 =	simm.s32 @p0 $0x1  }
0x13: {  	[smem:$0x3FB8] =	sst s0;
	s0 =	simm.s32 @!p1 $0x0  }
0x14: {  	s2 =	sld [smem:$0x3F9C];
	s0 =	simm.s32 @p1 $0x1  }
0x15: {  	[smem:$0x3FB9] =	sst s0;
	s0 =	simm.s32 @!p2 $0x0  }
0x16: {  	s3 =	sld [smem:$0x3FDB];
	s0 =	simm.s32 @p2 $0x1  }
0x17: {  	s4 =	simm.s32 $0x1BF5;
	[smem:$0x3FBB] =	sst s0  }
0x18: {  	s0 =	sld [smem:$0x3F9E];
	_ =	swait.ge [sflag:s4], $0x0  }
0x19: {  	s7 =	sld [smem:$0x3F9F]  }
0x1a: {  	s8 =	sadd.s32 $0xFFFFE003, lr  }
0x1b: {  	s9 =	sadd.s32 $0xFFFFFEF7, lr;
	s5 =	simm.s32 $0xFFFFFFFF;
	p2 =	slt.u32 s8, $0xFFFFF086  }
0x1c: {  	p1 =	slt.u32 s9, $0xF7A;
	s5 =	simm.s32 @!p2 $0x0  }
0x1d: {  	s5 =	simm.s32 @p1 $0x1;
	p0 =	seq.s32 s7, s2  }
0x1e: {  	s7 =	smul.u32 @!p0 $0xF7A, s2;
	p2 =	seq.s32 @!p0 s5, $0x0  }
0x1f: {  	s9 =	smul.u32 $0xF7A, s1;
	s8 =	simm.s32 @!p0 $0x1BF5;
	p2 =	por !p2, p0  }
0x20: {  	[sflag:s8] =	ssyncset.s32 @!p0 $0xFFFFF086;
	s6 =	sadd.s32 @!p0 s3, s7;
	s7 =	simm.s32 @!p0 $0x108  }
0x21: {  	s3 =	sadd.s32 s3, s9;
	s6 =	sadd.s32 @!p0 $0x88, s6;
	s7 =	simm.s32 @p2 $0x1082  }
0x22: {  	[simem:s7], [sflag:s8] =	dma.local @!p0 [hbm:s6], $0xF7A  }
0x23: {  	s9 =	sor.u32 $0xD0000000, s2;
	s6 =	simm.s32 $0x108;
	_ =	swait.ge @!p0 [sflag:s8], $0x0  }
0x24: {  	s3 =	sadd.s32 $0x88, s3;
	s6 =	simm.s32 @!p1 $0x1082;
	[sflag:s4] =	ssyncset.s32 $0xFFFFF086  }
0x25: {  	[simem:s6], [sflag:s4] =	dma.local [hbm:s3], $0xF7A  }
0x26: {  	[smem:$0x3F9F] =	sst s1;
	(tag) =	ssettag s2;
	_ =	strace s9  }
0x27: {  	s1 =	sld [smem:$0x3FAF]  }
0x28: {  	s2 =	sld [smem:$0x3FB0]  }
0x29: {  	s4 =	sld [smem:$0x3FB2]  }
0x2a: {  	p0 =	seq.s32 s5, $0x0;
	s5 =	sld [smem:$0x3FB3]  }
0x2b: {  	s6 =	sld [smem:$0x3FB4]  }
0x2c: {  	s7 =	sld [smem:$0x3FB5]  }
0x2d: {  	s3 =	simm.s32 $0x108;
	s8 =	sld [smem:$0x3FB6]  }
0x2e: {  	s3 =	simm.s32 @!p0 $0x1082;
	s9 =	sld [smem:$0x3FB7]  }
0x2f: {  	lr =	sadd.s32 s0, s3;
	s0 =	sld [smem:$0x3FAE]  }
0x30: {  	s3 =	sld [smem:$0x3FB1]  }
0x31: {  	[smem:$0x3FBA] =	sst s10  }
0x32: {  	s10 =	sld [smem:$0x3FB8];
	_ =	sdelay $0x3  }
0x33: {  	p0 =	seq.s32 s10, $0x1;
	s10 =	sld [smem:$0x3FBA];
	_ =	sdelay $0x3  }
0x34: {  	[smem:$0x3FBA] =	sst s10  }
0x35: {  	s10 =	sld [smem:$0x3FB9];
	_ =	sdelay $0x3  }
0x36: {  	p1 =	seq.s32 s10, $0x1;
	s10 =	sld [smem:$0x3FBA];
	_ =	sdelay $0x3  }
0x37: {  	[smem:$0x3FBA] =	sst s10  }
0x38: {  	s10 =	sld [smem:$0x3FBB]  }
0x39: {  	_ = 	snop;
	(pc) =	sbr.ind lr, $3  }
0x3a: {  	_ = 	snop  }
0x3b: {  	_ = 	snop  }
0x3c: {  	p2 =	seq.s32 s10, $0x1;
	s10 =	sld [smem:$0x3FBA]  }
0x3d: {  	_ =	shalt  }
0x3e: {  	_ =	shalt  }
0x3f: {  	_ =	shalt  }
0x40: {  	_ =	shalt  }
0x41: {  	_ =	shalt  }
0x42: {  	_ =	shalt  }
0x43: {  	_ =	shalt  }
0x44: {  	_ =	shalt  }
0x45: {  	_ =	shalt  }
0x46: {  	_ =	shalt  }
0x47: {  	_ =	shalt  }
0x48: {  	_ =	shalt  }
0x49: {  	_ =	shalt  }
0x4a: {  	_ =	shalt  }
0x4b: {  	_ =	shalt  }
0x4c: {  	_ =	shalt  }
0x4d: {  	_ =	shalt  }
0x4e: {  	_ =	shalt  }
0x4f: {  	_ =	shalt  }
0x50: {  	_ =	shalt  }
0x51: {  	_ =	shalt  }
0x52: {  	_ =	shalt  }
0x53: {  	_ =	shalt  }
0x54: {  	_ =	shalt  }
0x55: {  	_ =	shalt  }
0x56: {  	_ =	shalt  }
0x57: {  	_ =	shalt  }
0x58: {  	_ =	shalt  }
0x59: {  	_ =	shalt  }
0x5a: {  	_ =	shalt  }
0x5b: {  	_ =	shalt  }
0x5c: {  	_ =	shalt  }
0x5d: {  	_ =	shalt  }
0x5e: {  	_ =	shalt  }
0x5f: {  	_ =	shalt  }
0x60: {  	_ =	shalt  }
0x61: {  	_ =	shalt  }
0x62: {  	_ =	shalt  }
0x63: {  	_ =	shalt  }
0x64: {  	_ =	shalt  }
0x65: {  	_ =	shalt  }
0x66: {  	_ =	shalt  }
0x67: {  	_ =	shalt  }
0x68: {  	_ =	shalt  }
0x69: {  	_ =	shalt  }
0x6a: {  	_ =	shalt  }
0x6b: {  	_ =	shalt  }
0x6c: {  	_ =	shalt  }
0x6d: {  	_ =	shalt  }
0x6e: {  	_ =	shalt  }
0x6f: {  	_ =	shalt  }
0x70: {  	_ =	shalt  }
0x71: {  	_ =	shalt  }
0x72: {  	_ =	shalt  }
0x73: {  	_ =	shalt  }
0x74: {  	_ =	shalt  }
0x75: {  	_ =	shalt  }
0x76: {  	_ =	shalt  }
0x77: {  	_ =	shalt  }
0x78: {  	_ =	shalt  }
0x79: {  	_ =	shalt  }
0x7a: {  	_ =	shalt  }
0x7b: {  	_ =	shalt  }
0x7c: {  	_ =	shalt  }
0x7d: {  	_ =	shalt  }
0x7e: {  	_ =	shalt  }
0x7f: {  	_ =	shalt  }
0x80: {  	_ =	shalt  }
0x81: {  	_ =	shalt  }
0x82: {  	_ =	shalt  }
0x83: {  	_ =	shalt  }
0x84: {  	_ =	shalt  }
0x85: {  	_ =	shalt  }
0x86: {  	_ =	shalt  }
0x87: {  	_ =	shalt  }
.Lfunc_end0:
.L_simem_size_0:
called_computation_lowered:
.L_overlay_start_0:
0x88: {  	s2 =	sld [smem:$0x3FD9]  }
0x89: {  	s3 =	sld [smem:$0x3FFE];
	_ =	sdelay $0x1  }
0x8a: {  	s1 =	srdreg.scid  }
0x8b: {  	s0 =	sand.u32 $0x1, s1  }
0x8c: {  	s17 =	sshll.u32 s0, $0xA;
	s2 =	sadd.s32 s3, s2  }
0x8d: {  	s2 =	sadd.s32 s2, s17  }
0x8e: {  	[smem:$0x3FC6] =	sst s2  }
0x8f: {  	_ = 	snop  }
0x90: {  	s2 =	sld [smem:$0x3FD0];
	(tm) =	ssettm $0x1  }
0x91: {  	s18 =	sld [smem:$0x3FFB];
	_ =	sdelay $0x3  }
0x92: {  	_ =	strace s18  }
0x93: {  	s3 =	sld [smem:$0x3FFC];
	_ =	sdelay $0x3  }
0x94: {  	_ =	strace s3  }
0x95: {  	s3 =	sld [smem:$0x3FFD];
	_ =	sdelay $0x3  }
0x96: {  	_ =	strace s3  }
0x97: {  	_ =	strace $0x8FFFFFFF  }
0x98: {  	s19 =	sld [smem:$0x3FDB];
	_ =	sdelay $0x1  }
0x99: {  	s4 =	simm.s32 $_scs_section_size  }
0x9a: {  	s5 =	simm.s32 $_size__tile_overlayer_lowered;
	s6 =	simm.s32 $_tile_overlayer_lowered  }
0x9b: {  	s22 =	simm.s32 $0x1BFF;
	s21 =	sshll.u32 s6, $0x1;
	s3 =	sadd.s32 s4, s19  }
0x9c: {  	s7 =	simm.s32 $0x0;
	s20 =	sshll.u32 s5, $0x1;
	s5 =	sadd.s32 s21, s3  }
0x9d: {  	[timem:s7], [sflag:s22] =	dma.local [hbm:s5], s20  }
0x9e: {  	_ =	swait.ge [sflag:s22], s20  }
0x9f: {  	s4 =	ssub.s32 $0x0, s20;
	[sflag:s22] =	ssyncset.done $0x0  }
0xa0: {  	[sflag:s22] =	ssyncadd.s32 s4;
	_ =	sdelay $0x1  }
0xa1: {  	s23 =	simm.s32 $0x1B8B  }
0xa2: {  	_ =	swait.ge [sflag:s23], $0x1  }
0xa3: {  	[sflag:s23] =	ssyncset.done $0x0  }
0xa4: {  	s25 =	simm.s32 $0x1B8E;
	s24 =	sld [smem:$0x3FFE];
	[sflag:s23] =	ssyncadd.s32 $0xFFFFFFFF  }
0xa5: {  	s26 =	simm.s32 $execute0_lowered;
	[smem:$0x3FD2] =	sst s25  }
0xa6: {  	s5 =	sshll.u32 s26, $0x1;
	_ =	strace $0x80000046;
	[dreg:$0x1] =	wrdreg $0xFFFFFFFF  }
0xa7: {  	s28 =	simm.s32 $_size_execute0_lowered;
	s3 =	sadd.s32 s3, s5;
	[dreg:$0x0] =	wrdreg $0x0  }
0xa8: {  	s5 =	sshll.u32 s28, $0x1;
	[dreg:$0x2] =	wrdreg s3  }
0xa9: {  	[dreg:$0x3] =	wrdreg s5  }
0xaa: {  	[dreg:$0x4] =	wrdreg $0xC0  }
0xab: {  	_ =	task [dreg:s7], $0x5FFFF  }
0xac: {  	[dreg:$0x1] =	wrdreg $0xFFFFFFFF  }
0xad: {  	[dreg:$0x0] =	wrdreg $0x60  }
0xae: {  	[dreg:$0x2] =	wrdreg s24  }
0xaf: {  	[dreg:$0x3] =	wrdreg s2  }
0xb0: {  	[dreg:$0x4] =	wrdreg $0x9  }
0xb1: {  	_ =	task.clear_ibuf [dreg:s7], $0x5FFFF;
	_ =	strace $0x90000046  }
0xb2: {  	s29 =	simm.s32 $0x9;
	_ =	strace $0x80000048  }
0xb3: {  	_ =	swait.ge [sflag:s29], $0x1  }
0xb4: {  	[sflag:s29] =	ssyncadd.s32 $0xFFFFFFFF  }
0xb5: {  	_ =	strace $0x90000048  }
0xb6: {  	_ =	sfence  }
0xb7: {  	s30 =	sld [smem:$0x0];
	_ =	sdelay $0x2  }
0xb8: {  	s31 =	sshll.u32 s1, $0xD;
	s1 =	sshrl.u32 s1, $0x2  }
0xb9: {  	s3 =	sand.u32 $0x4000, s31;
	s1 =	sadd.s32 s1, s30  }
0xba: {  	s0 =	sor.u32 s3, s0;
	s1 =	sshll.u32 s1, $0x11  }
0xbb: {  	s0 =	sor.u32 s1, s0  }
0xbc: {  	s0 =	sadd.s32 $0x8F2B, s0  }
0xbd: {  	[sflag:s0] =	ssyncadd.remote.s32 $0x1  }
0xbe: {  	_ =	sfence.sel $0xFFFF  }
0xbf: {  	[dreg:$0x0] =	wrdreg $0xFFFFFFFF;
	(pc) =	sbr.abs _section_cstart, $3  }
0xc0: {  	[dreg:$0x1] =	wrdreg $0xFFFFFFFF  }
0xc1: {  	_ =	task.clear_ibuf [dreg:s7], $0x2FFFF;
	_ =	strace $0x9FFFFFFF  }
0xc2: {  	(tm) =	ssettm $0x7FFFFFFF  }
0xc3: {  	_ =	shalt  }
tec
execute0_lowered:
.L_overlay_start_1:
0x0: {  	(tag) =	ssettag $0x1  }
0x1: {  	s3 =	stileid.u32  }
0x2: {  	s0 =	rddreg [dreg:$0x0];
	v1 =	vlaneseq.u32;
	s4 =	sshll.u32 s3, $0x1;
	s3 =	simm.s32 $0x0  }
0x3: {  	v62 =	vor.u32 $0x870, v1;
	[smem:$0x7FF] =	sst s3  }
0x4: {  	s2 =	rddreg [dreg:$0x1];
	v63 =	vor.u32 $0xFF8, v1;
	_ =	strace $0x80000047;
	[tilespmem:$0x1FE00] =	vst v62  }
0x5: {  	v15 =	vor.u32 $0x10, v1;
	[tilespmem:$0x1FE10] =	vst v63  }
0x6: {  	v17 =	vor.u32 $0x20, v1;
	[tilespmem:$0x1FE30] =	vst v15  }
0x7: {  	v19 =	vor.u32 $0x30, v1;
	[tilespmem:$0x1FE50] =	vst v17  }
0x8: {  	v21 =	vor.u32 $0x40, v1;
	[tilespmem:$0x1FE70] =	vst v19  }
0x9: {  	v23 =	vor.u32 $0x50, v1;
	[tilespmem:$0x1FE90] =	vst v21  }
0xa: {  	v25 =	vor.u32 $0x60, v1;
	[tilespmem:$0x1FEB0] =	vst v23  }
0xb: {  	v27 =	vor.u32 $0x70, v1;
	[tilespmem:$0x1FED0] =	vst v25  }
0xc: {  	v29 =	vor.u32 $0x800, v1;
	[tilespmem:$0x1FEF0] =	vst v27  }
0xd: {  	v30 =	vor.u32 $0xF88, v1;
	[tilespmem:$0x1FF10] =	vst v29  }
0xe: {  	v32 =	vor.u32 $0x810, v1;
	[tilespmem:$0x1FF20] =	vst v30  }
0xf: {  	v33 =	vor.u32 $0xF98, v1;
	[tilespmem:$0x1FF40] =	vst v32  }
0x10: {  	v44 =	vor.u32 $0xFE8, v1;
	[tilespmem:$0x1FF50] =	vst v33  }
0x11: {  	v10 =	vor.u32 $0x860, v1;
	[tilespmem:$0x1FF70] =	vst v44  }
0x12: {  	v49 =	vor.u32 $0xFD8, v1;
	[tilespmem:$0x1FF80] =	vst v10  }
0x13: {  	v48 =	vor.u32 $0x850, v1;
	[tilespmem:$0x1FFA0] =	vst v49  }
0x14: {  	v11 =	vmul.u32 $0x20, v1;
	v61 =	vor.u32 $0xFC8, v1;
	[tilespmem:$0x1FFB0] =	vst v48  }
0x15: {  	v60 =	vor.u32 $0x840, v1;
	[tilespmem:$0x1FFD0] =	vst v61  }
0x16: {  	v0 =	vor.u32 $0xE10, v11;
	[tilespmem:$0x1FFE0] =	vst v60  }
0x17: {  	s1 =	srdreg.scid;
	s19 =	simm.s32 $0x80;
	v14 =	vor.u32 $0x200, v11;
	[tilespmem:$0x1FDF0] =	vst v0  }
0x18: {  	s20 =	simm.s32 $0x200;
	s21 =	simm.s32 $0x1200;
	s23 =	simm.s32 $0x2200;
	v16 =	vor.u32 $0x400, v11;
	[tilespmem:$0x1FE20] =	vst v14  }
0x19: {  	s25 =	simm.s32 $0x3200;
	s28 =	simm.s32 $0x4200;
	s18 =	simm.s32 $0x7200;
	v18 =	vor.u32 $0x600, v11;
	[tilespmem:$0x1FE40] =	vst v16  }
0x1a: {  	s22 =	simm.s32 $0x4;
	s9 =	simm.s32 $0x0;
	s1 =	sand.u32 $0x1, s1;
	v20 =	vor.u32 $0x800, v11;
	[tilespmem:$0x1FE60] =	vst v18  }
0x1b: {  	s10 =	sadd.s32 $0x640, s0;
	s11 =	sadd.s32 $0x4000, s2;
	s12 =	sadd.s32 $0x8000, s2;
	v22 =	vor.u32 $0xA00, v11;
	[tilespmem:$0x1FE80] =	vst v20  }
0x1c: {  	s13 =	sadd.s32 $0xC000, s2;
	s5 =	sor.u32 s1, s4;
	s1 =	ssub.s32 $0x2, s1;
	v24 =	vor.u32 $0xC00, v11;
	[tilespmem:$0x1FEA0] =	vst v22  }
0x1d: {  	s14 =	sadd.s32 $0x650, s0;
	s4 =	smul.u32 $0x3200, s5;
	s7 =	sshrl.u32 s1, $0x1;
	v26 =	vor.u32 $0xE00, v11;
	[tilespmem:$0x1FEC0] =	vst v24  }
0x1e: {  	s15 =	sadd.s32 $0x660, s0;
	s16 =	sadd.s32 $0x670, s0;
	v28 =	vor.u32 $0x10, v11;
	s1 =	ssub.s32 s1, s7;
	[tilespmem:$0x1FEE0] =	vst v26  }
0x1f: {  	s5 =	smul.u32 $0x320, s5;
	v31 =	vor.u32 $0x210, v11;
	[tilespmem:$0x1FF00] =	vst v28;
	s6 =	sadd.s32 s4, s0;
	s31 =	smax.u32 s1, $0x1  }
.Ltmp0:
0x20: {  	v34 =	vor.u32 $0x410, v11;
	[tilespmem:$0x1FF30] =	vst v31;
	s26 =	sadd.s32 $0x600, s6;
	[dreg:$0x7] =	wrdreg s31;
	(pc) =	sbr.rel .LBB2_1-.Ltmp0, $4  }
0x21: {  	v43 =	vor.u32 $0xC10, v11;
	s7 =	simm.s32 $0x6200;
	[tilespmem:$0x1FF60] =	vst v34;
	s29 =	sadd.s32 $0x610, s6;
	[dreg:$0x3] =	wrdreg s26  }
0x22: {  	v55 =	vor.u32 $0xA10, v11;
	[tilespmem:$0x1FF90] =	vst v43;
	s4 =	sadd.s32 $0xF42A00, s0;
	s30 =	sadd.s32 $0x620, s6;
	[dreg:$0x4] =	wrdreg s29  }
0x23: {  	v35 =	vor.u32 $0x820, v1;
	v36 =	vor.u32 $0xFA8, v1;
	v13 =	vor.u32 $0x810, v11;
	[tilespmem:$0x1FFC0] =	vst v55;
	s1 =	simm.s32 $0x5200;
	s6 =	sadd.s32 $0x630, s6;
	[dreg:$0x5] =	wrdreg s30  }
0x24: {  	v38 =	vor.u32 $0x830, v1;
	v39 =	vor.u32 $0xFB8, v1;
	v37 =	vor.u32 $0x610, v11;
	[tilespmem:$0x1FFF0] =	vst v13;
	s0 =	simm.s32 $0x9;
	[dreg:$0x6] =	wrdreg s6;
	s26 =	simm.s32 $0x5  }
.LBB2_15:
0x25: {  	_ =	swait.ge [sflag:s0], $0x1000  }
0x26: {  	[sflag:s0] =	ssyncset.done $0x0  }
0x27: {  	s6 =	simm.s32 $0xA;
	[sflag:s0] =	ssyncadd.s32 $0xFFFFF000  }
0x28: {  	_ =	swait.ge [sflag:s6], $0x1000  }
0x29: {  	[sflag:s6] =	ssyncset.done $0x0  }
0x2a: {  	s30 =	simm.s32 $0xB;
	[sflag:s6] =	ssyncadd.s32 $0xFFFFF000  }
0x2b: {  	_ =	swait.ge [sflag:s30], $0x1000  }
0x2c: {  	[sflag:s30] =	ssyncset.done $0x0  }
0x2d: {  	s8 =	simm.s32 $0xC;
	[sflag:s30] =	ssyncadd.s32 $0xFFFFF000  }
0x2e: {  	_ =	swait.ge [sflag:s8], $0x1000  }
0x2f: {  	v14 =	vld [tilespmem:$0x1FE20]  }
0x30: {  	v15 =	vld [tilespmem:$0x1FE30]  }
0x31: {  	v16 =	vld [tilespmem:$0x1FE40]  }
0x32: {  	v17 =	vld [tilespmem:$0x1FE50]  }
0x33: {  	v18 =	vld [tilespmem:$0x1FE60]  }
0x34: {  	v19 =	vld [tilespmem:$0x1FE70]  }
0x35: {  	v20 =	vld [tilespmem:$0x1FE80]  }
0x36: {  	v21 =	vld [tilespmem:$0x1FE90]  }
0x37: {  	v22 =	vld [tilespmem:$0x1FEA0]  }
0x38: {  	v23 =	vld [tilespmem:$0x1FEB0]  }
0x39: {  	v24 =	vld [tilespmem:$0x1FEC0]  }
0x3a: {  	v25 =	vld [tilespmem:$0x1FED0]  }
0x3b: {  	v26 =	vld [tilespmem:$0x1FEE0]  }
0x3c: {  	s9 =	rddreg [dreg:$0x8];
	v27 =	vld [tilespmem:$0x1FEF0]  }
0x3d: {  	s31 =	rddreg [dreg:$0x7];
	v28 =	vld [tilespmem:$0x1FF00];
	s9 =	sadd.s32 $0x1, s9  }
0x3e: {  	v29 =	vld [tilespmem:$0x1FF10];
	p0 =	sne.s32 s9, s31  }
.Ltmp1:
0x3f: {  	v30 =	vld [tilespmem:$0x1FF20];
	(pc) =	sbr.rel @!p0 .LBB2_16-.Ltmp1, $4  }
0x40: {  	v31 =	vld [tilespmem:$0x1FF30]  }
0x41: {  	v32 =	vld [tilespmem:$0x1FF40]  }
0x42: {  	v11 =	vmov v13;
	v35 =	vmov v56;
	v36 =	vmov v57;
	[sflag:s8] =	ssyncset.done $0x0;
	v33 =	vld [tilespmem:$0x1FF50]  }
0x43: {  	v37 =	vmovc v62;
	v38 =	vmovc v63;
	v39 =	vmov v58;
	v13 =	vmov v59;
	v10 =	vmov v45;
	v34 =	vld [tilespmem:$0x1FF60];
	[sflag:s8] =	ssyncadd.s32 $0xFFFFF000  }
.LBB2_1:
0x44: {  	[dreg:$0x8] =	wrdreg s9  }
0x45: {  	s6 =	rddreg [dreg:$0x3];
	s8 =	simm.s32 $0xD  }
0x46: {  	[tilespmem:s3], [sflag:$0xD] =	stream.linear.gather [hbm4b:s6+s3], $0x80, $0x38;
	[tilespmem:$0x8200] =	vst v63  }
0x47: {  	_ =	swait.ge [sflag:s8], $0x80  }
0x48: {  	[sflag:s8] =	ssyncset.done $0x0  }
0x49: {  	[sflag:s8] =	ssyncadd.s32 $0xFFFFFF80  }
0x4a: {  	[tilespmem:s20], [sflag:$0x5] =	stream.indirect.gather [hbm4b:s4+s19], $0x20, s3, s19, $0xb8;
	[tilespmem:$0x8200] =	vst v63  }
0x4b: {  	s17 =	rddreg [dreg:$0x4]  }
0x4c: {  	[tilespmem:s19], [sflag:$0xD] =	stream.linear.gather [hbm4b:s17+s3], $0x80, $0x38;
	[tilespmem:$0x8200] =	vst v63  }
0x4d: {  	_ =	swait.ge [sflag:s8], $0x80  }
0x4e: {  	[sflag:s8] =	ssyncset.done $0x0  }
0x4f: {  	[sflag:s8] =	ssyncadd.s32 $0xFFFFFF80  }
0x50: {  	[tilespmem:s21], [sflag:$0x6] =	stream.indirect.gather [hbm4b:s4+s19], $0x20, s19, s19, $0xb8;
	[tilespmem:$0x8200] =	vst v63  }
0x51: {  	s29 =	simm.s32 $0x100;
	s24 =	rddreg [dreg:$0x5]  }
0x52: {  	[tilespmem:s29], [sflag:$0xD] =	stream.linear.gather [hbm4b:s24+s3], $0x80, $0x38;
	[tilespmem:$0x8200] =	vst v63  }
0x53: {  	_ =	swait.ge [sflag:s8], $0x80  }
0x54: {  	[sflag:s8] =	ssyncset.done $0x0  }
0x55: {  	[sflag:s8] =	ssyncadd.s32 $0xFFFFFF80  }
0x56: {  	[tilespmem:s23], [sflag:$0x7] =	stream.indirect.gather [hbm4b:s4+s19], $0x20, s29, s19, $0xb8;
	[tilespmem:$0x8200] =	vst v63  }
0x57: {  	s31 =	simm.s32 $0x180;
	s30 =	rddreg [dreg:$0x6]  }
0x58: {  	[tilespmem:s31], [sflag:$0xD] =	stream.linear.gather [hbm4b:s30+s3], $0x80, $0x38;
	[tilespmem:$0x8200] =	vst v63  }
0x59: {  	_ =	swait.ge [sflag:s8], $0x80  }
0x5a: {  	[sflag:s8] =	ssyncset.done $0x0  }
0x5b: {  	s6 =	simm.s32 $0x0;
	[sflag:s8] =	ssyncadd.s32 $0xFFFFFF80  }
0x5c: {  	[tilespmem:s25], [sflag:$0x8] =	stream.indirect.gather [hbm4b:s4+s19], $0x20, s31, s19, $0xb8;
	[tilespmem:$0x8200] =	vst v63  }
.LBB2_2:
0x5d: {  	p0 =	seq.s32 s6, $0xC7  }
0x5e: {  	p1 =	seq.s32 @!p0 s6, $0x0  }
0x5f: {  	p1 =	por p0, !p1  }
.Ltmp2:
0x60: {  	s8 =	sshll.u32 s6, $0x2;
	(pc) =	sbr.rel @!p1 .LBB2_3-.Ltmp2, $4  }
0x61: {  	_ =	swait.ge [sflag:s26], $0x1000;
	s9 =	sadd.s32 s5, s8  }
0x62: {  	[sflag:s26] =	ssyncset.done $0x0;
	s8 =	sshll.u32 @!p0 s9, $0x4  }
0x63: {  	s29 =	simm.s32 @!p0 $0x0;
	[sflag:s26] =	ssyncadd.s32 $0xFFFFF000;
	s17 =	sadd.s32 @!p0 s8, s10  }
0x64: {  	[tilespmem:s29], [sflag:$0x1] =	stream.linear.gather @!p0 [hbm4b:s17+s29], $0x80, $0x38;
	[tilespmem:$0x8200] =	vst v63  }
.Ltmp3:
0x65: {  	(pc) =	sbr.rel .LBB2_5-.Ltmp3, $4  }
0x66: {  	_ = 	snop  }
0x67: {  	_ =	swait.ge [sflag:s0], $0x1000  }
0x68: {  	[sflag:s0] =	ssyncset.done $0x0  }
0x69: {  	p1 =	por $0x0, $0x0;
	[sflag:s0] =	ssyncadd.s32 $0xFFFFF000  }
.LBB2_3:
0x6a: {  	p1 =	por @!p0 $0x1, $0x1  }
.LBB2_5:
0x6b: {  	s17 =	simm.s32 $0x0;
	v5 =	vlaneseq.u32  }
0x6c: {  	v0 =	vadd.s32 s17, v5  }
0x6d: {  	s24 =	simm.s32 $0x1;
	v53 =	vand.u32 $0xF, v0  }
0x6e: {  	v2 =	vadd.s32 s24, v5;
	v1 =	vor.u32 v11, v53  }
0x6f: {  	v52 =	vand.u32 $0xF, v2  }
0x70: {  	v40 =	vor.u32 v11, v52  }
0x71: {  	v4 =	vshll.u32 v0, $0x7  }
0x72: {  	v0 =	vand.u32 $0x780, v4  }
0x73: {  	v12 =	vshll.u32 v2, $0x7;
	v41 =	vor.u32 v5, v0;
	v1 =	vld.idx.msk [tilespmem:v1+s20+$0x0], $0xffff  }
0x74: {  	v2 =	vor.u32 v14, v53;
	v44 =	vand.u32 $0x780, v12  }
0x75: {  	v42 =	vor.u32 v5, v44;
	v40 =	vld.idx.msk [tilespmem:v40+s20+$0x0], $0xffff  }
0x76: {  	v43 =	vor.u32 v14, v52;
	_ =	sdelay $0x1  }
0x77: {  	[tilespmem:v41+s28+$0x0] =	vst.idx.msk $0xffff, v1  }
0x78: {  	v1 =	vld.idx.msk [tilespmem:v2+s20+$0x0], $0xffff;
	v2 =	vor.u32 v15, v0  }
0x79: {  	v50 =	vor.u32 v16, v53;
	[tilespmem:v42+s28+$0x0] =	vst.idx.msk $0xffff, v40  }
0x7a: {  	v51 =	vor.u32 v15, v44;
	v40 =	vld.idx.msk [tilespmem:v43+s20+$0x0], $0xffff  }
0x7b: {  	v54 =	vor.u32 v16, v52;
	_ =	sdelay $0x1  }
0x7c: {  	[tilespmem:v2+s28+$0x0] =	vst.idx.msk $0xffff, v1  }
0x7d: {  	v2 =	vor.u32 v17, v0;
	v1 =	vld.idx.msk [tilespmem:v50+s20+$0x0], $0xffff  }
0x7e: {  	v55 =	vor.u32 v18, v53;
	[tilespmem:v51+s28+$0x0] =	vst.idx.msk $0xffff, v40  }
0x7f: {  	v56 =	vor.u32 v17, v44;
	v40 =	vld.idx.msk [tilespmem:v54+s20+$0x0], $0xffff  }
0x80: {  	v57 =	vor.u32 v18, v52;
	_ =	sdelay $0x1  }
0x81: {  	[tilespmem:v2+s28+$0x0] =	vst.idx.msk $0xffff, v1  }
0x82: {  	v2 =	vor.u32 v19, v0;
	v1 =	vld.idx.msk [tilespmem:v55+s20+$0x0], $0xffff  }
0x83: {  	v58 =	vor.u32 v20, v53;
	[tilespmem:v56+s28+$0x0] =	vst.idx.msk $0xffff, v40  }
0x84: {  	v59 =	vor.u32 v19, v44;
	v40 =	vld.idx.msk [tilespmem:v57+s20+$0x0], $0xffff  }
0x85: {  	v60 =	vor.u32 v20, v52;
	_ =	sdelay $0x1  }
0x86: {  	[tilespmem:v2+s28+$0x0] =	vst.idx.msk $0xffff, v1  }
0x87: {  	v2 =	vor.u32 v21, v0;
	v1 =	vld.idx.msk [tilespmem:v58+s20+$0x0], $0xffff  }
0x88: {  	s30 =	simm.s32 $0x2;
	v3 =	vlaneseq.u32;
	v61 =	vor.u32 v22, v53;
	[tilespmem:v59+s28+$0x0] =	vst.idx.msk $0xffff, v40  }
0x89: {  	v62 =	vadd.s32 s30, v3;
	v46 =	vor.u32 v21, v44;
	v45 =	vld.idx.msk [tilespmem:v60+s20+$0x0], $0xffff  }
0x8a: {  	s31 =	simm.s32 $0x3;
	v47 =	vor.u32 v22, v52;
	v43 =	vand.u32 $0xF, v62  }
0x8b: {  	v48 =	vadd.s32 s31, v3;
	v49 =	vor.u32 v11, v43  }
0x8c: {  	v41 =	vand.u32 $0xF, v48;
	[tilespmem:v2+s28+$0x0] =	vst.idx.msk $0xffff, v1  }
0x8d: {  	v56 =	vor.u32 v23, v0;
	v1 =	vor.u32 v11, v41;
	v2 =	vld.idx.msk [tilespmem:v61+s20+$0x0], $0xffff  }
0x8e: {  	v63 =	vor.u32 v24, v53;
	v42 =	vshll.u32 v62, $0x7;
	[tilespmem:v46+s28+$0x0] =	vst.idx.msk $0xffff, v45  }
0x8f: {  	v3 =	vlaneseq.u32;
	v5 =	vor.u32 v23, v44;
	v54 =	vand.u32 $0x780, v42;
	v46 =	vld.idx.msk [tilespmem:v47+s20+$0x0], $0xffff  }
0x90: {  	v6 =	vld.idx.msk [tilespmem:v49+s20+$0x0], $0xffff;
	v7 =	vor.u32 v3, v54;
	v57 =	vor.u32 v24, v52;
	v40 =	vshll.u32 v48, $0x7  }
0x91: {  	v55 =	vand.u32 $0x780, v40;
	v58 =	vor.u32 v14, v43  }
0x92: {  	v59 =	vor.u32 v3, v55;
	v1 =	vld.idx.msk [tilespmem:v1+s20+$0x0], $0xffff;
	[tilespmem:v56+s28+$0x0] =	vst.idx.msk $0xffff, v2  }
0x93: {  	v60 =	vor.u32 v25, v0;
	v2 =	vor.u32 v14, v41;
	v45 =	vld.idx.msk [tilespmem:v63+s20+$0x0], $0xffff  }
0x94: {  	v61 =	vor.u32 v26, v53;
	[tilespmem:v5+s28+$0x0] =	vst.idx.msk $0xffff, v46  }
0x95: {  	v62 =	vor.u32 v25, v44;
	[tilespmem:v7+s28+$0x0] =	vst.idx.msk $0xffff, v6;
	v47 =	vld.idx.msk [tilespmem:v57+s20+$0x0], $0xffff  }
0x96: {  	v49 =	vld.idx.msk [tilespmem:v58+s20+$0x0], $0xffff;
	v5 =	vor.u32 v26, v52;
	v63 =	vor.u32 v15, v54  }
0x97: {  	[tilespmem:v59+s28+$0x0] =	vst.idx.msk $0xffff, v1;
	v1 =	vor.u32 v16, v43  }
0x98: {  	v6 =	vor.u32 v15, v55;
	v2 =	vld.idx.msk [tilespmem:v2+s20+$0x0], $0xffff;
	[tilespmem:v60+s28+$0x0] =	vst.idx.msk $0xffff, v45  }
0x99: {  	v7 =	vor.u32 v16, v41;
	v0 =	vor.u32 v27, v0;
	v46 =	vld.idx.msk [tilespmem:v61+s20+$0x0], $0xffff  }
0x9a: {  	[tilespmem:v62+s28+$0x0] =	vst.idx.msk $0xffff, v47;
	v60 =	vor.u32 v28, v53  }
0x9b: {  	v44 =	vor.u32 v27, v44;
	[tilespmem:v63+s28+$0x0] =	vst.idx.msk $0xffff, v49;
	v48 =	vld.idx.msk [tilespmem:v5+s20+$0x0], $0xffff  }
0x9c: {  	v62 =	vor.u32 v28, v52;
	v61 =	vor.u32 v17, v54;
	v1 =	vld.idx.msk [tilespmem:v1+s20+$0x0], $0xffff  }
0x9d: {  	[tilespmem:v6+s28+$0x0] =	vst.idx.msk $0xffff, v2;
	v2 =	vor.u32 v18, v43  }
0x9e: {  	v63 =	vor.u32 v17, v55;
	v5 =	vor.u32 v29, v4;
	v45 =	vld.idx.msk [tilespmem:v7+s20+$0x0], $0xffff;
	[tilespmem:v0+s28+$0x0] =	vst.idx.msk $0xffff, v46  }
0x9f: {  	v0 =	vor.u32 v18, v41;
	v46 =	vand.u32 v30, v5;
	v47 =	vld.idx.msk [tilespmem:v60+s20+$0x0], $0xffff  }
0xa0: {  	v58 =	vor.u32 v31, v53;
	v6 =	vor.u32 v29, v12;
	[tilespmem:v44+s28+$0x0] =	vst.idx.msk $0xffff, v48  }
0xa1: {  	v44 =	vand.u32 v30, v6;
	[tilespmem:v61+s28+$0x0] =	vst.idx.msk $0xffff, v1;
	v1 =	vld.idx.msk [tilespmem:v62+s20+$0x0], $0xffff  }
0xa2: {  	v7 =	vor.u32 v19, v54;
	v60 =	vor.u32 v31, v52;
	v2 =	vld.idx.msk [tilespmem:v2+s20+$0x0], $0xffff  }
0xa3: {  	v5 =	vor.u32 v32, v4;
	[tilespmem:v63+s28+$0x0] =	vst.idx.msk $0xffff, v45  }
0xa4: {  	v61 =	vor.u32 v20, v43;
	v62 =	vor.u32 v19, v55;
	v0 =	vld.idx.msk [tilespmem:v0+s20+$0x0], $0xffff;
	[tilespmem:v46+s28+$0x0] =	vst.idx.msk $0xffff, v47  }
0xa5: {  	v63 =	vor.u32 v20, v41;
	v47 =	vand.u32 v33, v5;
	v57 =	vld.idx.msk [tilespmem:v58+s20+$0x0], $0xffff  }
0xa6: {  	[tilespmem:v44+s28+$0x0] =	vst.idx.msk $0xffff, v1;
	v1 =	vor.u32 v32, v12;
	v58 =	vor.u32 v34, v53  }
0xa7: {  	[tilespmem:v7+s28+$0x0] =	vst.idx.msk $0xffff, v2;
	v2 =	vld.idx.msk [tilespmem:v60+s20+$0x0], $0xffff;
	v1 =	vand.u32 v33, v1  }
0xa8: {  	v49 =	vor.u32 v34, v52;
	v48 =	vor.u32 v21, v54  }
0xa9: {  	s24 =	simm.s32 $0x4;
	v3 =	vlaneseq.u32;
	v6 =	vor.u32 v22, v43;
	v60 =	vor.u32 v21, v55;
	v45 =	vld.idx.msk [tilespmem:v61+s20+$0x0], $0xffff;
	[tilespmem:v62+s28+$0x0] =	vst.idx.msk $0xffff, v0  }
0xaa: {  	v7 =	vor.u32 v35, v4;
	v0 =	vadd.s32 s24, v3;
	v56 =	vld.idx.msk [tilespmem:v63+s20+$0x0], $0xffff;
	[tilespmem:v47+s28+$0x0] =	vst.idx.msk $0xffff, v57  }
0xab: {  	v61 =	vand.u32 v36, v7;
	v44 =	vand.u32 $0xF, v0;
	v47 =	vor.u32 v22, v41;
	v58 =	vld.idx.msk [tilespmem:v58+s20+$0x0], $0xffff  }
0xac: {  	v57 =	vor.u32 v11, v44;
	[tilespmem:v1+s28+$0x0] =	vst.idx.msk $0xffff, v2;
	v1 =	vor.u32 v35, v12  }
0xad: {  	v50 =	vor.u32 v37, v53;
	v49 =	vld.idx.msk [tilespmem:v49+s20+$0x0], $0xffff;
	v1 =	vand.u32 v36, v1  }
0xae: {  	s30 =	simm.s32 $0x5;
	v9 =	vor.u32 v24, v41;
	v46 =	vshll.u32 v0, $0x7;
	v0 =	vor.u32 v37, v52;
	[tilespmem:v48+s28+$0x0] =	vst.idx.msk $0xffff, v45  }
0xaf: {  	v62 =	vadd.s32 s30, v3;
	v63 =	vor.u32 v23, v54;
	v5 =	vld.idx.msk [tilespmem:v6+s20+$0x0], $0xffff;
	[tilespmem:v60+s28+$0x0] =	vst.idx.msk $0xffff, v56  }
0xb0: {  	v3 =	vlaneseq.u32;
	v2 =	vor.u32 v23, v55;
	v48 =	vand.u32 $0x780, v46;
	v8 =	vld.idx.msk [tilespmem:v47+s20+$0x0], $0xffff;
	[tilespmem:v61+s28+$0x0] =	vst.idx.msk $0xffff, v58  }
0xb1: {  	v6 =	vld.idx.msk [tilespmem:v57+s20+$0x0], $0xffff;
	v61 =	vor.u32 v3, v48;
	[tilespmem:$0x1FDB0] =	vst v9  }
0xb2: {  	v45 =	vand.u32 $0xF, v62;
	v9 =	vld.idx.msk [tilespmem:v50+s20+$0x0], $0xffff;
	[tilespmem:v1+s28+$0x0] =	vst.idx.msk $0xffff, v49;
	v1 =	vshll.u32 v62, $0x7  }
0xb3: {  	v7 =	vor.u32 v11, v45;
	v60 =	vor.u32 v38, v4;
	v59 =	vld.idx.msk [tilespmem:v0+s20+$0x0], $0xffff;
	[tilespmem:$0x1FDA0] =	vst v1  }
0xb4: {  	v56 =	vand.u32 v39, v60;
	v47 =	vor.u32 v38, v12;
	[tilespmem:v63+s28+$0x0] =	vst.idx.msk $0xffff, v5  }
0xb5: {  	v58 =	vor.u32 v24, v43;
	v60 =	vand.u32 v39, v47;
	[tilespmem:v2+s28+$0x0] =	vst.idx.msk $0xffff, v8  }
0xb6: {  	v47 =	vld [tilespmem:$0x1FFE0];
	[tilespmem:v61+s28+$0x0] =	vst.idx.msk $0xffff, v6  }
0xb7: {  	v0 =	vld [tilespmem:$0x1FDB0]  }
0xb8: {  	v62 =	vor.u32 v14, v44  }
0xb9: {  	v51 =	vor.u32 v13, v53;
	v49 =	vand.u32 $0x780, v1;
	v63 =	vld.idx.msk [tilespmem:v7+s20+$0x0], $0xffff;
	[tilespmem:v56+s28+$0x0] =	vst.idx.msk $0xffff, v9  }
0xba: {  	v3 =	vor.u32 v3, v49;
	v57 =	vld.idx.msk [tilespmem:v58+s20+$0x0], $0xffff;
	[tilespmem:v60+s28+$0x0] =	vst.idx.msk $0xffff, v59  }
0xbb: {  	v50 =	vor.u32 v13, v52;
	v61 =	vor.u32 v25, v54;
	v7 =	vld [tilespmem:$0x1FFD0];
	_ =	sdelay $0x1  }
0xbc: {  	v5 =	vor.u32 v14, v45;
	v56 =	vld.idx.msk [tilespmem:v62+s20+$0x0], $0xffff  }
0xbd: {  	v62 =	vor.u32 v15, v48;
	v51 =	vld.idx.msk [tilespmem:v51+s20+$0x0], $0xffff  }
0xbe: {  	[tilespmem:v3+s28+$0x0] =	vst.idx.msk $0xffff, v63;
	v58 =	vor.u32 v47, v4;
	v1 =	vld.idx.msk [tilespmem:v0+s20+$0x0], $0xffff;
	v0 =	vor.u32 v25, v55  }
0xbf: {  	v50 =	vld.idx.msk [tilespmem:v50+s20+$0x0], $0xffff;
	v47 =	vor.u32 v47, v12;
	[tilespmem:v61+s28+$0x0] =	vst.idx.msk $0xffff, v57;
	v58 =	vand.u32 v7, v58  }
0xc0: {  	v60 =	vand.u32 v7, v47;
	v47 =	vld [tilespmem:$0x1FFC0]  }
0xc1: {  	v63 =	vld.idx.msk [tilespmem:v5+s20+$0x0], $0xffff;
	v61 =	vor.u32 v15, v49  }
0xc2: {  	[tilespmem:v62+s28+$0x0] =	vst.idx.msk $0xffff, v56  }
0xc3: {  	[tilespmem:v0+s28+$0x0] =	vst.idx.msk $0xffff, v1  }
0xc4: {  	v2 =	vor.u32 v26, v41;
	v6 =	vor.u32 v26, v43;
	[tilespmem:v58+s28+$0x0] =	vst.idx.msk $0xffff, v51  }
0xc5: {  	v57 =	vor.u32 v47, v53;
	v0 =	vor.u32 v47, v52;
	v47 =	vld [tilespmem:$0x1FFB0];
	[tilespmem:v60+s28+$0x0] =	vst.idx.msk $0xffff, v50  }
0xc6: {  	v59 =	vor.u32 v16, v44;
	[tilespmem:v61+s28+$0x0] =	vst.idx.msk $0xffff, v63  }
0xc7: {  	v8 =	vld [tilespmem:$0x1FFA0];
	_ =	sdelay $0x1  }
0xc8: {  	v54 =	vor.u32 v27, v54;
	v1 =	vld.idx.msk [tilespmem:v6+s20+$0x0], $0xffff  }
0xc9: {  	v56 =	vor.u32 v16, v45;
	v55 =	vor.u32 v27, v55;
	v2 =	vld.idx.msk [tilespmem:v2+s20+$0x0], $0xffff  }
0xca: {  	v58 =	vld.idx.msk [tilespmem:v59+s20+$0x0], $0xffff;
	v59 =	vor.u32 v17, v48;
	v5 =	vor.u32 v47, v4  }
0xcb: {  	v57 =	vld.idx.msk [tilespmem:v57+s20+$0x0], $0xffff;
	v47 =	vor.u32 v47, v12;
	v51 =	vand.u32 v8, v5  }
0xcc: {  	v50 =	vor.u32 v28, v43;
	v0 =	vld.idx.msk [tilespmem:v0+s20+$0x0], $0xffff;
	v61 =	vand.u32 v8, v47  }
0xcd: {  	v60 =	vor.u32 v28, v41;
	[tilespmem:v54+s28+$0x0] =	vst.idx.msk $0xffff, v1  }
0xce: {  	v1 =	vor.u32 v18, v44;
	v54 =	vld.idx.msk [tilespmem:v56+s20+$0x0], $0xffff;
	[tilespmem:v55+s28+$0x0] =	vst.idx.msk $0xffff, v2  }
0xcf: {  	v9 =	vmov v10;
	v62 =	vor.u32 v10, v4;
	v56 =	vor.u32 v17, v49;
	v10 =	vld [tilespmem:$0x1FF90];
	[tilespmem:v59+s28+$0x0] =	vst.idx.msk $0xffff, v58  }
0xd0: {  	v6 =	vor.u32 v29, v40;
	v5 =	vor.u32 v29, v42;
	[tilespmem:v51+s28+$0x0] =	vst.idx.msk $0xffff, v57  }
0xd1: {  	v50 =	vld.idx.msk [tilespmem:v50+s20+$0x0], $0xffff;
	v55 =	vand.u32 v30, v5;
	[tilespmem:v61+s28+$0x0] =	vst.idx.msk $0xffff, v0;
	v0 =	vor.u32 v20, v44  }
0xd2: {  	v47 =	vld.idx.msk [tilespmem:v60+s20+$0x0], $0xffff;
	v59 =	vand.u32 v30, v6;
	[tilespmem:$0x1FDC0] =	vst v0  }
0xd3: {  	v61 =	vor.u32 v19, v48;
	v1 =	vld.idx.msk [tilespmem:v1+s20+$0x0], $0xffff  }
0xd4: {  	[tilespmem:v56+s28+$0x0] =	vst.idx.msk $0xffff, v54  }
0xd5: {  	v3 =	vld [tilespmem:$0x1FF70]  }
0xd6: {  	v0 =	vld [tilespmem:$0x1FDF0];
	[tilespmem:v55+s28+$0x0] =	vst.idx.msk $0xffff, v50  }
0xd7: {  	[tilespmem:v59+s28+$0x0] =	vst.idx.msk $0xffff, v47  }
0xd8: {  	[tilespmem:v61+s28+$0x0] =	vst.idx.msk $0xffff, v1  }
0xd9: {  	v1 =	vld [tilespmem:$0x1FDC0];
	_ =	sdelay $0x3  }
0xda: {  	v2 =	vor.u32 v10, v53  }
0xdb: {  	v58 =	vor.u32 v10, v52  }
0xdc: {  	v7 =	vor.u32 v18, v45  }
0xdd: {  	v60 =	vor.u32 v31, v43  }
0xde: {  	v54 =	vor.u32 v31, v41;
	v1 =	vld.idx.msk [tilespmem:v1+s20+$0x0], $0xffff  }
0xdf: {  	v6 =	vor.u32 v9, v12;
	v2 =	vld.idx.msk [tilespmem:v2+s20+$0x0], $0xffff;
	v5 =	vand.u32 v3, v62  }
0xe0: {  	v58 =	vld.idx.msk [tilespmem:v58+s20+$0x0], $0xffff;
	v62 =	vand.u32 v3, v6  }
0xe1: {  	v51 =	vld.idx.msk [tilespmem:v7+s20+$0x0], $0xffff;
	v7 =	vor.u32 v32, v42  }
0xe2: {  	v50 =	vor.u32 v19, v49;
	v59 =	vld.idx.msk [tilespmem:v60+s20+$0x0], $0xffff;
	v55 =	vand.u32 v33, v7;
	v63 =	vor.u32 v0, v53  }
0xe3: {  	v52 =	vor.u32 v0, v52;
	v53 =	vor.u32 v32, v40;
	v0 =	vld.idx.msk [tilespmem:v54+s20+$0x0], $0xffff;
	[tilespmem:$0x1FDD0] =	vst v1  }
0xe4: {  	v60 =	vand.u32 v33, v53;
	[tilespmem:v5+s28+$0x0] =	vst.idx.msk $0xffff, v2  }
0xe5: {  	[tilespmem:v62+s28+$0x0] =	vst.idx.msk $0xffff, v58;
	v62 =	vor.u32 v34, v41  }
0xe6: {  	[tilespmem:$0x1FDE0] =	vst v62  }
0xe7: {  	v2 =	vld [tilespmem:$0x1FE00];
	[tilespmem:v50+s28+$0x0] =	vst.idx.msk $0xffff, v51  }
0xe8: {  	v50 =	vld [tilespmem:$0x1FE10];
	[tilespmem:v55+s28+$0x0] =	vst.idx.msk $0xffff, v59  }
0xe9: {  	[tilespmem:v60+s28+$0x0] =	vst.idx.msk $0xffff, v0  }
0xea: {  	v53 =	vor.u32 v21, v48;
	v60 =	vld [tilespmem:$0x1FDD0];
	_ =	sdelay $0x4  }
0xeb: {  	[tilespmem:v53+s28+$0x0] =	vst.idx.msk $0xffff, v60  }
0xec: {  	v1 =	vor.u32 v2, v4;
	v4 =	vld [tilespmem:$0x1FDE0]  }
0xed: {  	v47 =	vor.u32 v20, v45  }
0xee: {  	v56 =	vor.u32 v34, v43;
	_ =	sdelay $0x1  }
0xef: {  	v62 =	vor.u32 v22, v44;
	v58 =	vld.idx.msk [tilespmem:v63+s20+$0x0], $0xffff  }
0xf0: {  	s31 =	simm.s32 $0x6;
	v54 =	vld.idx.msk [tilespmem:v52+s20+$0x0], $0xffff;
	v51 =	vor.u32 v35, v40;
	v61 =	vand.u32 v50, v1;
	v1 =	vlaneseq.u32  }
0xf1: {  	v57 =	vld.idx.msk [tilespmem:v47+s20+$0x0], $0xffff;
	v47 =	vor.u32 v35, v42;
	v2 =	vor.u32 v2, v12;
	v1 =	vadd.s32 s31, v1  }
0xf2: {  	v0 =	vor.u32 v21, v49;
	v55 =	vld.idx.msk [tilespmem:v56+s20+$0x0], $0xffff;
	v63 =	vand.u32 v50, v2;
	v50 =	vand.u32 $0xF, v1  }
0xf3: {  	s29 =	simm.s32 $0x7;
	s17 =	simm.s32 $0x8;
	v59 =	vor.u32 v22, v45;
	v60 =	vand.u32 v36, v47;
	v2 =	vor.u32 v11, v50;
	v56 =	vld.idx.msk [tilespmem:v4+s20+$0x0], $0xffff  }
.LBB2_6:
0xf4: {  	_ =	sdelay $0x1  }
0xf5: {  	v47 =	vlaneseq.u32;
	v4 =	vor.u32 v37, v43;
	v5 =	vand.u32 v36, v51  }
0xf6: {  	v53 =	vmovc v41;
	v41 =	vmovc v45;
	v52 =	vmov v40;
	v6 =	vld [tilespmem:$0x1FDA0];
	v51 =	vshll.u32 v1, $0x7;
	v3 =	vadd.s32 s29, v47;
	[tilespmem:v63+s28+$0x0] =	vst.idx.msk $0xffff, v54  }
0xf7: {  	v12 =	vmovc v11;
	v1 =	vor.u32 v37, v53;
	v7 =	vand.u32 $0x780, v51;
	v45 =	vand.u32 $0xF, v3;
	[tilespmem:v61+s28+$0x0] =	vst.idx.msk $0xffff, v58  }
0xf8: {  	v54 =	vmov v43;
	v63 =	vor.u32 v23, v48;
	v58 =	vmov v49;
	[tilespmem:v0+s28+$0x0] =	vst.idx.msk $0xffff, v57;
	v62 =	vld.idx.msk [tilespmem:v62+s20+$0x0], $0xffff  }
0xf9: {  	v61 =	vor.u32 v11, v45;
	v0 =	vor.u32 v38, v42;
	v57 =	vor.u32 v14, v50;
	v59 =	vld.idx.msk [tilespmem:v59+s20+$0x0], $0xffff  }
0xfa: {  	v43 =	vmov v44;
	v11 =	vmov v13;
	v2 =	vld.idx.msk [tilespmem:v2+s20+$0x0], $0xffff;
	v8 =	vor.u32 v23, v58;
	[tilespmem:v60+s28+$0x0] =	vst.idx.msk $0xffff, v55  }
0xfb: {  	v55 =	vor.u32 v47, v7;
	v60 =	vor.u32 v24, v41;
	v0 =	vand.u32 v39, v0;
	v40 =	vmovc v6  }
0xfc: {  	v6 =	vor.u32 v24, v44;
	[tilespmem:v5+s28+$0x0] =	vst.idx.msk $0xffff, v56;
	v56 =	vshll.u32 v3, $0x7;
	v3 =	vor.u32 v38, v52  }
0xfd: {  	v4 =	vld.idx.msk [tilespmem:v4+s20+$0x0], $0xffff;
	v44 =	vmovc v50;
	v50 =	vor.u32 v13, v54;
	v49 =	vand.u32 $0x780, v56;
	v3 =	vand.u32 v39, v3  }
0xfe: {  	[tilespmem:$0x1FDA0] =	vst v56;
	v56 =	vor.u32 v47, v49;
	v5 =	vld.idx.msk [tilespmem:v61+s20+$0x0], $0xffff;
	v61 =	vor.u32 v13, v53;
	v13 =	vmov v39  }
0xff: {  	v1 =	vld.idx.msk [tilespmem:v1+s20+$0x0], $0xffff;
	v39 =	vmovc v38;
	v38 =	vmovc v37;
	v37 =	vmov v35;
	v35 =	vmov v36;
	v36 =	vmov v34  }
0x100: {  	v34 =	vmovc v33;
	v33 =	vmovc v32;
	v32 =	vmov v31;
	v31 =	vmov v30;
	v30 =	vmov v29;
	[tilespmem:v63+s28+$0x0] =	vst.idx.msk $0xffff, v62  }
0x101: {  	v29 =	vmov v28;
	v28 =	vmov v27;
	v62 =	vor.u32 v14, v45;
	[tilespmem:v8+s28+$0x0] =	vst.idx.msk $0xffff, v59;
	v6 =	vld.idx.msk [tilespmem:v6+s20+$0x0], $0xffff  }
0x102: {  	v63 =	vor.u32 v25, v58;
	[tilespmem:v55+s28+$0x0] =	vst.idx.msk $0xffff, v2;
	v2 =	vor.u32 v25, v48;
	v59 =	vld.idx.msk [tilespmem:v60+s20+$0x0], $0xffff  }
0x103: {  	v55 =	vor.u32 v26, v43;
	v60 =	vor.u32 v16, v44;
	v57 =	vld.idx.msk [tilespmem:v57+s20+$0x0], $0xffff;
	[tilespmem:v0+s28+$0x0] =	vst.idx.msk $0xffff, v4  }
0x104: {  	v9 =	vld [tilespmem:$0x1FFE0];
	v27 =	vmovc v26;
	v0 =	vor.u32 v15, v7;
	v4 =	vor.u32 v26, v41;
	v26 =	vmovc v25;
	v25 =	vmov v22  }
0x105: {  	v10 =	vld [tilespmem:$0x1FFC0];
	v22 =	vmovc v24;
	v24 =	vmovc v23;
	v23 =	vmov v21;
	v21 =	vmov v20;
	v20 =	vmov v19  }
0x106: {  	v19 =	vmovc v18;
	v18 =	vmovc v17;
	v17 =	vmov v16;
	v16 =	vmov v15;
	v15 =	vmov v14;
	v14 =	vld [tilespmem:$0x1FFD0];
	_ =	sdelay $0x1  }
0x107: {  	[tilespmem:v3+s28+$0x0] =	vst.idx.msk $0xffff, v1  }
0x108: {  	v8 =	vor.u32 v9, v42;
	v50 =	vld.idx.msk [tilespmem:v50+s20+$0x0], $0xffff;
	[tilespmem:v56+s28+$0x0] =	vst.idx.msk $0xffff, v5;
	v5 =	vor.u32 v9, v52  }
0x109: {  	v56 =	vor.u32 v10, v54;
	v9 =	vld [tilespmem:$0x1FF80];
	[tilespmem:v2+s28+$0x0] =	vst.idx.msk $0xffff, v6;
	v2 =	vor.u32 v10, v53  }
0x10a: {  	v3 =	vld.idx.msk [tilespmem:v61+s20+$0x0], $0xffff;
	v1 =	vand.u32 v14, v8;
	v5 =	vand.u32 v14, v5;
	v14 =	vmovc v15;
	v15 =	vmov v16  }
0x10b: {  	v10 =	vld [tilespmem:$0x1FFB0];
	v16 =	vmovc v17;
	v17 =	vmovc v18;
	v18 =	vmov v19;
	v19 =	vmov v20;
	v20 =	vmov v21  }
0x10c: {  	v8 =	vld.idx.msk [tilespmem:v62+s20+$0x0], $0xffff;
	v21 =	vmovc v23;
	v23 =	vmovc v24;
	v24 =	vmov v22;
	v22 =	vmov v25;
	v25 =	vmov v26  }
0x10d: {  	v26 =	vmov v27;
	v27 =	vmov v28;
	v55 =	vld.idx.msk [tilespmem:v55+s20+$0x0], $0xffff;
	[tilespmem:v63+s28+$0x0] =	vst.idx.msk $0xffff, v59;
	v62 =	vor.u32 v15, v49  }
0x10e: {  	[tilespmem:v0+s28+$0x0] =	vst.idx.msk $0xffff, v57;
	v0 =	vor.u32 v27, v48;
	v48 =	vld [tilespmem:$0x1FFA0]  }
0x10f: {  	v28 =	vmov v29;
	v6 =	vor.u32 v16, v45;
	v4 =	vld.idx.msk [tilespmem:v4+s20+$0x0], $0xffff  }
0x110: {  	v57 =	vor.u32 v28, v43;
	v60 =	vld.idx.msk [tilespmem:v60+s20+$0x0], $0xffff;
	v58 =	vor.u32 v27, v58;
	[tilespmem:v1+s28+$0x0] =	vst.idx.msk $0xffff, v50  }
0x111: {  	v59 =	vor.u32 v10, v42;
	v50 =	vor.u32 v28, v41;
	[tilespmem:v5+s28+$0x0] =	vst.idx.msk $0xffff, v3;
	v56 =	vld.idx.msk [tilespmem:v56+s20+$0x0], $0xffff  }
0x112: {  	v1 =	vor.u32 v17, v7;
	[tilespmem:v62+s28+$0x0] =	vst.idx.msk $0xffff, v8;
	v62 =	vor.u32 v10, v52;
	v10 =	vld [tilespmem:$0x1FF90]  }
0x113: {  	v63 =	vor.u32 v18, v44;
	v3 =	vand.u32 v48, v59;
	v2 =	vld.idx.msk [tilespmem:v2+s20+$0x0], $0xffff  }
0x114: {  	v29 =	vmov v30;
	[tilespmem:v0+s28+$0x0] =	vst.idx.msk $0xffff, v55;
	v6 =	vld.idx.msk [tilespmem:v6+s20+$0x0], $0xffff;
	v5 =	vand.u32 v48, v62  }
0x115: {  	v61 =	vor.u32 v9, v42;
	v62 =	vor.u32 v17, v49;
	v55 =	vld.idx.msk [tilespmem:v57+s20+$0x0], $0xffff;
	[tilespmem:v58+s28+$0x0] =	vst.idx.msk $0xffff, v4  }
0x116: {  	v48 =	vmov v7;
	v7 =	vor.u32 v18, v45;
	v57 =	vor.u32 v29, v46;
	v4 =	vld.idx.msk [tilespmem:v50+s20+$0x0], $0xffff  }
0x117: {  	v30 =	vmov v31;
	[tilespmem:v1+s28+$0x0] =	vst.idx.msk $0xffff, v60;
	v59 =	vor.u32 v10, v54;
	v0 =	vor.u32 v10, v53;
	v10 =	vld [tilespmem:$0x1FF70]  }
0x118: {  	v1 =	vand.u32 v30, v57;
	v60 =	vor.u32 v29, v40;
	v57 =	vld.idx.msk [tilespmem:v63+s20+$0x0], $0xffff;
	[tilespmem:v3+s28+$0x0] =	vst.idx.msk $0xffff, v56  }
0x119: {  	v31 =	vmov v32;
	v50 =	vand.u32 v30, v60;
	[tilespmem:v5+s28+$0x0] =	vst.idx.msk $0xffff, v2;
	v5 =	vor.u32 v9, v52;
	v9 =	vld [tilespmem:$0x1FDF0]  }
0x11a: {  	v8 =	vor.u32 v31, v43;
	v3 =	vor.u32 v19, v48;
	[tilespmem:v62+s28+$0x0] =	vst.idx.msk $0xffff, v6;
	v62 =	vld [tilespmem:$0x1FE00]  }
0x11b: {  	v32 =	vmov v33;
	v33 =	vmov v34;
	v58 =	vor.u32 v20, v44  }
0x11c: {  	v34 =	vmovc v36;
	v36 =	vmov v35;
	v56 =	vor.u32 v31, v41;
	v59 =	vld.idx.msk [tilespmem:v59+s20+$0x0], $0xffff;
	v2 =	vand.u32 v10, v61  }
0x11d: {  	v60 =	vor.u32 v19, v49;
	v63 =	vor.u32 v32, v40;
	v6 =	vld.idx.msk [tilespmem:v7+s20+$0x0], $0xffff;
	[tilespmem:v1+s28+$0x0] =	vst.idx.msk $0xffff, v55  }
0x11e: {  	v0 =	vld.idx.msk [tilespmem:v0+s20+$0x0], $0xffff;
	v5 =	vand.u32 v10, v5;
	[tilespmem:v50+s28+$0x0] =	vst.idx.msk $0xffff, v4;
	v7 =	vor.u32 v9, v54  }
0x11f: {  	v35 =	vmov v37;
	v8 =	vld.idx.msk [tilespmem:v8+s20+$0x0], $0xffff;
	[tilespmem:v3+s28+$0x0] =	vst.idx.msk $0xffff, v57;
	v54 =	vor.u32 v62, v42;
	v42 =	vmov v46  }
0x120: {  	v1 =	vor.u32 v9, v53;
	v46 =	vor.u32 v20, v45;
	v53 =	vld.idx.msk [tilespmem:v58+s20+$0x0], $0xffff;
	v61 =	vor.u32 v32, v42  }
0x121: {  	v37 =	vmov v38;
	v55 =	vor.u32 v34, v43;
	v3 =	vand.u32 v33, v61;
	[tilespmem:v2+s28+$0x0] =	vst.idx.msk $0xffff, v59;
	v2 =	vld [tilespmem:$0x1FE10]  }
0x122: {  	v10 =	vor.u32 v34, v41;
	v4 =	vld.idx.msk [tilespmem:v56+s20+$0x0], $0xffff;
	v56 =	vand.u32 v33, v63;
	v9 =	vor.u32 v21, v48  }
0x123: {  	p2 =	slt.u32 s17, $0xE;
	v38 =	vmov v39;
	[tilespmem:v5+s28+$0x0] =	vst.idx.msk $0xffff, v0;
	v0 =	vor.u32 v62, v52;
	v5 =	vor.u32 v35, v42  }
.Ltmp4:
0x124: {  	v62 =	vor.u32 v22, v44;
	v59 =	vor.u32 v22, v45;
	v58 =	vld.idx.msk [tilespmem:v7+s20+$0x0], $0xffff;
	[tilespmem:v60+s28+$0x0] =	vst.idx.msk $0xffff, v6;
	(pc) =	sbr.rel @p2 .LBB2_6-.Ltmp4, $4  }
0x125: {  	v39 =	vmovc v13;
	v60 =	vand.u32 v36, v5;
	v57 =	vld.idx.msk [tilespmem:v46+s20+$0x0], $0xffff;
	v46 =	vmov v51;
	v51 =	vor.u32 v35, v40  }
0x126: {  	v13 =	vmov v11;
	[tilespmem:v3+s28+$0x0] =	vst.idx.msk $0xffff, v8;
	v61 =	vand.u32 v2, v54;
	v54 =	vld.idx.msk [tilespmem:v1+s20+$0x0], $0xffff;
	v1 =	vadd.s32 s17, v47  }
0x127: {  	v11 =	vmov v12;
	v63 =	vand.u32 v2, v0;
	v55 =	vld.idx.msk [tilespmem:v55+s20+$0x0], $0xffff;
	[tilespmem:v56+s28+$0x0] =	vst.idx.msk $0xffff, v4;
	v50 =	vand.u32 $0xF, v1  }
0x128: {  	s29 =	sadd.s32 $0x1, s17;
	v0 =	vor.u32 v21, v49;
	s17 =	sadd.s32 $0x2, s17;
	[tilespmem:v9+s28+$0x0] =	vst.idx.msk $0xffff, v53;
	v56 =	vld.idx.msk [tilespmem:v10+s20+$0x0], $0xffff;
	v2 =	vor.u32 v12, v50  }
0x129: {  	v8 =	vlaneseq.u32  }
0x12a: {  	v3 =	vadd.s32 s29, v8  }
0x12b: {  	v53 =	vand.u32 $0xF, v3  }
0x12c: {  	v4 =	vor.u32 v11, v53;
	_ =	sdelay $0x1  }
0x12d: {  	v52 =	vshll.u32 v1, $0x7;
	v1 =	vshll.u32 v3, $0x7  }
0x12e: {  	v5 =	vand.u32 $0x780, v52;
	[tilespmem:$0x1FD70] =	vst v1  }
0x12f: {  	v3 =	vor.u32 v8, v5;
	v6 =	vand.u32 $0x780, v1;
	v2 =	vld.idx.msk [tilespmem:v2+s20+$0x0], $0xffff  }
0x130: {  	v7 =	vor.u32 v14, v50;
	v8 =	vor.u32 v8, v6;
	v4 =	vld.idx.msk [tilespmem:v4+s20+$0x0], $0xffff  }
0x131: {  	v9 =	vor.u32 v14, v53;
	_ =	sdelay $0x2  }
0x132: {  	[tilespmem:v3+s28+$0x0] =	vst.idx.msk $0xffff, v2  }
0x133: {  	v3 =	vor.u32 v15, v5;
	v2 =	vld.idx.msk [tilespmem:v7+s20+$0x0], $0xffff;
	[tilespmem:v8+s28+$0x0] =	vst.idx.msk $0xffff, v4  }
0x134: {  	v4 =	vor.u32 v16, v50;
	v8 =	vor.u32 v15, v6;
	v47 =	vld.idx.msk [tilespmem:v9+s20+$0x0], $0xffff  }
0x135: {  	v9 =	vor.u32 v16, v53;
	_ =	sdelay $0x2  }
0x136: {  	[tilespmem:v3+s28+$0x0] =	vst.idx.msk $0xffff, v2  }
0x137: {  	v3 =	vor.u32 v17, v5;
	v2 =	vld.idx.msk [tilespmem:v4+s20+$0x0], $0xffff;
	[tilespmem:v8+s28+$0x0] =	vst.idx.msk $0xffff, v47  }
0x138: {  	v47 =	vor.u32 v18, v50;
	v8 =	vor.u32 v17, v6;
	v7 =	vld.idx.msk [tilespmem:v9+s20+$0x0], $0xffff  }
0x139: {  	v9 =	vor.u32 v18, v53;
	_ =	sdelay $0x2  }
0x13a: {  	[tilespmem:v3+s28+$0x0] =	vst.idx.msk $0xffff, v2  }
0x13b: {  	v3 =	vor.u32 v19, v5;
	v2 =	vld.idx.msk [tilespmem:v47+s20+$0x0], $0xffff;
	[tilespmem:v8+s28+$0x0] =	vst.idx.msk $0xffff, v7  }
0x13c: {  	v47 =	vor.u32 v20, v50;
	v8 =	vor.u32 v19, v6;
	v7 =	vld.idx.msk [tilespmem:v9+s20+$0x0], $0xffff  }
0x13d: {  	v9 =	vor.u32 v20, v53;
	_ =	sdelay $0x1  }
0x13e: {  	[tilespmem:v0+s28+$0x0] =	vst.idx.msk $0xffff, v57  }
0x13f: {  	v10 =	vand.u32 v36, v51;
	v0 =	vor.u32 v37, v43;
	v51 =	vld.idx.msk [tilespmem:v62+s20+$0x0], $0xffff;
	[tilespmem:v3+s28+$0x0] =	vst.idx.msk $0xffff, v2  }
0x140: {  	v4 =	vor.u32 v21, v5;
	v2 =	vor.u32 v37, v41;
	v3 =	vld.idx.msk [tilespmem:v47+s20+$0x0], $0xffff;
	[tilespmem:v8+s28+$0x0] =	vst.idx.msk $0xffff, v7  }
0x141: {  	[tilespmem:v63+s28+$0x0] =	vst.idx.msk $0xffff, v54;
	v54 =	vor.u32 v23, v48;
	v8 =	vld.idx.msk [tilespmem:v9+s20+$0x0], $0xffff;
	v9 =	vor.u32 v22, v50  }
0x142: {  	[tilespmem:v61+s28+$0x0] =	vst.idx.msk $0xffff, v58;
	v57 =	vor.u32 v21, v6;
	v47 =	vor.u32 v24, v44  }
0x143: {  	[tilespmem:v60+s28+$0x0] =	vst.idx.msk $0xffff, v55;
	v55 =	vor.u32 v22, v53;
	v58 =	vld.idx.msk [tilespmem:v59+s20+$0x0], $0xffff;
	v59 =	vor.u32 v23, v49  }
0x144: {  	v63 =	vor.u32 v38, v40;
	[tilespmem:v10+s28+$0x0] =	vst.idx.msk $0xffff, v56;
	v0 =	vld.idx.msk [tilespmem:v0+s20+$0x0], $0xffff;
	v7 =	vor.u32 v38, v42  }
0x145: {  	v10 =	vor.u32 v24, v45;
	v7 =	vand.u32 v39, v7;
	v2 =	vld.idx.msk [tilespmem:v2+s20+$0x0], $0xffff;
	[tilespmem:v4+s28+$0x0] =	vst.idx.msk $0xffff, v3  }
0x146: {  	[tilespmem:v54+s28+$0x0] =	vst.idx.msk $0xffff, v51;
	v54 =	vand.u32 v39, v63;
	v4 =	vld.idx.msk [tilespmem:v9+s20+$0x0], $0xffff  }
0x147: {  	[tilespmem:v57+s28+$0x0] =	vst.idx.msk $0xffff, v8;
	v8 =	vor.u32 v23, v5;
	v57 =	vld.idx.msk [tilespmem:v47+s20+$0x0], $0xffff  }
0x148: {  	v56 =	vor.u32 v23, v6;
	[tilespmem:v59+s28+$0x0] =	vst.idx.msk $0xffff, v58;
	v55 =	vld.idx.msk [tilespmem:v55+s20+$0x0], $0xffff  }
0x149: {  	v60 =	vor.u32 v24, v53;
	v59 =	vor.u32 v25, v48;
	v1 =	vld [tilespmem:$0x1FFE0]  }
0x14a: {  	[tilespmem:v7+s28+$0x0] =	vst.idx.msk $0xffff, v0;
	v7 =	vld.idx.msk [tilespmem:v10+s20+$0x0], $0xffff;
	v10 =	vor.u32 v25, v49  }
0x14b: {  	[tilespmem:v54+s28+$0x0] =	vst.idx.msk $0xffff, v2  }
0x14c: {  	v62 =	vld [tilespmem:$0x1FFD0];
	[tilespmem:v8+s28+$0x0] =	vst.idx.msk $0xffff, v4  }
0x14d: {  	[tilespmem:v56+s28+$0x0] =	vst.idx.msk $0xffff, v55  }
0x14e: {  	v51 =	vor.u32 v13, v43;
	[tilespmem:v59+s28+$0x0] =	vst.idx.msk $0xffff, v57;
	v55 =	vld.idx.msk [tilespmem:v60+s20+$0x0], $0xffff  }
0x14f: {  	v3 =	vor.u32 v13, v41;
	v12 =	vld [tilespmem:$0x1FFC0];
	[tilespmem:v10+s28+$0x0] =	vst.idx.msk $0xffff, v7  }
0x150: {  	v9 =	vor.u32 v24, v50;
	v60 =	vld [tilespmem:$0x1FF80];
	_ =	sdelay $0x1  }
0x151: {  	v0 =	vor.u32 v26, v44;
	v47 =	vor.u32 v1, v42  }
0x152: {  	v51 =	vld.idx.msk [tilespmem:v51+s20+$0x0], $0xffff;
	v63 =	vor.u32 v1, v40;
	v2 =	vand.u32 v62, v47;
	v47 =	vor.u32 v26, v45  }
0x153: {  	v3 =	vld.idx.msk [tilespmem:v3+s20+$0x0], $0xffff;
	v54 =	vand.u32 v62, v63  }
0x154: {  	v8 =	vor.u32 v25, v5;
	v4 =	vld.idx.msk [tilespmem:v9+s20+$0x0], $0xffff;
	v10 =	vor.u32 v60, v42  }
0x155: {  	v56 =	vor.u32 v25, v6;
	[tilespmem:$0x1FD80] =	vst v10  }
0x156: {  	v48 =	vor.u32 v27, v48;
	v0 =	vld.idx.msk [tilespmem:v0+s20+$0x0], $0xffff  }
0x157: {  	[tilespmem:v2+s28+$0x0] =	vst.idx.msk $0xffff, v51;
	v51 =	vld.idx.msk [tilespmem:v47+s20+$0x0], $0xffff;
	v47 =	vor.u32 v27, v49  }
0x158: {  	[tilespmem:v54+s28+$0x0] =	vst.idx.msk $0xffff, v3  }
0x159: {  	[tilespmem:v8+s28+$0x0] =	vst.idx.msk $0xffff, v4  }
0x15a: {  	v9 =	vor.u32 v26, v50;
	v63 =	vld [tilespmem:$0x1FFB0];
	[tilespmem:v56+s28+$0x0] =	vst.idx.msk $0xffff, v55  }
0x15b: {  	v7 =	vor.u32 v26, v53;
	v10 =	vld [tilespmem:$0x1FFA0];
	[tilespmem:v48+s28+$0x0] =	vst.idx.msk $0xffff, v0  }
0x15c: {  	[tilespmem:v47+s28+$0x0] =	vst.idx.msk $0xffff, v51  }
0x15d: {  	v47 =	vld [tilespmem:$0x1FDA0];
	_ =	sdelay $0x1  }
0x15e: {  	v5 =	vor.u32 v27, v5;
	v8 =	vld.idx.msk [tilespmem:v9+s20+$0x0], $0xffff  }
0x15f: {  	v6 =	vor.u32 v27, v6;
	v7 =	vld.idx.msk [tilespmem:v7+s20+$0x0], $0xffff;
	_ =	sdelay $0x1  }
0x160: {  	v61 =	vor.u32 v29, v47  }
0x161: {  	v2 =	vor.u32 v28, v44  }
0x162: {  	v58 =	vor.u32 v28, v45;
	v9 =	vor.u32 v28, v50;
	[tilespmem:v5+s28+$0x0] =	vst.idx.msk $0xffff, v8  }
0x163: {  	[tilespmem:v6+s28+$0x0] =	vst.idx.msk $0xffff, v7;
	v49 =	vand.u32 v30, v61;
	v61 =	vmov v52;
	v52 =	vor.u32 v29, v52  }
0x164: {  	v5 =	vand.u32 v30, v52;
	v52 =	vld [tilespmem:$0x1FD70]  }
0x165: {  	v0 =	vor.u32 v29, v46;
	v48 =	vor.u32 v28, v53  }
0x166: {  	v2 =	vld.idx.msk [tilespmem:v2+s20+$0x0], $0xffff;
	v0 =	vand.u32 v30, v0  }
0x167: {  	v57 =	vor.u32 v12, v43;
	v54 =	vld.idx.msk [tilespmem:v58+s20+$0x0], $0xffff  }
0x168: {  	v55 =	vor.u32 v31, v44;
	v8 =	vld.idx.msk [tilespmem:v9+s20+$0x0], $0xffff  }
0x169: {  	v56 =	vor.u32 v31, v45;
	v14 =	vld [tilespmem:$0x1FF90];
	v58 =	vor.u32 v29, v52  }
0x16a: {  	v59 =	vor.u32 v63, v42;
	v9 =	vor.u32 v31, v50;
	v48 =	vld.idx.msk [tilespmem:v48+s20+$0x0], $0xffff;
	v6 =	vand.u32 v30, v58  }
0x16b: {  	v3 =	vor.u32 v12, v41;
	v4 =	vand.u32 v10, v59;
	[tilespmem:v0+s28+$0x0] =	vst.idx.msk $0xffff, v2  }
0x16c: {  	v57 =	vld.idx.msk [tilespmem:v57+s20+$0x0], $0xffff;
	v0 =	vor.u32 v32, v46;
	v2 =	vor.u32 v31, v53;
	v59 =	vor.u32 v32, v61  }
0x16d: {  	v55 =	vld.idx.msk [tilespmem:v55+s20+$0x0], $0xffff;
	v0 =	vand.u32 v33, v0;
	[tilespmem:v49+s28+$0x0] =	vst.idx.msk $0xffff, v54;
	v49 =	vor.u32 v32, v47  }
0x16e: {  	v54 =	vld.idx.msk [tilespmem:v56+s20+$0x0], $0xffff;
	v56 =	vor.u32 v34, v44;
	v49 =	vand.u32 v33, v49;
	[tilespmem:v5+s28+$0x0] =	vst.idx.msk $0xffff, v8  }
0x16f: {  	v58 =	vor.u32 v34, v45;
	v8 =	vld.idx.msk [tilespmem:v9+s20+$0x0], $0xffff;
	v9 =	vor.u32 v14, v41;
	[tilespmem:v6+s28+$0x0] =	vst.idx.msk $0xffff, v48  }
0x170: {  	v5 =	vand.u32 v33, v59;
	v59 =	vor.u32 v32, v52;
	[tilespmem:$0x1FD90] =	vst v9  }
0x171: {  	v51 =	vor.u32 v63, v40;
	v6 =	vand.u32 v33, v59;
	v2 =	vld.idx.msk [tilespmem:v2+s20+$0x0], $0xffff  }
0x172: {  	v51 =	vand.u32 v10, v51;
	v59 =	vor.u32 v35, v46;
	v3 =	vld.idx.msk [tilespmem:v3+s20+$0x0], $0xffff;
	[tilespmem:v0+s28+$0x0] =	vst.idx.msk $0xffff, v55  }
0x173: {  	[tilespmem:v49+s28+$0x0] =	vst.idx.msk $0xffff, v54;
	v49 =	vand.u32 v36, v59;
	v54 =	vor.u32 v35, v47;
	v55 =	vld.idx.msk [tilespmem:v56+s20+$0x0], $0xffff  }
0x174: {  	[tilespmem:v4+s28+$0x0] =	vst.idx.msk $0xffff, v57;
	v4 =	vld.idx.msk [tilespmem:v58+s20+$0x0], $0xffff;
	v54 =	vand.u32 v36, v54  }
0x175: {  	[tilespmem:v5+s28+$0x0] =	vst.idx.msk $0xffff, v8  }
0x176: {  	[tilespmem:v6+s28+$0x0] =	vst.idx.msk $0xffff, v2  }
0x177: {  	v48 =	vor.u32 v34, v50;
	[tilespmem:v51+s28+$0x0] =	vst.idx.msk $0xffff, v3  }
0x178: {  	v0 =	vor.u32 v34, v53;
	[tilespmem:v49+s28+$0x0] =	vst.idx.msk $0xffff, v55  }
0x179: {  	[tilespmem:v54+s28+$0x0] =	vst.idx.msk $0xffff, v4  }
0x17a: {  	v56 =	vor.u32 v37, v44;
	v9 =	vld [tilespmem:$0x1FF70]  }
0x17b: {  	v57 =	vor.u32 v37, v45;
	v58 =	vor.u32 v35, v61;
	v51 =	vld [tilespmem:$0x1FD80]  }
0x17c: {  	v5 =	vld.idx.msk [tilespmem:v48+s20+$0x0], $0xffff;
	v48 =	vor.u32 v35, v52;
	v2 =	vand.u32 v36, v58  }
0x17d: {  	v3 =	vor.u32 v37, v50;
	v6 =	vand.u32 v36, v48;
	v0 =	vld.idx.msk [tilespmem:v0+s20+$0x0], $0xffff  }
0x17e: {  	v8 =	vor.u32 v38, v46;
	v48 =	vor.u32 v37, v53  }
0x17f: {  	v7 =	vor.u32 v14, v43;
	v4 =	vand.u32 v39, v8;
	v8 =	vor.u32 v38, v47;
	v49 =	vld.idx.msk [tilespmem:v56+s20+$0x0], $0xffff  }
0x180: {  	v54 =	vor.u32 v13, v44;
	v8 =	vand.u32 v39, v8;
	v59 =	vand.u32 v9, v51;
	v51 =	vld.idx.msk [tilespmem:v57+s20+$0x0], $0xffff  }
0x181: {  	v55 =	vor.u32 v13, v45;
	v56 =	vor.u32 v38, v61;
	[tilespmem:v2+s28+$0x0] =	vst.idx.msk $0xffff, v5  }
0x182: {  	v2 =	vld.idx.msk [tilespmem:v3+s20+$0x0], $0xffff;
	[tilespmem:v6+s28+$0x0] =	vst.idx.msk $0xffff, v0;
	v0 =	vand.u32 v39, v56;
	v3 =	vor.u32 v38, v52  }
0x183: {  	v6 =	vld.idx.msk [tilespmem:v48+s20+$0x0], $0xffff;
	v48 =	vor.u32 v13, v50;
	v3 =	vand.u32 v39, v3  }
0x184: {  	v7 =	vld.idx.msk [tilespmem:v7+s20+$0x0], $0xffff;
	v56 =	vor.u32 v1, v46;
	[tilespmem:v4+s28+$0x0] =	vst.idx.msk $0xffff, v49;
	v4 =	vor.u32 v13, v53  }
0x185: {  	v49 =	vld.idx.msk [tilespmem:v54+s20+$0x0], $0xffff;
	[tilespmem:v8+s28+$0x0] =	vst.idx.msk $0xffff, v51;
	v8 =	vand.u32 v62, v56  }
0x186: {  	v58 =	vmov v62;
	v62 =	vld [tilespmem:$0x1FDF0]  }
0x187: {  	v57 =	vor.u32 v1, v47;
	v54 =	vld.idx.msk [tilespmem:v55+s20+$0x0], $0xffff;
	[tilespmem:v0+s28+$0x0] =	vst.idx.msk $0xffff, v2  }
0x188: {  	v51 =	vand.u32 v58, v57;
	[tilespmem:v3+s28+$0x0] =	vst.idx.msk $0xffff, v6;
	v3 =	vor.u32 v1, v52;
	v0 =	vld.idx.msk [tilespmem:v48+s20+$0x0], $0xffff  }
0x189: {  	v57 =	vor.u32 v1, v61;
	v4 =	vld.idx.msk [tilespmem:v4+s20+$0x0], $0xffff;
	v3 =	vand.u32 v58, v3  }
0x18a: {  	v2 =	vand.u32 v58, v57;
	v1 =	vld [tilespmem:$0x1FE00];
	[tilespmem:v8+s28+$0x0] =	vst.idx.msk $0xffff, v49;
	v8 =	vor.u32 v12, v53;
	_ =	sdelay $0x1  }
0x18b: {  	[tilespmem:v59+s28+$0x0] =	vst.idx.msk $0xffff, v7  }
0x18c: {  	[tilespmem:v51+s28+$0x0] =	vst.idx.msk $0xffff, v54  }
0x18d: {  	[tilespmem:v3+s28+$0x0] =	vst.idx.msk $0xffff, v4  }
0x18e: {  	v55 =	vor.u32 v12, v44;
	[tilespmem:v2+s28+$0x0] =	vst.idx.msk $0xffff, v0;
	v4 =	vld.idx.msk [tilespmem:v8+s20+$0x0], $0xffff  }
0x18f: {  	v56 =	vor.u32 v12, v45;
	v8 =	vld [tilespmem:$0x1FD90];
	_ =	sdelay $0x1  }
0x190: {  	v6 =	vor.u32 v1, v42;
	v42 =	vor.u32 v12, v50  }
0x191: {  	v57 =	vor.u32 v63, v46  }
0x192: {  	v48 =	vand.u32 v10, v57;
	v58 =	vor.u32 v63, v47;
	v49 =	vld.idx.msk [tilespmem:v55+s20+$0x0], $0xffff  }
0x193: {  	v51 =	vand.u32 v10, v58;
	v54 =	vld.idx.msk [tilespmem:v56+s20+$0x0], $0xffff;
	v3 =	vor.u32 v63, v52  }
0x194: {  	v57 =	vor.u32 v63, v61;
	v3 =	vand.u32 v10, v3  }
0x195: {  	v5 =	vor.u32 v60, v40;
	v2 =	vand.u32 v10, v57;
	v0 =	vld.idx.msk [tilespmem:v42+s20+$0x0], $0xffff  }
0x196: {  	v5 =	vand.u32 v9, v5;
	v8 =	vld.idx.msk [tilespmem:v8+s20+$0x0], $0xffff  }
0x197: {  	[tilespmem:v48+s28+$0x0] =	vst.idx.msk $0xffff, v49  }
0x198: {  	v7 =	vor.u32 v14, v50;
	v55 =	vor.u32 v14, v44;
	[tilespmem:v51+s28+$0x0] =	vst.idx.msk $0xffff, v54  }
0x199: {  	v56 =	vor.u32 v14, v45;
	v12 =	vor.u32 v62, v41;
	[tilespmem:v3+s28+$0x0] =	vst.idx.msk $0xffff, v4  }
0x19a: {  	v63 =	vor.u32 v60, v46;
	v10 =	vor.u32 v14, v53;
	[tilespmem:v2+s28+$0x0] =	vst.idx.msk $0xffff, v0  }
0x19b: {  	v41 =	vand.u32 v9, v63;
	v63 =	vor.u32 v60, v61;
	[tilespmem:v5+s28+$0x0] =	vst.idx.msk $0xffff, v8  }
0x19c: {  	v43 =	vor.u32 v62, v43;
	v2 =	vand.u32 v9, v63;
	v63 =	vld [tilespmem:$0x1FE10]  }
0x19d: {  	v54 =	vor.u32 v60, v47;
	v48 =	vld.idx.msk [tilespmem:v55+s20+$0x0], $0xffff  }
0x19e: {  	v57 =	vor.u32 v62, v44;
	v42 =	vand.u32 v9, v54;
	v58 =	vld.idx.msk [tilespmem:v56+s20+$0x0], $0xffff  }
0x19f: {  	v59 =	vor.u32 v62, v45;
	v3 =	vor.u32 v60, v52;
	v0 =	vld.idx.msk [tilespmem:v7+s20+$0x0], $0xffff  }
0x1a0: {  	v14 =	vmov v1;
	v54 =	vor.u32 v62, v50;
	v4 =	vld.idx.msk [tilespmem:v10+s20+$0x0], $0xffff;
	v3 =	vand.u32 v9, v3  }
0x1a1: {  	v55 =	vld.idx.msk [tilespmem:v43+s20+$0x0], $0xffff;
	v10 =	vor.u32 v62, v53;
	v8 =	vor.u32 v1, v40;
	v6 =	vand.u32 v63, v6  }
0x1a2: {  	v56 =	vor.u32 v1, v46;
	v9 =	vld.idx.msk [tilespmem:v12+s20+$0x0], $0xffff;
	[tilespmem:v41+s28+$0x0] =	vst.idx.msk $0xffff, v48;
	v8 =	vand.u32 v63, v8  }
0x1a3: {  	[tilespmem:v42+s28+$0x0] =	vst.idx.msk $0xffff, v58;
	v41 =	vld.idx.msk [tilespmem:v57+s20+$0x0], $0xffff;
	v57 =	vor.u32 v1, v47;
	v40 =	vand.u32 v63, v56  }
0x1a4: {  	[tilespmem:v2+s28+$0x0] =	vst.idx.msk $0xffff, v0;
	v58 =	vld.idx.msk [tilespmem:v59+s20+$0x0], $0xffff;
	v59 =	vor.u32 v1, v61;
	v42 =	vand.u32 v63, v57  }
0x1a5: {  	[tilespmem:v3+s28+$0x0] =	vst.idx.msk $0xffff, v4;
	v0 =	vld.idx.msk [tilespmem:v54+s20+$0x0], $0xffff;
	v1 =	vor.u32 v1, v52;
	v2 =	vand.u32 v63, v59  }
0x1a6: {  	s17 =	sshll.u32 s9, $0x2;
	v3 =	vld.idx.msk [tilespmem:v10+s20+$0x0], $0xffff;
	v1 =	vand.u32 v63, v1;
	[tilespmem:v6+s28+$0x0] =	vst.idx.msk $0xffff, v55  }
0x1a7: {  	s9 =	sand.u32 $0x7C, s9;
	s17 =	sand.u32 $0x7FFFFE00, s17;
	[tilespmem:v8+s28+$0x0] =	vst.idx.msk $0xffff, v9  }
0x1a8: {  	s29 =	sor.u32 s9, s17;
	[tilespmem:v40+s28+$0x0] =	vst.idx.msk $0xffff, v41  }
0x1a9: {  	s29 =	sshll.u32 s29, $0x7;
	[tilespmem:v42+s28+$0x0] =	vst.idx.msk $0xffff, v58  }
0x1aa: {  	s29 =	sand.u32 $0x1FFF3E00, s29;
	[tilespmem:v2+s28+$0x0] =	vst.idx.msk $0xffff, v0  }
0x1ab: {  	s30 =	sadd.s32 s2, s29;
	[tilespmem:v1+s28+$0x0] =	vst.idx.msk $0xffff, v3  }
0x1ac: {  	[hbm4b:s30+s3] =	stream.linear.scatter [tilespmem:s28], [sflag:$0x9], $0x400, $0x38;
	[tilespmem:$0x8200] =	vst v63  }
0x1ad: {  	s24 =	simm.s32 $0x4600;
	s30 =	sadd.s32 s29, s11  }
0x1ae: {  	[hbm4b:s30+s3] =	stream.linear.scatter [tilespmem:s24], [sflag:$0x9], $0x400, $0x38;
	[tilespmem:$0x8200] =	vst v63  }
0x1af: {  	s31 =	simm.s32 $0x4A00;
	s30 =	sadd.s32 s29, s12  }
0x1b0: {  	[hbm4b:s30+s3] =	stream.linear.scatter [tilespmem:s31], [sflag:$0x9], $0x400, $0x38;
	[tilespmem:$0x8200] =	vst v63  }
0x1b1: {  	s29 =	sadd.s32 s29, s13;
	s31 =	simm.s32 $0x4E00  }
0x1b2: {  	[hbm4b:s29+s3] =	stream.linear.scatter [tilespmem:s31], [sflag:$0x9], $0x400, $0x38;
	[tilespmem:$0x8200] =	vst v63  }
0x1b3: {  	s29 =	simm.s32 @p0 $0x6  }
0x1b4: {  	_ =	swait.ge @p0 [sflag:s29], $0x1000  }
0x1b5: {  	[sflag:s29] =	ssyncset.done @p0 $0x0  }
0x1b6: {  	[sflag:s29] =	ssyncadd.s32 @p0 $0xFFFFF000;
	s29 =	simm.s32 @!p0 $0x1  }
0x1b7: {  	_ =	swait.ge @!p0 [sflag:s29], $0x80  }
0x1b8: {  	s30 =	simm.s32 @!p0 $0x0;
	[sflag:s29] =	ssyncset.done @!p0 $0x0  }
0x1b9: {  	s31 =	simm.s32 @!p0 $0x200;
	[sflag:s29] =	ssyncadd.s32 @!p0 $0xFFFFFF80;
	s29 =	simm.s32 @!p0 $0x80  }
0x1ba: {  	[tilespmem:s31], [sflag:$0x5] =	stream.indirect.gather @!p0 [hbm4b:s4+s29], $0x20, s30, s29, $0xb8;
	[tilespmem:$0x8200] =	vst v63  }
0x1bb: {  	s31 =	simm.s32 @!p0 $0x6  }
0x1bc: {  	_ =	swait.ge @!p0 [sflag:s31], $0x1000  }
0x1bd: {  	v60 =	vlaneseq.u32;
	s24 =	simm.s32 $0x0;
	[sflag:s31] =	ssyncset.done @!p0 $0x0  }
0x1be: {  	v0 =	vadd.s32 s24, v60;
	s24 =	sadd.s32 @!p0 s8, s14;
	[sflag:s31] =	ssyncadd.s32 @!p0 $0xFFFFF000;
	s31 =	simm.s32 $0x1  }
0x1bf: {  	[tilespmem:s29], [sflag:$0x2] =	stream.linear.gather @!p0 [hbm4b:s24+s30], $0x80, $0x38;
	[tilespmem:$0x8200] =	vst v63  }
0x1c0: {  	v52 =	vand.u32 $0xF, v0;
	v2 =	vadd.s32 s31, v60;
	s24 =	simm.s32 @!p1 $0xA  }
0x1c1: {  	v1 =	vor.u32 v11, v52;
	v53 =	vand.u32 $0xF, v2;
	_ =	swait.ge @!p1 [sflag:s24], $0x1000  }
0x1c2: {  	v61 =	vmov v14;
	v3 =	vor.u32 v11, v53;
	v14 =	vld [tilespmem:$0x1FE20];
	_ =	sdelay $0x1  }
0x1c3: {  	v51 =	vshll.u32 v0, $0x7;
	[sflag:s24] =	ssyncset.done @!p1 $0x0  }
0x1c4: {  	v0 =	vand.u32 $0x780, v51;
	v50 =	vshll.u32 v2, $0x7;
	[sflag:s24] =	ssyncadd.s32 @!p1 $0xFFFFF000  }
0x1c5: {  	v40 =	vor.u32 v60, v0;
	v5 =	vand.u32 $0x780, v50;
	v1 =	vld.idx.msk [tilespmem:v1+s21+$0x0], $0xffff  }
0x1c6: {  	v6 =	vor.u32 v60, v5;
	v2 =	vor.u32 v14, v52;
	v3 =	vld.idx.msk [tilespmem:v3+s21+$0x0], $0xffff  }
0x1c7: {  	v41 =	vor.u32 v14, v53;
	_ =	sdelay $0x2  }
0x1c8: {  	[tilespmem:v40+s1+$0x0] =	vst.idx.msk $0xffff, v1  }
0x1c9: {  	v1 =	vld.idx.msk [tilespmem:v2+s21+$0x0], $0xffff;
	v2 =	vor.u32 v15, v0;
	[tilespmem:v6+s1+$0x0] =	vst.idx.msk $0xffff, v3  }
0x1ca: {  	v42 =	vor.u32 v16, v52;
	v43 =	vor.u32 v15, v5;
	v3 =	vld.idx.msk [tilespmem:v41+s21+$0x0], $0xffff  }
0x1cb: {  	v44 =	vor.u32 v16, v53;
	_ =	sdelay $0x2  }
0x1cc: {  	[tilespmem:v2+s1+$0x0] =	vst.idx.msk $0xffff, v1  }
0x1cd: {  	v2 =	vor.u32 v17, v0;
	v1 =	vld.idx.msk [tilespmem:v42+s21+$0x0], $0xffff;
	[tilespmem:v43+s1+$0x0] =	vst.idx.msk $0xffff, v3  }
0x1ce: {  	v45 =	vor.u32 v18, v52;
	v46 =	vor.u32 v17, v5;
	v3 =	vld.idx.msk [tilespmem:v44+s21+$0x0], $0xffff  }
0x1cf: {  	v47 =	vor.u32 v18, v53;
	_ =	sdelay $0x2  }
0x1d0: {  	[tilespmem:v2+s1+$0x0] =	vst.idx.msk $0xffff, v1  }
0x1d1: {  	v2 =	vor.u32 v19, v0;
	v1 =	vld.idx.msk [tilespmem:v45+s21+$0x0], $0xffff;
	[tilespmem:v46+s1+$0x0] =	vst.idx.msk $0xffff, v3  }
0x1d2: {  	v48 =	vor.u32 v20, v52;
	v49 =	vor.u32 v19, v5;
	v3 =	vld.idx.msk [tilespmem:v47+s21+$0x0], $0xffff  }
0x1d3: {  	v54 =	vor.u32 v20, v53;
	_ =	sdelay $0x2  }
0x1d4: {  	[tilespmem:v2+s1+$0x0] =	vst.idx.msk $0xffff, v1  }
0x1d5: {  	v9 =	vlaneseq.u32;
	s31 =	simm.s32 $0x2;
	v2 =	vor.u32 v21, v0;
	v1 =	vld.idx.msk [tilespmem:v48+s21+$0x0], $0xffff;
	[tilespmem:v49+s1+$0x0] =	vst.idx.msk $0xffff, v3  }
0x1d6: {  	v55 =	vadd.s32 s31, v9;
	v56 =	vor.u32 v21, v5;
	v3 =	vor.u32 v22, v52;
	v6 =	vld.idx.msk [tilespmem:v54+s21+$0x0], $0xffff  }
0x1d7: {  	s31 =	simm.s32 $0x3;
	v8 =	vor.u32 v22, v53;
	v43 =	vand.u32 $0xF, v55  }
0x1d8: {  	v9 =	vadd.s32 s31, v9;
	v10 =	vor.u32 v11, v43  }
0x1d9: {  	v41 =	vand.u32 $0xF, v9  }
0x1da: {  	[tilespmem:v2+s1+$0x0] =	vst.idx.msk $0xffff, v1;
	v1 =	vor.u32 v11, v41  }
0x1db: {  	v12 =	vlaneseq.u32;
	v42 =	vshll.u32 v55, $0x7;
	v2 =	vld.idx.msk [tilespmem:v3+s21+$0x0], $0xffff;
	v3 =	vor.u32 v23, v0;
	[tilespmem:v56+s1+$0x0] =	vst.idx.msk $0xffff, v6  }
0x1dc: {  	v57 =	vor.u32 v24, v52;
	v58 =	vor.u32 v23, v5;
	v54 =	vand.u32 $0x780, v42;
	v6 =	vld.idx.msk [tilespmem:v8+s21+$0x0], $0xffff  }
0x1dd: {  	v40 =	vshll.u32 v9, $0x7;
	v9 =	vor.u32 v12, v54;
	v8 =	vld.idx.msk [tilespmem:v10+s21+$0x0], $0xffff;
	v10 =	vor.u32 v24, v53  }
0x1de: {  	v55 =	vand.u32 $0x780, v40;
	v59 =	vor.u32 v14, v43  }
0x1df: {  	v60 =	vor.u32 v12, v55;
	v1 =	vld.idx.msk [tilespmem:v1+s21+$0x0], $0xffff  }
0x1e0: {  	[tilespmem:v3+s1+$0x0] =	vst.idx.msk $0xffff, v2;
	v2 =	vor.u32 v14, v41  }
0x1e1: {  	v48 =	vor.u32 v25, v0;
	v3 =	vld.idx.msk [tilespmem:v57+s21+$0x0], $0xffff;
	[tilespmem:v58+s1+$0x0] =	vst.idx.msk $0xffff, v6  }
0x1e2: {  	v49 =	vor.u32 v26, v52;
	[tilespmem:v9+s1+$0x0] =	vst.idx.msk $0xffff, v8;
	v8 =	vor.u32 v25, v5;
	v7 =	vld.idx.msk [tilespmem:v10+s21+$0x0], $0xffff  }
0x1e3: {  	v56 =	vor.u32 v26, v53;
	v9 =	vld.idx.msk [tilespmem:v59+s21+$0x0], $0xffff;
	v10 =	vor.u32 v15, v54  }
0x1e4: {  	[tilespmem:v60+s1+$0x0] =	vst.idx.msk $0xffff, v1;
	v1 =	vor.u32 v16, v43  }
0x1e5: {  	v57 =	vor.u32 v15, v55;
	v2 =	vld.idx.msk [tilespmem:v2+s21+$0x0], $0xffff  }
0x1e6: {  	[tilespmem:v48+s1+$0x0] =	vst.idx.msk $0xffff, v3;
	v3 =	vor.u32 v16, v41  }
0x1e7: {  	v0 =	vor.u32 v27, v0;
	v4 =	vld.idx.msk [tilespmem:v49+s21+$0x0], $0xffff;
	[tilespmem:v8+s1+$0x0] =	vst.idx.msk $0xffff, v7  }
0x1e8: {  	v58 =	vor.u32 v28, v52;
	v5 =	vor.u32 v27, v5;
	[tilespmem:v10+s1+$0x0] =	vst.idx.msk $0xffff, v9;
	v7 =	vld.idx.msk [tilespmem:v56+s21+$0x0], $0xffff  }
0x1e9: {  	v8 =	vor.u32 v17, v54;
	v9 =	vor.u32 v28, v53;
	v1 =	vld.idx.msk [tilespmem:v1+s21+$0x0], $0xffff  }
0x1ea: {  	[tilespmem:v57+s1+$0x0] =	vst.idx.msk $0xffff, v2;
	v2 =	vor.u32 v18, v43  }
0x1eb: {  	v10 =	vor.u32 v17, v55;
	v3 =	vld.idx.msk [tilespmem:v3+s21+$0x0], $0xffff  }
0x1ec: {  	v59 =	vor.u32 v29, v51;
	[tilespmem:v0+s1+$0x0] =	vst.idx.msk $0xffff, v4;
	v0 =	vor.u32 v18, v41  }
0x1ed: {  	v46 =	vor.u32 v29, v50;
	v4 =	vand.u32 v30, v59;
	v6 =	vld.idx.msk [tilespmem:v58+s21+$0x0], $0xffff;
	[tilespmem:v5+s1+$0x0] =	vst.idx.msk $0xffff, v7  }
0x1ee: {  	v60 =	vor.u32 v31, v52;
	v5 =	vand.u32 v30, v46;
	[tilespmem:v8+s1+$0x0] =	vst.idx.msk $0xffff, v1;
	v1 =	vld.idx.msk [tilespmem:v9+s21+$0x0], $0xffff  }
0x1ef: {  	v47 =	vor.u32 v19, v54;
	v8 =	vor.u32 v31, v53;
	v2 =	vld.idx.msk [tilespmem:v2+s21+$0x0], $0xffff  }
0x1f0: {  	[tilespmem:v10+s1+$0x0] =	vst.idx.msk $0xffff, v3;
	v3 =	vor.u32 v20, v43  }
0x1f1: {  	v9 =	vor.u32 v19, v55;
	v0 =	vld.idx.msk [tilespmem:v0+s21+$0x0], $0xffff  }
0x1f2: {  	v48 =	vor.u32 v20, v41;
	v49 =	vor.u32 v32, v51;
	[tilespmem:v4+s1+$0x0] =	vst.idx.msk $0xffff, v6  }
0x1f3: {  	v6 =	vand.u32 v33, v49;
	v10 =	vld.idx.msk [tilespmem:v60+s21+$0x0], $0xffff;
	[tilespmem:v5+s1+$0x0] =	vst.idx.msk $0xffff, v1;
	v1 =	vor.u32 v32, v50  }
0x1f4: {  	v56 =	vor.u32 v34, v52;
	[tilespmem:v47+s1+$0x0] =	vst.idx.msk $0xffff, v2;
	v2 =	vld.idx.msk [tilespmem:v8+s21+$0x0], $0xffff;
	v1 =	vand.u32 v33, v1  }
0x1f5: {  	v57 =	vor.u32 v21, v54;
	v8 =	vor.u32 v34, v53;
	v3 =	vld.idx.msk [tilespmem:v3+s21+$0x0], $0xffff  }
0x1f6: {  	s31 =	simm.s32 $0x4;
	v12 =	vlaneseq.u32;
	v59 =	vor.u32 v35, v51;
	[tilespmem:v9+s1+$0x0] =	vst.idx.msk $0xffff, v0  }
0x1f7: {  	v58 =	vor.u32 v21, v55;
	v0 =	vadd.s32 s31, v12;
	v9 =	vor.u32 v22, v43;
	v4 =	vld.idx.msk [tilespmem:v48+s21+$0x0], $0xffff  }
0x1f8: {  	v60 =	vand.u32 v36, v59;
	v44 =	vand.u32 $0xF, v0;
	[tilespmem:v6+s1+$0x0] =	vst.idx.msk $0xffff, v10;
	v6 =	vor.u32 v22, v41  }
0x1f9: {  	v10 =	vor.u32 v11, v44;
	v5 =	vld.idx.msk [tilespmem:v56+s21+$0x0], $0xffff;
	[tilespmem:v1+s1+$0x0] =	vst.idx.msk $0xffff, v2;
	v1 =	vor.u32 v35, v50  }
0x1fa: {  	s31 =	simm.s32 $0x5;
	v2 =	vor.u32 v37, v52;
	[tilespmem:v57+s1+$0x0] =	vst.idx.msk $0xffff, v3;
	v3 =	vld.idx.msk [tilespmem:v8+s21+$0x0], $0xffff;
	v1 =	vand.u32 v36, v1  }
0x1fb: {  	v7 =	vadd.s32 s31, v12;
	v46 =	vshll.u32 v0, $0x7;
	v0 =	vor.u32 v37, v53  }
0x1fc: {  	v12 =	vlaneseq.u32;
	v45 =	vand.u32 $0xF, v7;
	v56 =	vor.u32 v23, v54;
	v8 =	vld.idx.msk [tilespmem:v9+s21+$0x0], $0xffff;
	[tilespmem:v58+s1+$0x0] =	vst.idx.msk $0xffff, v4  }
0x1fd: {  	v48 =	vand.u32 $0x780, v46;
	v57 =	vor.u32 v23, v55;
	v9 =	vor.u32 v38, v51;
	v6 =	vld.idx.msk [tilespmem:v6+s21+$0x0], $0xffff  }
0x1fe: {  	v4 =	vor.u32 v11, v45;
	v58 =	vor.u32 v12, v48;
	v10 =	vld.idx.msk [tilespmem:v10+s21+$0x0], $0xffff;
	[tilespmem:v60+s1+$0x0] =	vst.idx.msk $0xffff, v5  }
0x1ff: {  	v2 =	vld.idx.msk [tilespmem:v2+s21+$0x0], $0xffff;
	[tilespmem:v1+s1+$0x0] =	vst.idx.msk $0xffff, v3;
	v1 =	vand.u32 v39, v9;
	v3 =	vor.u32 v38, v50  }
0x200: {  	v5 =	vor.u32 v24, v43;
	v12 =	vld.idx.msk [tilespmem:v0+s21+$0x0], $0xffff;
	v3 =	vand.u32 v39, v3  }
0x201: {  	[tilespmem:v56+s1+$0x0] =	vst.idx.msk $0xffff, v8  }
0x202: {  	[tilespmem:v57+s1+$0x0] =	vst.idx.msk $0xffff, v6  }
0x203: {  	v59 =	vor.u32 v24, v41;
	v47 =	vshll.u32 v7, $0x7;
	v0 =	vld [tilespmem:$0x1FFE0];
	[tilespmem:v58+s1+$0x0] =	vst.idx.msk $0xffff, v10  }
0x204: {  	v7 =	vor.u32 v14, v44;
	v49 =	vand.u32 $0x780, v47;
	v60 =	vlaneseq.u32;
	v4 =	vld.idx.msk [tilespmem:v4+s21+$0x0], $0xffff;
	[tilespmem:v1+s1+$0x0] =	vst.idx.msk $0xffff, v2  }
0x205: {  	v9 =	vor.u32 v13, v52;
	v60 =	vor.u32 v60, v49;
	v5 =	vld.idx.msk [tilespmem:v5+s21+$0x0], $0xffff;
	[tilespmem:v3+s1+$0x0] =	vst.idx.msk $0xffff, v12  }
0x206: {  	v8 =	vor.u32 v13, v53;
	v10 =	vor.u32 v25, v54;
	v12 =	vld [tilespmem:$0x1FFD0];
	_ =	sdelay $0x1  }
0x207: {  	v56 =	vor.u32 v14, v45;
	v58 =	vld.idx.msk [tilespmem:v59+s21+$0x0], $0xffff  }
0x208: {  	v57 =	vor.u32 v26, v43;
	v59 =	vor.u32 v25, v55;
	v1 =	vld.idx.msk [tilespmem:v7+s21+$0x0], $0xffff  }
0x209: {  	v2 =	vor.u32 v15, v48;
	v3 =	vld.idx.msk [tilespmem:v9+s21+$0x0], $0xffff;
	[tilespmem:v60+s1+$0x0] =	vst.idx.msk $0xffff, v4;
	v6 =	vor.u32 v0, v51  }
0x20a: {  	v4 =	vld.idx.msk [tilespmem:v8+s21+$0x0], $0xffff;
	v9 =	vor.u32 v0, v50;
	[tilespmem:v10+s1+$0x0] =	vst.idx.msk $0xffff, v5;
	v6 =	vand.u32 v12, v6  }
0x20b: {  	v0 =	vld [tilespmem:$0x1FFC0];
	v8 =	vand.u32 v12, v9  }
0x20c: {  	v7 =	vor.u32 v26, v41;
	v10 =	vor.u32 v15, v49;
	v9 =	vld.idx.msk [tilespmem:v56+s21+$0x0], $0xffff  }
0x20d: {  	[tilespmem:v59+s1+$0x0] =	vst.idx.msk $0xffff, v58  }
0x20e: {  	v14 =	vor.u32 v16, v44;
	[tilespmem:v2+s1+$0x0] =	vst.idx.msk $0xffff, v1  }
0x20f: {  	v57 =	vld.idx.msk [tilespmem:v57+s21+$0x0], $0xffff;
	v1 =	vor.u32 v16, v45;
	[tilespmem:v6+s1+$0x0] =	vst.idx.msk $0xffff, v3  }
0x210: {  	v5 =	vor.u32 v0, v52;
	v12 =	vld [tilespmem:$0x1FFB0];
	[tilespmem:v8+s1+$0x0] =	vst.idx.msk $0xffff, v4  }
0x211: {  	v2 =	vld.idx.msk [tilespmem:v7+s21+$0x0], $0xffff;
	v60 =	vor.u32 v0, v53;
	[tilespmem:v10+s1+$0x0] =	vst.idx.msk $0xffff, v9  }
0x212: {  	v54 =	vor.u32 v27, v54;
	v58 =	vld [tilespmem:$0x1FFA0]  }
0x213: {  	v7 =	vor.u32 v27, v55;
	v0 =	vld.idx.msk [tilespmem:v14+s21+$0x0], $0xffff  }
0x214: {  	v1 =	vld.idx.msk [tilespmem:v1+s21+$0x0], $0xffff  }
0x215: {  	v6 =	vor.u32 v17, v48;
	v5 =	vld.idx.msk [tilespmem:v5+s21+$0x0], $0xffff  }
0x216: {  	v55 =	vld.idx.msk [tilespmem:v60+s21+$0x0], $0xffff;
	v60 =	vor.u32 v17, v49;
	v3 =	vor.u32 v12, v51  }
0x217: {  	v9 =	vor.u32 v12, v50;
	v12 =	vld [tilespmem:$0x1FF80];
	[tilespmem:v54+s1+$0x0] =	vst.idx.msk $0xffff, v57;
	v3 =	vand.u32 v58, v3  }
0x218: {  	v4 =	vor.u32 v28, v43;
	[tilespmem:v7+s1+$0x0] =	vst.idx.msk $0xffff, v2;
	v9 =	vand.u32 v58, v9  }
0x219: {  	v57 =	vld [tilespmem:$0x1FF90]  }
0x21a: {  	v8 =	vor.u32 v28, v41;
	[tilespmem:v6+s1+$0x0] =	vst.idx.msk $0xffff, v0  }
0x21b: {  	v54 =	vor.u32 v18, v44;
	[tilespmem:v60+s1+$0x0] =	vst.idx.msk $0xffff, v1  }
0x21c: {  	v58 =	vor.u32 v29, v42;
	[tilespmem:v3+s1+$0x0] =	vst.idx.msk $0xffff, v5  }
0x21d: {  	v4 =	vld.idx.msk [tilespmem:v4+s21+$0x0], $0xffff;
	v6 =	vand.u32 v30, v58;
	v3 =	vor.u32 v18, v45;
	[tilespmem:v9+s1+$0x0] =	vst.idx.msk $0xffff, v55  }
0x21e: {  	v59 =	vor.u32 v29, v40;
	v2 =	vor.u32 v57, v52;
	v0 =	vor.u32 v57, v53;
	v57 =	vld [tilespmem:$0x1FF70]  }
0x21f: {  	v7 =	vand.u32 v30, v59;
	v5 =	vld.idx.msk [tilespmem:v8+s21+$0x0], $0xffff  }
0x220: {  	v1 =	vor.u32 v31, v41;
	v54 =	vld.idx.msk [tilespmem:v54+s21+$0x0], $0xffff;
	v55 =	vor.u32 v19, v48  }
0x221: {  	v10 =	vor.u32 v12, v51;
	v60 =	vor.u32 v12, v50;
	v9 =	vor.u32 v20, v44  }
0x222: {  	v8 =	vor.u32 v31, v43;
	[tilespmem:v6+s1+$0x0] =	vst.idx.msk $0xffff, v4;
	v4 =	vor.u32 v19, v49;
	v3 =	vld.idx.msk [tilespmem:v3+s21+$0x0], $0xffff  }
0x223: {  	v52 =	vor.u32 v62, v52;
	v6 =	vor.u32 v62, v53;
	v2 =	vld.idx.msk [tilespmem:v2+s21+$0x0], $0xffff;
	v10 =	vand.u32 v57, v10  }
0x224: {  	v62 =	vor.u32 v32, v40;
	v0 =	vld.idx.msk [tilespmem:v0+s21+$0x0], $0xffff;
	[tilespmem:v7+s1+$0x0] =	vst.idx.msk $0xffff, v5;
	v56 =	vand.u32 v57, v60  }
0x225: {  	v53 =	vand.u32 v33, v62;
	v5 =	vor.u32 v20, v45;
	[tilespmem:v55+s1+$0x0] =	vst.idx.msk $0xffff, v54;
	v55 =	vld.idx.msk [tilespmem:v1+s21+$0x0], $0xffff  }
0x226: {  	v59 =	vor.u32 v21, v48;
	v60 =	vor.u32 v32, v42;
	v9 =	vld.idx.msk [tilespmem:v9+s21+$0x0], $0xffff  }
0x227: {  	v7 =	vld.idx.msk [tilespmem:v8+s21+$0x0], $0xffff;
	v8 =	vand.u32 v33, v60;
	[tilespmem:v4+s1+$0x0] =	vst.idx.msk $0xffff, v3  }
0x228: {  	[tilespmem:v10+s1+$0x0] =	vst.idx.msk $0xffff, v2  }
0x229: {  	v10 =	vor.u32 v34, v43;
	[tilespmem:v56+s1+$0x0] =	vst.idx.msk $0xffff, v0  }
0x22a: {  	v0 =	vor.u32 v61, v51;
	v51 =	vor.u32 v34, v41;
	v57 =	vld.idx.msk [tilespmem:v5+s21+$0x0], $0xffff;
	[tilespmem:v53+s1+$0x0] =	vst.idx.msk $0xffff, v55  }
0x22b: {  	v62 =	vor.u32 v22, v44;
	v1 =	vmov v61;
	[tilespmem:v59+s1+$0x0] =	vst.idx.msk $0xffff, v9;
	v58 =	vld.idx.msk [tilespmem:v52+s21+$0x0], $0xffff  }
0x22c: {  	s31 =	simm.s32 $0x6;
	v61 =	vand.u32 v63, v0;
	v54 =	vld.idx.msk [tilespmem:v6+s21+$0x0], $0xffff;
	v0 =	vor.u32 v1, v50;
	v1 =	vlaneseq.u32;
	[tilespmem:v8+s1+$0x0] =	vst.idx.msk $0xffff, v7  }
0x22d: {  	v3 =	vor.u32 v35, v42;
	v59 =	vor.u32 v22, v45;
	v1 =	vadd.s32 s31, v1;
	v14 =	vld [tilespmem:$0x1FE20]  }
0x22e: {  	v60 =	vand.u32 v36, v3;
	v63 =	vand.u32 v63, v0;
	v50 =	vand.u32 $0xF, v1;
	v55 =	vld.idx.msk [tilespmem:v10+s21+$0x0], $0xffff  }
0x22f: {  	s30 =	simm.s32 $0x7;
	s29 =	simm.s32 $0x8;
	v0 =	vor.u32 v21, v49;
	v2 =	vor.u32 v11, v50;
	v56 =	vld.idx.msk [tilespmem:v51+s21+$0x0], $0xffff;
	v51 =	vor.u32 v35, v40  }
.LBB2_8:
0x230: {  	_ =	sdelay $0x2  }
0x231: {  	v12 =	vlaneseq.u32;
	v4 =	vor.u32 v37, v43;
	v5 =	vand.u32 v36, v51  }
0x232: {  	v53 =	vmovc v41;
	v41 =	vmovc v45;
	v52 =	vmov v40;
	v40 =	vmov v47;
	v13 =	vld [tilespmem:$0x1FFF0];
	v3 =	vadd.s32 s30, v12;
	[tilespmem:v63+s1+$0x0] =	vst.idx.msk $0xffff, v54  }
0x233: {  	v6 =	vmovc v49;
	v51 =	vshll.u32 v1, $0x7;
	v1 =	vor.u32 v37, v53;
	v45 =	vand.u32 $0xF, v3;
	v63 =	vld [tilespmem:$0x1FFD0];
	[tilespmem:v61+s1+$0x0] =	vst.idx.msk $0xffff, v58  }
0x234: {  	v9 =	vor.u32 v14, v50;
	v7 =	vor.u32 v11, v45;
	[tilespmem:v0+s1+$0x0] =	vst.idx.msk $0xffff, v57;
	v8 =	vld.idx.msk [tilespmem:v62+s21+$0x0], $0xffff  }
0x235: {  	v10 =	vor.u32 v23, v48;
	v54 =	vmovc v43;
	v43 =	vmov v44;
	v0 =	vor.u32 v38, v42;
	v58 =	vld.idx.msk [tilespmem:v59+s21+$0x0], $0xffff  }
0x236: {  	v47 =	vshll.u32 v3, $0x7;
	v61 =	vor.u32 v23, v6;
	v59 =	vand.u32 $0x780, v51;
	v2 =	vld.idx.msk [tilespmem:v2+s21+$0x0], $0xffff;
	[tilespmem:v60+s1+$0x0] =	vst.idx.msk $0xffff, v55  }
0x237: {  	v57 =	vor.u32 v24, v44;
	v55 =	vor.u32 v12, v59;
	v4 =	vld.idx.msk [tilespmem:v4+s21+$0x0], $0xffff;
	[tilespmem:v5+s1+$0x0] =	vst.idx.msk $0xffff, v56  }
0x238: {  	v3 =	vor.u32 v38, v52;
	v44 =	vmovc v50;
	v49 =	vand.u32 $0x780, v47;
	v0 =	vand.u32 v39, v0;
	v1 =	vld.idx.msk [tilespmem:v1+s21+$0x0], $0xffff  }
0x239: {  	v3 =	vand.u32 v39, v3;
	v60 =	vor.u32 v24, v41;
	v50 =	vor.u32 v12, v49;
	v5 =	vld.idx.msk [tilespmem:v7+s21+$0x0], $0xffff  }
0x23a: {  	v7 =	vor.u32 v13, v54;
	[tilespmem:v10+s1+$0x0] =	vst.idx.msk $0xffff, v8;
	v8 =	vor.u32 v13, v53;
	v13 =	vld [tilespmem:$0x1FFE0]  }
0x23b: {  	v62 =	vld [tilespmem:$0x1FFC0];
	[tilespmem:v61+s1+$0x0] =	vst.idx.msk $0xffff, v58  }
0x23c: {  	v10 =	vor.u32 v14, v45;
	v56 =	vld.idx.msk [tilespmem:v57+s21+$0x0], $0xffff;
	[tilespmem:v55+s1+$0x0] =	vst.idx.msk $0xffff, v2  }
0x23d: {  	v2 =	vor.u32 v25, v48;
	v9 =	vld.idx.msk [tilespmem:v9+s21+$0x0], $0xffff;
	[tilespmem:v0+s1+$0x0] =	vst.idx.msk $0xffff, v4  }
0x23e: {  	v61 =	vor.u32 v25, v6;
	v55 =	vor.u32 v26, v43;
	v58 =	vld.idx.msk [tilespmem:v60+s21+$0x0], $0xffff;
	[tilespmem:v3+s1+$0x0] =	vst.idx.msk $0xffff, v1  }
0x23f: {  	v0 =	vor.u32 v15, v59;
	v7 =	vld.idx.msk [tilespmem:v7+s21+$0x0], $0xffff;
	[tilespmem:v50+s1+$0x0] =	vst.idx.msk $0xffff, v5;
	v57 =	vor.u32 v13, v42  }
0x240: {  	v60 =	vor.u32 v16, v44;
	v3 =	vld.idx.msk [tilespmem:v8+s21+$0x0], $0xffff;
	v1 =	vand.u32 v63, v57;
	v57 =	vor.u32 v13, v52  }
0x241: {  	v4 =	vor.u32 v26, v41;
	v8 =	vld.idx.msk [tilespmem:v10+s21+$0x0], $0xffff;
	v5 =	vand.u32 v63, v57  }
0x242: {  	[tilespmem:v2+s1+$0x0] =	vst.idx.msk $0xffff, v56;
	v57 =	vor.u32 v15, v49;
	v63 =	vld [tilespmem:$0x1FFB0]  }
0x243: {  	v10 =	vor.u32 v62, v54;
	v2 =	vor.u32 v62, v53;
	[tilespmem:v61+s1+$0x0] =	vst.idx.msk $0xffff, v58;
	v62 =	vld [tilespmem:$0x1FFA0]  }
0x244: {  	v56 =	vor.u32 v16, v45;
	v55 =	vld.idx.msk [tilespmem:v55+s21+$0x0], $0xffff;
	[tilespmem:v0+s1+$0x0] =	vst.idx.msk $0xffff, v9  }
0x245: {  	v6 =	vor.u32 v27, v6;
	v0 =	vor.u32 v27, v48;
	v60 =	vld.idx.msk [tilespmem:v60+s21+$0x0], $0xffff;
	[tilespmem:v1+s1+$0x0] =	vst.idx.msk $0xffff, v7  }
0x246: {  	v9 =	vor.u32 v28, v43;
	v4 =	vld.idx.msk [tilespmem:v4+s21+$0x0], $0xffff;
	v1 =	vor.u32 v17, v59;
	[tilespmem:v5+s1+$0x0] =	vst.idx.msk $0xffff, v3  }
0x247: {  	v58 =	vor.u32 v63, v42;
	v5 =	vor.u32 v63, v52;
	v63 =	vld [tilespmem:$0x1FF90];
	[tilespmem:v57+s1+$0x0] =	vst.idx.msk $0xffff, v8  }
0x248: {  	v7 =	vor.u32 v28, v41;
	v5 =	vand.u32 v62, v5;
	v2 =	vld.idx.msk [tilespmem:v2+s21+$0x0], $0xffff  }
0x249: {  	v3 =	vand.u32 v62, v58;
	v58 =	vor.u32 v17, v49;
	v8 =	vld.idx.msk [tilespmem:v56+s21+$0x0], $0xffff  }
0x24a: {  	v10 =	vld.idx.msk [tilespmem:v10+s21+$0x0], $0xffff;
	[tilespmem:v0+s1+$0x0] =	vst.idx.msk $0xffff, v55  }
0x24b: {  	v13 =	vld [tilespmem:$0x1FF80];
	[tilespmem:v6+s1+$0x0] =	vst.idx.msk $0xffff, v4  }
0x24c: {  	v61 =	vor.u32 v18, v44;
	v9 =	vld.idx.msk [tilespmem:v9+s21+$0x0], $0xffff;
	[tilespmem:v1+s1+$0x0] =	vst.idx.msk $0xffff, v60  }
0x24d: {  	v62 =	vor.u32 v18, v45;
	v4 =	vld.idx.msk [tilespmem:v7+s21+$0x0], $0xffff;
	[tilespmem:v5+s1+$0x0] =	vst.idx.msk $0xffff, v2  }
0x24e: {  	v60 =	vor.u32 v29, v40;
	v57 =	vor.u32 v63, v54;
	[tilespmem:v58+s1+$0x0] =	vst.idx.msk $0xffff, v8;
	v58 =	vld [tilespmem:$0x1FF70]  }
0x24f: {  	v0 =	vor.u32 v63, v53;
	v6 =	vand.u32 v30, v60;
	v60 =	vld [tilespmem:$0x1FE00]  }
0x250: {  	v48 =	vmovc v59;
	v50 =	vor.u32 v13, v42;
	v63 =	vor.u32 v29, v46;
	v5 =	vor.u32 v13, v52;
	v13 =	vld [tilespmem:$0x1FDF0]  }
0x251: {  	v7 =	vld.idx.msk [tilespmem:v61+s21+$0x0], $0xffff;
	v1 =	vand.u32 v30, v63;
	[tilespmem:v3+s1+$0x0] =	vst.idx.msk $0xffff, v10;
	v10 =	vor.u32 v31, v41  }
0x252: {  	v56 =	vor.u32 v31, v43;
	v3 =	vor.u32 v19, v48;
	v8 =	vld.idx.msk [tilespmem:v62+s21+$0x0], $0xffff  }
0x253: {  	v59 =	vor.u32 v20, v44;
	v57 =	vld.idx.msk [tilespmem:v57+s21+$0x0], $0xffff;
	v2 =	vand.u32 v58, v50  }
0x254: {  	v63 =	vor.u32 v32, v40;
	v62 =	vor.u32 v19, v49;
	v0 =	vld.idx.msk [tilespmem:v0+s21+$0x0], $0xffff;
	v5 =	vand.u32 v58, v5  }
0x255: {  	v61 =	vor.u32 v60, v42;
	v42 =	vmov v46;
	[tilespmem:v6+s1+$0x0] =	vst.idx.msk $0xffff, v4;
	v50 =	vor.u32 v13, v54  }
0x256: {  	[tilespmem:v1+s1+$0x0] =	vst.idx.msk $0xffff, v9;
	v46 =	vor.u32 v32, v42;
	v4 =	vld.idx.msk [tilespmem:v10+s21+$0x0], $0xffff;
	v1 =	vor.u32 v13, v53  }
0x257: {  	v9 =	vor.u32 v20, v45;
	v53 =	vld.idx.msk [tilespmem:v56+s21+$0x0], $0xffff;
	[tilespmem:v3+s1+$0x0] =	vst.idx.msk $0xffff, v7;
	v3 =	vand.u32 v33, v46  }
0x258: {  	v6 =	vand.u32 v33, v63;
	v10 =	vor.u32 v34, v43;
	v7 =	vld.idx.msk [tilespmem:v59+s21+$0x0], $0xffff;
	[tilespmem:v2+s1+$0x0] =	vst.idx.msk $0xffff, v57  }
0x259: {  	v56 =	vor.u32 v21, v48;
	v13 =	vmov v11;
	v11 =	vor.u32 v34, v41;
	[tilespmem:v5+s1+$0x0] =	vst.idx.msk $0xffff, v0;
	v2 =	vld [tilespmem:$0x1FE10]  }
0x25a: {  	p2 =	slt.u32 s29, $0xE;
	v59 =	vor.u32 v22, v45;
	v58 =	vld.idx.msk [tilespmem:v50+s21+$0x0], $0xffff;
	[tilespmem:v62+s1+$0x0] =	vst.idx.msk $0xffff, v8  }
.Ltmp5:
0x25b: {  	v46 =	vmov v51;
	v51 =	vor.u32 v35, v40;
	v0 =	vor.u32 v60, v52;
	v54 =	vld.idx.msk [tilespmem:v1+s21+$0x0], $0xffff;
	(pc) =	sbr.rel @p2 .LBB2_8-.Ltmp5, $4  }
0x25c: {  	v5 =	vor.u32 v35, v42;
	v62 =	vor.u32 v22, v44;
	[tilespmem:v3+s1+$0x0] =	vst.idx.msk $0xffff, v53;
	v57 =	vld.idx.msk [tilespmem:v9+s21+$0x0], $0xffff  }
0x25d: {  	v60 =	vand.u32 v36, v5;
	v1 =	vadd.s32 s29, v12;
	v55 =	vld.idx.msk [tilespmem:v10+s21+$0x0], $0xffff;
	[tilespmem:v6+s1+$0x0] =	vst.idx.msk $0xffff, v4  }
0x25e: {  	[tilespmem:v56+s1+$0x0] =	vst.idx.msk $0xffff, v7;
	v50 =	vand.u32 $0xF, v1;
	v56 =	vld.idx.msk [tilespmem:v11+s21+$0x0], $0xffff;
	v61 =	vand.u32 v2, v61  }
0x25f: {  	s30 =	sadd.s32 $0x1, s29;
	s29 =	sadd.s32 $0x2, s29;
	v11 =	vmovc v13;
	v63 =	vand.u32 v2, v0;
	v0 =	vor.u32 v21, v49;
	v2 =	vor.u32 v13, v50  }
0x260: {  	v8 =	vlaneseq.u32  }
0x261: {  	v3 =	vadd.s32 s30, v8  }
0x262: {  	v53 =	vand.u32 $0xF, v3  }
0x263: {  	v4 =	vor.u32 v11, v53;
	_ =	sdelay $0x1  }
0x264: {  	v52 =	vshll.u32 v1, $0x7  }
0x265: {  	v5 =	vand.u32 $0x780, v52;
	v1 =	vshll.u32 v3, $0x7  }
0x266: {  	v2 =	vld.idx.msk [tilespmem:v2+s21+$0x0], $0xffff;
	v3 =	vor.u32 v8, v5;
	v6 =	vand.u32 $0x780, v1  }
0x267: {  	v7 =	vor.u32 v14, v50;
	v8 =	vor.u32 v8, v6;
	v4 =	vld.idx.msk [tilespmem:v4+s21+$0x0], $0xffff  }
0x268: {  	v9 =	vor.u32 v14, v53;
	_ =	sdelay $0x2  }
0x269: {  	[tilespmem:v3+s1+$0x0] =	vst.idx.msk $0xffff, v2  }
0x26a: {  	v3 =	vor.u32 v15, v5;
	v2 =	vld.idx.msk [tilespmem:v7+s21+$0x0], $0xffff;
	[tilespmem:v8+s1+$0x0] =	vst.idx.msk $0xffff, v4  }
0x26b: {  	v4 =	vor.u32 v16, v50;
	v8 =	vor.u32 v15, v6;
	v7 =	vld.idx.msk [tilespmem:v9+s21+$0x0], $0xffff  }
0x26c: {  	v9 =	vor.u32 v16, v53;
	_ =	sdelay $0x2  }
0x26d: {  	[tilespmem:v3+s1+$0x0] =	vst.idx.msk $0xffff, v2  }
0x26e: {  	v3 =	vor.u32 v17, v5;
	v2 =	vld.idx.msk [tilespmem:v4+s21+$0x0], $0xffff;
	[tilespmem:v8+s1+$0x0] =	vst.idx.msk $0xffff, v7  }
0x26f: {  	v4 =	vor.u32 v18, v50;
	v8 =	vor.u32 v17, v6;
	v7 =	vld.idx.msk [tilespmem:v9+s21+$0x0], $0xffff  }
0x270: {  	v9 =	vor.u32 v18, v53;
	_ =	sdelay $0x2  }
0x271: {  	[tilespmem:v3+s1+$0x0] =	vst.idx.msk $0xffff, v2  }
0x272: {  	v3 =	vor.u32 v19, v5;
	v2 =	vld.idx.msk [tilespmem:v4+s21+$0x0], $0xffff;
	[tilespmem:v8+s1+$0x0] =	vst.idx.msk $0xffff, v7  }
0x273: {  	[tilespmem:v61+s1+$0x0] =	vst.idx.msk $0xffff, v58;
	v4 =	vor.u32 v20, v50;
	v8 =	vor.u32 v19, v6;
	v7 =	vld.idx.msk [tilespmem:v9+s21+$0x0], $0xffff  }
0x274: {  	[tilespmem:v63+s1+$0x0] =	vst.idx.msk $0xffff, v54;
	v10 =	vand.u32 v36, v51;
	v9 =	vor.u32 v20, v53  }
0x275: {  	v63 =	vor.u32 v23, v48;
	[tilespmem:v0+s1+$0x0] =	vst.idx.msk $0xffff, v57;
	v0 =	vor.u32 v37, v43;
	v11 =	vld.idx.msk [tilespmem:v62+s21+$0x0], $0xffff  }
0x276: {  	v57 =	vld.idx.msk [tilespmem:v59+s21+$0x0], $0xffff;
	[tilespmem:v60+s1+$0x0] =	vst.idx.msk $0xffff, v55;
	v59 =	vor.u32 v24, v44  }
0x277: {  	v58 =	vor.u32 v23, v49;
	[tilespmem:v3+s1+$0x0] =	vst.idx.msk $0xffff, v2  }
0x278: {  	v2 =	vor.u32 v37, v41;
	v3 =	vld.idx.msk [tilespmem:v4+s21+$0x0], $0xffff;
	v4 =	vor.u32 v21, v5;
	[tilespmem:v8+s1+$0x0] =	vst.idx.msk $0xffff, v7  }
0x279: {  	v54 =	vor.u32 v21, v6;
	[tilespmem:v10+s1+$0x0] =	vst.idx.msk $0xffff, v56;
	v8 =	vld.idx.msk [tilespmem:v9+s21+$0x0], $0xffff;
	v9 =	vor.u32 v22, v50  }
0x27a: {  	v55 =	vor.u32 v22, v53;
	v56 =	vor.u32 v38, v40;
	v0 =	vld.idx.msk [tilespmem:v0+s21+$0x0], $0xffff;
	[tilespmem:v63+s1+$0x0] =	vst.idx.msk $0xffff, v11  }
0x27b: {  	v60 =	vand.u32 v39, v56;
	v56 =	vld.idx.msk [tilespmem:v59+s21+$0x0], $0xffff;
	v7 =	vor.u32 v38, v42  }
0x27c: {  	v10 =	vor.u32 v24, v45;
	v7 =	vand.u32 v39, v7;
	v63 =	vld [tilespmem:$0x1FFF0];
	[tilespmem:v58+s1+$0x0] =	vst.idx.msk $0xffff, v57  }
0x27d: {  	v2 =	vld.idx.msk [tilespmem:v2+s21+$0x0], $0xffff;
	[tilespmem:v4+s1+$0x0] =	vst.idx.msk $0xffff, v3  }
0x27e: {  	v58 =	vor.u32 v25, v48;
	v4 =	vld.idx.msk [tilespmem:v9+s21+$0x0], $0xffff;
	[tilespmem:v54+s1+$0x0] =	vst.idx.msk $0xffff, v8  }
0x27f: {  	v54 =	vld.idx.msk [tilespmem:v55+s21+$0x0], $0xffff;
	v55 =	vor.u32 v23, v6  }
0x280: {  	v59 =	vor.u32 v24, v53;
	v8 =	vor.u32 v23, v5;
	v12 =	vld [tilespmem:$0x1FFE0]  }
0x281: {  	[tilespmem:v7+s1+$0x0] =	vst.idx.msk $0xffff, v0;
	v7 =	vld.idx.msk [tilespmem:v10+s21+$0x0], $0xffff;
	v10 =	vor.u32 v25, v49  }
0x282: {  	[tilespmem:v60+s1+$0x0] =	vst.idx.msk $0xffff, v2  }
0x283: {  	v62 =	vld [tilespmem:$0x1FFD0];
	[tilespmem:v58+s1+$0x0] =	vst.idx.msk $0xffff, v56  }
0x284: {  	v11 =	vor.u32 v63, v43;
	[tilespmem:v55+s1+$0x0] =	vst.idx.msk $0xffff, v54  }
0x285: {  	v3 =	vor.u32 v63, v41;
	v9 =	vor.u32 v24, v50;
	[tilespmem:v8+s1+$0x0] =	vst.idx.msk $0xffff, v4;
	v54 =	vld.idx.msk [tilespmem:v59+s21+$0x0], $0xffff  }
0x286: {  	v57 =	vor.u32 v12, v42;
	v61 =	vor.u32 v12, v40;
	v12 =	vld [tilespmem:$0x1FFC0];
	[tilespmem:v10+s1+$0x0] =	vst.idx.msk $0xffff, v7  }
0x287: {  	v59 =	vld [tilespmem:$0x1FF80];
	_ =	sdelay $0x1  }
0x288: {  	v11 =	vld.idx.msk [tilespmem:v11+s21+$0x0], $0xffff;
	v2 =	vand.u32 v62, v57  }
0x289: {  	v0 =	vor.u32 v26, v44;
	v3 =	vld.idx.msk [tilespmem:v3+s21+$0x0], $0xffff;
	v51 =	vand.u32 v62, v61  }
0x28a: {  	v8 =	vor.u32 v25, v5;
	v4 =	vld.idx.msk [tilespmem:v9+s21+$0x0], $0xffff;
	v57 =	vor.u32 v26, v45  }
0x28b: {  	v61 =	vor.u32 v59, v42  }
0x28c: {  	v60 =	vor.u32 v25, v6;
	v9 =	vor.u32 v26, v50;
	[tilespmem:$0x1FD20] =	vst v61  }
0x28d: {  	v7 =	vor.u32 v26, v53;
	[tilespmem:v2+s1+$0x0] =	vst.idx.msk $0xffff, v11  }
0x28e: {  	v0 =	vld.idx.msk [tilespmem:v0+s21+$0x0], $0xffff;
	[tilespmem:v51+s1+$0x0] =	vst.idx.msk $0xffff, v3  }
0x28f: {  	v48 =	vor.u32 v27, v48;
	v11 =	vld.idx.msk [tilespmem:v57+s21+$0x0], $0xffff;
	[tilespmem:v8+s1+$0x0] =	vst.idx.msk $0xffff, v4  }
0x290: {  	v49 =	vor.u32 v27, v49;
	v10 =	vld [tilespmem:$0x1FFB0]  }
0x291: {  	v5 =	vor.u32 v27, v5;
	v8 =	vld.idx.msk [tilespmem:v9+s21+$0x0], $0xffff;
	[tilespmem:v60+s1+$0x0] =	vst.idx.msk $0xffff, v54  }
0x292: {  	v6 =	vor.u32 v27, v6;
	v7 =	vld.idx.msk [tilespmem:v7+s21+$0x0], $0xffff;
	_ =	sdelay $0x1  }
0x293: {  	v60 =	vld [tilespmem:$0x1FFA0];
	[tilespmem:v48+s1+$0x0] =	vst.idx.msk $0xffff, v0  }
0x294: {  	[tilespmem:v49+s1+$0x0] =	vst.idx.msk $0xffff, v11  }
0x295: {  	v2 =	vor.u32 v28, v44;
	[tilespmem:v5+s1+$0x0] =	vst.idx.msk $0xffff, v8  }
0x296: {  	v58 =	vor.u32 v28, v45;
	[tilespmem:v6+s1+$0x0] =	vst.idx.msk $0xffff, v7  }
0x297: {  	v61 =	vld [tilespmem:$0x1FF90]  }
0x298: {  	v9 =	vor.u32 v28, v50  }
0x299: {  	v56 =	vor.u32 v12, v43;
	v54 =	vor.u32 v31, v44;
	v48 =	vor.u32 v28, v53  }
0x29a: {  	v0 =	vor.u32 v29, v46;
	v11 =	vor.u32 v29, v47;
	v57 =	vor.u32 v10, v42;
	v2 =	vld.idx.msk [tilespmem:v2+s21+$0x0], $0xffff  }
0x29b: {  	v0 =	vand.u32 v30, v0;
	v51 =	vld.idx.msk [tilespmem:v58+s21+$0x0], $0xffff;
	v11 =	vand.u32 v30, v11;
	v58 =	vor.u32 v31, v45  }
0x29c: {  	v4 =	vand.u32 v60, v57;
	v57 =	vor.u32 v29, v52;
	v7 =	vor.u32 v61, v43  }
0x29d: {  	v8 =	vld.idx.msk [tilespmem:v9+s21+$0x0], $0xffff;
	v6 =	vor.u32 v29, v1;
	v5 =	vand.u32 v30, v57;
	[tilespmem:$0x1FD30] =	vst v7  }
0x29e: {  	v55 =	vor.u32 v34, v44;
	v6 =	vand.u32 v30, v6;
	v48 =	vld.idx.msk [tilespmem:v48+s21+$0x0], $0xffff  }
0x29f: {  	v3 =	vor.u32 v12, v41;
	v9 =	vor.u32 v31, v50;
	v57 =	vor.u32 v34, v45  }
0x2a0: {  	[tilespmem:v0+s1+$0x0] =	vst.idx.msk $0xffff, v2;
	v0 =	vor.u32 v32, v46;
	v2 =	vor.u32 v31, v53;
	v56 =	vld.idx.msk [tilespmem:v56+s21+$0x0], $0xffff  }
0x2a1: {  	[tilespmem:v11+s1+$0x0] =	vst.idx.msk $0xffff, v51;
	v11 =	vor.u32 v32, v47;
	v54 =	vld.idx.msk [tilespmem:v54+s21+$0x0], $0xffff;
	v0 =	vand.u32 v33, v0  }
0x2a2: {  	[tilespmem:v5+s1+$0x0] =	vst.idx.msk $0xffff, v8;
	v51 =	vld.idx.msk [tilespmem:v58+s21+$0x0], $0xffff;
	v11 =	vand.u32 v33, v11;
	v58 =	vor.u32 v32, v52  }
0x2a3: {  	v7 =	vmov v1;
	[tilespmem:v6+s1+$0x0] =	vst.idx.msk $0xffff, v48;
	v6 =	vor.u32 v32, v1;
	v1 =	vor.u32 v61, v41  }
0x2a4: {  	v8 =	vld.idx.msk [tilespmem:v9+s21+$0x0], $0xffff;
	v5 =	vand.u32 v33, v58;
	[tilespmem:$0x1FD50] =	vst v1  }
0x2a5: {  	v49 =	vor.u32 v10, v40;
	v6 =	vand.u32 v33, v6;
	v2 =	vld.idx.msk [tilespmem:v2+s21+$0x0], $0xffff  }
0x2a6: {  	v49 =	vand.u32 v60, v49;
	v58 =	vor.u32 v35, v46;
	v3 =	vld.idx.msk [tilespmem:v3+s21+$0x0], $0xffff;
	[tilespmem:v0+s1+$0x0] =	vst.idx.msk $0xffff, v54  }
0x2a7: {  	[tilespmem:v11+s1+$0x0] =	vst.idx.msk $0xffff, v51;
	v11 =	vand.u32 v36, v58;
	v58 =	vor.u32 v35, v47;
	v54 =	vld.idx.msk [tilespmem:v55+s21+$0x0], $0xffff  }
0x2a8: {  	[tilespmem:v4+s1+$0x0] =	vst.idx.msk $0xffff, v56;
	v4 =	vld.idx.msk [tilespmem:v57+s21+$0x0], $0xffff;
	v51 =	vand.u32 v36, v58  }
0x2a9: {  	[tilespmem:v5+s1+$0x0] =	vst.idx.msk $0xffff, v8  }
0x2aa: {  	[tilespmem:v6+s1+$0x0] =	vst.idx.msk $0xffff, v2  }
0x2ab: {  	[tilespmem:v49+s1+$0x0] =	vst.idx.msk $0xffff, v3  }
0x2ac: {  	[tilespmem:v11+s1+$0x0] =	vst.idx.msk $0xffff, v54  }
0x2ad: {  	[tilespmem:v51+s1+$0x0] =	vst.idx.msk $0xffff, v4  }
0x2ae: {  	v48 =	vor.u32 v34, v50;
	v9 =	vld [tilespmem:$0x1FF70]  }
0x2af: {  	v0 =	vor.u32 v34, v53;
	v1 =	vld [tilespmem:$0x1FD20]  }
0x2b0: {  	v55 =	vor.u32 v37, v44  }
0x2b1: {  	v56 =	vor.u32 v37, v45  }
0x2b2: {  	v57 =	vor.u32 v35, v52  }
0x2b3: {  	v5 =	vld.idx.msk [tilespmem:v48+s21+$0x0], $0xffff;
	v2 =	vand.u32 v36, v57;
	v6 =	vor.u32 v35, v7  }
0x2b4: {  	v8 =	vor.u32 v38, v46;
	v0 =	vld.idx.msk [tilespmem:v0+s21+$0x0], $0xffff;
	v6 =	vand.u32 v36, v6;
	v1 =	vand.u32 v9, v1  }
0x2b5: {  	v4 =	vand.u32 v39, v8;
	v8 =	vor.u32 v38, v47;
	v48 =	vld.idx.msk [tilespmem:v55+s21+$0x0], $0xffff;
	[tilespmem:$0x1FD40] =	vst v1  }
0x2b6: {  	v8 =	vand.u32 v39, v8;
	v49 =	vld.idx.msk [tilespmem:v56+s21+$0x0], $0xffff;
	_ =	sdelay $0x1  }
0x2b7: {  	[tilespmem:v2+s1+$0x0] =	vst.idx.msk $0xffff, v5  }
0x2b8: {  	v3 =	vor.u32 v37, v50;
	[tilespmem:v6+s1+$0x0] =	vst.idx.msk $0xffff, v0  }
0x2b9: {  	v11 =	vor.u32 v37, v53;
	v57 =	vld [tilespmem:$0x1FFE0];
	[tilespmem:v4+s1+$0x0] =	vst.idx.msk $0xffff, v48  }
0x2ba: {  	[tilespmem:v8+s1+$0x0] =	vst.idx.msk $0xffff, v49  }
0x2bb: {  	v0 =	vld [tilespmem:$0x1FDF0]  }
0x2bc: {  	v58 =	vor.u32 v38, v52;
	v51 =	vor.u32 v63, v44  }
0x2bd: {  	v54 =	vor.u32 v63, v45;
	v1 =	vand.u32 v39, v58;
	v2 =	vld.idx.msk [tilespmem:v3+s21+$0x0], $0xffff;
	v3 =	vor.u32 v38, v7  }
0x2be: {  	v6 =	vld.idx.msk [tilespmem:v11+s21+$0x0], $0xffff;
	v11 =	vor.u32 v63, v50;
	v3 =	vand.u32 v39, v3  }
0x2bf: {  	v4 =	vor.u32 v63, v53  }
0x2c0: {  	v55 =	vor.u32 v57, v46;
	v63 =	vor.u32 v0, v43  }
0x2c1: {  	v58 =	vmov v62;
	v48 =	vld.idx.msk [tilespmem:v51+s21+$0x0], $0xffff;
	v49 =	vor.u32 v57, v47;
	v8 =	vand.u32 v62, v55;
	[tilespmem:$0x1FD60] =	vst v63  }
0x2c2: {  	v49 =	vand.u32 v62, v49;
	v43 =	vor.u32 v57, v52;
	v51 =	vld.idx.msk [tilespmem:v54+s21+$0x0], $0xffff;
	[tilespmem:v1+s1+$0x0] =	vst.idx.msk $0xffff, v2  }
0x2c3: {  	[tilespmem:v3+s1+$0x0] =	vst.idx.msk $0xffff, v6;
	v2 =	vand.u32 v62, v43;
	v3 =	vor.u32 v57, v7;
	v1 =	vld.idx.msk [tilespmem:v11+s21+$0x0], $0xffff  }
0x2c4: {  	v4 =	vld.idx.msk [tilespmem:v4+s21+$0x0], $0xffff;
	v3 =	vand.u32 v58, v3  }
0x2c5: {  	v6 =	vld [tilespmem:$0x1FD30]  }
0x2c6: {  	v43 =	vld [tilespmem:$0x1FE00];
	[tilespmem:v8+s1+$0x0] =	vst.idx.msk $0xffff, v48  }
0x2c7: {  	[tilespmem:v49+s1+$0x0] =	vst.idx.msk $0xffff, v51  }
0x2c8: {  	[tilespmem:v2+s1+$0x0] =	vst.idx.msk $0xffff, v1  }
0x2c9: {  	[tilespmem:v3+s1+$0x0] =	vst.idx.msk $0xffff, v4  }
0x2ca: {  	v1 =	vld [tilespmem:$0x1FD40];
	_ =	sdelay $0x2  }
0x2cb: {  	v63 =	vmov v7;
	v7 =	vld.idx.msk [tilespmem:v6+s21+$0x0], $0xffff;
	_ =	sdelay $0x4  }
0x2cc: {  	v54 =	vor.u32 v12, v44;
	[tilespmem:v1+s1+$0x0] =	vst.idx.msk $0xffff, v7  }
0x2cd: {  	v55 =	vor.u32 v12, v45;
	v1 =	vld [tilespmem:$0x1FD50]  }
0x2ce: {  	v11 =	vor.u32 v12, v50  }
0x2cf: {  	v8 =	vor.u32 v12, v53  }
0x2d0: {  	v58 =	vor.u32 v10, v46  }
0x2d1: {  	v48 =	vld.idx.msk [tilespmem:v54+s21+$0x0], $0xffff;
	v49 =	vor.u32 v10, v47;
	v62 =	vor.u32 v43, v42;
	v42 =	vand.u32 v60, v58  }
0x2d2: {  	v56 =	vor.u32 v10, v52;
	v51 =	vld.idx.msk [tilespmem:v55+s21+$0x0], $0xffff;
	v49 =	vand.u32 v60, v49  }
0x2d3: {  	v5 =	vmovc v59;
	v58 =	vmov v52;
	v2 =	vand.u32 v60, v56;
	v3 =	vor.u32 v10, v63;
	v52 =	vld.idx.msk [tilespmem:v11+s21+$0x0], $0xffff  }
0x2d4: {  	v59 =	vor.u32 v59, v40;
	v54 =	vor.u32 v61, v44;
	v4 =	vld.idx.msk [tilespmem:v8+s21+$0x0], $0xffff;
	v3 =	vand.u32 v60, v3  }
0x2d5: {  	v55 =	vor.u32 v61, v45;
	v6 =	vand.u32 v9, v59;
	v8 =	vld.idx.msk [tilespmem:v1+s21+$0x0], $0xffff  }
0x2d6: {  	[tilespmem:v42+s1+$0x0] =	vst.idx.msk $0xffff, v48  }
0x2d7: {  	[tilespmem:v49+s1+$0x0] =	vst.idx.msk $0xffff, v51  }
0x2d8: {  	v7 =	vor.u32 v61, v50;
	[tilespmem:v2+s1+$0x0] =	vst.idx.msk $0xffff, v52  }
0x2d9: {  	v57 =	vor.u32 v0, v41;
	v59 =	vmov v61;
	[tilespmem:v3+s1+$0x0] =	vst.idx.msk $0xffff, v4;
	v42 =	vld.idx.msk [tilespmem:v54+s21+$0x0], $0xffff  }
0x2da: {  	v11 =	vor.u32 v5, v46;
	v10 =	vor.u32 v59, v53;
	v48 =	vld.idx.msk [tilespmem:v55+s21+$0x0], $0xffff;
	[tilespmem:v6+s1+$0x0] =	vst.idx.msk $0xffff, v8  }
0x2db: {  	v56 =	vmovc v63;
	v11 =	vand.u32 v9, v11;
	v51 =	vor.u32 v5, v47;
	v3 =	vor.u32 v5, v63;
	v63 =	vld [tilespmem:$0x1FE10]  }
0x2dc: {  	v44 =	vor.u32 v0, v44;
	v60 =	vor.u32 v5, v58;
	v41 =	vand.u32 v9, v51;
	v1 =	vld [tilespmem:$0x1FD60]  }
0x2dd: {  	v59 =	vor.u32 v0, v45;
	v61 =	vmov v0;
	v2 =	vand.u32 v9, v60;
	v0 =	vld.idx.msk [tilespmem:v7+s21+$0x0], $0xffff  }
0x2de: {  	v12 =	vmov v43;
	v54 =	vor.u32 v61, v50  }
0x2df: {  	v4 =	vld.idx.msk [tilespmem:v10+s21+$0x0], $0xffff;
	v3 =	vand.u32 v9, v3;
	v10 =	vor.u32 v61, v53;
	v8 =	vor.u32 v43, v40  }
0x2e0: {  	v55 =	vor.u32 v43, v46;
	v9 =	vld.idx.msk [tilespmem:v57+s21+$0x0], $0xffff;
	[tilespmem:v11+s1+$0x0] =	vst.idx.msk $0xffff, v42;
	v8 =	vand.u32 v63, v8  }
0x2e1: {  	[tilespmem:v41+s1+$0x0] =	vst.idx.msk $0xffff, v48;
	v57 =	vor.u32 v43, v47;
	v11 =	vld.idx.msk [tilespmem:v44+s21+$0x0], $0xffff;
	v40 =	vand.u32 v63, v55  }
0x2e2: {  	v43 =	vor.u32 v43, v58;
	[tilespmem:v2+s1+$0x0] =	vst.idx.msk $0xffff, v0;
	v59 =	vld.idx.msk [tilespmem:v59+s21+$0x0], $0xffff;
	v41 =	vand.u32 v63, v57  }
0x2e3: {  	v0 =	vld.idx.msk [tilespmem:v54+s21+$0x0], $0xffff;
	v2 =	vand.u32 v63, v43  }
0x2e4: {  	[tilespmem:v3+s1+$0x0] =	vst.idx.msk $0xffff, v4;
	v6 =	vand.u32 v63, v62;
	v7 =	vld.idx.msk [tilespmem:v1+s21+$0x0], $0xffff;
	v1 =	vor.u32 v12, v56  }
0x2e5: {  	v3 =	vld.idx.msk [tilespmem:v10+s21+$0x0], $0xffff;
	v1 =	vand.u32 v63, v1;
	[tilespmem:v8+s1+$0x0] =	vst.idx.msk $0xffff, v9  }
0x2e6: {  	s9 =	sor.u32 s17, s9;
	[tilespmem:v40+s1+$0x0] =	vst.idx.msk $0xffff, v11  }
0x2e7: {  	s9 =	sshll.u32 s9, $0x7;
	[tilespmem:v41+s1+$0x0] =	vst.idx.msk $0xffff, v59  }
0x2e8: {  	s30 =	sor.u32 $0x80, s9;
	[tilespmem:v2+s1+$0x0] =	vst.idx.msk $0xffff, v0  }
0x2e9: {  	s17 =	sand.u32 $0x1FFF3E80, s30;
	[tilespmem:v6+s1+$0x0] =	vst.idx.msk $0xffff, v7  }
0x2ea: {  	s24 =	sadd.s32 s2, s17;
	[tilespmem:v1+s1+$0x0] =	vst.idx.msk $0xffff, v3  }
0x2eb: {  	[hbm4b:s24+s3] =	stream.linear.scatter [tilespmem:s1], [sflag:$0xA], $0x400, $0x38;
	[tilespmem:$0x8200] =	vst v63  }
0x2ec: {  	s29 =	simm.s32 $0x5600;
	s31 =	sadd.s32 s17, s11  }
0x2ed: {  	[hbm4b:s31+s3] =	stream.linear.scatter [tilespmem:s29], [sflag:$0xA], $0x400, $0x38;
	[tilespmem:$0x8200] =	vst v63  }
0x2ee: {  	s30 =	sadd.s32 s17, s12;
	s29 =	simm.s32 $0x5A00  }
0x2ef: {  	[hbm4b:s30+s3] =	stream.linear.scatter [tilespmem:s29], [sflag:$0xA], $0x400, $0x38;
	[tilespmem:$0x8200] =	vst v63  }
0x2f0: {  	s17 =	sadd.s32 s17, s13;
	s31 =	simm.s32 $0x5E00  }
0x2f1: {  	[hbm4b:s17+s3] =	stream.linear.scatter [tilespmem:s31], [sflag:$0xA], $0x400, $0x38;
	[tilespmem:$0x8200] =	vst v63  }
0x2f2: {  	s17 =	simm.s32 @p0 $0x7  }
0x2f3: {  	_ =	swait.ge @p0 [sflag:s17], $0x1000  }
0x2f4: {  	[sflag:s17] =	ssyncset.done @p0 $0x0  }
0x2f5: {  	[sflag:s17] =	ssyncadd.s32 @p0 $0xFFFFF000;
	s17 =	simm.s32 @!p0 $0x2  }
0x2f6: {  	_ =	swait.ge @!p0 [sflag:s17], $0x80  }
0x2f7: {  	[sflag:s17] =	ssyncset.done @!p0 $0x0  }
0x2f8: {  	s24 =	simm.s32 @!p0 $0x1200;
	[sflag:s17] =	ssyncadd.s32 @!p0 $0xFFFFFF80;
	s17 =	simm.s32 @!p0 $0x80  }
0x2f9: {  	[tilespmem:s24], [sflag:$0x6] =	stream.indirect.gather @!p0 [hbm4b:s4+s17], $0x20, s17, s17, $0xb8;
	[tilespmem:$0x8200] =	vst v63  }
0x2fa: {  	s17 =	simm.s32 @!p0 $0x7  }
0x2fb: {  	v6 =	vlaneseq.u32;
	s30 =	simm.s32 $0x0;
	_ =	swait.ge @!p0 [sflag:s17], $0x1000  }
0x2fc: {  	s29 =	simm.s32 @!p0 $0x100;
	v0 =	vadd.s32 s30, v6;
	s31 =	simm.s32 $0x1;
	[sflag:s17] =	ssyncset.done @!p0 $0x0  }
0x2fd: {  	v52 =	vand.u32 $0xF, v0;
	v2 =	vadd.s32 s31, v6;
	s24 =	simm.s32 @!p0 $0x0;
	[sflag:s17] =	ssyncadd.s32 @!p0 $0xFFFFF000;
	s17 =	sadd.s32 @!p0 s8, s15  }
0x2fe: {  	v1 =	vor.u32 v13, v52;
	v53 =	vand.u32 $0xF, v2;
	[tilespmem:s29], [sflag:$0x3] =	stream.linear.gather @!p0 [hbm4b:s17+s24], $0x80, $0x38;
	[tilespmem:$0x8200] =	vst v63  }
0x2ff: {  	v3 =	vor.u32 v13, v53;
	s17 =	simm.s32 @!p1 $0xB  }
0x300: {  	_ =	swait.ge @!p1 [sflag:s17], $0x1000  }
0x301: {  	v51 =	vshll.u32 v0, $0x7;
	[sflag:s17] =	ssyncset.done @!p1 $0x0  }
0x302: {  	v0 =	vand.u32 $0x780, v51;
	v50 =	vshll.u32 v2, $0x7;
	[sflag:s17] =	ssyncadd.s32 @!p1 $0xFFFFF000  }
0x303: {  	v44 =	vor.u32 v6, v0;
	v5 =	vand.u32 $0x780, v50;
	v1 =	vld.idx.msk [tilespmem:v1+s23+$0x0], $0xffff  }
0x304: {  	v2 =	vor.u32 v14, v52;
	v6 =	vor.u32 v6, v5;
	v3 =	vld.idx.msk [tilespmem:v3+s23+$0x0], $0xffff  }
0x305: {  	v7 =	vor.u32 v14, v53;
	_ =	sdelay $0x2  }
0x306: {  	[tilespmem:v44+s7+$0x0] =	vst.idx.msk $0xffff, v1  }
0x307: {  	[tilespmem:v6+s7+$0x0] =	vst.idx.msk $0xffff, v3;
	v1 =	vld.idx.msk [tilespmem:v2+s23+$0x0], $0xffff;
	v2 =	vor.u32 v15, v0  }
0x308: {  	v45 =	vor.u32 v16, v52;
	v6 =	vor.u32 v15, v5;
	v3 =	vld.idx.msk [tilespmem:v7+s23+$0x0], $0xffff  }
0x309: {  	v7 =	vor.u32 v16, v53;
	_ =	sdelay $0x2  }
0x30a: {  	[tilespmem:v2+s7+$0x0] =	vst.idx.msk $0xffff, v1  }
0x30b: {  	v2 =	vor.u32 v17, v0;
	[tilespmem:v6+s7+$0x0] =	vst.idx.msk $0xffff, v3;
	v1 =	vld.idx.msk [tilespmem:v45+s23+$0x0], $0xffff  }
0x30c: {  	v46 =	vor.u32 v18, v52;
	v6 =	vor.u32 v17, v5;
	v3 =	vld.idx.msk [tilespmem:v7+s23+$0x0], $0xffff  }
0x30d: {  	v7 =	vor.u32 v18, v53;
	_ =	sdelay $0x2  }
0x30e: {  	[tilespmem:v2+s7+$0x0] =	vst.idx.msk $0xffff, v1  }
0x30f: {  	v2 =	vor.u32 v19, v0;
	[tilespmem:v6+s7+$0x0] =	vst.idx.msk $0xffff, v3;
	v1 =	vld.idx.msk [tilespmem:v46+s23+$0x0], $0xffff  }
0x310: {  	v47 =	vor.u32 v20, v52;
	v6 =	vor.u32 v19, v5;
	v3 =	vld.idx.msk [tilespmem:v7+s23+$0x0], $0xffff  }
0x311: {  	v7 =	vor.u32 v20, v53;
	_ =	sdelay $0x2  }
0x312: {  	[tilespmem:v2+s7+$0x0] =	vst.idx.msk $0xffff, v1  }
0x313: {  	v60 =	vlaneseq.u32;
	s30 =	simm.s32 $0x2;
	v2 =	vor.u32 v21, v0;
	[tilespmem:v6+s7+$0x0] =	vst.idx.msk $0xffff, v3;
	v1 =	vld.idx.msk [tilespmem:v47+s23+$0x0], $0xffff  }
0x314: {  	v48 =	vadd.s32 s30, v60;
	v3 =	vor.u32 v22, v52;
	v6 =	vld.idx.msk [tilespmem:v7+s23+$0x0], $0xffff;
	v7 =	vor.u32 v21, v5  }
0x315: {  	s31 =	simm.s32 $0x3;
	v43 =	vand.u32 $0xF, v48;
	v8 =	vor.u32 v22, v53  }
0x316: {  	v9 =	vadd.s32 s31, v60;
	v10 =	vor.u32 v13, v43  }
0x317: {  	v41 =	vand.u32 $0xF, v9  }
0x318: {  	[tilespmem:v2+s7+$0x0] =	vst.idx.msk $0xffff, v1;
	v1 =	vor.u32 v13, v41  }
0x319: {  	v42 =	vshll.u32 v48, $0x7;
	[tilespmem:v7+s7+$0x0] =	vst.idx.msk $0xffff, v6;
	v2 =	vld.idx.msk [tilespmem:v3+s23+$0x0], $0xffff;
	v3 =	vor.u32 v23, v0  }
0x31a: {  	v49 =	vor.u32 v24, v52;
	v54 =	vand.u32 $0x780, v42;
	v7 =	vor.u32 v23, v5;
	v6 =	vld.idx.msk [tilespmem:v8+s23+$0x0], $0xffff  }
0x31b: {  	v40 =	vshll.u32 v9, $0x7;
	v9 =	vor.u32 v60, v54;
	v8 =	vld.idx.msk [tilespmem:v10+s23+$0x0], $0xffff;
	v10 =	vor.u32 v24, v53  }
0x31c: {  	v11 =	vor.u32 v14, v43;
	v55 =	vand.u32 $0x780, v40  }
0x31d: {  	v57 =	vor.u32 v60, v55;
	v1 =	vld.idx.msk [tilespmem:v1+s23+$0x0], $0xffff  }
0x31e: {  	[tilespmem:v3+s7+$0x0] =	vst.idx.msk $0xffff, v2;
	v2 =	vor.u32 v14, v41  }
0x31f: {  	v58 =	vor.u32 v25, v0;
	[tilespmem:v7+s7+$0x0] =	vst.idx.msk $0xffff, v6;
	v3 =	vld.idx.msk [tilespmem:v49+s23+$0x0], $0xffff  }
0x320: {  	v6 =	vor.u32 v26, v52;
	[tilespmem:v9+s7+$0x0] =	vst.idx.msk $0xffff, v8;
	v8 =	vor.u32 v25, v5;
	v7 =	vld.idx.msk [tilespmem:v10+s23+$0x0], $0xffff  }
0x321: {  	v9 =	vld.idx.msk [tilespmem:v11+s23+$0x0], $0xffff;
	v10 =	vor.u32 v15, v54;
	v11 =	vor.u32 v26, v53  }
0x322: {  	[tilespmem:v57+s7+$0x0] =	vst.idx.msk $0xffff, v1;
	v1 =	vor.u32 v16, v43  }
0x323: {  	v59 =	vor.u32 v15, v55;
	v2 =	vld.idx.msk [tilespmem:v2+s23+$0x0], $0xffff  }
0x324: {  	[tilespmem:v58+s7+$0x0] =	vst.idx.msk $0xffff, v3;
	v3 =	vor.u32 v16, v41  }
0x325: {  	v0 =	vor.u32 v27, v0;
	[tilespmem:v8+s7+$0x0] =	vst.idx.msk $0xffff, v7;
	v4 =	vld.idx.msk [tilespmem:v6+s23+$0x0], $0xffff  }
0x326: {  	v5 =	vor.u32 v27, v5;
	[tilespmem:v10+s7+$0x0] =	vst.idx.msk $0xffff, v9;
	v6 =	vor.u32 v28, v52;
	v7 =	vld.idx.msk [tilespmem:v11+s23+$0x0], $0xffff  }
0x327: {  	v8 =	vor.u32 v17, v54;
	v9 =	vor.u32 v28, v53;
	v1 =	vld.idx.msk [tilespmem:v1+s23+$0x0], $0xffff  }
0x328: {  	[tilespmem:v59+s7+$0x0] =	vst.idx.msk $0xffff, v2;
	v2 =	vor.u32 v18, v43  }
0x329: {  	v10 =	vor.u32 v17, v55;
	v3 =	vld.idx.msk [tilespmem:v3+s23+$0x0], $0xffff  }
0x32a: {  	v48 =	vor.u32 v29, v50;
	v47 =	vor.u32 v29, v51;
	[tilespmem:v0+s7+$0x0] =	vst.idx.msk $0xffff, v4  }
0x32b: {  	v0 =	vor.u32 v18, v41;
	v4 =	vand.u32 v30, v47;
	[tilespmem:v5+s7+$0x0] =	vst.idx.msk $0xffff, v7;
	v6 =	vld.idx.msk [tilespmem:v6+s23+$0x0], $0xffff  }
0x32c: {  	v11 =	vor.u32 v31, v52;
	v5 =	vand.u32 v30, v48;
	[tilespmem:v8+s7+$0x0] =	vst.idx.msk $0xffff, v1;
	v1 =	vld.idx.msk [tilespmem:v9+s23+$0x0], $0xffff  }
0x32d: {  	v7 =	vor.u32 v19, v54;
	v8 =	vor.u32 v31, v53;
	v2 =	vld.idx.msk [tilespmem:v2+s23+$0x0], $0xffff  }
0x32e: {  	[tilespmem:v10+s7+$0x0] =	vst.idx.msk $0xffff, v3;
	v3 =	vor.u32 v20, v43;
	_ =	sdelay $0x1  }
0x32f: {  	v9 =	vor.u32 v19, v55;
	v0 =	vld.idx.msk [tilespmem:v0+s23+$0x0], $0xffff;
	[tilespmem:v4+s7+$0x0] =	vst.idx.msk $0xffff, v6;
	v6 =	vor.u32 v32, v51  }
0x330: {  	v10 =	vld.idx.msk [tilespmem:v11+s23+$0x0], $0xffff;
	v6 =	vand.u32 v33, v6;
	[tilespmem:v5+s7+$0x0] =	vst.idx.msk $0xffff, v1;
	v1 =	vor.u32 v32, v50  }
0x331: {  	v49 =	vor.u32 v20, v41;
	[tilespmem:v7+s7+$0x0] =	vst.idx.msk $0xffff, v2;
	v2 =	vld.idx.msk [tilespmem:v8+s23+$0x0], $0xffff;
	v1 =	vand.u32 v33, v1  }
0x332: {  	v7 =	vor.u32 v21, v54;
	v8 =	vor.u32 v34, v53;
	v3 =	vld.idx.msk [tilespmem:v3+s23+$0x0], $0xffff  }
0x333: {  	v56 =	vor.u32 v34, v52  }
0x334: {  	v57 =	vor.u32 v35, v51;
	[tilespmem:v9+s7+$0x0] =	vst.idx.msk $0xffff, v0  }
0x335: {  	v47 =	vand.u32 v36, v57;
	[tilespmem:v6+s7+$0x0] =	vst.idx.msk $0xffff, v10  }
0x336: {  	s24 =	simm.s32 $0x4;
	v11 =	vor.u32 v21, v55;
	v4 =	vld.idx.msk [tilespmem:v49+s23+$0x0], $0xffff;
	[tilespmem:v1+s7+$0x0] =	vst.idx.msk $0xffff, v2;
	v1 =	vor.u32 v35, v50  }
0x337: {  	v0 =	vadd.s32 s24, v60;
	[tilespmem:v7+s7+$0x0] =	vst.idx.msk $0xffff, v3;
	v3 =	vld.idx.msk [tilespmem:v8+s23+$0x0], $0xffff;
	v1 =	vand.u32 v36, v1  }
0x338: {  	v44 =	vand.u32 $0xF, v0;
	v46 =	vshll.u32 v0, $0x7;
	v0 =	vor.u32 v37, v53;
	v5 =	vld.idx.msk [tilespmem:v56+s23+$0x0], $0xffff;
	_ =	sdelay $0x1  }
0x339: {  	v9 =	vor.u32 v22, v43  }
0x33a: {  	v6 =	vor.u32 v22, v41;
	[tilespmem:v11+s7+$0x0] =	vst.idx.msk $0xffff, v4  }
0x33b: {  	v10 =	vor.u32 v13, v44;
	[tilespmem:v1+s7+$0x0] =	vst.idx.msk $0xffff, v3  }
0x33c: {  	v62 =	vmov v12;
	v2 =	vor.u32 v37, v52;
	[tilespmem:v47+s7+$0x0] =	vst.idx.msk $0xffff, v5;
	v12 =	vld.idx.msk [tilespmem:v0+s23+$0x0], $0xffff  }
0x33d: {  	v0 =	vld [tilespmem:$0x1FFF0]  }
0x33e: {  	v8 =	vld.idx.msk [tilespmem:v9+s23+$0x0], $0xffff;
	v11 =	vor.u32 v23, v54  }
0x33f: {  	v48 =	vand.u32 $0x780, v46;
	v56 =	vor.u32 v23, v55;
	v6 =	vld.idx.msk [tilespmem:v6+s23+$0x0], $0xffff  }
0x340: {  	v57 =	vor.u32 v60, v48;
	v9 =	vor.u32 v38, v51;
	v10 =	vld.idx.msk [tilespmem:v10+s23+$0x0], $0xffff  }
0x341: {  	s30 =	simm.s32 $0x5;
	v2 =	vld.idx.msk [tilespmem:v2+s23+$0x0], $0xffff;
	v1 =	vand.u32 v39, v9;
	v3 =	vor.u32 v38, v50  }
0x342: {  	v7 =	vadd.s32 s30, v60;
	v3 =	vand.u32 v39, v3;
	v9 =	vor.u32 v0, v52  }
0x343: {  	v45 =	vand.u32 $0xF, v7;
	[tilespmem:v11+s7+$0x0] =	vst.idx.msk $0xffff, v8  }
0x344: {  	v4 =	vor.u32 v13, v45;
	[tilespmem:v56+s7+$0x0] =	vst.idx.msk $0xffff, v6  }
0x345: {  	v5 =	vor.u32 v24, v43;
	v8 =	vor.u32 v0, v53;
	v0 =	vld [tilespmem:$0x1FFE0];
	[tilespmem:v57+s7+$0x0] =	vst.idx.msk $0xffff, v10  }
0x346: {  	v58 =	vor.u32 v24, v41;
	[tilespmem:v1+s7+$0x0] =	vst.idx.msk $0xffff, v2  }
0x347: {  	v47 =	vshll.u32 v7, $0x7;
	v7 =	vor.u32 v14, v44;
	[tilespmem:v3+s7+$0x0] =	vst.idx.msk $0xffff, v12;
	v3 =	vld.idx.msk [tilespmem:v9+s23+$0x0], $0xffff  }
0x348: {  	v49 =	vand.u32 $0x780, v47;
	v9 =	vld [tilespmem:$0x1FFD0]  }
0x349: {  	v59 =	vor.u32 v60, v49;
	v4 =	vld.idx.msk [tilespmem:v4+s23+$0x0], $0xffff  }
0x34a: {  	v11 =	vor.u32 v14, v45;
	v5 =	vld.idx.msk [tilespmem:v5+s23+$0x0], $0xffff;
	v10 =	vor.u32 v25, v54  }
0x34b: {  	v57 =	vld.idx.msk [tilespmem:v58+s23+$0x0], $0xffff;
	v58 =	vor.u32 v25, v55  }
0x34c: {  	v2 =	vor.u32 v15, v48;
	v1 =	vld.idx.msk [tilespmem:v7+s23+$0x0], $0xffff;
	v6 =	vor.u32 v0, v51  }
0x34d: {  	v7 =	vor.u32 v26, v41;
	v0 =	vor.u32 v0, v50;
	v6 =	vand.u32 v9, v6  }
0x34e: {  	[tilespmem:v59+s7+$0x0] =	vst.idx.msk $0xffff, v4;
	v4 =	vld.idx.msk [tilespmem:v8+s23+$0x0], $0xffff;
	v8 =	vand.u32 v9, v0  }
0x34f: {  	v56 =	vor.u32 v26, v43;
	[tilespmem:v10+s7+$0x0] =	vst.idx.msk $0xffff, v5;
	v10 =	vor.u32 v15, v49;
	v9 =	vld.idx.msk [tilespmem:v11+s23+$0x0], $0xffff  }
0x350: {  	v11 =	vld [tilespmem:$0x1FFC0];
	[tilespmem:v58+s7+$0x0] =	vst.idx.msk $0xffff, v57  }
0x351: {  	[tilespmem:v2+s7+$0x0] =	vst.idx.msk $0xffff, v1  }
0x352: {  	v12 =	vor.u32 v16, v44;
	v2 =	vld.idx.msk [tilespmem:v7+s23+$0x0], $0xffff;
	[tilespmem:v6+s7+$0x0] =	vst.idx.msk $0xffff, v3  }
0x353: {  	v7 =	vor.u32 v27, v55;
	v55 =	vld [tilespmem:$0x1FFB0];
	[tilespmem:v8+s7+$0x0] =	vst.idx.msk $0xffff, v4  }
0x354: {  	v56 =	vld.idx.msk [tilespmem:v56+s23+$0x0], $0xffff;
	v1 =	vor.u32 v16, v45;
	[tilespmem:v10+s7+$0x0] =	vst.idx.msk $0xffff, v9  }
0x355: {  	v54 =	vor.u32 v27, v54;
	v5 =	vor.u32 v11, v52;
	v58 =	vld [tilespmem:$0x1FFA0]  }
0x356: {  	v11 =	vor.u32 v11, v53  }
0x357: {  	v0 =	vld.idx.msk [tilespmem:v12+s23+$0x0], $0xffff  }
0x358: {  	v6 =	vor.u32 v17, v48;
	v57 =	vld [tilespmem:$0x1FF80]  }
0x359: {  	v1 =	vld.idx.msk [tilespmem:v1+s23+$0x0], $0xffff;
	v3 =	vor.u32 v55, v51;
	v9 =	vor.u32 v55, v50;
	v55 =	vor.u32 v17, v49  }
0x35a: {  	v4 =	vor.u32 v28, v43;
	[tilespmem:v54+s7+$0x0] =	vst.idx.msk $0xffff, v56;
	v5 =	vld.idx.msk [tilespmem:v5+s23+$0x0], $0xffff;
	v3 =	vand.u32 v58, v3  }
0x35b: {  	v8 =	vor.u32 v28, v41;
	[tilespmem:v7+s7+$0x0] =	vst.idx.msk $0xffff, v2;
	v11 =	vld.idx.msk [tilespmem:v11+s23+$0x0], $0xffff;
	v9 =	vand.u32 v58, v9  }
0x35c: {  	v56 =	vld [tilespmem:$0x1FF90]  }
0x35d: {  	v7 =	vor.u32 v29, v42;
	[tilespmem:v6+s7+$0x0] =	vst.idx.msk $0xffff, v0  }
0x35e: {  	v54 =	vor.u32 v18, v44;
	v6 =	vand.u32 v30, v7;
	[tilespmem:v55+s7+$0x0] =	vst.idx.msk $0xffff, v1  }
0x35f: {  	v7 =	vor.u32 v29, v40;
	v4 =	vld.idx.msk [tilespmem:v4+s23+$0x0], $0xffff;
	[tilespmem:v3+s7+$0x0] =	vst.idx.msk $0xffff, v5;
	v3 =	vor.u32 v18, v45  }
0x360: {  	v7 =	vand.u32 v30, v7;
	v5 =	vld.idx.msk [tilespmem:v8+s23+$0x0], $0xffff;
	v8 =	vor.u32 v31, v43;
	[tilespmem:v9+s7+$0x0] =	vst.idx.msk $0xffff, v11  }
0x361: {  	v2 =	vor.u32 v56, v52;
	v12 =	vld [tilespmem:$0x1FF70]  }
0x362: {  	v0 =	vor.u32 v56, v53  }
0x363: {  	v59 =	vor.u32 v32, v42;
	v1 =	vor.u32 v31, v41;
	v11 =	vld.idx.msk [tilespmem:v54+s23+$0x0], $0xffff;
	v54 =	vor.u32 v19, v48  }
0x364: {  	v9 =	vor.u32 v20, v44;
	[tilespmem:v6+s7+$0x0] =	vst.idx.msk $0xffff, v4;
	v4 =	vor.u32 v19, v49;
	v3 =	vld.idx.msk [tilespmem:v3+s23+$0x0], $0xffff  }
0x365: {  	v10 =	vor.u32 v57, v51;
	[tilespmem:v7+s7+$0x0] =	vst.idx.msk $0xffff, v5;
	v7 =	vld.idx.msk [tilespmem:v8+s23+$0x0], $0xffff;
	v8 =	vand.u32 v33, v59  }
0x366: {  	v58 =	vor.u32 v57, v50;
	v52 =	vor.u32 v61, v52;
	v2 =	vld.idx.msk [tilespmem:v2+s23+$0x0], $0xffff;
	v10 =	vand.u32 v12, v10  }
0x367: {  	v0 =	vld.idx.msk [tilespmem:v0+s23+$0x0], $0xffff;
	v6 =	vor.u32 v61, v53;
	v61 =	vor.u32 v32, v40;
	v55 =	vand.u32 v12, v58  }
0x368: {  	v53 =	vand.u32 v33, v61;
	v5 =	vor.u32 v20, v45;
	[tilespmem:v54+s7+$0x0] =	vst.idx.msk $0xffff, v11;
	v11 =	vld.idx.msk [tilespmem:v1+s23+$0x0], $0xffff  }
0x369: {  	v56 =	vor.u32 v21, v48;
	v9 =	vld.idx.msk [tilespmem:v9+s23+$0x0], $0xffff;
	[tilespmem:v4+s7+$0x0] =	vst.idx.msk $0xffff, v3  }
0x36a: {  	[tilespmem:v8+s7+$0x0] =	vst.idx.msk $0xffff, v7  }
0x36b: {  	[tilespmem:v10+s7+$0x0] =	vst.idx.msk $0xffff, v2;
	v10 =	vor.u32 v34, v43  }
0x36c: {  	[tilespmem:v55+s7+$0x0] =	vst.idx.msk $0xffff, v0;
	v0 =	vor.u32 v62, v51;
	v51 =	vor.u32 v34, v41  }
0x36d: {  	s31 =	simm.s32 $0x6;
	v59 =	vor.u32 v22, v45;
	v57 =	vld.idx.msk [tilespmem:v5+s23+$0x0], $0xffff;
	[tilespmem:v53+s7+$0x0] =	vst.idx.msk $0xffff, v11  }
0x36e: {  	v1 =	vadd.s32 s31, v60;
	v3 =	vor.u32 v35, v42;
	[tilespmem:v56+s7+$0x0] =	vst.idx.msk $0xffff, v9;
	v58 =	vld.idx.msk [tilespmem:v52+s23+$0x0], $0xffff  }
0x36f: {  	v60 =	vand.u32 v36, v3;
	v61 =	vand.u32 v63, v0;
	v54 =	vld.idx.msk [tilespmem:v6+s23+$0x0], $0xffff;
	v0 =	vor.u32 v62, v50  }
0x370: {  	v8 =	vmovc v13;
	v50 =	vand.u32 $0xF, v1;
	v62 =	vor.u32 v22, v44;
	v63 =	vand.u32 v63, v0;
	v55 =	vld.idx.msk [tilespmem:v10+s23+$0x0], $0xffff  }
0x371: {  	s29 =	simm.s32 $0x7;
	s17 =	simm.s32 $0x8;
	v0 =	vor.u32 v21, v49;
	v2 =	vor.u32 v13, v50;
	v56 =	vld.idx.msk [tilespmem:v51+s23+$0x0], $0xffff;
	v51 =	vor.u32 v35, v40  }
.LBB2_10:
0x372: {  	_ =	sdelay $0x1  }
0x373: {  	v12 =	vlaneseq.u32;
	v4 =	vor.u32 v37, v43  }
0x374: {  	v5 =	vand.u32 v36, v51;
	v53 =	vmov v41;
	v3 =	vadd.s32 s29, v12;
	[tilespmem:v63+s7+$0x0] =	vst.idx.msk $0xffff, v54;
	v63 =	vld [tilespmem:$0x1FFF0]  }
0x375: {  	v41 =	vmovc v45;
	v52 =	vmovc v40;
	v6 =	vmov v49;
	v51 =	vshll.u32 v1, $0x7;
	v45 =	vand.u32 $0xF, v3;
	[tilespmem:v61+s7+$0x0] =	vst.idx.msk $0xffff, v58;
	v61 =	vld [tilespmem:$0x1FFE0]  }
0x376: {  	v1 =	vor.u32 v37, v53;
	v7 =	vor.u32 v8, v45;
	[tilespmem:v0+s7+$0x0] =	vst.idx.msk $0xffff, v57;
	v8 =	vld.idx.msk [tilespmem:v62+s23+$0x0], $0xffff  }
0x377: {  	v9 =	vor.u32 v14, v50;
	v10 =	vor.u32 v23, v48;
	v11 =	vor.u32 v24, v44;
	v57 =	vld.idx.msk [tilespmem:v59+s23+$0x0], $0xffff  }
0x378: {  	v40 =	vmovc v47;
	v54 =	vmovc v43;
	v43 =	vmov v44;
	v58 =	vand.u32 $0x780, v51;
	v2 =	vld.idx.msk [tilespmem:v2+s23+$0x0], $0xffff;
	v59 =	vor.u32 v23, v6  }
0x379: {  	v47 =	vshll.u32 v3, $0x7;
	v0 =	vor.u32 v38, v42;
	[tilespmem:v60+s7+$0x0] =	vst.idx.msk $0xffff, v55;
	v55 =	vor.u32 v12, v58;
	v62 =	vld [tilespmem:$0x1FFC0]  }
0x37a: {  	v3 =	vor.u32 v38, v52;
	v0 =	vand.u32 v39, v0;
	v4 =	vld.idx.msk [tilespmem:v4+s23+$0x0], $0xffff;
	[tilespmem:v5+s7+$0x0] =	vst.idx.msk $0xffff, v56  }
0x37b: {  	v44 =	vmovc v50;
	v49 =	vand.u32 $0x780, v47;
	v3 =	vand.u32 v39, v3;
	v60 =	vor.u32 v24, v41;
	v1 =	vld.idx.msk [tilespmem:v1+s23+$0x0], $0xffff  }
0x37c: {  	v50 =	vor.u32 v12, v49;
	v5 =	vld.idx.msk [tilespmem:v7+s23+$0x0], $0xffff;
	v7 =	vor.u32 v63, v54;
	[tilespmem:v10+s7+$0x0] =	vst.idx.msk $0xffff, v8  }
0x37d: {  	v8 =	vor.u32 v63, v53;
	[tilespmem:v59+s7+$0x0] =	vst.idx.msk $0xffff, v57;
	v63 =	vld [tilespmem:$0x1FFD0]  }
0x37e: {  	v10 =	vor.u32 v14, v45;
	v11 =	vld.idx.msk [tilespmem:v11+s23+$0x0], $0xffff;
	[tilespmem:v55+s7+$0x0] =	vst.idx.msk $0xffff, v2  }
0x37f: {  	v9 =	vld.idx.msk [tilespmem:v9+s23+$0x0], $0xffff;
	[tilespmem:v0+s7+$0x0] =	vst.idx.msk $0xffff, v4  }
0x380: {  	v57 =	vld.idx.msk [tilespmem:v60+s23+$0x0], $0xffff;
	[tilespmem:v3+s7+$0x0] =	vst.idx.msk $0xffff, v1  }
0x381: {  	v2 =	vor.u32 v25, v48;
	v7 =	vld.idx.msk [tilespmem:v7+s23+$0x0], $0xffff;
	[tilespmem:v50+s7+$0x0] =	vst.idx.msk $0xffff, v5  }
0x382: {  	v55 =	vor.u32 v26, v43;
	v60 =	vor.u32 v25, v6;
	v3 =	vld.idx.msk [tilespmem:v8+s23+$0x0], $0xffff  }
0x383: {  	v56 =	vor.u32 v61, v42;
	v4 =	vor.u32 v26, v41;
	v8 =	vld.idx.msk [tilespmem:v10+s23+$0x0], $0xffff  }
0x384: {  	v0 =	vor.u32 v15, v58;
	v1 =	vand.u32 v63, v56;
	v56 =	vor.u32 v61, v52;
	v61 =	vld [tilespmem:$0x1FF80]  }
0x385: {  	v59 =	vor.u32 v16, v44;
	v5 =	vand.u32 v63, v56;
	v63 =	vld [tilespmem:$0x1FFB0]  }
0x386: {  	v10 =	vor.u32 v62, v54;
	[tilespmem:v2+s7+$0x0] =	vst.idx.msk $0xffff, v11;
	v2 =	vor.u32 v62, v53;
	v62 =	vld [tilespmem:$0x1FFA0]  }
0x387: {  	v56 =	vor.u32 v15, v49;
	[tilespmem:v60+s7+$0x0] =	vst.idx.msk $0xffff, v57;
	v55 =	vld.idx.msk [tilespmem:v55+s23+$0x0], $0xffff  }
0x388: {  	v6 =	vor.u32 v27, v6;
	v4 =	vld.idx.msk [tilespmem:v4+s23+$0x0], $0xffff  }
0x389: {  	v11 =	vor.u32 v16, v45;
	[tilespmem:v0+s7+$0x0] =	vst.idx.msk $0xffff, v9;
	v0 =	vor.u32 v27, v48;
	v48 =	vld [tilespmem:$0x1FF90]  }
0x38a: {  	v9 =	vor.u32 v28, v43;
	v59 =	vld.idx.msk [tilespmem:v59+s23+$0x0], $0xffff;
	[tilespmem:v1+s7+$0x0] =	vst.idx.msk $0xffff, v7;
	v1 =	vor.u32 v17, v58  }
0x38b: {  	v7 =	vor.u32 v28, v41;
	v57 =	vor.u32 v63, v42;
	v10 =	vld.idx.msk [tilespmem:v10+s23+$0x0], $0xffff;
	[tilespmem:v5+s7+$0x0] =	vst.idx.msk $0xffff, v3  }
0x38c: {  	v60 =	vor.u32 v18, v44;
	[tilespmem:v56+s7+$0x0] =	vst.idx.msk $0xffff, v8;
	v3 =	vand.u32 v62, v57;
	v57 =	vld [tilespmem:$0x1FDF0]  }
0x38d: {  	v2 =	vld.idx.msk [tilespmem:v2+s23+$0x0], $0xffff  }
0x38e: {  	[tilespmem:v0+s7+$0x0] =	vst.idx.msk $0xffff, v55;
	v8 =	vld.idx.msk [tilespmem:v11+s23+$0x0], $0xffff  }
0x38f: {  	v63 =	vor.u32 v63, v52;
	v9 =	vld.idx.msk [tilespmem:v9+s23+$0x0], $0xffff;
	[tilespmem:v6+s7+$0x0] =	vst.idx.msk $0xffff, v4  }
0x390: {  	v5 =	vand.u32 v62, v63;
	[tilespmem:v1+s7+$0x0] =	vst.idx.msk $0xffff, v59;
	v4 =	vld.idx.msk [tilespmem:v7+s23+$0x0], $0xffff  }
0x391: {  	v56 =	vor.u32 v48, v54;
	v63 =	vor.u32 v17, v49;
	v7 =	vld.idx.msk [tilespmem:v60+s23+$0x0], $0xffff  }
0x392: {  	v0 =	vor.u32 v48, v53;
	v60 =	vld [tilespmem:$0x1FF70]  }
0x393: {  	v50 =	vor.u32 v61, v42;
	v55 =	vor.u32 v18, v45;
	v62 =	vor.u32 v29, v46;
	v59 =	vld [tilespmem:$0x1FE00]  }
0x394: {  	v6 =	vor.u32 v29, v40;
	v1 =	vand.u32 v30, v62;
	[tilespmem:v3+s7+$0x0] =	vst.idx.msk $0xffff, v10  }
0x395: {  	v48 =	vmov v58;
	v11 =	vor.u32 v31, v43;
	v6 =	vand.u32 v30, v6;
	[tilespmem:v5+s7+$0x0] =	vst.idx.msk $0xffff, v2  }
0x396: {  	v3 =	vor.u32 v19, v48;
	v10 =	vor.u32 v31, v41;
	v56 =	vld.idx.msk [tilespmem:v56+s23+$0x0], $0xffff;
	[tilespmem:v63+s7+$0x0] =	vst.idx.msk $0xffff, v8  }
0x397: {  	v58 =	vor.u32 v20, v44;
	v63 =	vor.u32 v61, v52;
	v0 =	vld.idx.msk [tilespmem:v0+s23+$0x0], $0xffff;
	v2 =	vand.u32 v60, v50  }
0x398: {  	v61 =	vor.u32 v57, v54;
	v8 =	vld.idx.msk [tilespmem:v55+s23+$0x0], $0xffff;
	v62 =	vor.u32 v59, v42;
	v5 =	vand.u32 v60, v63  }
0x399: {  	[tilespmem:v1+s7+$0x0] =	vst.idx.msk $0xffff, v9;
	v1 =	vor.u32 v57, v53;
	v42 =	vmov v46;
	v63 =	vor.u32 v19, v49  }
0x39a: {  	v9 =	vor.u32 v20, v45;
	[tilespmem:v6+s7+$0x0] =	vst.idx.msk $0xffff, v4;
	v11 =	vld.idx.msk [tilespmem:v11+s23+$0x0], $0xffff;
	v46 =	vor.u32 v32, v42  }
0x39b: {  	v6 =	vor.u32 v32, v40;
	[tilespmem:v3+s7+$0x0] =	vst.idx.msk $0xffff, v7;
	v3 =	vand.u32 v33, v46;
	v4 =	vld.idx.msk [tilespmem:v10+s23+$0x0], $0xffff  }
0x39c: {  	v6 =	vand.u32 v33, v6;
	v10 =	vor.u32 v34, v43;
	v7 =	vld.idx.msk [tilespmem:v58+s23+$0x0], $0xffff;
	[tilespmem:v2+s7+$0x0] =	vst.idx.msk $0xffff, v56  }
0x39d: {  	v53 =	vor.u32 v21, v48;
	[tilespmem:v5+s7+$0x0] =	vst.idx.msk $0xffff, v0;
	v2 =	vld [tilespmem:$0x1FE10]  }
0x39e: {  	p2 =	slt.u32 s17, $0xE;
	v56 =	vor.u32 v34, v41;
	v58 =	vld.idx.msk [tilespmem:v61+s23+$0x0], $0xffff;
	[tilespmem:v63+s7+$0x0] =	vst.idx.msk $0xffff, v8  }
.Ltmp6:
0x39f: {  	v46 =	vmov v51;
	v51 =	vor.u32 v35, v40;
	v0 =	vor.u32 v59, v52;
	v54 =	vld.idx.msk [tilespmem:v1+s23+$0x0], $0xffff;
	(pc) =	sbr.rel @p2 .LBB2_10-.Ltmp6, $4  }
0x3a0: {  	v5 =	vor.u32 v35, v42;
	v59 =	vor.u32 v22, v45;
	[tilespmem:v3+s7+$0x0] =	vst.idx.msk $0xffff, v11;
	v57 =	vld.idx.msk [tilespmem:v9+s23+$0x0], $0xffff  }
0x3a1: {  	v8 =	vmov v13;
	v60 =	vand.u32 v36, v5;
	v1 =	vadd.s32 s17, v12;
	v55 =	vld.idx.msk [tilespmem:v10+s23+$0x0], $0xffff;
	[tilespmem:v6+s7+$0x0] =	vst.idx.msk $0xffff, v4  }
0x3a2: {  	[tilespmem:v53+s7+$0x0] =	vst.idx.msk $0xffff, v7;
	v50 =	vand.u32 $0xF, v1;
	v61 =	vand.u32 v2, v62;
	v63 =	vand.u32 v2, v0  }
0x3a3: {  	s29 =	sadd.s32 $0x1, s17;
	s17 =	sadd.s32 $0x2, s17;
	v62 =	vor.u32 v22, v44;
	v0 =	vor.u32 v21, v49;
	v2 =	vor.u32 v13, v50;
	v56 =	vld.idx.msk [tilespmem:v56+s23+$0x0], $0xffff  }
0x3a4: {  	v9 =	vlaneseq.u32  }
0x3a5: {  	v3 =	vadd.s32 s29, v9  }
0x3a6: {  	v53 =	vand.u32 $0xF, v3  }
0x3a7: {  	v4 =	vor.u32 v8, v53;
	_ =	sdelay $0x1  }
0x3a8: {  	v52 =	vshll.u32 v1, $0x7  }
0x3a9: {  	v5 =	vand.u32 $0x780, v52;
	v1 =	vshll.u32 v3, $0x7  }
0x3aa: {  	v2 =	vld.idx.msk [tilespmem:v2+s23+$0x0], $0xffff;
	v3 =	vor.u32 v9, v5;
	v6 =	vand.u32 $0x780, v1  }
0x3ab: {  	v7 =	vor.u32 v14, v50;
	v8 =	vor.u32 v9, v6;
	v4 =	vld.idx.msk [tilespmem:v4+s23+$0x0], $0xffff  }
0x3ac: {  	v9 =	vor.u32 v14, v53;
	_ =	sdelay $0x2  }
0x3ad: {  	[tilespmem:v3+s7+$0x0] =	vst.idx.msk $0xffff, v2  }
0x3ae: {  	v3 =	vor.u32 v15, v5;
	v2 =	vld.idx.msk [tilespmem:v7+s23+$0x0], $0xffff;
	[tilespmem:v8+s7+$0x0] =	vst.idx.msk $0xffff, v4  }
0x3af: {  	v4 =	vor.u32 v16, v50;
	v8 =	vor.u32 v15, v6;
	v7 =	vld.idx.msk [tilespmem:v9+s23+$0x0], $0xffff  }
0x3b0: {  	v9 =	vor.u32 v16, v53;
	_ =	sdelay $0x2  }
0x3b1: {  	[tilespmem:v3+s7+$0x0] =	vst.idx.msk $0xffff, v2  }
0x3b2: {  	v3 =	vor.u32 v17, v5;
	v2 =	vld.idx.msk [tilespmem:v4+s23+$0x0], $0xffff;
	[tilespmem:v8+s7+$0x0] =	vst.idx.msk $0xffff, v7  }
0x3b3: {  	v4 =	vor.u32 v18, v50;
	v8 =	vor.u32 v17, v6;
	v7 =	vld.idx.msk [tilespmem:v9+s23+$0x0], $0xffff  }
0x3b4: {  	v9 =	vor.u32 v18, v53  }
0x3b5: {  	[tilespmem:v61+s7+$0x0] =	vst.idx.msk $0xffff, v58  }
0x3b6: {  	[tilespmem:v63+s7+$0x0] =	vst.idx.msk $0xffff, v54;
	v10 =	vand.u32 v36, v51  }
0x3b7: {  	v11 =	vld.idx.msk [tilespmem:v62+s23+$0x0], $0xffff;
	v61 =	vor.u32 v23, v48;
	[tilespmem:v3+s7+$0x0] =	vst.idx.msk $0xffff, v2  }
0x3b8: {  	v3 =	vor.u32 v19, v5;
	v2 =	vld.idx.msk [tilespmem:v4+s23+$0x0], $0xffff;
	[tilespmem:v8+s7+$0x0] =	vst.idx.msk $0xffff, v7  }
0x3b9: {  	[tilespmem:v0+s7+$0x0] =	vst.idx.msk $0xffff, v57;
	v4 =	vor.u32 v20, v50;
	v8 =	vor.u32 v19, v6;
	v7 =	vld.idx.msk [tilespmem:v9+s23+$0x0], $0xffff  }
0x3ba: {  	[tilespmem:v60+s7+$0x0] =	vst.idx.msk $0xffff, v55  }
0x3bb: {  	v58 =	vor.u32 v20, v53;
	[tilespmem:v10+s7+$0x0] =	vst.idx.msk $0xffff, v56  }
0x3bc: {  	[tilespmem:v61+s7+$0x0] =	vst.idx.msk $0xffff, v11  }
0x3bd: {  	v0 =	vor.u32 v37, v43;
	v57 =	vld.idx.msk [tilespmem:v59+s23+$0x0], $0xffff;
	[tilespmem:v3+s7+$0x0] =	vst.idx.msk $0xffff, v2  }
0x3be: {  	v59 =	vor.u32 v24, v44;
	v3 =	vld.idx.msk [tilespmem:v4+s23+$0x0], $0xffff;
	[tilespmem:v8+s7+$0x0] =	vst.idx.msk $0xffff, v7  }
0x3bf: {  	v2 =	vor.u32 v37, v41;
	v4 =	vor.u32 v21, v5;
	v63 =	vld [tilespmem:$0x1FFF0]  }
0x3c0: {  	v54 =	vor.u32 v21, v6;
	v9 =	vor.u32 v22, v50;
	v8 =	vld.idx.msk [tilespmem:v58+s23+$0x0], $0xffff  }
0x3c1: {  	v55 =	vor.u32 v22, v53;
	v58 =	vor.u32 v23, v49  }
0x3c2: {  	v56 =	vor.u32 v38, v40;
	v0 =	vld.idx.msk [tilespmem:v0+s23+$0x0], $0xffff;
	v7 =	vor.u32 v38, v42  }
0x3c3: {  	v10 =	vor.u32 v24, v45;
	v60 =	vand.u32 v39, v56;
	v56 =	vld.idx.msk [tilespmem:v59+s23+$0x0], $0xffff;
	v7 =	vand.u32 v39, v7  }
0x3c4: {  	v2 =	vld.idx.msk [tilespmem:v2+s23+$0x0], $0xffff;
	[tilespmem:v4+s7+$0x0] =	vst.idx.msk $0xffff, v3;
	v62 =	vor.u32 v63, v43  }
0x3c5: {  	v4 =	vld.idx.msk [tilespmem:v9+s23+$0x0], $0xffff;
	[tilespmem:v54+s7+$0x0] =	vst.idx.msk $0xffff, v8;
	v8 =	vor.u32 v23, v5  }
0x3c6: {  	[tilespmem:v58+s7+$0x0] =	vst.idx.msk $0xffff, v57;
	v54 =	vld.idx.msk [tilespmem:v55+s23+$0x0], $0xffff;
	v55 =	vor.u32 v23, v6  }
0x3c7: {  	v59 =	vor.u32 v24, v53;
	v58 =	vor.u32 v25, v48;
	v12 =	vld [tilespmem:$0x1FFE0]  }
0x3c8: {  	[tilespmem:v7+s7+$0x0] =	vst.idx.msk $0xffff, v0;
	v7 =	vld.idx.msk [tilespmem:v10+s23+$0x0], $0xffff;
	v10 =	vor.u32 v25, v49  }
0x3c9: {  	[tilespmem:v60+s7+$0x0] =	vst.idx.msk $0xffff, v2;
	v11 =	vld.idx.msk [tilespmem:v62+s23+$0x0], $0xffff  }
0x3ca: {  	v62 =	vld [tilespmem:$0x1FFD0];
	[tilespmem:v8+s7+$0x0] =	vst.idx.msk $0xffff, v4  }
0x3cb: {  	[tilespmem:v55+s7+$0x0] =	vst.idx.msk $0xffff, v54  }
0x3cc: {  	v9 =	vor.u32 v24, v50;
	v3 =	vor.u32 v63, v41;
	[tilespmem:v58+s7+$0x0] =	vst.idx.msk $0xffff, v56;
	v54 =	vld.idx.msk [tilespmem:v59+s23+$0x0], $0xffff  }
0x3cd: {  	v57 =	vor.u32 v12, v42;
	v61 =	vor.u32 v12, v40;
	v12 =	vld [tilespmem:$0x1FFC0];
	[tilespmem:v10+s7+$0x0] =	vst.idx.msk $0xffff, v7  }
0x3ce: {  	v59 =	vld [tilespmem:$0x1FF80];
	_ =	sdelay $0x1  }
0x3cf: {  	v2 =	vand.u32 v62, v57  }
0x3d0: {  	v0 =	vor.u32 v26, v44;
	v3 =	vld.idx.msk [tilespmem:v3+s23+$0x0], $0xffff;
	v51 =	vand.u32 v62, v61  }
0x3d1: {  	v8 =	vor.u32 v25, v5;
	v4 =	vld.idx.msk [tilespmem:v9+s23+$0x0], $0xffff;
	v57 =	vor.u32 v26, v45  }
0x3d2: {  	v10 =	vor.u32 v59, v42  }
0x3d3: {  	v60 =	vor.u32 v26, v50;
	v61 =	vor.u32 v25, v6;
	[tilespmem:$0x1FCD0] =	vst v10  }
0x3d4: {  	v7 =	vor.u32 v26, v53;
	[tilespmem:v2+s7+$0x0] =	vst.idx.msk $0xffff, v11  }
0x3d5: {  	v0 =	vld.idx.msk [tilespmem:v0+s23+$0x0], $0xffff;
	[tilespmem:v51+s7+$0x0] =	vst.idx.msk $0xffff, v3  }
0x3d6: {  	v48 =	vor.u32 v27, v48;
	v57 =	vld.idx.msk [tilespmem:v57+s23+$0x0], $0xffff;
	[tilespmem:v8+s7+$0x0] =	vst.idx.msk $0xffff, v4  }
0x3d7: {  	v58 =	vor.u32 v27, v49;
	v10 =	vld [tilespmem:$0x1FFB0]  }
0x3d8: {  	v5 =	vor.u32 v27, v5;
	v8 =	vld.idx.msk [tilespmem:v60+s23+$0x0], $0xffff;
	[tilespmem:v61+s7+$0x0] =	vst.idx.msk $0xffff, v54  }
0x3d9: {  	v6 =	vor.u32 v27, v6;
	v61 =	vor.u32 v28, v50;
	v7 =	vld.idx.msk [tilespmem:v7+s23+$0x0], $0xffff;
	_ =	sdelay $0x1  }
0x3da: {  	v60 =	vld [tilespmem:$0x1FFA0];
	[tilespmem:v48+s7+$0x0] =	vst.idx.msk $0xffff, v0  }
0x3db: {  	[tilespmem:v58+s7+$0x0] =	vst.idx.msk $0xffff, v57  }
0x3dc: {  	v2 =	vor.u32 v28, v44;
	[tilespmem:v5+s7+$0x0] =	vst.idx.msk $0xffff, v8  }
0x3dd: {  	v51 =	vor.u32 v28, v45;
	v8 =	vld.idx.msk [tilespmem:v61+s23+$0x0], $0xffff;
	[tilespmem:v6+s7+$0x0] =	vst.idx.msk $0xffff, v7  }
0x3de: {  	v61 =	vld [tilespmem:$0x1FF90];
	_ =	sdelay $0x1  }
0x3df: {  	v0 =	vor.u32 v29, v46;
	v48 =	vor.u32 v28, v53  }
0x3e0: {  	v57 =	vor.u32 v29, v47;
	v2 =	vld.idx.msk [tilespmem:v2+s23+$0x0], $0xffff;
	v0 =	vand.u32 v30, v0  }
0x3e1: {  	v56 =	vor.u32 v12, v43;
	v51 =	vld.idx.msk [tilespmem:v51+s23+$0x0], $0xffff;
	v11 =	vand.u32 v30, v57;
	v5 =	vor.u32 v29, v52  }
0x3e2: {  	v58 =	vor.u32 v31, v44;
	v5 =	vand.u32 v30, v5;
	v7 =	vor.u32 v61, v43  }
0x3e3: {  	v9 =	vor.u32 v31, v50;
	v57 =	vor.u32 v31, v45;
	v6 =	vor.u32 v29, v1;
	[tilespmem:$0x1FCE0] =	vst v7  }
0x3e4: {  	v55 =	vor.u32 v34, v44;
	v4 =	vor.u32 v10, v42;
	v6 =	vand.u32 v30, v6;
	v48 =	vld.idx.msk [tilespmem:v48+s23+$0x0], $0xffff  }
0x3e5: {  	v3 =	vor.u32 v12, v41;
	v4 =	vand.u32 v60, v4;
	[tilespmem:v0+s7+$0x0] =	vst.idx.msk $0xffff, v2  }
0x3e6: {  	v0 =	vor.u32 v32, v46;
	v2 =	vor.u32 v31, v53;
	[tilespmem:v11+s7+$0x0] =	vst.idx.msk $0xffff, v51;
	v56 =	vld.idx.msk [tilespmem:v56+s23+$0x0], $0xffff  }
0x3e7: {  	[tilespmem:v5+s7+$0x0] =	vst.idx.msk $0xffff, v8;
	v54 =	vld.idx.msk [tilespmem:v58+s23+$0x0], $0xffff;
	v0 =	vand.u32 v33, v0;
	v58 =	vor.u32 v32, v47  }
0x3e8: {  	v5 =	vor.u32 v32, v52;
	v51 =	vld.idx.msk [tilespmem:v57+s23+$0x0], $0xffff;
	v57 =	vor.u32 v34, v45;
	v11 =	vand.u32 v33, v58  }
0x3e9: {  	v7 =	vmov v1;
	[tilespmem:v6+s7+$0x0] =	vst.idx.msk $0xffff, v48;
	v6 =	vor.u32 v32, v1;
	v1 =	vor.u32 v61, v41  }
0x3ea: {  	v8 =	vld.idx.msk [tilespmem:v9+s23+$0x0], $0xffff;
	v5 =	vand.u32 v33, v5;
	[tilespmem:$0x1FD00] =	vst v1  }
0x3eb: {  	v49 =	vor.u32 v10, v40;
	v6 =	vand.u32 v33, v6;
	v2 =	vld.idx.msk [tilespmem:v2+s23+$0x0], $0xffff  }
0x3ec: {  	v49 =	vand.u32 v60, v49;
	v9 =	vor.u32 v35, v46;
	v3 =	vld.idx.msk [tilespmem:v3+s23+$0x0], $0xffff;
	[tilespmem:v0+s7+$0x0] =	vst.idx.msk $0xffff, v54  }
0x3ed: {  	v58 =	vor.u32 v35, v47;
	[tilespmem:v11+s7+$0x0] =	vst.idx.msk $0xffff, v51;
	v11 =	vand.u32 v36, v9;
	v54 =	vld.idx.msk [tilespmem:v55+s23+$0x0], $0xffff  }
0x3ee: {  	[tilespmem:v4+s7+$0x0] =	vst.idx.msk $0xffff, v56;
	v51 =	vand.u32 v36, v58;
	v4 =	vld.idx.msk [tilespmem:v57+s23+$0x0], $0xffff  }
0x3ef: {  	[tilespmem:v5+s7+$0x0] =	vst.idx.msk $0xffff, v8  }
0x3f0: {  	[tilespmem:v6+s7+$0x0] =	vst.idx.msk $0xffff, v2  }
0x3f1: {  	[tilespmem:v49+s7+$0x0] =	vst.idx.msk $0xffff, v3  }
0x3f2: {  	[tilespmem:v11+s7+$0x0] =	vst.idx.msk $0xffff, v54  }
0x3f3: {  	v9 =	vor.u32 v35, v52;
	[tilespmem:v51+s7+$0x0] =	vst.idx.msk $0xffff, v4  }
0x3f4: {  	v48 =	vor.u32 v34, v50;
	v2 =	vand.u32 v36, v9;
	v9 =	vld [tilespmem:$0x1FF70]  }
0x3f5: {  	v0 =	vor.u32 v34, v53;
	v1 =	vld [tilespmem:$0x1FCD0]  }
0x3f6: {  	v55 =	vor.u32 v37, v44  }
0x3f7: {  	v56 =	vor.u32 v37, v45;
	_ =	sdelay $0x1  }
0x3f8: {  	v5 =	vld.idx.msk [tilespmem:v48+s23+$0x0], $0xffff;
	v6 =	vor.u32 v35, v7  }
0x3f9: {  	v8 =	vor.u32 v38, v46;
	v0 =	vld.idx.msk [tilespmem:v0+s23+$0x0], $0xffff;
	v6 =	vand.u32 v36, v6;
	v1 =	vand.u32 v9, v1  }
0x3fa: {  	v4 =	vand.u32 v39, v8;
	v8 =	vor.u32 v38, v47;
	v48 =	vld.idx.msk [tilespmem:v55+s23+$0x0], $0xffff;
	[tilespmem:$0x1FCF0] =	vst v1  }
0x3fb: {  	v8 =	vand.u32 v39, v8;
	v49 =	vld.idx.msk [tilespmem:v56+s23+$0x0], $0xffff;
	_ =	sdelay $0x1  }
0x3fc: {  	[tilespmem:v2+s7+$0x0] =	vst.idx.msk $0xffff, v5  }
0x3fd: {  	v3 =	vor.u32 v37, v50;
	[tilespmem:v6+s7+$0x0] =	vst.idx.msk $0xffff, v0  }
0x3fe: {  	v11 =	vor.u32 v37, v53;
	v57 =	vld [tilespmem:$0x1FFE0];
	[tilespmem:v4+s7+$0x0] =	vst.idx.msk $0xffff, v48  }
0x3ff: {  	[tilespmem:v8+s7+$0x0] =	vst.idx.msk $0xffff, v49  }
0x400: {  	v0 =	vld [tilespmem:$0x1FDF0]  }
0x401: {  	v58 =	vor.u32 v38, v52;
	v51 =	vor.u32 v63, v44  }
0x402: {  	v54 =	vor.u32 v63, v45;
	v1 =	vand.u32 v39, v58;
	v2 =	vld.idx.msk [tilespmem:v3+s23+$0x0], $0xffff;
	v3 =	vor.u32 v38, v7  }
0x403: {  	v6 =	vld.idx.msk [tilespmem:v11+s23+$0x0], $0xffff;
	v11 =	vor.u32 v63, v50;
	v3 =	vand.u32 v39, v3  }
0x404: {  	v4 =	vor.u32 v63, v53  }
0x405: {  	v55 =	vor.u32 v57, v46;
	v63 =	vor.u32 v0, v43  }
0x406: {  	v58 =	vmov v62;
	v48 =	vld.idx.msk [tilespmem:v51+s23+$0x0], $0xffff;
	v49 =	vor.u32 v57, v47;
	v8 =	vand.u32 v62, v55;
	[tilespmem:$0x1FD10] =	vst v63  }
0x407: {  	v49 =	vand.u32 v62, v49;
	v43 =	vor.u32 v57, v52;
	v51 =	vld.idx.msk [tilespmem:v54+s23+$0x0], $0xffff;
	[tilespmem:v1+s7+$0x0] =	vst.idx.msk $0xffff, v2  }
0x408: {  	[tilespmem:v3+s7+$0x0] =	vst.idx.msk $0xffff, v6;
	v2 =	vand.u32 v62, v43;
	v3 =	vor.u32 v57, v7;
	v1 =	vld.idx.msk [tilespmem:v11+s23+$0x0], $0xffff  }
0x409: {  	v4 =	vld.idx.msk [tilespmem:v4+s23+$0x0], $0xffff;
	v3 =	vand.u32 v58, v3  }
0x40a: {  	v6 =	vld [tilespmem:$0x1FCE0]  }
0x40b: {  	v43 =	vld [tilespmem:$0x1FE00];
	[tilespmem:v8+s7+$0x0] =	vst.idx.msk $0xffff, v48  }
0x40c: {  	[tilespmem:v49+s7+$0x0] =	vst.idx.msk $0xffff, v51  }
0x40d: {  	[tilespmem:v2+s7+$0x0] =	vst.idx.msk $0xffff, v1  }
0x40e: {  	[tilespmem:v3+s7+$0x0] =	vst.idx.msk $0xffff, v4  }
0x40f: {  	v1 =	vld [tilespmem:$0x1FCF0];
	_ =	sdelay $0x2  }
0x410: {  	v63 =	vmov v7;
	v7 =	vld.idx.msk [tilespmem:v6+s23+$0x0], $0xffff;
	_ =	sdelay $0x4  }
0x411: {  	v54 =	vor.u32 v12, v44;
	[tilespmem:v1+s7+$0x0] =	vst.idx.msk $0xffff, v7  }
0x412: {  	v55 =	vor.u32 v12, v45;
	v1 =	vld [tilespmem:$0x1FD00]  }
0x413: {  	v11 =	vor.u32 v12, v50  }
0x414: {  	v8 =	vor.u32 v12, v53  }
0x415: {  	v57 =	vor.u32 v10, v46;
	v58 =	vor.u32 v10, v47  }
0x416: {  	v48 =	vld.idx.msk [tilespmem:v54+s23+$0x0], $0xffff;
	v62 =	vor.u32 v43, v42;
	v42 =	vand.u32 v60, v57  }
0x417: {  	v56 =	vor.u32 v10, v52;
	v49 =	vand.u32 v60, v58;
	v51 =	vld.idx.msk [tilespmem:v55+s23+$0x0], $0xffff  }
0x418: {  	v5 =	vmovc v59;
	v58 =	vmov v52;
	v2 =	vand.u32 v60, v56;
	v3 =	vor.u32 v10, v63;
	v52 =	vld.idx.msk [tilespmem:v11+s23+$0x0], $0xffff  }
0x419: {  	v59 =	vor.u32 v59, v40;
	v54 =	vor.u32 v61, v44;
	v4 =	vld.idx.msk [tilespmem:v8+s23+$0x0], $0xffff;
	v3 =	vand.u32 v60, v3  }
0x41a: {  	v55 =	vor.u32 v61, v45;
	v6 =	vand.u32 v9, v59;
	v8 =	vld.idx.msk [tilespmem:v1+s23+$0x0], $0xffff  }
0x41b: {  	[tilespmem:v42+s7+$0x0] =	vst.idx.msk $0xffff, v48  }
0x41c: {  	[tilespmem:v49+s7+$0x0] =	vst.idx.msk $0xffff, v51  }
0x41d: {  	[tilespmem:v2+s7+$0x0] =	vst.idx.msk $0xffff, v52  }
0x41e: {  	v48 =	vor.u32 v5, v46;
	[tilespmem:v3+s7+$0x0] =	vst.idx.msk $0xffff, v4;
	v42 =	vld.idx.msk [tilespmem:v54+s23+$0x0], $0xffff  }
0x41f: {  	v7 =	vor.u32 v61, v50;
	v11 =	vand.u32 v9, v48;
	v48 =	vld.idx.msk [tilespmem:v55+s23+$0x0], $0xffff;
	[tilespmem:v6+s7+$0x0] =	vst.idx.msk $0xffff, v8  }
0x420: {  	v59 =	vor.u32 v61, v53;
	v51 =	vor.u32 v5, v47;
	v1 =	vld [tilespmem:$0x1FD10]  }
0x421: {  	v56 =	vmovc v63;
	v57 =	vor.u32 v0, v41;
	v3 =	vor.u32 v5, v63;
	v41 =	vand.u32 v9, v51;
	v63 =	vld [tilespmem:$0x1FE10]  }
0x422: {  	v44 =	vor.u32 v0, v44  }
0x423: {  	v45 =	vor.u32 v0, v45;
	v61 =	vmov v0;
	v54 =	vor.u32 v5, v58  }
0x424: {  	v5 =	vor.u32 v61, v50;
	v3 =	vand.u32 v9, v3;
	v2 =	vand.u32 v9, v54;
	v0 =	vld.idx.msk [tilespmem:v7+s23+$0x0], $0xffff  }
0x425: {  	v4 =	vld.idx.msk [tilespmem:v59+s23+$0x0], $0xffff;
	v55 =	vor.u32 v61, v53;
	v8 =	vor.u32 v43, v40;
	[tilespmem:v11+s7+$0x0] =	vst.idx.msk $0xffff, v42  }
0x426: {  	v59 =	vor.u32 v43, v46;
	v57 =	vld.idx.msk [tilespmem:v57+s23+$0x0], $0xffff;
	[tilespmem:v41+s7+$0x0] =	vst.idx.msk $0xffff, v48;
	v8 =	vand.u32 v63, v8  }
0x427: {  	v11 =	vld.idx.msk [tilespmem:v44+s23+$0x0], $0xffff;
	v6 =	vand.u32 v63, v62;
	v40 =	vand.u32 v63, v59;
	v62 =	vor.u32 v43, v47  }
0x428: {  	v45 =	vld.idx.msk [tilespmem:v45+s23+$0x0], $0xffff;
	v41 =	vand.u32 v63, v62  }
0x429: {  	[tilespmem:v2+s7+$0x0] =	vst.idx.msk $0xffff, v0;
	v7 =	vld.idx.msk [tilespmem:v1+s23+$0x0], $0xffff;
	v1 =	vmov v43;
	v43 =	vor.u32 v43, v58  }
0x42a: {  	[tilespmem:v3+s7+$0x0] =	vst.idx.msk $0xffff, v4;
	v0 =	vld.idx.msk [tilespmem:v5+s23+$0x0], $0xffff;
	v2 =	vand.u32 v63, v43;
	v1 =	vor.u32 v1, v56  }
0x42b: {  	v3 =	vld.idx.msk [tilespmem:v55+s23+$0x0], $0xffff;
	v1 =	vand.u32 v63, v1;
	[tilespmem:v8+s7+$0x0] =	vst.idx.msk $0xffff, v57  }
0x42c: {  	[tilespmem:v40+s7+$0x0] =	vst.idx.msk $0xffff, v11  }
0x42d: {  	[tilespmem:v41+s7+$0x0] =	vst.idx.msk $0xffff, v45  }
0x42e: {  	s17 =	sor.u32 $0x100, s9;
	[tilespmem:v6+s7+$0x0] =	vst.idx.msk $0xffff, v7  }
0x42f: {  	s17 =	sand.u32 $0x1FFF3F00, s17;
	[tilespmem:v2+s7+$0x0] =	vst.idx.msk $0xffff, v0  }
0x430: {  	s24 =	sadd.s32 s2, s17;
	[tilespmem:v1+s7+$0x0] =	vst.idx.msk $0xffff, v3  }
0x431: {  	[hbm4b:s24+s3] =	stream.linear.scatter [tilespmem:s7], [sflag:$0xB], $0x400, $0x38;
	[tilespmem:$0x8200] =	vst v63  }
0x432: {  	s31 =	simm.s32 $0x6600;
	s30 =	sadd.s32 s17, s11  }
0x433: {  	[hbm4b:s30+s3] =	stream.linear.scatter [tilespmem:s31], [sflag:$0xB], $0x400, $0x38;
	[tilespmem:$0x8200] =	vst v63  }
0x434: {  	s30 =	sadd.s32 s17, s12;
	s31 =	simm.s32 $0x6A00  }
0x435: {  	[hbm4b:s30+s3] =	stream.linear.scatter [tilespmem:s31], [sflag:$0xB], $0x400, $0x38;
	[tilespmem:$0x8200] =	vst v63  }
0x436: {  	s29 =	simm.s32 $0x6E00;
	s17 =	sadd.s32 s17, s13  }
0x437: {  	[hbm4b:s17+s3] =	stream.linear.scatter [tilespmem:s29], [sflag:$0xB], $0x400, $0x38;
	[tilespmem:$0x8200] =	vst v63  }
0x438: {  	s17 =	simm.s32 @p0 $0x8  }
0x439: {  	_ =	swait.ge @p0 [sflag:s17], $0x1000  }
0x43a: {  	[sflag:s17] =	ssyncset.done @p0 $0x0  }
0x43b: {  	[sflag:s17] =	ssyncadd.s32 @p0 $0xFFFFF000;
	s17 =	simm.s32 @!p0 $0x3  }
0x43c: {  	_ =	swait.ge @!p0 [sflag:s17], $0x80  }
0x43d: {  	s24 =	simm.s32 @!p0 $0x100;
	[sflag:s17] =	ssyncset.done @!p0 $0x0  }
0x43e: {  	s29 =	simm.s32 @!p0 $0x2200;
	[sflag:s17] =	ssyncadd.s32 @!p0 $0xFFFFFF80;
	s17 =	simm.s32 @!p0 $0x80  }
0x43f: {  	[tilespmem:s29], [sflag:$0x7] =	stream.indirect.gather @!p0 [hbm4b:s4+s17], $0x20, s24, s17, $0xb8;
	[tilespmem:$0x8200] =	vst v63  }
0x440: {  	s17 =	simm.s32 @!p0 $0x8  }
0x441: {  	v6 =	vlaneseq.u32;
	s30 =	simm.s32 $0x0;
	_ =	swait.ge @!p0 [sflag:s17], $0x1000  }
0x442: {  	s8 =	sadd.s32 @!p0 s8, s16;
	s31 =	simm.s32 $0x1;
	v0 =	vadd.s32 s30, v6;
	[sflag:s17] =	ssyncset.done @!p0 $0x0  }
0x443: {  	v2 =	vadd.s32 s31, v6;
	v52 =	vand.u32 $0xF, v0;
	s24 =	simm.s32 @!p0 $0x180;
	[sflag:s17] =	ssyncadd.s32 @!p0 $0xFFFFF000;
	s17 =	simm.s32 @!p0 $0x0  }
0x444: {  	v53 =	vand.u32 $0xF, v2;
	v1 =	vor.u32 v13, v52;
	[tilespmem:s24], [sflag:$0x4] =	stream.linear.gather @!p0 [hbm4b:s8+s17], $0x80, $0x38;
	[tilespmem:$0x8200] =	vst v63  }
0x445: {  	v3 =	vor.u32 v13, v53;
	s8 =	simm.s32 @!p1 $0xC  }
0x446: {  	_ =	swait.ge @!p1 [sflag:s8], $0x1000  }
0x447: {  	v51 =	vshll.u32 v0, $0x7;
	[sflag:s8] =	ssyncset.done @!p1 $0x0  }
0x448: {  	v50 =	vshll.u32 v2, $0x7;
	v0 =	vand.u32 $0x780, v51;
	[sflag:s8] =	ssyncadd.s32 @!p1 $0xFFFFF000  }
0x449: {  	v5 =	vand.u32 $0x780, v50;
	v4 =	vor.u32 v6, v0;
	v1 =	vld.idx.msk [tilespmem:v1+s25+$0x0], $0xffff  }
0x44a: {  	v2 =	vor.u32 v14, v52;
	v6 =	vor.u32 v6, v5;
	v3 =	vld.idx.msk [tilespmem:v3+s25+$0x0], $0xffff  }
0x44b: {  	v7 =	vor.u32 v14, v53;
	_ =	sdelay $0x2  }
0x44c: {  	[tilespmem:v4+s18+$0x0] =	vst.idx.msk $0xffff, v1  }
0x44d: {  	[tilespmem:v6+s18+$0x0] =	vst.idx.msk $0xffff, v3;
	v1 =	vld.idx.msk [tilespmem:v2+s25+$0x0], $0xffff;
	v2 =	vor.u32 v15, v0  }
0x44e: {  	v4 =	vor.u32 v16, v52;
	v6 =	vor.u32 v15, v5;
	v3 =	vld.idx.msk [tilespmem:v7+s25+$0x0], $0xffff  }
0x44f: {  	v7 =	vor.u32 v16, v53;
	_ =	sdelay $0x2  }
0x450: {  	[tilespmem:v2+s18+$0x0] =	vst.idx.msk $0xffff, v1  }
0x451: {  	v2 =	vor.u32 v17, v0;
	[tilespmem:v6+s18+$0x0] =	vst.idx.msk $0xffff, v3;
	v1 =	vld.idx.msk [tilespmem:v4+s25+$0x0], $0xffff  }
0x452: {  	v6 =	vor.u32 v17, v5;
	v4 =	vor.u32 v18, v52;
	v3 =	vld.idx.msk [tilespmem:v7+s25+$0x0], $0xffff  }
0x453: {  	v7 =	vor.u32 v18, v53;
	_ =	sdelay $0x2  }
0x454: {  	[tilespmem:v2+s18+$0x0] =	vst.idx.msk $0xffff, v1  }
0x455: {  	v2 =	vor.u32 v19, v0;
	[tilespmem:v6+s18+$0x0] =	vst.idx.msk $0xffff, v3;
	v1 =	vld.idx.msk [tilespmem:v4+s25+$0x0], $0xffff  }
0x456: {  	v6 =	vor.u32 v19, v5;
	v4 =	vor.u32 v20, v52;
	v3 =	vld.idx.msk [tilespmem:v7+s25+$0x0], $0xffff  }
0x457: {  	v7 =	vor.u32 v20, v53;
	_ =	sdelay $0x2  }
0x458: {  	[tilespmem:v2+s18+$0x0] =	vst.idx.msk $0xffff, v1  }
0x459: {  	v12 =	vlaneseq.u32;
	s17 =	simm.s32 $0x2;
	v2 =	vor.u32 v21, v0;
	[tilespmem:v6+s18+$0x0] =	vst.idx.msk $0xffff, v3;
	v1 =	vld.idx.msk [tilespmem:v4+s25+$0x0], $0xffff  }
0x45a: {  	v3 =	vor.u32 v22, v52;
	v4 =	vadd.s32 s17, v12;
	v6 =	vld.idx.msk [tilespmem:v7+s25+$0x0], $0xffff;
	v7 =	vor.u32 v21, v5  }
0x45b: {  	v8 =	vor.u32 v22, v53;
	s24 =	simm.s32 $0x3;
	v43 =	vand.u32 $0xF, v4  }
0x45c: {  	v46 =	vadd.s32 s24, v12;
	v47 =	vor.u32 v13, v43  }
0x45d: {  	v42 =	vand.u32 $0xF, v46  }
0x45e: {  	[tilespmem:v2+s18+$0x0] =	vst.idx.msk $0xffff, v1;
	v1 =	vor.u32 v13, v42  }
0x45f: {  	v41 =	vshll.u32 v4, $0x7;
	[tilespmem:v7+s18+$0x0] =	vst.idx.msk $0xffff, v6;
	v2 =	vld.idx.msk [tilespmem:v3+s25+$0x0], $0xffff;
	v3 =	vor.u32 v23, v0  }
0x460: {  	v4 =	vor.u32 v24, v52;
	v54 =	vand.u32 $0x780, v41;
	v7 =	vor.u32 v23, v5;
	v6 =	vld.idx.msk [tilespmem:v8+s25+$0x0], $0xffff  }
0x461: {  	v49 =	vor.u32 v24, v53;
	v40 =	vshll.u32 v46, $0x7;
	v48 =	vor.u32 v12, v54;
	v8 =	vld.idx.msk [tilespmem:v47+s25+$0x0], $0xffff  }
0x462: {  	v55 =	vand.u32 $0x780, v40;
	v56 =	vor.u32 v14, v43  }
0x463: {  	v57 =	vor.u32 v12, v55;
	v1 =	vld.idx.msk [tilespmem:v1+s25+$0x0], $0xffff  }
0x464: {  	[tilespmem:v3+s18+$0x0] =	vst.idx.msk $0xffff, v2;
	v2 =	vor.u32 v14, v42  }
0x465: {  	[tilespmem:v7+s18+$0x0] =	vst.idx.msk $0xffff, v6;
	v3 =	vld.idx.msk [tilespmem:v4+s25+$0x0], $0xffff;
	v4 =	vor.u32 v25, v0  }
0x466: {  	v6 =	vor.u32 v26, v52;
	[tilespmem:v48+s18+$0x0] =	vst.idx.msk $0xffff, v8;
	v7 =	vld.idx.msk [tilespmem:v49+s25+$0x0], $0xffff;
	v8 =	vor.u32 v25, v5  }
0x467: {  	v60 =	vmov v9;
	v59 =	vor.u32 v26, v53;
	v58 =	vor.u32 v15, v54;
	v9 =	vld.idx.msk [tilespmem:v56+s25+$0x0], $0xffff  }
0x468: {  	[tilespmem:v57+s18+$0x0] =	vst.idx.msk $0xffff, v1;
	v1 =	vor.u32 v16, v43  }
0x469: {  	v62 =	vor.u32 v15, v55;
	v2 =	vld.idx.msk [tilespmem:v2+s25+$0x0], $0xffff  }
0x46a: {  	[tilespmem:v4+s18+$0x0] =	vst.idx.msk $0xffff, v3;
	v3 =	vor.u32 v16, v42  }
0x46b: {  	v0 =	vor.u32 v27, v0;
	[tilespmem:v8+s18+$0x0] =	vst.idx.msk $0xffff, v7;
	v4 =	vld.idx.msk [tilespmem:v6+s25+$0x0], $0xffff  }
0x46c: {  	v5 =	vor.u32 v27, v5;
	v6 =	vor.u32 v28, v52;
	[tilespmem:v58+s18+$0x0] =	vst.idx.msk $0xffff, v9;
	v7 =	vld.idx.msk [tilespmem:v59+s25+$0x0], $0xffff  }
0x46d: {  	v45 =	vor.u32 v28, v53;
	v8 =	vor.u32 v17, v54;
	v1 =	vld.idx.msk [tilespmem:v1+s25+$0x0], $0xffff  }
0x46e: {  	[tilespmem:v62+s18+$0x0] =	vst.idx.msk $0xffff, v2;
	v2 =	vor.u32 v18, v43  }
0x46f: {  	v46 =	vor.u32 v17, v55;
	v3 =	vld.idx.msk [tilespmem:v3+s25+$0x0], $0xffff  }
0x470: {  	[tilespmem:v0+s18+$0x0] =	vst.idx.msk $0xffff, v4;
	v0 =	vor.u32 v18, v42;
	v4 =	vor.u32 v29, v51  }
0x471: {  	[tilespmem:v5+s18+$0x0] =	vst.idx.msk $0xffff, v7;
	v5 =	vor.u32 v29, v50;
	v6 =	vld.idx.msk [tilespmem:v6+s25+$0x0], $0xffff;
	v4 =	vand.u32 v30, v4  }
0x472: {  	v47 =	vor.u32 v31, v52;
	v5 =	vand.u32 v30, v5;
	[tilespmem:v8+s18+$0x0] =	vst.idx.msk $0xffff, v1;
	v1 =	vld.idx.msk [tilespmem:v45+s25+$0x0], $0xffff  }
0x473: {  	v7 =	vor.u32 v19, v54;
	v8 =	vor.u32 v31, v53;
	v2 =	vld.idx.msk [tilespmem:v2+s25+$0x0], $0xffff  }
0x474: {  	[tilespmem:v46+s18+$0x0] =	vst.idx.msk $0xffff, v3;
	v3 =	vor.u32 v20, v43;
	_ =	sdelay $0x1  }
0x475: {  	v48 =	vor.u32 v19, v55;
	v0 =	vld.idx.msk [tilespmem:v0+s25+$0x0], $0xffff;
	[tilespmem:v4+s18+$0x0] =	vst.idx.msk $0xffff, v6;
	v6 =	vor.u32 v32, v51  }
0x476: {  	v49 =	vld.idx.msk [tilespmem:v47+s25+$0x0], $0xffff;
	v6 =	vand.u32 v33, v6;
	[tilespmem:v5+s18+$0x0] =	vst.idx.msk $0xffff, v1;
	v1 =	vor.u32 v32, v50  }
0x477: {  	v4 =	vor.u32 v20, v42;
	[tilespmem:v7+s18+$0x0] =	vst.idx.msk $0xffff, v2;
	v2 =	vld.idx.msk [tilespmem:v8+s25+$0x0], $0xffff;
	v1 =	vand.u32 v33, v1  }
0x478: {  	v7 =	vor.u32 v21, v54;
	v8 =	vor.u32 v34, v53;
	v3 =	vld.idx.msk [tilespmem:v3+s25+$0x0], $0xffff  }
0x479: {  	v5 =	vor.u32 v34, v52  }
0x47a: {  	[tilespmem:v48+s18+$0x0] =	vst.idx.msk $0xffff, v0  }
0x47b: {  	v57 =	vor.u32 v21, v55;
	v58 =	vor.u32 v35, v51;
	[tilespmem:v6+s18+$0x0] =	vst.idx.msk $0xffff, v49  }
0x47c: {  	s29 =	simm.s32 $0x4;
	v12 =	vlaneseq.u32;
	v62 =	vand.u32 v36, v58;
	v4 =	vld.idx.msk [tilespmem:v4+s25+$0x0], $0xffff;
	[tilespmem:v1+s18+$0x0] =	vst.idx.msk $0xffff, v2;
	v1 =	vor.u32 v35, v50  }
0x47d: {  	v0 =	vadd.s32 s29, v12;
	[tilespmem:v7+s18+$0x0] =	vst.idx.msk $0xffff, v3;
	v3 =	vld.idx.msk [tilespmem:v8+s25+$0x0], $0xffff;
	v1 =	vand.u32 v36, v1  }
0x47e: {  	v44 =	vand.u32 $0xF, v0;
	v46 =	vshll.u32 v0, $0x7;
	v0 =	vor.u32 v37, v53;
	v5 =	vld.idx.msk [tilespmem:v5+s25+$0x0], $0xffff;
	_ =	sdelay $0x1  }
0x47f: {  	v56 =	vor.u32 v22, v43  }
0x480: {  	s30 =	simm.s32 $0x5;
	v6 =	vor.u32 v22, v42;
	v59 =	vor.u32 v13, v44;
	[tilespmem:v57+s18+$0x0] =	vst.idx.msk $0xffff, v4  }
0x481: {  	v48 =	vand.u32 $0x780, v46;
	v7 =	vadd.s32 s30, v12;
	v12 =	vlaneseq.u32;
	[tilespmem:v1+s18+$0x0] =	vst.idx.msk $0xffff, v3  }
0x482: {  	v2 =	vor.u32 v37, v52;
	v57 =	vor.u32 v12, v48;
	[tilespmem:v62+s18+$0x0] =	vst.idx.msk $0xffff, v5;
	v12 =	vld.idx.msk [tilespmem:v0+s25+$0x0], $0xffff  }
0x483: {  	v0 =	vld [tilespmem:$0x1FFF0]  }
0x484: {  	v11 =	vor.u32 v23, v54;
	v8 =	vld.idx.msk [tilespmem:v56+s25+$0x0], $0xffff  }
0x485: {  	v56 =	vor.u32 v23, v55;
	v6 =	vld.idx.msk [tilespmem:v6+s25+$0x0], $0xffff  }
0x486: {  	v9 =	vor.u32 v38, v51;
	v10 =	vld.idx.msk [tilespmem:v59+s25+$0x0], $0xffff  }
0x487: {  	v2 =	vld.idx.msk [tilespmem:v2+s25+$0x0], $0xffff;
	v1 =	vand.u32 v39, v9;
	v3 =	vor.u32 v38, v50  }
0x488: {  	v3 =	vand.u32 v39, v3;
	v9 =	vor.u32 v0, v52  }
0x489: {  	v45 =	vand.u32 $0xF, v7;
	[tilespmem:v11+s18+$0x0] =	vst.idx.msk $0xffff, v8  }
0x48a: {  	v4 =	vor.u32 v13, v45;
	[tilespmem:v56+s18+$0x0] =	vst.idx.msk $0xffff, v6  }
0x48b: {  	v5 =	vor.u32 v24, v43;
	v8 =	vor.u32 v0, v53;
	v0 =	vld [tilespmem:$0x1FFE0];
	[tilespmem:v57+s18+$0x0] =	vst.idx.msk $0xffff, v10  }
0x48c: {  	v58 =	vor.u32 v24, v42;
	[tilespmem:v1+s18+$0x0] =	vst.idx.msk $0xffff, v2  }
0x48d: {  	v47 =	vshll.u32 v7, $0x7;
	v7 =	vor.u32 v14, v44;
	[tilespmem:v3+s18+$0x0] =	vst.idx.msk $0xffff, v12;
	v3 =	vld.idx.msk [tilespmem:v9+s25+$0x0], $0xffff  }
0x48e: {  	v49 =	vand.u32 $0x780, v47;
	v62 =	vlaneseq.u32;
	v9 =	vld [tilespmem:$0x1FFD0]  }
0x48f: {  	v59 =	vor.u32 v62, v49;
	v4 =	vld.idx.msk [tilespmem:v4+s25+$0x0], $0xffff  }
0x490: {  	v11 =	vor.u32 v14, v45;
	v5 =	vld.idx.msk [tilespmem:v5+s25+$0x0], $0xffff;
	v10 =	vor.u32 v25, v54  }
0x491: {  	v57 =	vld.idx.msk [tilespmem:v58+s25+$0x0], $0xffff;
	v58 =	vor.u32 v25, v55  }
0x492: {  	v56 =	vor.u32 v26, v43;
	v2 =	vor.u32 v15, v48;
	v1 =	vld.idx.msk [tilespmem:v7+s25+$0x0], $0xffff;
	v6 =	vor.u32 v0, v51  }
0x493: {  	v7 =	vor.u32 v26, v42;
	v0 =	vor.u32 v0, v50;
	v6 =	vand.u32 v9, v6  }
0x494: {  	[tilespmem:v59+s18+$0x0] =	vst.idx.msk $0xffff, v4;
	v4 =	vld.idx.msk [tilespmem:v8+s25+$0x0], $0xffff;
	v8 =	vand.u32 v9, v0  }
0x495: {  	[tilespmem:v10+s18+$0x0] =	vst.idx.msk $0xffff, v5;
	v10 =	vor.u32 v15, v49;
	v9 =	vld.idx.msk [tilespmem:v11+s25+$0x0], $0xffff  }
0x496: {  	v59 =	vld [tilespmem:$0x1FFC0];
	[tilespmem:v58+s18+$0x0] =	vst.idx.msk $0xffff, v57  }
0x497: {  	v54 =	vor.u32 v27, v54;
	v56 =	vld.idx.msk [tilespmem:v56+s25+$0x0], $0xffff;
	[tilespmem:v2+s18+$0x0] =	vst.idx.msk $0xffff, v1  }
0x498: {  	v2 =	vld.idx.msk [tilespmem:v7+s25+$0x0], $0xffff;
	v7 =	vor.u32 v27, v55;
	[tilespmem:v6+s18+$0x0] =	vst.idx.msk $0xffff, v3  }
0x499: {  	v55 =	vld [tilespmem:$0x1FFB0];
	[tilespmem:v8+s18+$0x0] =	vst.idx.msk $0xffff, v4  }
0x49a: {  	v12 =	vor.u32 v16, v44;
	[tilespmem:v10+s18+$0x0] =	vst.idx.msk $0xffff, v9  }
0x49b: {  	v58 =	vld [tilespmem:$0x1FFA0]  }
0x49c: {  	v5 =	vor.u32 v59, v52;
	v57 =	vld [tilespmem:$0x1FF80];
	[tilespmem:v54+s18+$0x0] =	vst.idx.msk $0xffff, v56  }
0x49d: {  	v11 =	vor.u32 v59, v53;
	[tilespmem:v7+s18+$0x0] =	vst.idx.msk $0xffff, v2  }
0x49e: {  	v56 =	vld [tilespmem:$0x1FF90]  }
0x49f: {  	v1 =	vor.u32 v16, v45;
	v0 =	vld.idx.msk [tilespmem:v12+s25+$0x0], $0xffff;
	v6 =	vor.u32 v17, v48  }
0x4a0: {  	v4 =	vor.u32 v28, v43;
	v3 =	vor.u32 v55, v51  }
0x4a1: {  	v8 =	vor.u32 v28, v42;
	v5 =	vld.idx.msk [tilespmem:v5+s25+$0x0], $0xffff;
	v55 =	vor.u32 v55, v50;
	v3 =	vand.u32 v58, v3  }
0x4a2: {  	v11 =	vld.idx.msk [tilespmem:v11+s25+$0x0], $0xffff;
	v54 =	vor.u32 v18, v44;
	v9 =	vand.u32 v58, v55  }
0x4a3: {  	v7 =	vor.u32 v29, v41;
	v2 =	vor.u32 v56, v52  }
0x4a4: {  	v1 =	vld.idx.msk [tilespmem:v1+s25+$0x0], $0xffff;
	[tilespmem:v6+s18+$0x0] =	vst.idx.msk $0xffff, v0;
	v55 =	vor.u32 v17, v49;
	v0 =	vor.u32 v56, v53  }
0x4a5: {  	v6 =	vand.u32 v30, v7;
	v7 =	vor.u32 v29, v40;
	v4 =	vld.idx.msk [tilespmem:v4+s25+$0x0], $0xffff  }
0x4a6: {  	v7 =	vand.u32 v30, v7;
	[tilespmem:v3+s18+$0x0] =	vst.idx.msk $0xffff, v5;
	v5 =	vld.idx.msk [tilespmem:v8+s25+$0x0], $0xffff  }
0x4a7: {  	v10 =	vor.u32 v57, v51;
	v58 =	vor.u32 v19, v48;
	[tilespmem:v9+s18+$0x0] =	vst.idx.msk $0xffff, v11;
	v11 =	vld.idx.msk [tilespmem:v54+s25+$0x0], $0xffff  }
0x4a8: {  	v59 =	vor.u32 v57, v50;
	v10 =	vand.u32 v60, v10;
	v3 =	vor.u32 v18, v45;
	v2 =	vld.idx.msk [tilespmem:v2+s25+$0x0], $0xffff  }
0x4a9: {  	[tilespmem:v55+s18+$0x0] =	vst.idx.msk $0xffff, v1;
	v1 =	vor.u32 v31, v42;
	v55 =	vand.u32 v60, v59;
	v0 =	vld.idx.msk [tilespmem:v0+s25+$0x0], $0xffff  }
0x4aa: {  	[tilespmem:v6+s18+$0x0] =	vst.idx.msk $0xffff, v4  }
0x4ab: {  	v8 =	vor.u32 v31, v43;
	[tilespmem:v7+s18+$0x0] =	vst.idx.msk $0xffff, v5  }
0x4ac: {  	v9 =	vor.u32 v20, v44;
	[tilespmem:v58+s18+$0x0] =	vst.idx.msk $0xffff, v11  }
0x4ad: {  	v3 =	vld.idx.msk [tilespmem:v3+s25+$0x0], $0xffff;
	[tilespmem:v10+s18+$0x0] =	vst.idx.msk $0xffff, v2  }
0x4ae: {  	v11 =	vld.idx.msk [tilespmem:v1+s25+$0x0], $0xffff;
	[tilespmem:v55+s18+$0x0] =	vst.idx.msk $0xffff, v0  }
0x4af: {  	v52 =	vor.u32 v61, v52;
	v4 =	vor.u32 v19, v49;
	v60 =	vor.u32 v32, v41;
	v1 =	vld [tilespmem:$0x1FE00]  }
0x4b0: {  	v6 =	vor.u32 v61, v53;
	v7 =	vld.idx.msk [tilespmem:v8+s25+$0x0], $0xffff;
	v8 =	vand.u32 v33, v60  }
0x4b1: {  	v61 =	vor.u32 v32, v40;
	v5 =	vor.u32 v20, v45;
	v60 =	vor.u32 v21, v48;
	v9 =	vld.idx.msk [tilespmem:v9+s25+$0x0], $0xffff  }
0x4b2: {  	v53 =	vand.u32 v33, v61  }
0x4b3: {  	v10 =	vor.u32 v34, v43  }
0x4b4: {  	v59 =	vld.idx.msk [tilespmem:v52+s25+$0x0], $0xffff;
	[tilespmem:v4+s18+$0x0] =	vst.idx.msk $0xffff, v3;
	v0 =	vor.u32 v1, v51;
	v51 =	vor.u32 v34, v42  }
0x4b5: {  	v54 =	vld.idx.msk [tilespmem:v6+s25+$0x0], $0xffff;
	v3 =	vor.u32 v35, v41;
	[tilespmem:v8+s18+$0x0] =	vst.idx.msk $0xffff, v7  }
0x4b6: {  	s31 =	simm.s32 $0x6;
	v57 =	vld.idx.msk [tilespmem:v5+s25+$0x0], $0xffff;
	[tilespmem:v60+s18+$0x0] =	vst.idx.msk $0xffff, v9;
	v60 =	vand.u32 v36, v3;
	v61 =	vand.u32 v63, v0  }
0x4b7: {  	[tilespmem:v53+s18+$0x0] =	vst.idx.msk $0xffff, v11;
	v0 =	vor.u32 v1, v50;
	v1 =	vadd.s32 s31, v62;
	v62 =	vor.u32 v22, v45  }
0x4b8: {  	v7 =	vmovc v13;
	v56 =	vld.idx.msk [tilespmem:v10+s25+$0x0], $0xffff;
	v58 =	vand.u32 v63, v0;
	v50 =	vand.u32 $0xF, v1;
	v0 =	vor.u32 v22, v44  }
0x4b9: {  	s8 =	simm.s32 $0x8;
	s17 =	simm.s32 $0x7;
	v63 =	vor.u32 v21, v49;
	v2 =	vor.u32 v13, v50;
	v55 =	vld.idx.msk [tilespmem:v51+s25+$0x0], $0xffff;
	v51 =	vor.u32 v35, v40  }
.LBB2_12:
0x4ba: {  	_ =	sdelay $0x2  }
0x4bb: {  	[tilespmem:v58+s18+$0x0] =	vst.idx.msk $0xffff, v54  }
0x4bc: {  	v4 =	vor.u32 v37, v43;
	[tilespmem:v61+s18+$0x0] =	vst.idx.msk $0xffff, v59;
	v61 =	vld [tilespmem:$0x1FFC0]  }
0x4bd: {  	v12 =	vlaneseq.u32;
	v5 =	vand.u32 v36, v51;
	v53 =	vmovc v42;
	v51 =	vshll.u32 v1, $0x7;
	[tilespmem:v63+s18+$0x0] =	vst.idx.msk $0xffff, v57;
	v63 =	vld [tilespmem:$0x1FF90]  }
0x4be: {  	v42 =	vmovc v45;
	v8 =	vor.u32 v38, v41;
	v9 =	vor.u32 v14, v50;
	v3 =	vadd.s32 s17, v12;
	v0 =	vld.idx.msk [tilespmem:v0+s25+$0x0], $0xffff  }
0x4bf: {  	v52 =	vmovc v40;
	v10 =	vor.u32 v23, v48;
	v1 =	vor.u32 v37, v53;
	v45 =	vand.u32 $0xF, v3;
	v57 =	vld.idx.msk [tilespmem:v62+s25+$0x0], $0xffff  }
0x4c0: {  	v40 =	vmovc v47;
	v6 =	vmovc v49;
	v11 =	vor.u32 v24, v44;
	v47 =	vshll.u32 v3, $0x7;
	v7 =	vor.u32 v7, v45;
	v62 =	vld [tilespmem:$0x1FFF0]  }
0x4c1: {  	v54 =	vmovc v43;
	v58 =	vand.u32 $0x780, v51;
	v43 =	vmovc v44;
	v59 =	vor.u32 v23, v6;
	v49 =	vand.u32 $0x780, v47;
	v2 =	vld.idx.msk [tilespmem:v2+s25+$0x0], $0xffff  }
0x4c2: {  	v44 =	vmov v50;
	[tilespmem:v60+s18+$0x0] =	vst.idx.msk $0xffff, v56;
	v56 =	vor.u32 v12, v58;
	v50 =	vor.u32 v12, v49;
	v12 =	vld [tilespmem:$0x1FFE0]  }
0x4c3: {  	v3 =	vand.u32 v39, v8;
	v4 =	vld.idx.msk [tilespmem:v4+s25+$0x0], $0xffff;
	[tilespmem:v5+s18+$0x0] =	vst.idx.msk $0xffff, v55;
	v5 =	vor.u32 v38, v52  }
0x4c4: {  	v60 =	vor.u32 v24, v42;
	v1 =	vld.idx.msk [tilespmem:v1+s25+$0x0], $0xffff;
	v5 =	vand.u32 v39, v5  }
0x4c5: {  	v7 =	vld.idx.msk [tilespmem:v7+s25+$0x0], $0xffff;
	v8 =	vor.u32 v62, v54;
	[tilespmem:v10+s18+$0x0] =	vst.idx.msk $0xffff, v0  }
0x4c6: {  	v0 =	vor.u32 v62, v53;
	[tilespmem:v59+s18+$0x0] =	vst.idx.msk $0xffff, v57;
	v62 =	vld [tilespmem:$0x1FFD0]  }
0x4c7: {  	v10 =	vor.u32 v14, v45;
	v11 =	vld.idx.msk [tilespmem:v11+s25+$0x0], $0xffff;
	[tilespmem:v56+s18+$0x0] =	vst.idx.msk $0xffff, v2  }
0x4c8: {  	v9 =	vld.idx.msk [tilespmem:v9+s25+$0x0], $0xffff;
	[tilespmem:v3+s18+$0x0] =	vst.idx.msk $0xffff, v4  }
0x4c9: {  	v2 =	vor.u32 v25, v48;
	v57 =	vld.idx.msk [tilespmem:v60+s25+$0x0], $0xffff;
	[tilespmem:v5+s18+$0x0] =	vst.idx.msk $0xffff, v1  }
0x4ca: {  	v56 =	vor.u32 v26, v43;
	v60 =	vor.u32 v25, v6;
	[tilespmem:v50+s18+$0x0] =	vst.idx.msk $0xffff, v7;
	v8 =	vld.idx.msk [tilespmem:v8+s25+$0x0], $0xffff  }
0x4cb: {  	v55 =	vor.u32 v12, v41;
	v3 =	vor.u32 v15, v58;
	v4 =	vor.u32 v26, v42;
	v0 =	vld.idx.msk [tilespmem:v0+s25+$0x0], $0xffff  }
0x4cc: {  	v59 =	vor.u32 v16, v44;
	v5 =	vor.u32 v12, v52;
	v1 =	vand.u32 v62, v55;
	v7 =	vld.idx.msk [tilespmem:v10+s25+$0x0], $0xffff  }
0x4cd: {  	v10 =	vor.u32 v61, v54;
	v5 =	vand.u32 v62, v5;
	v62 =	vld [tilespmem:$0x1FFB0]  }
0x4ce: {  	v55 =	vor.u32 v15, v49;
	[tilespmem:v2+s18+$0x0] =	vst.idx.msk $0xffff, v11;
	v2 =	vor.u32 v61, v53;
	v61 =	vld [tilespmem:$0x1FFA0]  }
0x4cf: {  	[tilespmem:v60+s18+$0x0] =	vst.idx.msk $0xffff, v57;
	v56 =	vld.idx.msk [tilespmem:v56+s25+$0x0], $0xffff  }
0x4d0: {  	v11 =	vor.u32 v16, v45;
	[tilespmem:v3+s18+$0x0] =	vst.idx.msk $0xffff, v9;
	v3 =	vor.u32 v27, v48;
	v4 =	vld.idx.msk [tilespmem:v4+s25+$0x0], $0xffff  }
0x4d1: {  	v6 =	vor.u32 v27, v6;
	v9 =	vor.u32 v28, v43;
	v59 =	vld.idx.msk [tilespmem:v59+s25+$0x0], $0xffff;
	[tilespmem:v1+s18+$0x0] =	vst.idx.msk $0xffff, v8  }
0x4d2: {  	v12 =	vld [tilespmem:$0x1FF80];
	v1 =	vor.u32 v17, v58;
	v8 =	vor.u32 v28, v42;
	[tilespmem:v5+s18+$0x0] =	vst.idx.msk $0xffff, v0  }
0x4d3: {  	v60 =	vor.u32 v18, v44;
	v10 =	vld.idx.msk [tilespmem:v10+s25+$0x0], $0xffff;
	[tilespmem:v55+s18+$0x0] =	vst.idx.msk $0xffff, v7  }
0x4d4: {  	v57 =	vor.u32 v62, v41;
	v2 =	vld.idx.msk [tilespmem:v2+s25+$0x0], $0xffff  }
0x4d5: {  	v5 =	vor.u32 v62, v52;
	v0 =	vand.u32 v61, v57;
	v7 =	vld.idx.msk [tilespmem:v11+s25+$0x0], $0xffff;
	[tilespmem:v3+s18+$0x0] =	vst.idx.msk $0xffff, v56  }
0x4d6: {  	v5 =	vand.u32 v61, v5;
	[tilespmem:v6+s18+$0x0] =	vst.idx.msk $0xffff, v4;
	v9 =	vld.idx.msk [tilespmem:v9+s25+$0x0], $0xffff  }
0x4d7: {  	v55 =	vor.u32 v63, v54;
	v61 =	vor.u32 v17, v49;
	[tilespmem:v1+s18+$0x0] =	vst.idx.msk $0xffff, v59;
	v4 =	vld.idx.msk [tilespmem:v8+s25+$0x0], $0xffff  }
0x4d8: {  	v50 =	vor.u32 v12, v41;
	v3 =	vor.u32 v63, v53;
	v63 =	vor.u32 v29, v46;
	v8 =	vld.idx.msk [tilespmem:v60+s25+$0x0], $0xffff  }
0x4d9: {  	v62 =	vor.u32 v18, v45;
	v6 =	vor.u32 v29, v40;
	v1 =	vand.u32 v30, v63;
	v60 =	vld [tilespmem:$0x1FF70]  }
0x4da: {  	v48 =	vmov v58;
	v57 =	vld [tilespmem:$0x1FE00];
	v11 =	vor.u32 v31, v43;
	v6 =	vand.u32 v30, v6;
	[tilespmem:v0+s18+$0x0] =	vst.idx.msk $0xffff, v10  }
0x4db: {  	v0 =	vor.u32 v19, v48;
	[tilespmem:v5+s18+$0x0] =	vst.idx.msk $0xffff, v2;
	v5 =	vor.u32 v12, v52;
	v12 =	vld [tilespmem:$0x1FDF0]  }
0x4dc: {  	v10 =	vor.u32 v31, v42;
	v55 =	vld.idx.msk [tilespmem:v55+s25+$0x0], $0xffff;
	[tilespmem:v61+s18+$0x0] =	vst.idx.msk $0xffff, v7  }
0x4dd: {  	v58 =	vor.u32 v20, v44;
	v3 =	vld.idx.msk [tilespmem:v3+s25+$0x0], $0xffff  }
0x4de: {  	v63 =	vor.u32 v19, v49;
	v7 =	vld.idx.msk [tilespmem:v62+s25+$0x0], $0xffff;
	[tilespmem:v1+s18+$0x0] =	vst.idx.msk $0xffff, v9;
	v5 =	vand.u32 v60, v5  }
0x4df: {  	v62 =	vor.u32 v57, v41;
	v41 =	vmov v46;
	[tilespmem:v6+s18+$0x0] =	vst.idx.msk $0xffff, v4;
	v2 =	vand.u32 v60, v50  }
0x4e0: {  	v46 =	vor.u32 v32, v41;
	v11 =	vld.idx.msk [tilespmem:v11+s25+$0x0], $0xffff;
	[tilespmem:v0+s18+$0x0] =	vst.idx.msk $0xffff, v8;
	v61 =	vor.u32 v12, v54  }
0x4e1: {  	v4 =	vand.u32 v33, v46;
	v6 =	vld.idx.msk [tilespmem:v10+s25+$0x0], $0xffff;
	v0 =	vor.u32 v32, v40;
	v1 =	vor.u32 v12, v53  }
0x4e2: {  	v9 =	vor.u32 v20, v45;
	v8 =	vld.idx.msk [tilespmem:v58+s25+$0x0], $0xffff;
	v53 =	vand.u32 v33, v0  }
0x4e3: {  	v10 =	vor.u32 v34, v43;
	v12 =	vor.u32 v34, v42;
	[tilespmem:v5+s18+$0x0] =	vst.idx.msk $0xffff, v3;
	v5 =	vld [tilespmem:$0x1FE10]  }
0x4e4: {  	p1 =	slt.u32 s8, $0xE;
	v0 =	vor.u32 v57, v52;
	v46 =	vmov v51;
	[tilespmem:v2+s18+$0x0] =	vst.idx.msk $0xffff, v55;
	v55 =	vor.u32 v21, v48  }
.Ltmp7:
0x4e5: {  	v51 =	vor.u32 v35, v40;
	v2 =	vlaneseq.u32;
	v3 =	vor.u32 v35, v41;
	v59 =	vld.idx.msk [tilespmem:v61+s25+$0x0], $0xffff;
	[tilespmem:v63+s18+$0x0] =	vst.idx.msk $0xffff, v7;
	(pc) =	sbr.rel @p1 .LBB2_12-.Ltmp7, $4  }
0x4e6: {  	v63 =	vor.u32 v21, v49;
	[tilespmem:v4+s18+$0x0] =	vst.idx.msk $0xffff, v11;
	v54 =	vld.idx.msk [tilespmem:v1+s25+$0x0], $0xffff;
	v1 =	vadd.s32 s8, v2  }
0x4e7: {  	v7 =	vmov v13;
	v60 =	vand.u32 v36, v3;
	v57 =	vld.idx.msk [tilespmem:v9+s25+$0x0], $0xffff;
	[tilespmem:v53+s18+$0x0] =	vst.idx.msk $0xffff, v6;
	v50 =	vand.u32 $0xF, v1  }
0x4e8: {  	v56 =	vld.idx.msk [tilespmem:v10+s25+$0x0], $0xffff;
	v2 =	vor.u32 v13, v50;
	v61 =	vand.u32 v5, v62;
	v58 =	vand.u32 v5, v0  }
0x4e9: {  	s17 =	sadd.s32 $0x1, s8;
	s8 =	sadd.s32 $0x2, s8;
	v0 =	vor.u32 v22, v44;
	v62 =	vor.u32 v22, v45;
	[tilespmem:v55+s18+$0x0] =	vst.idx.msk $0xffff, v8;
	v55 =	vld.idx.msk [tilespmem:v12+s25+$0x0], $0xffff  }
0x4ea: {  	v8 =	vlaneseq.u32  }
0x4eb: {  	v3 =	vadd.s32 s17, v8  }
0x4ec: {  	v1 =	vshll.u32 v1, $0x7;
	v53 =	vand.u32 $0xF, v3  }
0x4ed: {  	[tilespmem:$0x1FCC0] =	vst v1;
	v1 =	vand.u32 $0x780, v1;
	v4 =	vor.u32 v7, v53  }
0x4ee: {  	v2 =	vld.idx.msk [tilespmem:v2+s25+$0x0], $0xffff;
	v5 =	vor.u32 v8, v1  }
0x4ef: {  	v52 =	vshll.u32 v3, $0x7;
	v3 =	vor.u32 v14, v50;
	_ =	sdelay $0x1  }
0x4f0: {  	v6 =	vand.u32 $0x780, v52  }
0x4f1: {  	v7 =	vor.u32 v8, v6;
	v4 =	vld.idx.msk [tilespmem:v4+s25+$0x0], $0xffff  }
0x4f2: {  	v8 =	vor.u32 v14, v53;
	[tilespmem:v5+s18+$0x0] =	vst.idx.msk $0xffff, v2  }
0x4f3: {  	v2 =	vld.idx.msk [tilespmem:v3+s25+$0x0], $0xffff;
	v3 =	vor.u32 v15, v1  }
0x4f4: {  	v5 =	vor.u32 v16, v50;
	_ =	sdelay $0x1  }
0x4f5: {  	[tilespmem:v7+s18+$0x0] =	vst.idx.msk $0xffff, v4  }
0x4f6: {  	v7 =	vor.u32 v15, v6;
	v4 =	vld.idx.msk [tilespmem:v8+s25+$0x0], $0xffff  }
0x4f7: {  	v16 =	vor.u32 v16, v53;
	[tilespmem:v3+s18+$0x0] =	vst.idx.msk $0xffff, v2  }
0x4f8: {  	v3 =	vor.u32 v17, v1;
	v2 =	vld.idx.msk [tilespmem:v5+s25+$0x0], $0xffff  }
0x4f9: {  	v5 =	vor.u32 v18, v50;
	_ =	sdelay $0x1  }
0x4fa: {  	[tilespmem:v7+s18+$0x0] =	vst.idx.msk $0xffff, v4  }
0x4fb: {  	v7 =	vor.u32 v17, v6;
	v4 =	vld.idx.msk [tilespmem:v16+s25+$0x0], $0xffff  }
0x4fc: {  	[tilespmem:v3+s18+$0x0] =	vst.idx.msk $0xffff, v2;
	v16 =	vor.u32 v18, v53  }
0x4fd: {  	v17 =	vor.u32 v19, v1;
	v2 =	vld.idx.msk [tilespmem:v5+s25+$0x0], $0xffff  }
0x4fe: {  	v18 =	vor.u32 v20, v50;
	_ =	sdelay $0x1  }
0x4ff: {  	[tilespmem:v7+s18+$0x0] =	vst.idx.msk $0xffff, v4  }
0x500: {  	v19 =	vor.u32 v19, v6;
	v4 =	vld.idx.msk [tilespmem:v16+s25+$0x0], $0xffff  }
0x501: {  	v0 =	vld.idx.msk [tilespmem:v0+s25+$0x0], $0xffff;
	v20 =	vor.u32 v20, v53;
	[tilespmem:v17+s18+$0x0] =	vst.idx.msk $0xffff, v2;
	v16 =	vor.u32 v23, v48  }
0x502: {  	[tilespmem:v61+s18+$0x0] =	vst.idx.msk $0xffff, v59;
	v9 =	vor.u32 v21, v1;
	v17 =	vor.u32 v24, v44;
	v5 =	vld.idx.msk [tilespmem:v18+s25+$0x0], $0xffff  }
0x503: {  	[tilespmem:v63+s18+$0x0] =	vst.idx.msk $0xffff, v57;
	v18 =	vor.u32 v22, v50  }
0x504: {  	v11 =	vor.u32 v23, v49;
	v10 =	vld.idx.msk [tilespmem:v62+s25+$0x0], $0xffff;
	[tilespmem:v60+s18+$0x0] =	vst.idx.msk $0xffff, v56  }
0x505: {  	v51 =	vand.u32 v36, v51;
	[tilespmem:v19+s18+$0x0] =	vst.idx.msk $0xffff, v4;
	v19 =	vor.u32 v24, v45  }
0x506: {  	v12 =	vor.u32 v21, v6;
	v21 =	vor.u32 v37, v43;
	[tilespmem:v16+s18+$0x0] =	vst.idx.msk $0xffff, v0;
	v8 =	vld.idx.msk [tilespmem:v20+s25+$0x0], $0xffff  }
0x507: {  	v60 =	vor.u32 v25, v48;
	[tilespmem:v9+s18+$0x0] =	vst.idx.msk $0xffff, v5;
	v20 =	vor.u32 v22, v53;
	v2 =	vld.idx.msk [tilespmem:v17+s25+$0x0], $0xffff  }
0x508: {  	[tilespmem:v58+s18+$0x0] =	vst.idx.msk $0xffff, v54;
	v62 =	vor.u32 v23, v1;
	v22 =	vor.u32 v37, v42;
	v4 =	vld.idx.msk [tilespmem:v18+s25+$0x0], $0xffff  }
0x509: {  	v59 =	vor.u32 v38, v41;
	[tilespmem:v11+s18+$0x0] =	vst.idx.msk $0xffff, v10  }
0x50a: {  	v61 =	vor.u32 v26, v44;
	v63 =	vor.u32 v25, v49;
	[tilespmem:v51+s18+$0x0] =	vst.idx.msk $0xffff, v55;
	v7 =	vld.idx.msk [tilespmem:v19+s25+$0x0], $0xffff  }
0x50b: {  	v16 =	vor.u32 v24, v50;
	v0 =	vand.u32 v39, v59;
	v19 =	vld.idx.msk [tilespmem:v21+s25+$0x0], $0xffff;
	[tilespmem:v12+s18+$0x0] =	vst.idx.msk $0xffff, v8  }
0x50c: {  	v17 =	vor.u32 v26, v45;
	v18 =	vor.u32 v23, v6;
	[tilespmem:v60+s18+$0x0] =	vst.idx.msk $0xffff, v2;
	v12 =	vld.idx.msk [tilespmem:v20+s25+$0x0], $0xffff  }
0x50d: {  	v24 =	vor.u32 v24, v53;
	v23 =	vor.u32 v38, v40;
	v58 =	vld.idx.msk [tilespmem:v22+s25+$0x0], $0xffff;
	[tilespmem:v62+s18+$0x0] =	vst.idx.msk $0xffff, v4  }
0x50e: {  	v59 =	vand.u32 v39, v23;
	v22 =	vld [tilespmem:$0x1FFF0]  }
0x50f: {  	v5 =	vld.idx.msk [tilespmem:v61+s25+$0x0], $0xffff;
	v61 =	vor.u32 v27, v48  }
0x510: {  	v62 =	vor.u32 v28, v44;
	v8 =	vld.idx.msk [tilespmem:v16+s25+$0x0], $0xffff;
	[tilespmem:v63+s18+$0x0] =	vst.idx.msk $0xffff, v7;
	v63 =	vor.u32 v25, v1  }
0x511: {  	v16 =	vor.u32 v27, v49;
	v11 =	vld.idx.msk [tilespmem:v17+s25+$0x0], $0xffff;
	[tilespmem:v18+s18+$0x0] =	vst.idx.msk $0xffff, v12;
	v12 =	vor.u32 v26, v50  }
0x512: {  	[tilespmem:v0+s18+$0x0] =	vst.idx.msk $0xffff, v19;
	v19 =	vor.u32 v25, v6;
	v18 =	vld.idx.msk [tilespmem:v24+s25+$0x0], $0xffff  }
0x513: {  	[tilespmem:v59+s18+$0x0] =	vst.idx.msk $0xffff, v58  }
0x514: {  	v24 =	vor.u32 v26, v53;
	v21 =	vld [tilespmem:$0x1FFE0];
	[tilespmem:v61+s18+$0x0] =	vst.idx.msk $0xffff, v5;
	v26 =	vor.u32 v29, v46  }
0x515: {  	v7 =	vld.idx.msk [tilespmem:v62+s25+$0x0], $0xffff;
	v5 =	vand.u32 v30, v26;
	[tilespmem:v63+s18+$0x0] =	vst.idx.msk $0xffff, v8  }
0x516: {  	v1 =	vor.u32 v27, v1;
	v17 =	vor.u32 v28, v45;
	[tilespmem:v16+s18+$0x0] =	vst.idx.msk $0xffff, v11;
	v10 =	vld.idx.msk [tilespmem:v12+s25+$0x0], $0xffff  }
0x517: {  	[tilespmem:v19+s18+$0x0] =	vst.idx.msk $0xffff, v18  }
0x518: {  	v20 =	vld [tilespmem:$0x1FFD0]  }
0x519: {  	v19 =	vld [tilespmem:$0x1FFC0]  }
0x51a: {  	v60 =	vor.u32 v22, v43;
	v15 =	vld [tilespmem:$0x1FF80];
	[tilespmem:v5+s18+$0x0] =	vst.idx.msk $0xffff, v7  }
0x51b: {  	v56 =	vor.u32 v29, v47;
	v55 =	vor.u32 v31, v44;
	v0 =	vld.idx.msk [tilespmem:v17+s25+$0x0], $0xffff;
	[tilespmem:v1+s18+$0x0] =	vst.idx.msk $0xffff, v10  }
0x51c: {  	v8 =	vand.u32 v30, v56;
	v23 =	vld [tilespmem:$0x1FCC0]  }
0x51d: {  	v57 =	vor.u32 v28, v50;
	v6 =	vor.u32 v27, v6;
	v2 =	vld.idx.msk [tilespmem:v24+s25+$0x0], $0xffff  }
0x51e: {  	v58 =	vor.u32 v28, v53  }
0x51f: {  	v59 =	vor.u32 v31, v45;
	v54 =	vor.u32 v22, v42;
	v4 =	vld.idx.msk [tilespmem:v60+s25+$0x0], $0xffff;
	v60 =	vor.u32 v32, v46  }
0x520: {  	v25 =	vor.u32 v21, v41;
	v12 =	vor.u32 v21, v40;
	v7 =	vand.u32 v33, v60;
	v9 =	vld.idx.msk [tilespmem:v55+s25+$0x0], $0xffff  }
0x521: {  	[tilespmem:v8+s18+$0x0] =	vst.idx.msk $0xffff, v0;
	v3 =	vand.u32 v20, v25;
	v61 =	vor.u32 v29, v23  }
0x522: {  	v24 =	vor.u32 v29, v52;
	v62 =	vld.idx.msk [tilespmem:v57+s25+$0x0], $0xffff;
	[tilespmem:v6+s18+$0x0] =	vst.idx.msk $0xffff, v2;
	v1 =	vand.u32 v30, v61  }
0x523: {  	v10 =	vand.u32 v20, v12;
	v25 =	vor.u32 v32, v47;
	v2 =	vand.u32 v30, v24;
	v12 =	vld.idx.msk [tilespmem:v58+s25+$0x0], $0xffff  }
0x524: {  	v63 =	vor.u32 v31, v50;
	v27 =	vld.idx.msk [tilespmem:v59+s25+$0x0], $0xffff;
	v28 =	vand.u32 v33, v25  }
0x525: {  	[tilespmem:v7+s18+$0x0] =	vst.idx.msk $0xffff, v9;
	v29 =	vor.u32 v31, v53;
	v30 =	vld.idx.msk [tilespmem:v54+s25+$0x0], $0xffff  }
0x526: {  	[tilespmem:v3+s18+$0x0] =	vst.idx.msk $0xffff, v4  }
0x527: {  	v26 =	vor.u32 v34, v44;
	[tilespmem:v1+s18+$0x0] =	vst.idx.msk $0xffff, v62  }
0x528: {  	v31 =	vor.u32 v34, v45;
	v57 =	vor.u32 v32, v23;
	v18 =	vld [tilespmem:$0x1FFB0];
	[tilespmem:v2+s18+$0x0] =	vst.idx.msk $0xffff, v12  }
0x529: {  	v48 =	vor.u32 v19, v43;
	v0 =	vand.u32 v33, v57;
	v8 =	vld.idx.msk [tilespmem:v63+s25+$0x0], $0xffff;
	[tilespmem:v28+s18+$0x0] =	vst.idx.msk $0xffff, v27  }
0x52a: {  	v60 =	vor.u32 v34, v50;
	v59 =	vor.u32 v32, v52;
	[tilespmem:v10+s18+$0x0] =	vst.idx.msk $0xffff, v30;
	v62 =	vld.idx.msk [tilespmem:v29+s25+$0x0], $0xffff  }
0x52b: {  	v2 =	vand.u32 v33, v59;
	v14 =	vld [tilespmem:$0x1FFA0]  }
0x52c: {  	v56 =	vor.u32 v35, v46;
	v55 =	vor.u32 v22, v44;
	v24 =	vor.u32 v34, v53;
	v9 =	vld.idx.msk [tilespmem:v26+s25+$0x0], $0xffff  }
0x52d: {  	v7 =	vand.u32 v36, v56;
	v26 =	vor.u32 v37, v45;
	v61 =	vor.u32 v35, v47;
	v63 =	vld.idx.msk [tilespmem:v31+s25+$0x0], $0xffff  }
0x52e: {  	v3 =	vand.u32 v36, v61;
	v27 =	vor.u32 v35, v23;
	v29 =	vld.idx.msk [tilespmem:v48+s25+$0x0], $0xffff;
	[tilespmem:v0+s18+$0x0] =	vst.idx.msk $0xffff, v8  }
0x52f: {  	v12 =	vor.u32 v37, v44;
	v58 =	vor.u32 v18, v41;
	v0 =	vand.u32 v36, v27;
	v28 =	vld.idx.msk [tilespmem:v60+s25+$0x0], $0xffff  }
0x530: {  	v30 =	vor.u32 v35, v52;
	v1 =	vand.u32 v14, v58;
	v17 =	vld [tilespmem:$0x1FF90];
	[tilespmem:v2+s18+$0x0] =	vst.idx.msk $0xffff, v62  }
0x531: {  	v49 =	vor.u32 v15, v41;
	v31 =	vor.u32 v37, v50;
	v2 =	vand.u32 v36, v30;
	v33 =	vld.idx.msk [tilespmem:v24+s25+$0x0], $0xffff  }
0x532: {  	v51 =	vor.u32 v19, v42;
	v56 =	vmov v35;
	v32 =	vor.u32 v38, v46;
	[tilespmem:v7+s18+$0x0] =	vst.idx.msk $0xffff, v9  }
0x533: {  	v57 =	vmov v36;
	v35 =	vand.u32 v39, v32;
	v32 =	vor.u32 v21, v47;
	[tilespmem:v3+s18+$0x0] =	vst.idx.msk $0xffff, v63  }
0x534: {  	v25 =	vor.u32 v18, v40;
	v27 =	vor.u32 v22, v50;
	v34 =	vld.idx.msk [tilespmem:v12+s25+$0x0], $0xffff;
	[tilespmem:v0+s18+$0x0] =	vst.idx.msk $0xffff, v28  }
0x535: {  	v36 =	vor.u32 v38, v47;
	v12 =	vor.u32 v37, v53;
	v54 =	vld.idx.msk [tilespmem:v26+s25+$0x0], $0xffff;
	[tilespmem:v1+s18+$0x0] =	vst.idx.msk $0xffff, v29  }
0x536: {  	v11 =	vand.u32 v39, v36;
	v24 =	vor.u32 v38, v23;
	v4 =	vld.idx.msk [tilespmem:v31+s25+$0x0], $0xffff;
	[tilespmem:v2+s18+$0x0] =	vst.idx.msk $0xffff, v33  }
0x537: {  	v10 =	vand.u32 v14, v25;
	v25 =	vor.u32 v22, v45;
	v7 =	vand.u32 v39, v24;
	v16 =	vld [tilespmem:$0x1FF70]  }
0x538: {  	v62 =	vmovc v37;
	v63 =	vmov v38;
	v26 =	vor.u32 v38, v52;
	v8 =	vor.u32 v17, v43  }
0x539: {  	v30 =	vld.idx.msk [tilespmem:v51+s25+$0x0], $0xffff;
	v48 =	vor.u32 v17, v42;
	v2 =	vand.u32 v39, v26;
	v31 =	vor.u32 v22, v53  }
0x53a: {  	v33 =	vor.u32 v19, v44;
	[tilespmem:v35+s18+$0x0] =	vst.idx.msk $0xffff, v34;
	v29 =	vld.idx.msk [tilespmem:v12+s25+$0x0], $0xffff;
	v12 =	vor.u32 v21, v46  }
0x53b: {  	[tilespmem:v11+s18+$0x0] =	vst.idx.msk $0xffff, v54;
	v34 =	vor.u32 v21, v23;
	v0 =	vld.idx.msk [tilespmem:v55+s25+$0x0], $0xffff;
	v12 =	vand.u32 v20, v12  }
0x53c: {  	v1 =	vld.idx.msk [tilespmem:v25+s25+$0x0], $0xffff;
	[tilespmem:v7+s18+$0x0] =	vst.idx.msk $0xffff, v4;
	v28 =	vand.u32 v16, v49;
	v49 =	vand.u32 v20, v32  }
0x53d: {  	v36 =	vor.u32 v19, v45;
	v37 =	vor.u32 v21, v52;
	v54 =	vand.u32 v20, v34;
	v3 =	vld.idx.msk [tilespmem:v27+s25+$0x0], $0xffff  }
0x53e: {  	v38 =	vor.u32 v19, v50;
	v35 =	vor.u32 v15, v40;
	[tilespmem:v10+s18+$0x0] =	vst.idx.msk $0xffff, v30;
	v8 =	vld.idx.msk [tilespmem:v8+s25+$0x0], $0xffff  }
0x53f: {  	v58 =	vmov v39;
	v10 =	vld.idx.msk [tilespmem:v48+s25+$0x0], $0xffff;
	[tilespmem:v2+s18+$0x0] =	vst.idx.msk $0xffff, v29;
	v4 =	vand.u32 v16, v35  }
0x540: {  	v48 =	vor.u32 v18, v46;
	v2 =	vand.u32 v20, v37;
	v39 =	vld.idx.msk [tilespmem:v31+s25+$0x0], $0xffff;
	[tilespmem:v12+s18+$0x0] =	vst.idx.msk $0xffff, v0  }
0x541: {  	v0 =	vand.u32 v14, v48;
	v12 =	vor.u32 v18, v47;
	v60 =	vld.idx.msk [tilespmem:v33+s25+$0x0], $0xffff;
	[tilespmem:v49+s18+$0x0] =	vst.idx.msk $0xffff, v1  }
0x542: {  	v55 =	vor.u32 v19, v53;
	v19 =	vand.u32 v14, v12;
	[tilespmem:v54+s18+$0x0] =	vst.idx.msk $0xffff, v3;
	v61 =	vld.idx.msk [tilespmem:v36+s25+$0x0], $0xffff  }
0x543: {  	[tilespmem:v28+s18+$0x0] =	vst.idx.msk $0xffff, v8  }
0x544: {  	[tilespmem:v4+s18+$0x0] =	vst.idx.msk $0xffff, v10  }
0x545: {  	v59 =	vmov v22;
	v12 =	vor.u32 v18, v23;
	[tilespmem:v2+s18+$0x0] =	vst.idx.msk $0xffff, v39  }
0x546: {  	v22 =	vor.u32 v18, v52;
	v20 =	vand.u32 v14, v12;
	v5 =	vld.idx.msk [tilespmem:v38+s25+$0x0], $0xffff;
	[tilespmem:v0+s18+$0x0] =	vst.idx.msk $0xffff, v60  }
0x547: {  	v6 =	vand.u32 v14, v22;
	v25 =	vld.idx.msk [tilespmem:v55+s25+$0x0], $0xffff;
	[tilespmem:v19+s18+$0x0] =	vst.idx.msk $0xffff, v61  }
0x548: {  	v14 =	vld [tilespmem:$0x1FDF0];
	_ =	sdelay $0x1  }
0x549: {  	v24 =	vor.u32 v17, v45;
	v21 =	vor.u32 v17, v44  }
0x54a: {  	v26 =	vor.u32 v17, v50;
	v30 =	vor.u32 v15, v46;
	[tilespmem:v20+s18+$0x0] =	vst.idx.msk $0xffff, v5  }
0x54b: {  	v35 =	vor.u32 v15, v52;
	v31 =	vor.u32 v15, v47;
	[tilespmem:v6+s18+$0x0] =	vst.idx.msk $0xffff, v25  }
0x54c: {  	v33 =	vor.u32 v15, v23;
	v28 =	vor.u32 v17, v53;
	v34 =	vor.u32 v14, v45;
	v45 =	vmovc v15;
	v15 =	vld [tilespmem:$0x1FE00]  }
0x54d: {  	v37 =	vld [tilespmem:$0x1FE10];
	v27 =	vor.u32 v14, v43  }
0x54e: {  	v2 =	vld.idx.msk [tilespmem:v21+s25+$0x0], $0xffff;
	v5 =	vand.u32 v16, v30;
	v29 =	vor.u32 v14, v42  }
0x54f: {  	v8 =	vand.u32 v16, v31;
	v4 =	vld.idx.msk [tilespmem:v24+s25+$0x0], $0xffff;
	v32 =	vor.u32 v14, v44  }
0x550: {  	v6 =	vand.u32 v16, v33;
	v0 =	vld.idx.msk [tilespmem:v26+s25+$0x0], $0xffff  }
0x551: {  	v11 =	vand.u32 v16, v35;
	v3 =	vld.idx.msk [tilespmem:v28+s25+$0x0], $0xffff;
	v36 =	vor.u32 v14, v50;
	v12 =	vor.u32 v15, v41  }
0x552: {  	v39 =	vor.u32 v14, v53;
	v1 =	vld.idx.msk [tilespmem:v27+s25+$0x0], $0xffff;
	v38 =	vor.u32 v15, v40;
	v12 =	vand.u32 v37, v12  }
0x553: {  	[tilespmem:v5+s18+$0x0] =	vst.idx.msk $0xffff, v2;
	v43 =	vld.idx.msk [tilespmem:v29+s25+$0x0], $0xffff;
	v48 =	vor.u32 v15, v46;
	v44 =	vand.u32 v37, v38  }
0x554: {  	[tilespmem:v8+s18+$0x0] =	vst.idx.msk $0xffff, v4;
	v49 =	vld.idx.msk [tilespmem:v32+s25+$0x0], $0xffff;
	v50 =	vor.u32 v15, v47;
	v7 =	vand.u32 v37, v48  }
0x555: {  	[tilespmem:v6+s18+$0x0] =	vst.idx.msk $0xffff, v0;
	v51 =	vld.idx.msk [tilespmem:v34+s25+$0x0], $0xffff;
	v54 =	vor.u32 v15, v23;
	v53 =	vand.u32 v37, v50  }
0x556: {  	[tilespmem:v11+s18+$0x0] =	vst.idx.msk $0xffff, v3;
	v55 =	vld.idx.msk [tilespmem:v36+s25+$0x0], $0xffff;
	v60 =	vor.u32 v15, v52;
	v8 =	vand.u32 v37, v54  }
0x557: {  	v61 =	vld.idx.msk [tilespmem:v39+s25+$0x0], $0xffff;
	v9 =	vand.u32 v37, v60;
	[tilespmem:v12+s18+$0x0] =	vst.idx.msk $0xffff, v1  }
0x558: {  	[tilespmem:v44+s18+$0x0] =	vst.idx.msk $0xffff, v43  }
0x559: {  	[tilespmem:v7+s18+$0x0] =	vst.idx.msk $0xffff, v49  }
0x55a: {  	s8 =	sor.u32 $0x180, s9;
	[tilespmem:v53+s18+$0x0] =	vst.idx.msk $0xffff, v51  }
0x55b: {  	s8 =	sand.u32 $0x1FFF3F80, s8;
	[tilespmem:v8+s18+$0x0] =	vst.idx.msk $0xffff, v55  }
0x55c: {  	s31 =	sadd.s32 s2, s8;
	[tilespmem:v9+s18+$0x0] =	vst.idx.msk $0xffff, v61  }
0x55d: {  	[hbm4b:s31+s3] =	stream.linear.scatter [tilespmem:s18], [sflag:$0xC], $0x400, $0x38;
	[tilespmem:$0x8200] =	vst v63  }
0x55e: {  	s24 =	simm.s32 $0x7600;
	s17 =	sadd.s32 s8, s11  }
0x55f: {  	[hbm4b:s17+s3] =	stream.linear.scatter [tilespmem:s24], [sflag:$0xC], $0x400, $0x38;
	[tilespmem:$0x8200] =	vst v63  }
.Ltmp8:
0x560: {  	_ = 	snop;
	(pc) =	sbr.rel @p0 .LBB2_15-.Ltmp8, $4  }
0x561: {  	s30 =	simm.s32 $0x7A00;
	s29 =	sadd.s32 s8, s12  }
0x562: {  	[hbm4b:s29+s3] =	stream.linear.scatter [tilespmem:s30], [sflag:$0xC], $0x400, $0x38;
	[tilespmem:$0x8200] =	vst v63  }
0x563: {  	s8 =	sadd.s32 s8, s13;
	s31 =	simm.s32 $0x7E00  }
0x564: {  	[hbm4b:s8+s3] =	stream.linear.scatter [tilespmem:s31], [sflag:$0xC], $0x400, $0x38;
	[tilespmem:$0x8200] =	vst v63  }
0x565: {  	_ =	swait.ge [sflag:s22], $0x80  }
0x566: {  	v14 =	vld [tilespmem:$0x1FE20]  }
0x567: {  	v15 =	vld [tilespmem:$0x1FE30]  }
0x568: {  	v16 =	vld [tilespmem:$0x1FE40]  }
0x569: {  	v17 =	vld [tilespmem:$0x1FE50]  }
0x56a: {  	v18 =	vld [tilespmem:$0x1FE60]  }
0x56b: {  	v19 =	vld [tilespmem:$0x1FE70]  }
0x56c: {  	v20 =	vld [tilespmem:$0x1FE80]  }
0x56d: {  	v21 =	vld [tilespmem:$0x1FE90]  }
0x56e: {  	v22 =	vld [tilespmem:$0x1FEA0]  }
0x56f: {  	v23 =	vld [tilespmem:$0x1FEB0]  }
0x570: {  	v24 =	vld [tilespmem:$0x1FEC0]  }
0x571: {  	v25 =	vld [tilespmem:$0x1FED0]  }
0x572: {  	v26 =	vld [tilespmem:$0x1FEE0]  }
0x573: {  	v27 =	vld [tilespmem:$0x1FEF0]  }
0x574: {  	v28 =	vld [tilespmem:$0x1FF00]  }
0x575: {  	v29 =	vld [tilespmem:$0x1FF10]  }
.Ltmp9:
0x576: {  	v30 =	vld [tilespmem:$0x1FF20];
	(pc) =	sbr.rel .LBB2_2-.Ltmp9, $4  }
0x577: {  	v31 =	vld [tilespmem:$0x1FF30]  }
0x578: {  	[sflag:s22] =	ssyncset.done $0x0;
	v32 =	vld [tilespmem:$0x1FF40]  }
0x579: {  	s8 =	simm.s32 $0x180;
	s6 =	sadd.s32 $0x1, s6;
	v11 =	vmov v13;
	v35 =	vmov v56;
	v36 =	vmov v57;
	v33 =	vld [tilespmem:$0x1FF50];
	[sflag:s22] =	ssyncadd.s32 $0xFFFFFF80  }
0x57a: {  	v37 =	vmovc v62;
	v38 =	vmovc v63;
	v39 =	vmov v58;
	v13 =	vmov v59;
	v10 =	vmov v45;
	v34 =	vld [tilespmem:$0x1FF60];
	[tilespmem:s25], [sflag:$0x8] =	stream.indirect.gather [hbm4b:s4+s19], $0x20, s8, s19, $0xb8  }
.LBB2_16:
0x57b: {  	_ =	sfence.sel $0x180000  }
0x57c: {  	[bflag:$0x0] =	sbarrier.arrive $0xFFFF  }
0x57d: {  	_ =	strace $0x90000047  }
0x57e: {  	s0 =	stileid.u32;
	[bflag:$0x2] =	sbarrier.arrive $0xFFFF  }
0x57f: {  	p0 =	sne.s32 s0, $0x0;
	s0 =	rddreg [dreg:$0x2]  }
0x580: {  	s0 =	sadd.s32 @!p0 $0x100000, s0  }
0x581: {  	[sflag:s0] =	ssyncadd.tile.s32 @!p0 $0x1;
	_ =	shalt  }
.Lfunc_end2:
_tile_overlayer_lowered:
.L_overlay_start_2:
0x582: {  	(tag) =	ssettag $0x2  }
0x583: {  	s0 =	rddreg [dreg:$0x0];
	s2 =	stileid.u32  }
0x584: {  	s1 =	rddreg [dreg:$0x1];
	p0 =	sne.s32 s2, $0x0  }
0x585: {  	s3 =	rddreg [dreg:$0x2];
	[bflag:$0x3] =	sbarrier.arrive $0xFFFF;
	s2 =	simm.s32 @!p0 $0x1C0D  }
0x586: {  	[timem:s3], [sflag:s2] =	dma.local @!p0 [hbm:s0], s1  }
0x587: {  	s0 =	simm.s32 @!p0 $0xD  }
0x588: {  	_ =	swait.ge @!p0 [sflag:s0], s1  }
0x589: {  	s1 =	ssub.s32 @!p0 $0x0, s1;
	[sflag:s0] =	ssyncset.done @!p0 $0x0  }
0x58a: {  	[sflag:s0] =	ssyncadd.s32 @!p0 s1  }
0x58b: {  	[bflag:$0x3] =	sbarrier.arrive $0xFFFF  }
0x58c: {  	_ =	shalt  }

</sc_bundles>
